<compile_context>
chip_gen: v7x
topology: tpu7x:2x2x1
jax: 0.10.2.dev20260603
libtpu: 0.0.44.dev20260713+nightly
codegen_flags: <defaults>
</compile_context>

<pallas_src>
import functools

import jax
import jax.numpy as jnp
from jax import lax
from jax.experimental import pallas as pl
from jax.experimental.pallas import tpu as pltpu
from jax.experimental.pallas import tpu_sc as plsc

_N_USERS = 10000
_N_ITEMS = 10000
_DIM = 128
_N_EDGES = 320000
_K = 128
_NSUB = 16
_E_PAD = 327680
_CPT = _E_PAD // (_K * _NSUB)
_N_PAD = 10240
_RPT = _N_PAD // _NSUB
_ZCH = 128
_DEG_W = 8
_LANES = 16
_IDXB = 16
_NBLK = _CPT // _IDXB
_NCHUNK = _E_PAD // _K


def _sc_segment_sums(src_hbm2d, dst_hbm2d, item_tbl, item0_tbl):
    mesh = plsc.VectorSubcoreMesh(core_axis_name="c", subcore_axis_name="s")
    out_type = (
        jax.ShapeDtypeStruct((_N_PAD, _DIM), jnp.float32),
        jax.ShapeDtypeStruct((_N_PAD, _DIM), jnp.float32),
        jax.ShapeDtypeStruct((_N_PAD, _DEG_W), jnp.float32),
        jax.ShapeDtypeStruct((_N_PAD, _DEG_W), jnp.float32),
    )
    scratch = [
        pltpu.VMEM((_IDXB, _K), jnp.int32),
        pltpu.VMEM((_IDXB, _K), jnp.int32),
        pltpu.VMEM((_IDXB, _K), jnp.int32),
        pltpu.VMEM((_IDXB, _K), jnp.int32),
        pltpu.VMEM((_K, _DIM), jnp.float32),
        pltpu.VMEM((_K, _DIM), jnp.float32),
        pltpu.VMEM((_K, _DEG_W), jnp.float32),
        pltpu.VMEM_SHARED((_N_PAD, _DIM), jnp.float32),
        pltpu.VMEM_SHARED((_N_PAD, _DEG_W), jnp.float32),
        pltpu.SemaphoreType.DMA,
        pltpu.SemaphoreType.DMA,
        pltpu.SemaphoreType.DMA,
        pltpu.SemaphoreType.DMA,
        pltpu.SemaphoreType.DMA,
        pltpu.SemaphoreType.DMA,
    ]

    @functools.partial(pl.kernel, out_type=out_type, mesh=mesh,
                       scratch_types=scratch,
                       compiler_params=pltpu.CompilerParams(
                           use_tc_tiling_on_sc=False))
    def k(src_hbm, dst_hbm, item_hbm, item0_hbm, out1, out0, outdeg_a,
          outdeg_b, src_a, dst_a, src_b, dst_b, rows_a, rows_b, ones,
          acc, dacc, g_a, g_b, s_a, s_b, i_a, i_b):
        c = lax.axis_index("c")
        s = lax.axis_index("s")

        cbase0 = s * _CPT
        pltpu.async_copy(src_hbm.at[pl.ds(cbase0, _IDXB)], src_a, i_a)
        pltpu.async_copy(dst_hbm.at[pl.ds(cbase0, _IDXB)], dst_a, i_a)

        @pl.loop(0, _K)
        def _(i):
            @pl.loop(0, _DIM // _LANES)
            def _(j):
                rows_a[i, pl.ds(j * _LANES, _LANES)] = jnp.zeros(
                    (_LANES,), jnp.float32)

        @pl.loop(0, _RPT // _ZCH)
        def _(b):
            base = s * _RPT + b * _ZCH
            pltpu.sync_copy(rows_a, acc.at[pl.ds(base, _ZCH)])
            pltpu.sync_copy(rows_a.at[pl.ds(0, _ZCH), pl.ds(0, _DEG_W)],
                            dacc.at[pl.ds(base, _ZCH)])

        @pl.loop(0, _K)
        def _(i):
            rows_a[i, pl.ds(0, _LANES)] = jnp.ones((_LANES,), jnp.float32)

        plsc.subcore_barrier()
        pad_sl = pl.ds(_N_PAD - _K, _K)
        pltpu.sync_copy(rows_a.at[pl.ds(0, _K), pl.ds(0, _DEG_W)],
                        dacc.at[pad_sl])
        pltpu.sync_copy(dacc.at[pad_sl], ones)

        plsc.subcore_barrier()

        def fire_gather(sv, i, buf, gsem):
            idx = sv.at[i]

            @pl.when(c == 0)
            def _():
                pltpu.async_copy(item_hbm.at[idx], buf, gsem)

            @pl.when(c == 1)
            def _():
                pltpu.async_copy(item0_hbm.at[idx], buf, gsem)

        def wait_gather(sv, buf, gsem):
            pltpu.make_async_copy(item_hbm.at[sv.at[0]], buf, gsem).wait()

        def fire_scatter(dv, i, buf, ssem, pdeg):
            pltpu.async_copy(buf, acc.at[dv.at[i]], ssem, add=True)

            @pl.when(pdeg)
            def _():
                pltpu.async_copy(ones, dacc.at[dv.at[i]], ssem, add=True)

        def wait_scatter(dv, buf, ssem, pdeg):
            pltpu.make_async_copy(buf, acc.at[dv.at[0]], ssem).wait()

            @pl.when(pdeg)
            def _():
                pltpu.make_async_copy(ones, dacc.at[dv.at[0]],
                                      ssem).wait()

        def stage_idx(b, sbuf, dbuf, isem):
            cbase = s * _CPT + b * _IDXB
            pltpu.async_copy(src_hbm.at[pl.ds(cbase, _IDXB)], sbuf, isem)
            pltpu.async_copy(dst_hbm.at[pl.ds(cbase, _IDXB)], dbuf, isem)

        def wait_idx(sbuf, dbuf, isem):
            pltpu.make_async_copy(src_hbm.at[pl.ds(0, _IDXB)], sbuf,
                                  isem).wait()
            pltpu.make_async_copy(dst_hbm.at[pl.ds(0, _IDXB)], dbuf,
                                  isem).wait()

        bufs = ((rows_a, g_a, s_a), (rows_b, g_b, s_b))
        half = _NBLK // 2

        def process_block(b, sv, dv):
            pdeg = jnp.logical_or(
                jnp.logical_and(c == 0, b < half),
                jnp.logical_and(c == 1, b >= half))
            fire_gather(sv, 0, rows_a, g_a)
            for i in range(_IDXB):
                cur_buf, cur_g, cur_s = bufs[i % 2]
                nxt_buf, nxt_g, nxt_s = bufs[(i + 1) % 2]
                if i + 1 < _IDXB:
                    if i >= 1:
                        wait_scatter(dv, nxt_buf, nxt_s, pdeg)
                    fire_gather(sv, i + 1, nxt_buf, nxt_g)
                wait_gather(sv, cur_buf, cur_g)
                fire_scatter(dv, i, cur_buf, cur_s, pdeg)
            wait_scatter(dv, rows_a, s_a, pdeg)
            wait_scatter(dv, rows_b, s_b, pdeg)

        @pl.loop(0, _NBLK // 2)
        def _(p):
            b0 = 2 * p
            wait_idx(src_a, dst_a, i_a)
            stage_idx(b0 + 1, src_b, dst_b, i_b)
            process_block(b0, src_a, dst_a)
            wait_idx(src_b, dst_b, i_b)

            @pl.when(p + 1 < _NBLK // 2)
            def _():
                stage_idx(b0 + 2, src_a, dst_a, i_a)

            process_block(b0 + 1, src_b, dst_b)

        plsc.subcore_barrier()

        nwb = _RPT // _ZCH
        for b in range(nwb):
            buf, _, ssem = bufs[b % 2]
            sl = pl.ds(s * _RPT + b * _ZCH, _ZCH)
            if b >= 2:
                pltpu.make_async_copy(buf, out1.at[sl], ssem).wait()
            pltpu.sync_copy(acc.at[sl], buf)

            @pl.when(c == 0)
            def _():
                pltpu.async_copy(buf, out1.at[sl], ssem)

            @pl.when(c == 1)
            def _():
                pltpu.async_copy(buf, out0.at[sl], ssem)

        for b in (nwb - 2, nwb - 1):
            buf, _, ssem = bufs[b % 2]
            sl = pl.ds(s * _RPT + b * _ZCH, _ZCH)
            pltpu.make_async_copy(buf, out1.at[sl], ssem).wait()

        @pl.loop(0, nwb)
        def _(b):
            sl = pl.ds(s * _RPT + b * _ZCH, _ZCH)
            pltpu.sync_copy(dacc.at[sl], ones)

            @pl.when(c == 0)
            def _():
                pltpu.sync_copy(ones, outdeg_a.at[sl])

            @pl.when(c == 1)
            def _():
                pltpu.sync_copy(ones, outdeg_b.at[sl])

    return k(src_hbm2d, dst_hbm2d, item_tbl, item0_tbl)


_K_ATT = 1.0
_NREL = 4
_CW = 32


def _tc_finish_body(sum1, sum0, dg_a, dg_b, ue, it, out, cm_ref):
    i = pl.program_id(0)

    @pl.when(i == 0)
    def _():
        cm_ref[...] = jnp.broadcast_to(
            jnp.mean(it[...], axis=0, keepdims=True), (8, _DIM))

    d = jnp.maximum(dg_a[:, 0:1] + dg_b[:, 0:1], 1.0)
    emb_f = sum1[...] / d
    emb_f0 = sum0[...] / d
    u = ue[...]
    sel = (jax.lax.broadcasted_iota(jnp.int32, (_DIM, _NREL), 0) // _CW
           == jax.lax.broadcasted_iota(jnp.int32, (_DIM, _NREL), 1)
           ).astype(jnp.float32)
    hi = jax.lax.Precision.HIGHEST
    user_att = jax.lax.dot(emb_f * u, sel, precision=hi)
    user_att = jax.nn.relu(user_att) + 1e-10
    mean_att = jax.lax.dot(u * cm_ref[0:1, :], sel, precision=hi)
    mean_att = jax.nn.relu(mean_att) + 1e-08
    att = _K_ATT * jax.nn.relu(user_att / mean_att - 1.0) + 0.01
    score = jnp.tanh(att)
    score_full = jax.lax.dot(score, sel.T, precision=hi)
    out[...] = score_full * emb_f + emb_f0


_UB = 2000


def _tc_finish(sum1, sum0, deg_a, deg_b, user_embed, entity_embed):
    return pl.pallas_call(
        _tc_finish_body,
        grid=(_N_USERS // _UB,),
        out_shape=jax.ShapeDtypeStruct((_N_USERS, _DIM), jnp.float32),
        in_specs=[
            pl.BlockSpec((_UB, _DIM), lambda i: (i, 0)),
            pl.BlockSpec((_UB, _DIM), lambda i: (i, 0)),
            pl.BlockSpec((_UB, _DEG_W), lambda i: (i, 0)),
            pl.BlockSpec((_UB, _DEG_W), lambda i: (i, 0)),
            pl.BlockSpec((_UB, _DIM), lambda i: (i, 0)),
            pl.BlockSpec((_N_ITEMS, _DIM), lambda i: (0, 0)),
        ],
        out_specs=pl.BlockSpec((_UB, _DIM), lambda i: (i, 0)),
        scratch_shapes=[pltpu.VMEM((8, _DIM), jnp.float32)],
    )(sum1, sum0, deg_a, deg_b, user_embed, entity_embed)


def kernel(edge_index, entity_embed0, entity_embed, user_embed):
    n_extra = _E_PAD - _N_EDGES
    pad_src = jnp.arange(n_extra, dtype=jnp.int32)
    pad_dst = _N_USERS + (jnp.arange(n_extra, dtype=jnp.int32) & 63)
    src2d = jnp.concatenate([edge_index[0], pad_src]).reshape(_NCHUNK, _K)
    dst2d = jnp.concatenate([edge_index[1], pad_dst]).reshape(_NCHUNK, _K)
    sum1, sum0, deg_a, deg_b = _sc_segment_sums(src2d, dst2d, entity_embed,
                                                entity_embed0)
    return _tc_finish(sum1, sum0, deg_a, deg_b, user_embed, entity_embed)

# --- scband reference (transcript-rebuilt; emitter-appended) ---
"""Pipeline reference for scband-kga2-atr2-69002944577615 (READ-ONLY COPY).

The authoritative reference and input builder live on the scoring server;
editing this copy changes nothing except your own understanding.
"""

import jax, jax.numpy as jnp
import numpy as np

N_USERS = 10000
N_ENTITIES = 20000
N_ITEMS = 10000
N_RELATIONS = 4
DIM = 128
DIM_FLAG = [32, 32, 32, 32]
DIM_FLAG1 = [0, 32, 64, 96, 128]
K_ATT = 1.0
N_EDGES = 320000


def setup_inputs(seed: int = 0) -> dict:
    key = jax.random.key(seed)
    k1, k2, k3, k4, k5 = jax.random.split(key, 5)
    src = jax.random.randint(k1, (N_EDGES,), 0, N_ITEMS, dtype=jnp.int32)
    dst = jax.random.randint(k2, (N_EDGES,), 0, N_USERS, dtype=jnp.int32)
    edge_index = jnp.stack([src, dst], axis=0)
    entity_embed0 = jax.random.normal(k3, (N_ENTITIES, DIM), dtype=jnp.float32)
    entity_embed = jax.random.normal(k4, (N_ENTITIES, DIM), dtype=jnp.float32)
    user_embed = jax.random.normal(k5, (N_USERS, DIM), dtype=jnp.float32)
    return {
        "edge_index": edge_index,
        "entity_embed0": entity_embed0,
        "entity_embed": entity_embed,
        "user_embed": user_embed,
    }


def reference(edge_index, entity_embed0, entity_embed, user_embed):
    src = edge_index[0]
    dst = edge_index[1]
    item_node = entity_embed[:N_ITEMS]
    item_node0 = entity_embed0[:N_ITEMS]

    # DGL update_all(copy_u, mean) over item->user edges (etype=1):
    # user_emb_f  = mean of neighbor item 'node'  (entity_embed)
    # user_emb_f0 = mean of neighbor item 'node0' (entity_embed0)
    deg = jax.ops.segment_sum(jnp.ones_like(dst, dtype=jnp.float32), dst, num_segments=N_USERS)
    deg = jnp.maximum(deg, 1.0)[:, None]
    user_emb_f = jax.ops.segment_sum(item_node[src], dst, num_segments=N_USERS) / deg
    user_emb_f0 = jax.ops.segment_sum(item_node0[src], dst, num_segments=N_USERS) / deg

    att = []
    for i in range(N_RELATIONS):
        lo, hi = DIM_FLAG1[i], DIM_FLAG1[i + 1]
        user_att = jnp.sum(user_emb_f[:, lo:hi] * user_embed[:, lo:hi], axis=1, keepdims=True)
        user_att = jax.nn.relu(user_att) + 1e-10
        mean_att = jnp.sum(jnp.mean(item_node[:, lo:hi], axis=0) * user_embed[:, lo:hi], axis=1, keepdims=True)
        mean_att = jax.nn.relu(mean_att) + 1e-08
        att.append(K_ATT * jax.nn.relu(user_att / mean_att - 1.0) + 0.01)
    att = jnp.concatenate(att, axis=1)
    score = jnp.tanh(att)

    parts = [jnp.broadcast_to(score[:, i:i + 1], (score.shape[0], DIM_FLAG[i])) for i in range(N_RELATIONS)]
    score_full = jnp.concatenate(parts, axis=1)

    user_emb_f = score_full * user_emb_f
    user_emb_f = user_emb_f + user_emb_f0
    return user_emb_f

if __name__ == "__main__":
    import jax
    _d = setup_inputs()
    print(jax.jit(kernel)(*tuple(_d.values())))

</pallas_src>

<mosaic_0001>
#map = affine_map<(d0, d1) -> (0, 0)>
module attributes {stable_mosaic.version = 14 : i64} {
  func.func @k(%arg0: i32, %arg1: i32, %arg2: memref<2560x128xi32, #tpu.memory_space<hbm>>, %arg3: memref<2560x128xi32, #tpu.memory_space<hbm>>, %arg4: memref<20000x128xf32, #tpu.memory_space<hbm>>, %arg5: memref<20000x128xf32, #tpu.memory_space<hbm>>, %arg6: memref<10240x128xf32, #tpu.memory_space<hbm>>, %arg7: memref<10240x128xf32, #tpu.memory_space<hbm>>, %arg8: memref<10240x8xf32, #tpu.memory_space<hbm>>, %arg9: memref<10240x8xf32, #tpu.memory_space<hbm>>, %arg10: memref<16x128xi32, #tpu.memory_space<vmem>>, %arg11: memref<16x128xi32, #tpu.memory_space<vmem>>, %arg12: memref<16x128xi32, #tpu.memory_space<vmem>>, %arg13: memref<16x128xi32, #tpu.memory_space<vmem>>, %arg14: memref<128x128xf32, #tpu.memory_space<vmem>>, %arg15: memref<128x128xf32, #tpu.memory_space<vmem>>, %arg16: memref<128x8xf32, #tpu.memory_space<vmem>>, %arg17: memref<10240x128xf32, #tpu.memory_space<vmem_shared>>, %arg18: memref<10240x8xf32, #tpu.memory_space<vmem_shared>>, %arg19: memref<!tpu.dma_semaphore, #tpu.memory_space<semaphore_mem>>, %arg20: memref<!tpu.dma_semaphore, #tpu.memory_space<semaphore_mem>>, %arg21: memref<!tpu.dma_semaphore, #tpu.memory_space<semaphore_mem>>, %arg22: memref<!tpu.dma_semaphore, #tpu.memory_space<semaphore_mem>>, %arg23: memref<!tpu.dma_semaphore, #tpu.memory_space<semaphore_mem>>, %arg24: memref<!tpu.dma_semaphore, #tpu.memory_space<semaphore_mem>>) attributes {dimension_semantics = [#tpu.dimension_semantics<core_parallel>, #tpu.dimension_semantics<subcore_parallel>], iteration_bounds = array<i64: 2, 16>, scalar_prefetch = 0 : i64, scratch_operands = 15 : i64, tpu.core_type = #tpu.core_type<sc_vector_subcore>, window_params = [{transform_indices = #map}, {transform_indices = #map}, {transform_indices = #map}, {transform_indices = #map}, {transform_indices = #map}, {transform_indices = #map}, {transform_indices = #map}, {transform_indices = #map}]} {
    %mul3A = arith.constant 160 : i32
    %mul3A_0 = arith.muli %arg1, %mul3A : i32
    %dma_start3A = arith.constant 0 : i32
    %dma_start3A_1 = tpu.memref_slice %arg2[%mul3A_0, %dma_start3A] : memref<2560x128xi32, #tpu.memory_space<hbm>> -> memref<16x128xi32, #tpu.memory_space<hbm>>
    %dma_start3A_2 = arith.constant 0 : i32
    %dma_start3A_3 = tpu.memref_slice %arg2[%mul3A_0, %dma_start3A_2] : memref<2560x128xi32, #tpu.memory_space<hbm>> -> memref<16x128xi32, #tpu.memory_space<hbm>>
    tpu.enqueue_dma source(%dma_start3A_3 : memref<16x128xi32, #tpu.memory_space<hbm>>) target(%arg10 : memref<16x128xi32, #tpu.memory_space<vmem>>) target_semaphore(%arg23 : memref<!tpu.dma_semaphore, #tpu.memory_space<semaphore_mem>>)
    %dma_start3A_4 = arith.constant 0 : i32
    %dma_start3A_5 = tpu.memref_slice %arg3[%mul3A_0, %dma_start3A_4] : memref<2560x128xi32, #tpu.memory_space<hbm>> -> memref<16x128xi32, #tpu.memory_space<hbm>>
    %dma_start3A_6 = arith.constant 0 : i32
    %dma_start3A_7 = tpu.memref_slice %arg3[%mul3A_0, %dma_start3A_6] : memref<2560x128xi32, #tpu.memory_space<hbm>> -> memref<16x128xi32, #tpu.memory_space<hbm>>
    tpu.enqueue_dma source(%dma_start3A_7 : memref<16x128xi32, #tpu.memory_space<hbm>>) target(%arg11 : memref<16x128xi32, #tpu.memory_space<vmem>>) target_semaphore(%arg23 : memref<!tpu.dma_semaphore, #tpu.memory_space<semaphore_mem>>)
    %scan3A = arith.constant 0 : i32
    %scan3A_8 = arith.constant 128 : i32
    %scan3A_9 = arith.addi %scan3A, %scan3A_8 : i32
    %scan3A_10 = arith.constant 1 : i32
    scf.for %scan3A_127 = %scan3A to %scan3A_9 step %scan3A_10  : i32 {
      %mul3A_128 = arith.constant 1 : i32
      %mul3A_129 = arith.muli %scan3A_127, %mul3A_128 : i32
      %add3A_130 = arith.constant 0 : i32
      %add3A_131 = arith.addi %add3A_130, %mul3A_129 : i32
      %scan3A_132 = arith.constant 0 : i32
      %scan3A_133 = arith.constant 8 : i32
      %scan3A_134 = arith.addi %scan3A_132, %scan3A_133 : i32
      %scan3A_135 = arith.constant 1 : i32
      scf.for %scan3A_137 = %scan3A_132 to %scan3A_134 step %scan3A_135  : i32 {
        %mul3A_138 = arith.constant 1 : i32
        %mul3A_139 = arith.muli %scan3A_137, %mul3A_138 : i32
        %add3A_140 = arith.constant 0 : i32
        %add3A_141 = arith.addi %add3A_140, %mul3A_139 : i32
        %broadcast_in_dim3A = arith.constant 0.000000e+00 : f32
        %broadcast_in_dim3A_142 = vector.broadcast %broadcast_in_dim3A : f32 to vector<16xf32>
        %mul3A_143 = arith.constant 16 : i32
        %mul3A_144 = arith.muli %add3A_141, %mul3A_143 : i32
        %swap3A = arith.index_cast %add3A_131 : i32 to index
        %swap3A_145 = arith.index_cast %mul3A_144 : i32 to index
        %swap3A_146 = tpu.vector_load %arg14[%swap3A, %swap3A_145] {strides = array<i32>} : memref<128x128xf32, #tpu.memory_space<vmem>>, vector<1x16xf32>,
        %swap3A_147 = vector.shape_cast %swap3A_146 : vector<1x16xf32> to vector<16xf32>
        %swap3A_148 = vector.shape_cast %broadcast_in_dim3A_142 : vector<16xf32> to vector<1x16xf32>
        tpu.vector_store %arg14[%swap3A, %swap3A_145], %swap3A_148 {strides = array<i32>} : memref<128x128xf32, #tpu.memory_space<vmem>>, vector<1x16xf32>,
      }
      %scan3A_136 = arith.constant 8 : i32
    }
    %scan3A_11 = arith.constant 128 : i32
    %scan3A_12 = arith.constant 0 : i32
    %scan3A_13 = arith.constant 5 : i32
    %scan3A_14 = arith.addi %scan3A_12, %scan3A_13 : i32
    %scan3A_15 = arith.constant 1 : i32
    scf.for %scan3A_127 = %scan3A_12 to %scan3A_14 step %scan3A_15  : i32 {
      %mul3A_128 = arith.constant 1 : i32
      %mul3A_129 = arith.muli %scan3A_127, %mul3A_128 : i32
      %add3A_130 = arith.constant 0 : i32
      %add3A_131 = arith.addi %add3A_130, %mul3A_129 : i32
      %mul3A_132 = arith.constant 640 : i32
      %mul3A_133 = arith.muli %arg1, %mul3A_132 : i32
      %mul3A_134 = arith.constant 128 : i32
      %mul3A_135 = arith.muli %add3A_131, %mul3A_134 : i32
      %add3A_136 = arith.addi %mul3A_133, %mul3A_135 : i32
      "tpu.region"() ({
        %run_scoped3A = tpu.sem_alloc : memref<!tpu.dma_semaphore, #tpu.memory_space<semaphore_mem>>
        %dma_start3A_137 = arith.constant 0 : i32
        %dma_start3A_138 = tpu.memref_slice %arg17[%add3A_136, %dma_start3A_137] : memref<10240x128xf32, #tpu.memory_space<vmem_shared>> -> memref<128x128xf32, #tpu.memory_space<vmem_shared>>
        %dma_start3A_139 = arith.constant 0 : i32
        %dma_start3A_140 = tpu.memref_slice %arg17[%add3A_136, %dma_start3A_139] : memref<10240x128xf32, #tpu.memory_space<vmem_shared>> -> memref<128x128xf32, #tpu.memory_space<vmem_shared>>
        tpu.enqueue_dma source(%arg14 : memref<128x128xf32, #tpu.memory_space<vmem>>) target(%dma_start3A_140 : memref<128x128xf32, #tpu.memory_space<vmem_shared>>) target_semaphore(%run_scoped3A : memref<!tpu.dma_semaphore, #tpu.memory_space<semaphore_mem>>)
        %dma_wait3A_141 = arith.constant 0 : i32
        %dma_wait3A_142 = tpu.memref_slice %arg17[%add3A_136, %dma_wait3A_141] : memref<10240x128xf32, #tpu.memory_space<vmem_shared>> -> memref<128x128xf32, #tpu.memory_space<vmem_shared>>
        %dma_wait3A_143 = arith.constant 0 : i32
        %dma_wait3A_144 = tpu.memref_slice %arg17[%add3A_136, %dma_wait3A_143] : memref<10240x128xf32, #tpu.memory_space<vmem_shared>> -> memref<128x128xf32, #tpu.memory_space<vmem_shared>>
        tpu.wait_dma2 semaphore(%run_scoped3A : memref<!tpu.dma_semaphore, #tpu.memory_space<semaphore_mem>>) src(%arg14 : memref<128x128xf32, #tpu.memory_space<vmem>>) dst(%dma_wait3A_144 : memref<128x128xf32, #tpu.memory_space<vmem_shared>>)
        tpu.yield
      }) : () -> ()
      "tpu.region"() ({
        %run_scoped3A = tpu.sem_alloc : memref<!tpu.dma_semaphore, #tpu.memory_space<semaphore_mem>>
        %dma_start3A_137 = arith.constant 0 : i32
        %dma_start3A_138 = arith.constant 0 : i32
        %dma_start3A_139 = tpu.memref_slice %arg14[%dma_start3A_137, %dma_start3A_138] : memref<128x128xf32, #tpu.memory_space<vmem>> -> memref<128x8xf32, #tpu.memory_space<vmem>>
        %dma_start3A_140 = arith.constant 0 : i32
        %dma_start3A_141 = tpu.memref_slice %arg18[%add3A_136, %dma_start3A_140] : memref<10240x8xf32, #tpu.memory_space<vmem_shared>> -> memref<128x8xf32, #tpu.memory_space<vmem_shared>>
        %dma_start3A_142 = arith.constant 0 : i32
        %dma_start3A_143 = tpu.memref_slice %arg18[%add3A_136, %dma_start3A_142] : memref<10240x8xf32, #tpu.memory_space<vmem_shared>> -> memref<128x8xf32, #tpu.memory_space<vmem_shared>>
        %dma_start3A_144 = arith.constant 0 : i32
        %dma_start3A_145 = arith.constant 0 : i32
        %dma_start3A_146 = tpu.memref_slice %arg14[%dma_start3A_144, %dma_start3A_145] : memref<128x128xf32, #tpu.memory_space<vmem>> -> memref<128x8xf32, #tpu.memory_space<vmem>>
        tpu.enqueue_dma source(%dma_start3A_146 : memref<128x8xf32, #tpu.memory_space<vmem>>) target(%dma_start3A_143 : memref<128x8xf32, #tpu.memory_space<vmem_shared>>) target_semaphore(%run_scoped3A : memref<!tpu.dma_semaphore, #tpu.memory_space<semaphore_mem>>)
        %dma_wait3A_147 = arith.constant 0 : i32
        %dma_wait3A_148 = arith.constant 0 : i32
        %dma_wait3A_149 = tpu.memref_slice %arg14[%dma_wait3A_147, %dma_wait3A_148] : memref<128x128xf32, #tpu.memory_space<vmem>> -> memref<128x8xf32, #tpu.memory_space<vmem>>
        %dma_wait3A_150 = arith.constant 0 : i32
        %dma_wait3A_151 = tpu.memref_slice %arg18[%add3A_136, %dma_wait3A_150] : memref<10240x8xf32, #tpu.memory_space<vmem_shared>> -> memref<128x8xf32, #tpu.memory_space<vmem_shared>>
        %dma_wait3A_152 = arith.constant 0 : i32
        %dma_wait3A_153 = tpu.memref_slice %arg18[%add3A_136, %dma_wait3A_152] : memref<10240x8xf32, #tpu.memory_space<vmem_shared>> -> memref<128x8xf32, #tpu.memory_space<vmem_shared>>
        %dma_wait3A_154 = arith.constant 0 : i32
        %dma_wait3A_155 = arith.constant 0 : i32
        %dma_wait3A_156 = tpu.memref_slice %arg14[%dma_wait3A_154, %dma_wait3A_155] : memref<128x128xf32, #tpu.memory_space<vmem>> -> memref<128x8xf32, #tpu.memory_space<vmem>>
        tpu.wait_dma2 semaphore(%run_scoped3A : memref<!tpu.dma_semaphore, #tpu.memory_space<semaphore_mem>>) src(%dma_wait3A_156 : memref<128x8xf32, #tpu.memory_space<vmem>>) dst(%dma_wait3A_153 : memref<128x8xf32, #tpu.memory_space<vmem_shared>>)
        tpu.yield
      }) : () -> ()
    }
    %scan3A_16 = arith.constant 5 : i32
    %scan3A_17 = arith.constant 0 : i32
    %scan3A_18 = arith.constant 128 : i32
    %scan3A_19 = arith.addi %scan3A_17, %scan3A_18 : i32
    %scan3A_20 = arith.constant 1 : i32
    scf.for %scan3A_127 = %scan3A_17 to %scan3A_19 step %scan3A_20  : i32 {
      %mul3A_128 = arith.constant 1 : i32
      %mul3A_129 = arith.muli %scan3A_127, %mul3A_128 : i32
      %add3A_130 = arith.constant 0 : i32
      %add3A_131 = arith.addi %add3A_130, %mul3A_129 : i32
      %broadcast_in_dim3A = arith.constant 1.000000e+00 : f32
      %broadcast_in_dim3A_132 = vector.broadcast %broadcast_in_dim3A : f32 to vector<16xf32>
      %swap3A = arith.index_cast %add3A_131 : i32 to index
      %swap3A_133 = arith.constant 0 : index
      %swap3A_134 = tpu.vector_load %arg14[%swap3A, %swap3A_133] {strides = array<i32>} : memref<128x128xf32, #tpu.memory_space<vmem>>, vector<1x16xf32>,
      %swap3A_135 = vector.shape_cast %swap3A_134 : vector<1x16xf32> to vector<16xf32>
      %swap3A_136 = vector.shape_cast %broadcast_in_dim3A_132 : vector<16xf32> to vector<1x16xf32>
      tpu.vector_store %arg14[%swap3A, %swap3A_133], %swap3A_136 {strides = array<i32>} : memref<128x128xf32, #tpu.memory_space<vmem>>, vector<1x16xf32>,
    }
    %scan3A_21 = arith.constant 128 : i32
    %barrier3A = arith.constant 0 : index
    tpu.barrier barrier_id(%barrier3A)
    "tpu.region"() ({
      %run_scoped3A = tpu.sem_alloc : memref<!tpu.dma_semaphore, #tpu.memory_space<semaphore_mem>>
      %dma_start3A_127 = arith.constant 0 : i32
      %dma_start3A_128 = arith.constant 0 : i32
      %dma_start3A_129 = tpu.memref_slice %arg14[%dma_start3A_127, %dma_start3A_128] : memref<128x128xf32, #tpu.memory_space<vmem>> -> memref<128x8xf32, #tpu.memory_space<vmem>>
      %dma_start3A_130 = arith.constant 10112 : i32
      %dma_start3A_131 = arith.constant 0 : i32
      %dma_start3A_132 = tpu.memref_slice %arg18[%dma_start3A_130, %dma_start3A_131] : memref<10240x8xf32, #tpu.memory_space<vmem_shared>> -> memref<128x8xf32, #tpu.memory_space<vmem_shared>>
      %dma_start3A_133 = arith.constant 10112 : i32
      %dma_start3A_134 = arith.constant 0 : i32
      %dma_start3A_135 = tpu.memref_slice %arg18[%dma_start3A_133, %dma_start3A_134] : memref<10240x8xf32, #tpu.memory_space<vmem_shared>> -> memref<128x8xf32, #tpu.memory_space<vmem_shared>>
      %dma_start3A_136 = arith.constant 0 : i32
      %dma_start3A_137 = arith.constant 0 : i32
      %dma_start3A_138 = tpu.memref_slice %arg14[%dma_start3A_136, %dma_start3A_137] : memref<128x128xf32, #tpu.memory_space<vmem>> -> memref<128x8xf32, #tpu.memory_space<vmem>>
      tpu.enqueue_dma source(%dma_start3A_138 : memref<128x8xf32, #tpu.memory_space<vmem>>) target(%dma_start3A_135 : memref<128x8xf32, #tpu.memory_space<vmem_shared>>) target_semaphore(%run_scoped3A : memref<!tpu.dma_semaphore, #tpu.memory_space<semaphore_mem>>)
      %dma_wait3A_139 = arith.constant 0 : i32
      %dma_wait3A_140 = arith.constant 0 : i32
      %dma_wait3A_141 = tpu.memref_slice %arg14[%dma_wait3A_139, %dma_wait3A_140] : memref<128x128xf32, #tpu.memory_space<vmem>> -> memref<128x8xf32, #tpu.memory_space<vmem>>
      %dma_wait3A_142 = arith.constant 10112 : i32
      %dma_wait3A_143 = arith.constant 0 : i32
      %dma_wait3A_144 = tpu.memref_slice %arg18[%dma_wait3A_142, %dma_wait3A_143] : memref<10240x8xf32, #tpu.memory_space<vmem_shared>> -> memref<128x8xf32, #tpu.memory_space<vmem_shared>>
      %dma_wait3A_145 = arith.constant 10112 : i32
      %dma_wait3A_146 = arith.constant 0 : i32
      %dma_wait3A_147 = tpu.memref_slice %arg18[%dma_wait3A_145, %dma_wait3A_146] : memref<10240x8xf32, #tpu.memory_space<vmem_shared>> -> memref<128x8xf32, #tpu.memory_space<vmem_shared>>
      %dma_wait3A_148 = arith.constant 0 : i32
      %dma_wait3A_149 = arith.constant 0 : i32
      %dma_wait3A_150 = tpu.memref_slice %arg14[%dma_wait3A_148, %dma_wait3A_149] : memref<128x128xf32, #tpu.memory_space<vmem>> -> memref<128x8xf32, #tpu.memory_space<vmem>>
      tpu.wait_dma2 semaphore(%run_scoped3A : memref<!tpu.dma_semaphore, #tpu.memory_space<semaphore_mem>>) src(%dma_wait3A_150 : memref<128x8xf32, #tpu.memory_space<vmem>>) dst(%dma_wait3A_147 : memref<128x8xf32, #tpu.memory_space<vmem_shared>>)
      tpu.yield
    }) : () -> ()
    "tpu.region"() ({
      %run_scoped3A = tpu.sem_alloc : memref<!tpu.dma_semaphore, #tpu.memory_space<semaphore_mem>>
      %dma_start3A_127 = arith.constant 10112 : i32
      %dma_start3A_128 = arith.constant 0 : i32
      %dma_start3A_129 = tpu.memref_slice %arg18[%dma_start3A_127, %dma_start3A_128] : memref<10240x8xf32, #tpu.memory_space<vmem_shared>> -> memref<128x8xf32, #tpu.memory_space<vmem_shared>>
      %dma_start3A_130 = arith.constant 10112 : i32
      %dma_start3A_131 = arith.constant 0 : i32
      %dma_start3A_132 = tpu.memref_slice %arg18[%dma_start3A_130, %dma_start3A_131] : memref<10240x8xf32, #tpu.memory_space<vmem_shared>> -> memref<128x8xf32, #tpu.memory_space<vmem_shared>>
      tpu.enqueue_dma source(%dma_start3A_132 : memref<128x8xf32, #tpu.memory_space<vmem_shared>>) target(%arg16 : memref<128x8xf32, #tpu.memory_space<vmem>>) target_semaphore(%run_scoped3A : memref<!tpu.dma_semaphore, #tpu.memory_space<semaphore_mem>>)
      %dma_wait3A_133 = arith.constant 10112 : i32
      %dma_wait3A_134 = arith.constant 0 : i32
      %dma_wait3A_135 = tpu.memref_slice %arg18[%dma_wait3A_133, %dma_wait3A_134] : memref<10240x8xf32, #tpu.memory_space<vmem_shared>> -> memref<128x8xf32, #tpu.memory_space<vmem_shared>>
      %dma_wait3A_136 = arith.constant 10112 : i32
      %dma_wait3A_137 = arith.constant 0 : i32
      %dma_wait3A_138 = tpu.memref_slice %arg18[%dma_wait3A_136, %dma_wait3A_137] : memref<10240x8xf32, #tpu.memory_space<vmem_shared>> -> memref<128x8xf32, #tpu.memory_space<vmem_shared>>
      tpu.wait_dma2 semaphore(%run_scoped3A : memref<!tpu.dma_semaphore, #tpu.memory_space<semaphore_mem>>) src(%dma_wait3A_138 : memref<128x8xf32, #tpu.memory_space<vmem_shared>>) dst(%arg16 : memref<128x8xf32, #tpu.memory_space<vmem>>)
      tpu.yield
    }) : () -> ()
    %barrier3A_22 = arith.constant 0 : index
    tpu.barrier barrier_id(%barrier3A_22)
    %scan3A_23 = arith.constant 0 : i32
    %scan3A_24 = arith.constant 5 : i32
    %scan3A_25 = arith.addi %scan3A_23, %scan3A_24 : i32
    %scan3A_26 = arith.constant 1 : i32
    scf.for %scan3A_127 = %scan3A_23 to %scan3A_25 step %scan3A_26  : i32 {
      %mul3A_128 = arith.constant 1 : i32
      %mul3A_129 = arith.muli %scan3A_127, %mul3A_128 : i32
      %add3A_130 = arith.constant 0 : i32
      %add3A_131 = arith.addi %add3A_130, %mul3A_129 : i32
      %mul3A_132 = arith.constant 2 : i32
      %mul3A_133 = arith.muli %mul3A_132, %add3A_131 : i32
      %dma_wait3A_134 = arith.constant 0 : i32
      %dma_wait3A_135 = arith.constant 0 : i32
      %dma_wait3A_136 = tpu.memref_slice %arg2[%dma_wait3A_134, %dma_wait3A_135] : memref<2560x128xi32, #tpu.memory_space<hbm>> -> memref<16x128xi32, #tpu.memory_space<hbm>>
      %dma_wait3A_137 = arith.constant 0 : i32
      %dma_wait3A_138 = arith.constant 0 : i32
      %dma_wait3A_139 = tpu.memref_slice %arg2[%dma_wait3A_137, %dma_wait3A_138] : memref<2560x128xi32, #tpu.memory_space<hbm>> -> memref<16x128xi32, #tpu.memory_space<hbm>>
      tpu.wait_dma2 semaphore(%arg23 : memref<!tpu.dma_semaphore, #tpu.memory_space<semaphore_mem>>) src(%dma_wait3A_139 : memref<16x128xi32, #tpu.memory_space<hbm>>) dst(%arg10 : memref<16x128xi32, #tpu.memory_space<vmem>>)
      %dma_wait3A_140 = arith.constant 0 : i32
      %dma_wait3A_141 = arith.constant 0 : i32
      %dma_wait3A_142 = tpu.memref_slice %arg3[%dma_wait3A_140, %dma_wait3A_141] : memref<2560x128xi32, #tpu.memory_space<hbm>> -> memref<16x128xi32, #tpu.memory_space<hbm>>
      %dma_wait3A_143 = arith.constant 0 : i32
      %dma_wait3A_144 = arith.constant 0 : i32
      %dma_wait3A_145 = tpu.memref_slice %arg3[%dma_wait3A_143, %dma_wait3A_144] : memref<2560x128xi32, #tpu.memory_space<hbm>> -> memref<16x128xi32, #tpu.memory_space<hbm>>
      tpu.wait_dma2 semaphore(%arg23 : memref<!tpu.dma_semaphore, #tpu.memory_space<semaphore_mem>>) src(%dma_wait3A_145 : memref<16x128xi32, #tpu.memory_space<hbm>>) dst(%arg11 : memref<16x128xi32, #tpu.memory_space<vmem>>)
      %add3A_146 = arith.constant 1 : i32
      %add3A_147 = arith.addi %mul3A_133, %add3A_146 : i32
      %mul3A_148 = arith.constant 160 : i32
      %mul3A_149 = arith.muli %arg1, %mul3A_148 : i32
      %mul3A_150 = arith.constant 16 : i32
      %mul3A_151 = arith.muli %add3A_147, %mul3A_150 : i32
      %add3A_152 = arith.addi %mul3A_149, %mul3A_151 : i32
      %dma_start3A_153 = arith.constant 0 : i32
      %dma_start3A_154 = tpu.memref_slice %arg2[%add3A_152, %dma_start3A_153] : memref<2560x128xi32, #tpu.memory_space<hbm>> -> memref<16x128xi32, #tpu.memory_space<hbm>>
      %dma_start3A_155 = arith.constant 0 : i32
      %dma_start3A_156 = tpu.memref_slice %arg2[%add3A_152, %dma_start3A_155] : memref<2560x128xi32, #tpu.memory_space<hbm>> -> memref<16x128xi32, #tpu.memory_space<hbm>>
      tpu.enqueue_dma source(%dma_start3A_156 : memref<16x128xi32, #tpu.memory_space<hbm>>) target(%arg12 : memref<16x128xi32, #tpu.memory_space<vmem>>) target_semaphore(%arg24 : memref<!tpu.dma_semaphore, #tpu.memory_space<semaphore_mem>>)
      %dma_start3A_157 = arith.constant 0 : i32
      %dma_start3A_158 = tpu.memref_slice %arg3[%add3A_152, %dma_start3A_157] : memref<2560x128xi32, #tpu.memory_space<hbm>> -> memref<16x128xi32, #tpu.memory_space<hbm>>
      %dma_start3A_159 = arith.constant 0 : i32
      %dma_start3A_160 = tpu.memref_slice %arg3[%add3A_152, %dma_start3A_159] : memref<2560x128xi32, #tpu.memory_space<hbm>> -> memref<16x128xi32, #tpu.memory_space<hbm>>
      tpu.enqueue_dma source(%dma_start3A_160 : memref<16x128xi32, #tpu.memory_space<hbm>>) target(%arg13 : memref<16x128xi32, #tpu.memory_space<vmem>>) target_semaphore(%arg24 : memref<!tpu.dma_semaphore, #tpu.memory_space<semaphore_mem>>)
      %eq3A_161 = arith.constant 0 : i32
      %eq3A_162 = arith.cmpi eq, %arg0, %eq3A_161 : i32
      %lt3A = arith.constant 5 : i32
      %lt3A_163 = arith.cmpi slt, %mul3A_133, %lt3A : i32
      %and3A = arith.andi %eq3A_162, %lt3A_163 : i1
      %eq3A_164 = arith.constant 1 : i32
      %eq3A_165 = arith.cmpi eq, %arg0, %eq3A_164 : i32
      %ge3A = arith.constant 5 : i32
      %ge3A_166 = arith.cmpi sge, %mul3A_133, %ge3A : i32
      %and3A_167 = arith.andi %eq3A_165, %ge3A_166 : i1
      %or3A = arith.ori %and3A, %and3A_167 : i1
      %eq3A_168 = arith.constant 0 : i32
      %eq3A_169 = arith.cmpi eq, %arg0, %eq3A_168 : i32
      %convert_element_type3A_170 = arith.extui %eq3A_169 : i1 to i32
      %cond3A_171 = arith.constant 0 : i32
      %cond3A_172 = arith.constant 0 : i32
      %cond3A_173 = arith.cmpi ne, %convert_element_type3A_170, %cond3A_172 : i32
      scf.if %cond3A_173 {
        %dma_start3A_1448 = arith.constant 0 : i32
        %dma_start3A_1449 = tpu.memref_slice %arg10[%cond3A_171, %dma_start3A_1448] : memref<16x128xi32, #tpu.memory_space<vmem>> -> memref<1x128xi32, #tpu.memory_space<vmem>>
        %dma_start3A_1450 = tpu.memref_squeeze %dma_start3A_1449 : memref<1x128xi32, #tpu.memory_space<vmem>> -> memref<128xi32, #tpu.memory_space<vmem>>
        %dma_start3A_1451 = arith.constant 0 : i32
        %dma_start3A_1452 = arith.constant 0 : i32
        %dma_start3A_1453 = tpu.memref_slice %arg4[%dma_start3A_1451, %dma_start3A_1452] : memref<20000x128xf32, #tpu.memory_space<hbm>> -> memref<20000x128xf32, #tpu.memory_space<hbm>>
        tpu.enqueue_indirect_dma source(%dma_start3A_1453 : memref<20000x128xf32, #tpu.memory_space<hbm>>) target(%arg14 : memref<128x128xf32, #tpu.memory_space<vmem>>) offsets(%dma_start3A_1450 : memref<128xi32, #tpu.memory_space<vmem>>) semaphore(%arg19 : memref<!tpu.dma_semaphore, #tpu.memory_space<semaphore_mem>>)
      } else {
      }
      %eq3A_174 = arith.constant 1 : i32
      %eq3A_175 = arith.cmpi eq, %arg0, %eq3A_174 : i32
      %convert_element_type3A_176 = arith.extui %eq3A_175 : i1 to i32
      %cond3A_177 = arith.constant 0 : i32
      %cond3A_178 = arith.constant 0 : i32
      %cond3A_179 = arith.cmpi ne, %convert_element_type3A_176, %cond3A_178 : i32
      scf.if %cond3A_179 {
        %dma_start3A_1448 = arith.constant 0 : i32
        %dma_start3A_1449 = tpu.memref_slice %arg10[%cond3A_177, %dma_start3A_1448] : memref<16x128xi32, #tpu.memory_space<vmem>> -> memref<1x128xi32, #tpu.memory_space<vmem>>
        %dma_start3A_1450 = tpu.memref_squeeze %dma_start3A_1449 : memref<1x128xi32, #tpu.memory_space<vmem>> -> memref<128xi32, #tpu.memory_space<vmem>>
        %dma_start3A_1451 = arith.constant 0 : i32
        %dma_start3A_1452 = arith.constant 0 : i32
        %dma_start3A_1453 = tpu.memref_slice %arg5[%dma_start3A_1451, %dma_start3A_1452] : memref<20000x128xf32, #tpu.memory_space<hbm>> -> memref<20000x128xf32, #tpu.memory_space<hbm>>
        tpu.enqueue_indirect_dma source(%dma_start3A_1453 : memref<20000x128xf32, #tpu.memory_space<hbm>>) target(%arg14 : memref<128x128xf32, #tpu.memory_space<vmem>>) offsets(%dma_start3A_1450 : memref<128xi32, #tpu.memory_space<vmem>>) semaphore(%arg19 : memref<!tpu.dma_semaphore, #tpu.memory_space<semaphore_mem>>)
      } else {
      }
      %eq3A_180 = arith.constant 0 : i32
      %eq3A_181 = arith.cmpi eq, %arg0, %eq3A_180 : i32
      %convert_element_type3A_182 = arith.extui %eq3A_181 : i1 to i32
      %cond3A_183 = arith.constant 1 : i32
      %cond3A_184 = arith.constant 0 : i32
      %cond3A_185 = arith.cmpi ne, %convert_element_type3A_182, %cond3A_184 : i32
      scf.if %cond3A_185 {
        %dma_start3A_1448 = arith.constant 0 : i32
        %dma_start3A_1449 = tpu.memref_slice %arg10[%cond3A_183, %dma_start3A_1448] : memref<16x128xi32, #tpu.memory_space<vmem>> -> memref<1x128xi32, #tpu.memory_space<vmem>>
        %dma_start3A_1450 = tpu.memref_squeeze %dma_start3A_1449 : memref<1x128xi32, #tpu.memory_space<vmem>> -> memref<128xi32, #tpu.memory_space<vmem>>
        %dma_start3A_1451 = arith.constant 0 : i32
        %dma_start3A_1452 = arith.constant 0 : i32
        %dma_start3A_1453 = tpu.memref_slice %arg4[%dma_start3A_1451, %dma_start3A_1452] : memref<20000x128xf32, #tpu.memory_space<hbm>> -> memref<20000x128xf32, #tpu.memory_space<hbm>>
        tpu.enqueue_indirect_dma source(%dma_start3A_1453 : memref<20000x128xf32, #tpu.memory_space<hbm>>) target(%arg15 : memref<128x128xf32, #tpu.memory_space<vmem>>) offsets(%dma_start3A_1450 : memref<128xi32, #tpu.memory_space<vmem>>) semaphore(%arg20 : memref<!tpu.dma_semaphore, #tpu.memory_space<semaphore_mem>>)
      } else {
      }
      %eq3A_186 = arith.constant 1 : i32
      %eq3A_187 = arith.cmpi eq, %arg0, %eq3A_186 : i32
      %convert_element_type3A_188 = arith.extui %eq3A_187 : i1 to i32
      %cond3A_189 = arith.constant 1 : i32
      %cond3A_190 = arith.constant 0 : i32
      %cond3A_191 = arith.cmpi ne, %convert_element_type3A_188, %cond3A_190 : i32
      scf.if %cond3A_191 {
        %dma_start3A_1448 = arith.constant 0 : i32
        %dma_start3A_1449 = tpu.memref_slice %arg10[%cond3A_189, %dma_start3A_1448] : memref<16x128xi32, #tpu.memory_space<vmem>> -> memref<1x128xi32, #tpu.memory_space<vmem>>
        %dma_start3A_1450 = tpu.memref_squeeze %dma_start3A_1449 : memref<1x128xi32, #tpu.memory_space<vmem>> -> memref<128xi32, #tpu.memory_space<vmem>>
        %dma_start3A_1451 = arith.constant 0 : i32
        %dma_start3A_1452 = arith.constant 0 : i32
        %dma_start3A_1453 = tpu.memref_slice %arg5[%dma_start3A_1451, %dma_start3A_1452] : memref<20000x128xf32, #tpu.memory_space<hbm>> -> memref<20000x128xf32, #tpu.memory_space<hbm>>
        tpu.enqueue_indirect_dma source(%dma_start3A_1453 : memref<20000x128xf32, #tpu.memory_space<hbm>>) target(%arg15 : memref<128x128xf32, #tpu.memory_space<vmem>>) offsets(%dma_start3A_1450 : memref<128xi32, #tpu.memory_space<vmem>>) semaphore(%arg20 : memref<!tpu.dma_semaphore, #tpu.memory_space<semaphore_mem>>)
      } else {
      }
      %dma_wait3A_192 = arith.constant 0 : i32
      %dma_wait3A_193 = arith.constant 0 : i32
      %dma_wait3A_194 = tpu.memref_slice %arg10[%dma_wait3A_192, %dma_wait3A_193] : memref<16x128xi32, #tpu.memory_space<vmem>> -> memref<1x128xi32, #tpu.memory_space<vmem>>
      %dma_wait3A_195 = tpu.memref_squeeze %dma_wait3A_194 : memref<1x128xi32, #tpu.memory_space<vmem>> -> memref<128xi32, #tpu.memory_space<vmem>>
      %dma_wait3A_196 = arith.constant 0 : i32
      %dma_wait3A_197 = arith.constant 0 : i32
      %dma_wait3A_198 = tpu.memref_slice %arg4[%dma_wait3A_196, %dma_wait3A_197] : memref<20000x128xf32, #tpu.memory_space<hbm>> -> memref<20000x128xf32, #tpu.memory_space<hbm>>
      tpu.wait_indirect_dma semaphore(%arg19 : memref<!tpu.dma_semaphore, #tpu.memory_space<semaphore_mem>>) src(%dma_wait3A_198 : memref<20000x128xf32, #tpu.memory_space<hbm>>) dst(%arg14 : memref<128x128xf32, #tpu.memory_space<vmem>>)
      %dma_start3A_199 = arith.constant 0 : i32
      %dma_start3A_200 = arith.constant 0 : i32
      %dma_start3A_201 = tpu.memref_slice %arg11[%dma_start3A_199, %dma_start3A_200] : memref<16x128xi32, #tpu.memory_space<vmem>> -> memref<1x128xi32, #tpu.memory_space<vmem>>
      %dma_start3A_202 = tpu.memref_squeeze %dma_start3A_201 : memref<1x128xi32, #tpu.memory_space<vmem>> -> memref<128xi32, #tpu.memory_space<vmem>>
      %dma_start3A_203 = arith.constant 0 : i32
      %dma_start3A_204 = arith.constant 0 : i32
      %dma_start3A_205 = tpu.memref_slice %arg17[%dma_start3A_203, %dma_start3A_204] : memref<10240x128xf32, #tpu.memory_space<vmem_shared>> -> memref<10240x128xf32, #tpu.memory_space<vmem_shared>>
      tpu.enqueue_indirect_dma source(%arg14 : memref<128x128xf32, #tpu.memory_space<vmem>>) target(%dma_start3A_205 : memref<10240x128xf32, #tpu.memory_space<vmem_shared>>) offsets(%dma_start3A_202 : memref<128xi32, #tpu.memory_space<vmem>>) semaphore(%arg21 : memref<!tpu.dma_semaphore, #tpu.memory_space<semaphore_mem>>) {add = true}
      %convert_element_type3A_206 = arith.extui %or3A : i1 to i32
      %cond3A_207 = arith.constant 0 : i32
      %cond3A_208 = arith.cmpi ne, %convert_element_type3A_206, %cond3A_207 : i32
      scf.if %cond3A_208 {
        %dma_start3A_1448 = arith.constant 0 : i32
        %dma_start3A_1449 = arith.constant 0 : i32
        %dma_start3A_1450 = tpu.memref_slice %arg11[%dma_start3A_1448, %dma_start3A_1449] : memref<16x128xi32, #tpu.memory_space<vmem>> -> memref<1x128xi32, #tpu.memory_space<vmem>>
        %dma_start3A_1451 = tpu.memref_squeeze %dma_start3A_1450 : memref<1x128xi32, #tpu.memory_space<vmem>> -> memref<128xi32, #tpu.memory_space<vmem>>
        %dma_start3A_1452 = arith.constant 0 : i32
        %dma_start3A_1453 = arith.constant 0 : i32
        %dma_start3A_1454 = tpu.memref_slice %arg18[%dma_start3A_1452, %dma_start3A_1453] : memref<10240x8xf32, #tpu.memory_space<vmem_shared>> -> memref<10240x8xf32, #tpu.memory_space<vmem_shared>>
        tpu.enqueue_indirect_dma source(%arg16 : memref<128x8xf32, #tpu.memory_space<vmem>>) target(%dma_start3A_1454 : memref<10240x8xf32, #tpu.memory_space<vmem_shared>>) offsets(%dma_start3A_1451 : memref<128xi32, #tpu.memory_space<vmem>>) semaphore(%arg21 : memref<!tpu.dma_semaphore, #tpu.memory_space<semaphore_mem>>) {add = true}
      } else {
      }
      %dma_wait3A_209 = arith.constant 0 : i32
      %dma_wait3A_210 = arith.constant 0 : i32
      %dma_wait3A_211 = tpu.memref_slice %arg11[%dma_wait3A_209, %dma_wait3A_210] : memref<16x128xi32, #tpu.memory_space<vmem>> -> memref<1x128xi32, #tpu.memory_space<vmem>>
      %dma_wait3A_212 = tpu.memref_squeeze %dma_wait3A_211 : memref<1x128xi32, #tpu.memory_space<vmem>> -> memref<128xi32, #tpu.memory_space<vmem>>
      %dma_wait3A_213 = arith.constant 0 : i32
      %dma_wait3A_214 = arith.constant 0 : i32
      %dma_wait3A_215 = tpu.memref_slice %arg17[%dma_wait3A_213, %dma_wait3A_214] : memref<10240x128xf32, #tpu.memory_space<vmem_shared>> -> memref<10240x128xf32, #tpu.memory_space<vmem_shared>>
      tpu.wait_indirect_dma semaphore(%arg21 : memref<!tpu.dma_semaphore, #tpu.memory_space<semaphore_mem>>) src(%arg14 : memref<128x128xf32, #tpu.memory_space<vmem>>) dst(%dma_wait3A_215 : memref<10240x128xf32, #tpu.memory_space<vmem_shared>>)
      %convert_element_type3A_216 = arith.extui %or3A : i1 to i32
      %cond3A_217 = arith.constant 0 : i32
      %cond3A_218 = arith.cmpi ne, %convert_element_type3A_216, %cond3A_217 : i32
      scf.if %cond3A_218 {
        %dma_wait3A_1448 = arith.constant 0 : i32
        %dma_wait3A_1449 = arith.constant 0 : i32
        %dma_wait3A_1450 = tpu.memref_slice %arg11[%dma_wait3A_1448, %dma_wait3A_1449] : memref<16x128xi32, #tpu.memory_space<vmem>> -> memref<1x128xi32, #tpu.memory_space<vmem>>
        %dma_wait3A_1451 = tpu.memref_squeeze %dma_wait3A_1450 : memref<1x128xi32, #tpu.memory_space<vmem>> -> memref<128xi32, #tpu.memory_space<vmem>>
        %dma_wait3A_1452 = arith.constant 0 : i32
        %dma_wait3A_1453 = arith.constant 0 : i32
        %dma_wait3A_1454 = tpu.memref_slice %arg18[%dma_wait3A_1452, %dma_wait3A_1453] : memref<10240x8xf32, #tpu.memory_space<vmem_shared>> -> memref<10240x8xf32, #tpu.memory_space<vmem_shared>>
        tpu.wait_indirect_dma semaphore(%arg21 : memref<!tpu.dma_semaphore, #tpu.memory_space<semaphore_mem>>) src(%arg16 : memref<128x8xf32, #tpu.memory_space<vmem>>) dst(%dma_wait3A_1454 : memref<10240x8xf32, #tpu.memory_space<vmem_shared>>)
      } else {
      }
      %eq3A_219 = arith.constant 0 : i32
      %eq3A_220 = arith.cmpi eq, %arg0, %eq3A_219 : i32
      %convert_element_type3A_221 = arith.extui %eq3A_220 : i1 to i32
      %cond3A_222 = arith.constant 2 : i32
      %cond3A_223 = arith.constant 0 : i32
      %cond3A_224 = arith.cmpi ne, %convert_element_type3A_221, %cond3A_223 : i32
      scf.if %cond3A_224 {
        %dma_start3A_1448 = arith.constant 0 : i32
        %dma_start3A_1449 = tpu.memref_slice %arg10[%cond3A_222, %dma_start3A_1448] : memref<16x128xi32, #tpu.memory_space<vmem>> -> memref<1x128xi32, #tpu.memory_space<vmem>>
        %dma_start3A_1450 = tpu.memref_squeeze %dma_start3A_1449 : memref<1x128xi32, #tpu.memory_space<vmem>> -> memref<128xi32, #tpu.memory_space<vmem>>
        %dma_start3A_1451 = arith.constant 0 : i32
        %dma_start3A_1452 = arith.constant 0 : i32
        %dma_start3A_1453 = tpu.memref_slice %arg4[%dma_start3A_1451, %dma_start3A_1452] : memref<20000x128xf32, #tpu.memory_space<hbm>> -> memref<20000x128xf32, #tpu.memory_space<hbm>>
        tpu.enqueue_indirect_dma source(%dma_start3A_1453 : memref<20000x128xf32, #tpu.memory_space<hbm>>) target(%arg14 : memref<128x128xf32, #tpu.memory_space<vmem>>) offsets(%dma_start3A_1450 : memref<128xi32, #tpu.memory_space<vmem>>) semaphore(%arg19 : memref<!tpu.dma_semaphore, #tpu.memory_space<semaphore_mem>>)
      } else {
      }
      %eq3A_225 = arith.constant 1 : i32
      %eq3A_226 = arith.cmpi eq, %arg0, %eq3A_225 : i32
      %convert_element_type3A_227 = arith.extui %eq3A_226 : i1 to i32
      %cond3A_228 = arith.constant 2 : i32
      %cond3A_229 = arith.constant 0 : i32
      %cond3A_230 = arith.cmpi ne, %convert_element_type3A_227, %cond3A_229 : i32
      scf.if %cond3A_230 {
        %dma_start3A_1448 = arith.constant 0 : i32
        %dma_start3A_1449 = tpu.memref_slice %arg10[%cond3A_228, %dma_start3A_1448] : memref<16x128xi32, #tpu.memory_space<vmem>> -> memref<1x128xi32, #tpu.memory_space<vmem>>
        %dma_start3A_1450 = tpu.memref_squeeze %dma_start3A_1449 : memref<1x128xi32, #tpu.memory_space<vmem>> -> memref<128xi32, #tpu.memory_space<vmem>>
        %dma_start3A_1451 = arith.constant 0 : i32
        %dma_start3A_1452 = arith.constant 0 : i32
        %dma_start3A_1453 = tpu.memref_slice %arg5[%dma_start3A_1451, %dma_start3A_1452] : memref<20000x128xf32, #tpu.memory_space<hbm>> -> memref<20000x128xf32, #tpu.memory_space<hbm>>
        tpu.enqueue_indirect_dma source(%dma_start3A_1453 : memref<20000x128xf32, #tpu.memory_space<hbm>>) target(%arg14 : memref<128x128xf32, #tpu.memory_space<vmem>>) offsets(%dma_start3A_1450 : memref<128xi32, #tpu.memory_space<vmem>>) semaphore(%arg19 : memref<!tpu.dma_semaphore, #tpu.memory_space<semaphore_mem>>)
      } else {
      }
      %dma_wait3A_231 = arith.constant 0 : i32
      %dma_wait3A_232 = arith.constant 0 : i32
      %dma_wait3A_233 = tpu.memref_slice %arg10[%dma_wait3A_231, %dma_wait3A_232] : memref<16x128xi32, #tpu.memory_space<vmem>> -> memref<1x128xi32, #tpu.memory_space<vmem>>
      %dma_wait3A_234 = tpu.memref_squeeze %dma_wait3A_233 : memref<1x128xi32, #tpu.memory_space<vmem>> -> memref<128xi32, #tpu.memory_space<vmem>>
      %dma_wait3A_235 = arith.constant 0 : i32
      %dma_wait3A_236 = arith.constant 0 : i32
      %dma_wait3A_237 = tpu.memref_slice %arg4[%dma_wait3A_235, %dma_wait3A_236] : memref<20000x128xf32, #tpu.memory_space<hbm>> -> memref<20000x128xf32, #tpu.memory_space<hbm>>
      tpu.wait_indirect_dma semaphore(%arg20 : memref<!tpu.dma_semaphore, #tpu.memory_space<semaphore_mem>>) src(%dma_wait3A_237 : memref<20000x128xf32, #tpu.memory_space<hbm>>) dst(%arg15 : memref<128x128xf32, #tpu.memory_space<vmem>>)
      %dma_start3A_238 = arith.constant 1 : i32
      %dma_start3A_239 = arith.constant 0 : i32
      %dma_start3A_240 = tpu.memref_slice %arg11[%dma_start3A_238, %dma_start3A_239] : memref<16x128xi32, #tpu.memory_space<vmem>> -> memref<1x128xi32, #tpu.memory_space<vmem>>
      %dma_start3A_241 = tpu.memref_squeeze %dma_start3A_240 : memref<1x128xi32, #tpu.memory_space<vmem>> -> memref<128xi32, #tpu.memory_space<vmem>>
      %dma_start3A_242 = arith.constant 0 : i32
      %dma_start3A_243 = arith.constant 0 : i32
      %dma_start3A_244 = tpu.memref_slice %arg17[%dma_start3A_242, %dma_start3A_243] : memref<10240x128xf32, #tpu.memory_space<vmem_shared>> -> memref<10240x128xf32, #tpu.memory_space<vmem_shared>>
      tpu.enqueue_indirect_dma source(%arg15 : memref<128x128xf32, #tpu.memory_space<vmem>>) target(%dma_start3A_244 : memref<10240x128xf32, #tpu.memory_space<vmem_shared>>) offsets(%dma_start3A_241 : memref<128xi32, #tpu.memory_space<vmem>>) semaphore(%arg22 : memref<!tpu.dma_semaphore, #tpu.memory_space<semaphore_mem>>) {add = true}
      %convert_element_type3A_245 = arith.extui %or3A : i1 to i32
      %cond3A_246 = arith.constant 0 : i32
      %cond3A_247 = arith.cmpi ne, %convert_element_type3A_245, %cond3A_246 : i32
      scf.if %cond3A_247 {
        %dma_start3A_1448 = arith.constant 1 : i32
        %dma_start3A_1449 = arith.constant 0 : i32
        %dma_start3A_1450 = tpu.memref_slice %arg11[%dma_start3A_1448, %dma_start3A_1449] : memref<16x128xi32, #tpu.memory_space<vmem>> -> memref<1x128xi32, #tpu.memory_space<vmem>>
        %dma_start3A_1451 = tpu.memref_squeeze %dma_start3A_1450 : memref<1x128xi32, #tpu.memory_space<vmem>> -> memref<128xi32, #tpu.memory_space<vmem>>
        %dma_start3A_1452 = arith.constant 0 : i32
        %dma_start3A_1453 = arith.constant 0 : i32
        %dma_start3A_1454 = tpu.memref_slice %arg18[%dma_start3A_1452, %dma_start3A_1453] : memref<10240x8xf32, #tpu.memory_space<vmem_shared>> -> memref<10240x8xf32, #tpu.memory_space<vmem_shared>>
        tpu.enqueue_indirect_dma source(%arg16 : memref<128x8xf32, #tpu.memory_space<vmem>>) target(%dma_start3A_1454 : memref<10240x8xf32, #tpu.memory_space<vmem_shared>>) offsets(%dma_start3A_1451 : memref<128xi32, #tpu.memory_space<vmem>>) semaphore(%arg22 : memref<!tpu.dma_semaphore, #tpu.memory_space<semaphore_mem>>) {add = true}
      } else {
      }
      %dma_wait3A_248 = arith.constant 0 : i32
      %dma_wait3A_249 = arith.constant 0 : i32
      %dma_wait3A_250 = tpu.memref_slice %arg11[%dma_wait3A_248, %dma_wait3A_249] : memref<16x128xi32, #tpu.memory_space<vmem>> -> memref<1x128xi32, #tpu.memory_space<vmem>>
      %dma_wait3A_251 = tpu.memref_squeeze %dma_wait3A_250 : memref<1x128xi32, #tpu.memory_space<vmem>> -> memref<128xi32, #tpu.memory_space<vmem>>
      %dma_wait3A_252 = arith.constant 0 : i32
      %dma_wait3A_253 = arith.constant 0 : i32
      %dma_wait3A_254 = tpu.memref_slice %arg17[%dma_wait3A_252, %dma_wait3A_253] : memref<10240x128xf32, #tpu.memory_space<vmem_shared>> -> memref<10240x128xf32, #tpu.memory_space<vmem_shared>>
      tpu.wait_indirect_dma semaphore(%arg22 : memref<!tpu.dma_semaphore, #tpu.memory_space<semaphore_mem>>) src(%arg15 : memref<128x128xf32, #tpu.memory_space<vmem>>) dst(%dma_wait3A_254 : memref<10240x128xf32, #tpu.memory_space<vmem_shared>>)
      %convert_element_type3A_255 = arith.extui %or3A : i1 to i32
      %cond3A_256 = arith.constant 0 : i32
      %cond3A_257 = arith.cmpi ne, %convert_element_type3A_255, %cond3A_256 : i32
      scf.if %cond3A_257 {
        %dma_wait3A_1448 = arith.constant 0 : i32
        %dma_wait3A_1449 = arith.constant 0 : i32
        %dma_wait3A_1450 = tpu.memref_slice %arg11[%dma_wait3A_1448, %dma_wait3A_1449] : memref<16x128xi32, #tpu.memory_space<vmem>> -> memref<1x128xi32, #tpu.memory_space<vmem>>
        %dma_wait3A_1451 = tpu.memref_squeeze %dma_wait3A_1450 : memref<1x128xi32, #tpu.memory_space<vmem>> -> memref<128xi32, #tpu.memory_space<vmem>>
        %dma_wait3A_1452 = arith.constant 0 : i32
        %dma_wait3A_1453 = arith.constant 0 : i32
        %dma_wait3A_1454 = tpu.memref_slice %arg18[%dma_wait3A_1452, %dma_wait3A_1453] : memref<10240x8xf32, #tpu.memory_space<vmem_shared>> -> memref<10240x8xf32, #tpu.memory_space<vmem_shared>>
        tpu.wait_indirect_dma semaphore(%arg22 : memref<!tpu.dma_semaphore, #tpu.memory_space<semaphore_mem>>) src(%arg16 : memref<128x8xf32, #tpu.memory_space<vmem>>) dst(%dma_wait3A_1454 : memref<10240x8xf32, #tpu.memory_space<vmem_shared>>)
      } else {
      }
      %eq3A_258 = arith.constant 0 : i32
      %eq3A_259 = arith.cmpi eq, %arg0, %eq3A_258 : i32
      %convert_element_type3A_260 = arith.extui %eq3A_259 : i1 to i32
      %cond3A_261 = arith.constant 3 : i32
      %cond3A_262 = arith.constant 0 : i32
      %cond3A_263 = arith.cmpi ne, %convert_element_type3A_260, %cond3A_262 : i32
      scf.if %cond3A_263 {
        %dma_start3A_1448 = arith.constant 0 : i32
        %dma_start3A_1449 = tpu.memref_slice %arg10[%cond3A_261, %dma_start3A_1448] : memref<16x128xi32, #tpu.memory_space<vmem>> -> memref<1x128xi32, #tpu.memory_space<vmem>>
        %dma_start3A_1450 = tpu.memref_squeeze %dma_start3A_1449 : memref<1x128xi32, #tpu.memory_space<vmem>> -> memref<128xi32, #tpu.memory_space<vmem>>
        %dma_start3A_1451 = arith.constant 0 : i32
        %dma_start3A_1452 = arith.constant 0 : i32
        %dma_start3A_1453 = tpu.memref_slice %arg4[%dma_start3A_1451, %dma_start3A_1452] : memref<20000x128xf32, #tpu.memory_space<hbm>> -> memref<20000x128xf32, #tpu.memory_space<hbm>>
        tpu.enqueue_indirect_dma source(%dma_start3A_1453 : memref<20000x128xf32, #tpu.memory_space<hbm>>) target(%arg15 : memref<128x128xf32, #tpu.memory_space<vmem>>) offsets(%dma_start3A_1450 : memref<128xi32, #tpu.memory_space<vmem>>) semaphore(%arg20 : memref<!tpu.dma_semaphore, #tpu.memory_space<semaphore_mem>>)
      } else {
      }
      %eq3A_264 = arith.constant 1 : i32
      %eq3A_265 = arith.cmpi eq, %arg0, %eq3A_264 : i32
      %convert_element_type3A_266 = arith.extui %eq3A_265 : i1 to i32
      %cond3A_267 = arith.constant 3 : i32
      %cond3A_268 = arith.constant 0 : i32
      %cond3A_269 = arith.cmpi ne, %convert_element_type3A_266, %cond3A_268 : i32
      scf.if %cond3A_269 {
        %dma_start3A_1448 = arith.constant 0 : i32
        %dma_start3A_1449 = tpu.memref_slice %arg10[%cond3A_267, %dma_start3A_1448] : memref<16x128xi32, #tpu.memory_space<vmem>> -> memref<1x128xi32, #tpu.memory_space<vmem>>
        %dma_start3A_1450 = tpu.memref_squeeze %dma_start3A_1449 : memref<1x128xi32, #tpu.memory_space<vmem>> -> memref<128xi32, #tpu.memory_space<vmem>>
        %dma_start3A_1451 = arith.constant 0 : i32
        %dma_start3A_1452 = arith.constant 0 : i32
        %dma_start3A_1453 = tpu.memref_slice %arg5[%dma_start3A_1451, %dma_start3A_1452] : memref<20000x128xf32, #tpu.memory_space<hbm>> -> memref<20000x128xf32, #tpu.memory_space<hbm>>
        tpu.enqueue_indirect_dma source(%dma_start3A_1453 : memref<20000x128xf32, #tpu.memory_space<hbm>>) target(%arg15 : memref<128x128xf32, #tpu.memory_space<vmem>>) offsets(%dma_start3A_1450 : memref<128xi32, #tpu.memory_space<vmem>>) semaphore(%arg20 : memref<!tpu.dma_semaphore, #tpu.memory_space<semaphore_mem>>)
      } else {
      }
      %dma_wait3A_270 = arith.constant 0 : i32
      %dma_wait3A_271 = arith.constant 0 : i32
      %dma_wait3A_272 = tpu.memref_slice %arg10[%dma_wait3A_270, %dma_wait3A_271] : memref<16x128xi32, #tpu.memory_space<vmem>> -> memref<1x128xi32, #tpu.memory_space<vmem>>
      %dma_wait3A_273 = tpu.memref_squeeze %dma_wait3A_272 : memref<1x128xi32, #tpu.memory_space<vmem>> -> memref<128xi32, #tpu.memory_space<vmem>>
      %dma_wait3A_274 = arith.constant 0 : i32
      %dma_wait3A_275 = arith.constant 0 : i32
      %dma_wait3A_276 = tpu.memref_slice %arg4[%dma_wait3A_274, %dma_wait3A_275] : memref<20000x128xf32, #tpu.memory_space<hbm>> -> memref<20000x128xf32, #tpu.memory_space<hbm>>
      tpu.wait_indirect_dma semaphore(%arg19 : memref<!tpu.dma_semaphore, #tpu.memory_space<semaphore_mem>>) src(%dma_wait3A_276 : memref<20000x128xf32, #tpu.memory_space<hbm>>) dst(%arg14 : memref<128x128xf32, #tpu.memory_space<vmem>>)
      %dma_start3A_277 = arith.constant 2 : i32
      %dma_start3A_278 = arith.constant 0 : i32
      %dma_start3A_279 = tpu.memref_slice %arg11[%dma_start3A_277, %dma_start3A_278] : memref<16x128xi32, #tpu.memory_space<vmem>> -> memref<1x128xi32, #tpu.memory_space<vmem>>
      %dma_start3A_280 = tpu.memref_squeeze %dma_start3A_279 : memref<1x128xi32, #tpu.memory_space<vmem>> -> memref<128xi32, #tpu.memory_space<vmem>>
      %dma_start3A_281 = arith.constant 0 : i32
      %dma_start3A_282 = arith.constant 0 : i32
      %dma_start3A_283 = tpu.memref_slice %arg17[%dma_start3A_281, %dma_start3A_282] : memref<10240x128xf32, #tpu.memory_space<vmem_shared>> -> memref<10240x128xf32, #tpu.memory_space<vmem_shared>>
      tpu.enqueue_indirect_dma source(%arg14 : memref<128x128xf32, #tpu.memory_space<vmem>>) target(%dma_start3A_283 : memref<10240x128xf32, #tpu.memory_space<vmem_shared>>) offsets(%dma_start3A_280 : memref<128xi32, #tpu.memory_space<vmem>>) semaphore(%arg21 : memref<!tpu.dma_semaphore, #tpu.memory_space<semaphore_mem>>) {add = true}
      %convert_element_type3A_284 = arith.extui %or3A : i1 to i32
      %cond3A_285 = arith.constant 0 : i32
      %cond3A_286 = arith.cmpi ne, %convert_element_type3A_284, %cond3A_285 : i32
      scf.if %cond3A_286 {
        %dma_start3A_1448 = arith.constant 2 : i32
        %dma_start3A_1449 = arith.constant 0 : i32
        %dma_start3A_1450 = tpu.memref_slice %arg11[%dma_start3A_1448, %dma_start3A_1449] : memref<16x128xi32, #tpu.memory_space<vmem>> -> memref<1x128xi32, #tpu.memory_space<vmem>>
        %dma_start3A_1451 = tpu.memref_squeeze %dma_start3A_1450 : memref<1x128xi32, #tpu.memory_space<vmem>> -> memref<128xi32, #tpu.memory_space<vmem>>
        %dma_start3A_1452 = arith.constant 0 : i32
        %dma_start3A_1453 = arith.constant 0 : i32
        %dma_start3A_1454 = tpu.memref_slice %arg18[%dma_start3A_1452, %dma_start3A_1453] : memref<10240x8xf32, #tpu.memory_space<vmem_shared>> -> memref<10240x8xf32, #tpu.memory_space<vmem_shared>>
        tpu.enqueue_indirect_dma source(%arg16 : memref<128x8xf32, #tpu.memory_space<vmem>>) target(%dma_start3A_1454 : memref<10240x8xf32, #tpu.memory_space<vmem_shared>>) offsets(%dma_start3A_1451 : memref<128xi32, #tpu.memory_space<vmem>>) semaphore(%arg21 : memref<!tpu.dma_semaphore, #tpu.memory_space<semaphore_mem>>) {add = true}
      } else {
      }
      %dma_wait3A_287 = arith.constant 0 : i32
      %dma_wait3A_288 = arith.constant 0 : i32
      %dma_wait3A_289 = tpu.memref_slice %arg11[%dma_wait3A_287, %dma_wait3A_288] : memref<16x128xi32, #tpu.memory_space<vmem>> -> memref<1x128xi32, #tpu.memory_space<vmem>>
      %dma_wait3A_290 = tpu.memref_squeeze %dma_wait3A_289 : memref<1x128xi32, #tpu.memory_space<vmem>> -> memref<128xi32, #tpu.memory_space<vmem>>
      %dma_wait3A_291 = arith.constant 0 : i32
      %dma_wait3A_292 = arith.constant 0 : i32
      %dma_wait3A_293 = tpu.memref_slice %arg17[%dma_wait3A_291, %dma_wait3A_292] : memref<10240x128xf32, #tpu.memory_space<vmem_shared>> -> memref<10240x128xf32, #tpu.memory_space<vmem_shared>>
      tpu.wait_indirect_dma semaphore(%arg21 : memref<!tpu.dma_semaphore, #tpu.memory_space<semaphore_mem>>) src(%arg14 : memref<128x128xf32, #tpu.memory_space<vmem>>) dst(%dma_wait3A_293 : memref<10240x128xf32, #tpu.memory_space<vmem_shared>>)
      %convert_element_type3A_294 = arith.extui %or3A : i1 to i32
      %cond3A_295 = arith.constant 0 : i32
      %cond3A_296 = arith.cmpi ne, %convert_element_type3A_294, %cond3A_295 : i32
      scf.if %cond3A_296 {
        %dma_wait3A_1448 = arith.constant 0 : i32
        %dma_wait3A_1449 = arith.constant 0 : i32
        %dma_wait3A_1450 = tpu.memref_slice %arg11[%dma_wait3A_1448, %dma_wait3A_1449] : memref<16x128xi32, #tpu.memory_space<vmem>> -> memref<1x128xi32, #tpu.memory_space<vmem>>
        %dma_wait3A_1451 = tpu.memref_squeeze %dma_wait3A_1450 : memref<1x128xi32, #tpu.memory_space<vmem>> -> memref<128xi32, #tpu.memory_space<vmem>>
        %dma_wait3A_1452 = arith.constant 0 : i32
        %dma_wait3A_1453 = arith.constant 0 : i32
        %dma_wait3A_1454 = tpu.memref_slice %arg18[%dma_wait3A_1452, %dma_wait3A_1453] : memref<10240x8xf32, #tpu.memory_space<vmem_shared>> -> memref<10240x8xf32, #tpu.memory_space<vmem_shared>>
        tpu.wait_indirect_dma semaphore(%arg21 : memref<!tpu.dma_semaphore, #tpu.memory_space<semaphore_mem>>) src(%arg16 : memref<128x8xf32, #tpu.memory_space<vmem>>) dst(%dma_wait3A_1454 : memref<10240x8xf32, #tpu.memory_space<vmem_shared>>)
      } else {
      }
      %eq3A_297 = arith.constant 0 : i32
      %eq3A_298 = arith.cmpi eq, %arg0, %eq3A_297 : i32
      %convert_element_type3A_299 = arith.extui %eq3A_298 : i1 to i32
      %cond3A_300 = arith.constant 4 : i32
      %cond3A_301 = arith.constant 0 : i32
      %cond3A_302 = arith.cmpi ne, %convert_element_type3A_299, %cond3A_301 : i32
      scf.if %cond3A_302 {
        %dma_start3A_1448 = arith.constant 0 : i32
        %dma_start3A_1449 = tpu.memref_slice %arg10[%cond3A_300, %dma_start3A_1448] : memref<16x128xi32, #tpu.memory_space<vmem>> -> memref<1x128xi32, #tpu.memory_space<vmem>>
        %dma_start3A_1450 = tpu.memref_squeeze %dma_start3A_1449 : memref<1x128xi32, #tpu.memory_space<vmem>> -> memref<128xi32, #tpu.memory_space<vmem>>
        %dma_start3A_1451 = arith.constant 0 : i32
        %dma_start3A_1452 = arith.constant 0 : i32
        %dma_start3A_1453 = tpu.memref_slice %arg4[%dma_start3A_1451, %dma_start3A_1452] : memref<20000x128xf32, #tpu.memory_space<hbm>> -> memref<20000x128xf32, #tpu.memory_space<hbm>>
        tpu.enqueue_indirect_dma source(%dma_start3A_1453 : memref<20000x128xf32, #tpu.memory_space<hbm>>) target(%arg14 : memref<128x128xf32, #tpu.memory_space<vmem>>) offsets(%dma_start3A_1450 : memref<128xi32, #tpu.memory_space<vmem>>) semaphore(%arg19 : memref<!tpu.dma_semaphore, #tpu.memory_space<semaphore_mem>>)
      } else {
      }
      %eq3A_303 = arith.constant 1 : i32
      %eq3A_304 = arith.cmpi eq, %arg0, %eq3A_303 : i32
      %convert_element_type3A_305 = arith.extui %eq3A_304 : i1 to i32
      %cond3A_306 = arith.constant 4 : i32
      %cond3A_307 = arith.constant 0 : i32
      %cond3A_308 = arith.cmpi ne, %convert_element_type3A_305, %cond3A_307 : i32
      scf.if %cond3A_308 {
        %dma_start3A_1448 = arith.constant 0 : i32
        %dma_start3A_1449 = tpu.memref_slice %arg10[%cond3A_306, %dma_start3A_1448] : memref<16x128xi32, #tpu.memory_space<vmem>> -> memref<1x128xi32, #tpu.memory_space<vmem>>
        %dma_start3A_1450 = tpu.memref_squeeze %dma_start3A_1449 : memref<1x128xi32, #tpu.memory_space<vmem>> -> memref<128xi32, #tpu.memory_space<vmem>>
        %dma_start3A_1451 = arith.constant 0 : i32
        %dma_start3A_1452 = arith.constant 0 : i32
        %dma_start3A_1453 = tpu.memref_slice %arg5[%dma_start3A_1451, %dma_start3A_1452] : memref<20000x128xf32, #tpu.memory_space<hbm>> -> memref<20000x128xf32, #tpu.memory_space<hbm>>
        tpu.enqueue_indirect_dma source(%dma_start3A_1453 : memref<20000x128xf32, #tpu.memory_space<hbm>>) target(%arg14 : memref<128x128xf32, #tpu.memory_space<vmem>>) offsets(%dma_start3A_1450 : memref<128xi32, #tpu.memory_space<vmem>>) semaphore(%arg19 : memref<!tpu.dma_semaphore, #tpu.memory_space<semaphore_mem>>)
      } else {
      }
      %dma_wait3A_309 = arith.constant 0 : i32
      %dma_wait3A_310 = arith.constant 0 : i32
      %dma_wait3A_311 = tpu.memref_slice %arg10[%dma_wait3A_309, %dma_wait3A_310] : memref<16x128xi32, #tpu.memory_space<vmem>> -> memref<1x128xi32, #tpu.memory_space<vmem>>
      %dma_wait3A_312 = tpu.memref_squeeze %dma_wait3A_311 : memref<1x128xi32, #tpu.memory_space<vmem>> -> memref<128xi32, #tpu.memory_space<vmem>>
      %dma_wait3A_313 = arith.constant 0 : i32
      %dma_wait3A_314 = arith.constant 0 : i32
      %dma_wait3A_315 = tpu.memref_slice %arg4[%dma_wait3A_313, %dma_wait3A_314] : memref<20000x128xf32, #tpu.memory_space<hbm>> -> memref<20000x128xf32, #tpu.memory_space<hbm>>
      tpu.wait_indirect_dma semaphore(%arg20 : memref<!tpu.dma_semaphore, #tpu.memory_space<semaphore_mem>>) src(%dma_wait3A_315 : memref<20000x128xf32, #tpu.memory_space<hbm>>) dst(%arg15 : memref<128x128xf32, #tpu.memory_space<vmem>>)
      %dma_start3A_316 = arith.constant 3 : i32
      %dma_start3A_317 = arith.constant 0 : i32
      %dma_start3A_318 = tpu.memref_slice %arg11[%dma_start3A_316, %dma_start3A_317] : memref<16x128xi32, #tpu.memory_space<vmem>> -> memref<1x128xi32, #tpu.memory_space<vmem>>
      %dma_start3A_319 = tpu.memref_squeeze %dma_start3A_318 : memref<1x128xi32, #tpu.memory_space<vmem>> -> memref<128xi32, #tpu.memory_space<vmem>>
      %dma_start3A_320 = arith.constant 0 : i32
      %dma_start3A_321 = arith.constant 0 : i32
      %dma_start3A_322 = tpu.memref_slice %arg17[%dma_start3A_320, %dma_start3A_321] : memref<10240x128xf32, #tpu.memory_space<vmem_shared>> -> memref<10240x128xf32, #tpu.memory_space<vmem_shared>>
      tpu.enqueue_indirect_dma source(%arg15 : memref<128x128xf32, #tpu.memory_space<vmem>>) target(%dma_start3A_322 : memref<10240x128xf32, #tpu.memory_space<vmem_shared>>) offsets(%dma_start3A_319 : memref<128xi32, #tpu.memory_space<vmem>>) semaphore(%arg22 : memref<!tpu.dma_semaphore, #tpu.memory_space<semaphore_mem>>) {add = true}
      %convert_element_type3A_323 = arith.extui %or3A : i1 to i32
      %cond3A_324 = arith.constant 0 : i32
      %cond3A_325 = arith.cmpi ne, %convert_element_type3A_323, %cond3A_324 : i32
      scf.if %cond3A_325 {
        %dma_start3A_1448 = arith.constant 3 : i32
        %dma_start3A_1449 = arith.constant 0 : i32
        %dma_start3A_1450 = tpu.memref_slice %arg11[%dma_start3A_1448, %dma_start3A_1449] : memref<16x128xi32, #tpu.memory_space<vmem>> -> memref<1x128xi32, #tpu.memory_space<vmem>>
        %dma_start3A_1451 = tpu.memref_squeeze %dma_start3A_1450 : memref<1x128xi32, #tpu.memory_space<vmem>> -> memref<128xi32, #tpu.memory_space<vmem>>
        %dma_start3A_1452 = arith.constant 0 : i32
        %dma_start3A_1453 = arith.constant 0 : i32
        %dma_start3A_1454 = tpu.memref_slice %arg18[%dma_start3A_1452, %dma_start3A_1453] : memref<10240x8xf32, #tpu.memory_space<vmem_shared>> -> memref<10240x8xf32, #tpu.memory_space<vmem_shared>>
        tpu.enqueue_indirect_dma source(%arg16 : memref<128x8xf32, #tpu.memory_space<vmem>>) target(%dma_start3A_1454 : memref<10240x8xf32, #tpu.memory_space<vmem_shared>>) offsets(%dma_start3A_1451 : memref<128xi32, #tpu.memory_space<vmem>>) semaphore(%arg22 : memref<!tpu.dma_semaphore, #tpu.memory_space<semaphore_mem>>) {add = true}
      } else {
      }
      %dma_wait3A_326 = arith.constant 0 : i32
      %dma_wait3A_327 = arith.constant 0 : i32
      %dma_wait3A_328 = tpu.memref_slice %arg11[%dma_wait3A_326, %dma_wait3A_327] : memref<16x128xi32, #tpu.memory_space<vmem>> -> memref<1x128xi32, #tpu.memory_space<vmem>>
      %dma_wait3A_329 = tpu.memref_squeeze %dma_wait3A_328 : memref<1x128xi32, #tpu.memory_space<vmem>> -> memref<128xi32, #tpu.memory_space<vmem>>
      %dma_wait3A_330 = arith.constant 0 : i32
      %dma_wait3A_331 = arith.constant 0 : i32
      %dma_wait3A_332 = tpu.memref_slice %arg17[%dma_wait3A_330, %dma_wait3A_331] : memref<10240x128xf32, #tpu.memory_space<vmem_shared>> -> memref<10240x128xf32, #tpu.memory_space<vmem_shared>>
      tpu.wait_indirect_dma semaphore(%arg22 : memref<!tpu.dma_semaphore, #tpu.memory_space<semaphore_mem>>) src(%arg15 : memref<128x128xf32, #tpu.memory_space<vmem>>) dst(%dma_wait3A_332 : memref<10240x128xf32, #tpu.memory_space<vmem_shared>>)
      %convert_element_type3A_333 = arith.extui %or3A : i1 to i32
      %cond3A_334 = arith.constant 0 : i32
      %cond3A_335 = arith.cmpi ne, %convert_element_type3A_333, %cond3A_334 : i32
      scf.if %cond3A_335 {
        %dma_wait3A_1448 = arith.constant 0 : i32
        %dma_wait3A_1449 = arith.constant 0 : i32
        %dma_wait3A_1450 = tpu.memref_slice %arg11[%dma_wait3A_1448, %dma_wait3A_1449] : memref<16x128xi32, #tpu.memory_space<vmem>> -> memref<1x128xi32, #tpu.memory_space<vmem>>
        %dma_wait3A_1451 = tpu.memref_squeeze %dma_wait3A_1450 : memref<1x128xi32, #tpu.memory_space<vmem>> -> memref<128xi32, #tpu.memory_space<vmem>>
        %dma_wait3A_1452 = arith.constant 0 : i32
        %dma_wait3A_1453 = arith.constant 0 : i32
        %dma_wait3A_1454 = tpu.memref_slice %arg18[%dma_wait3A_1452, %dma_wait3A_1453] : memref<10240x8xf32, #tpu.memory_space<vmem_shared>> -> memref<10240x8xf32, #tpu.memory_space<vmem_shared>>
        tpu.wait_indirect_dma semaphore(%arg22 : memref<!tpu.dma_semaphore, #tpu.memory_space<semaphore_mem>>) src(%arg16 : memref<128x8xf32, #tpu.memory_space<vmem>>) dst(%dma_wait3A_1454 : memref<10240x8xf32, #tpu.memory_space<vmem_shared>>)
      } else {
      }
      %eq3A_336 = arith.constant 0 : i32
      %eq3A_337 = arith.cmpi eq, %arg0, %eq3A_336 : i32
      %convert_element_type3A_338 = arith.extui %eq3A_337 : i1 to i32
      %cond3A_339 = arith.constant 5 : i32
      %cond3A_340 = arith.constant 0 : i32
      %cond3A_341 = arith.cmpi ne, %convert_element_type3A_338, %cond3A_340 : i32
      scf.if %cond3A_341 {
        %dma_start3A_1448 = arith.constant 0 : i32
        %dma_start3A_1449 = tpu.memref_slice %arg10[%cond3A_339, %dma_start3A_1448] : memref<16x128xi32, #tpu.memory_space<vmem>> -> memref<1x128xi32, #tpu.memory_space<vmem>>
        %dma_start3A_1450 = tpu.memref_squeeze %dma_start3A_1449 : memref<1x128xi32, #tpu.memory_space<vmem>> -> memref<128xi32, #tpu.memory_space<vmem>>
        %dma_start3A_1451 = arith.constant 0 : i32
        %dma_start3A_1452 = arith.constant 0 : i32
        %dma_start3A_1453 = tpu.memref_slice %arg4[%dma_start3A_1451, %dma_start3A_1452] : memref<20000x128xf32, #tpu.memory_space<hbm>> -> memref<20000x128xf32, #tpu.memory_space<hbm>>
        tpu.enqueue_indirect_dma source(%dma_start3A_1453 : memref<20000x128xf32, #tpu.memory_space<hbm>>) target(%arg15 : memref<128x128xf32, #tpu.memory_space<vmem>>) offsets(%dma_start3A_1450 : memref<128xi32, #tpu.memory_space<vmem>>) semaphore(%arg20 : memref<!tpu.dma_semaphore, #tpu.memory_space<semaphore_mem>>)
      } else {
      }
      %eq3A_342 = arith.constant 1 : i32
      %eq3A_343 = arith.cmpi eq, %arg0, %eq3A_342 : i32
      %convert_element_type3A_344 = arith.extui %eq3A_343 : i1 to i32
      %cond3A_345 = arith.constant 5 : i32
      %cond3A_346 = arith.constant 0 : i32
      %cond3A_347 = arith.cmpi ne, %convert_element_type3A_344, %cond3A_346 : i32
      scf.if %cond3A_347 {
        %dma_start3A_1448 = arith.constant 0 : i32
        %dma_start3A_1449 = tpu.memref_slice %arg10[%cond3A_345, %dma_start3A_1448] : memref<16x128xi32, #tpu.memory_space<vmem>> -> memref<1x128xi32, #tpu.memory_space<vmem>>
        %dma_start3A_1450 = tpu.memref_squeeze %dma_start3A_1449 : memref<1x128xi32, #tpu.memory_space<vmem>> -> memref<128xi32, #tpu.memory_space<vmem>>
        %dma_start3A_1451 = arith.constant 0 : i32
        %dma_start3A_1452 = arith.constant 0 : i32
        %dma_start3A_1453 = tpu.memref_slice %arg5[%dma_start3A_1451, %dma_start3A_1452] : memref<20000x128xf32, #tpu.memory_space<hbm>> -> memref<20000x128xf32, #tpu.memory_space<hbm>>
        tpu.enqueue_indirect_dma source(%dma_start3A_1453 : memref<20000x128xf32, #tpu.memory_space<hbm>>) target(%arg15 : memref<128x128xf32, #tpu.memory_space<vmem>>) offsets(%dma_start3A_1450 : memref<128xi32, #tpu.memory_space<vmem>>) semaphore(%arg20 : memref<!tpu.dma_semaphore, #tpu.memory_space<semaphore_mem>>)
      } else {
      }
      %dma_wait3A_348 = arith.constant 0 : i32
      %dma_wait3A_349 = arith.constant 0 : i32
      %dma_wait3A_350 = tpu.memref_slice %arg10[%dma_wait3A_348, %dma_wait3A_349] : memref<16x128xi32, #tpu.memory_space<vmem>> -> memref<1x128xi32, #tpu.memory_space<vmem>>
      %dma_wait3A_351 = tpu.memref_squeeze %dma_wait3A_350 : memref<1x128xi32, #tpu.memory_space<vmem>> -> memref<128xi32, #tpu.memory_space<vmem>>
      %dma_wait3A_352 = arith.constant 0 : i32
      %dma_wait3A_353 = arith.constant 0 : i32
      %dma_wait3A_354 = tpu.memref_slice %arg4[%dma_wait3A_352, %dma_wait3A_353] : memref<20000x128xf32, #tpu.memory_space<hbm>> -> memref<20000x128xf32, #tpu.memory_space<hbm>>
      tpu.wait_indirect_dma semaphore(%arg19 : memref<!tpu.dma_semaphore, #tpu.memory_space<semaphore_mem>>) src(%dma_wait3A_354 : memref<20000x128xf32, #tpu.memory_space<hbm>>) dst(%arg14 : memref<128x128xf32, #tpu.memory_space<vmem>>)
      %dma_start3A_355 = arith.constant 4 : i32
      %dma_start3A_356 = arith.constant 0 : i32
      %dma_start3A_357 = tpu.memref_slice %arg11[%dma_start3A_355, %dma_start3A_356] : memref<16x128xi32, #tpu.memory_space<vmem>> -> memref<1x128xi32, #tpu.memory_space<vmem>>
      %dma_start3A_358 = tpu.memref_squeeze %dma_start3A_357 : memref<1x128xi32, #tpu.memory_space<vmem>> -> memref<128xi32, #tpu.memory_space<vmem>>
      %dma_start3A_359 = arith.constant 0 : i32
      %dma_start3A_360 = arith.constant 0 : i32
      %dma_start3A_361 = tpu.memref_slice %arg17[%dma_start3A_359, %dma_start3A_360] : memref<10240x128xf32, #tpu.memory_space<vmem_shared>> -> memref<10240x128xf32, #tpu.memory_space<vmem_shared>>
      tpu.enqueue_indirect_dma source(%arg14 : memref<128x128xf32, #tpu.memory_space<vmem>>) target(%dma_start3A_361 : memref<10240x128xf32, #tpu.memory_space<vmem_shared>>) offsets(%dma_start3A_358 : memref<128xi32, #tpu.memory_space<vmem>>) semaphore(%arg21 : memref<!tpu.dma_semaphore, #tpu.memory_space<semaphore_mem>>) {add = true}
      %convert_element_type3A_362 = arith.extui %or3A : i1 to i32
      %cond3A_363 = arith.constant 0 : i32
      %cond3A_364 = arith.cmpi ne, %convert_element_type3A_362, %cond3A_363 : i32
      scf.if %cond3A_364 {
        %dma_start3A_1448 = arith.constant 4 : i32
        %dma_start3A_1449 = arith.constant 0 : i32
        %dma_start3A_1450 = tpu.memref_slice %arg11[%dma_start3A_1448, %dma_start3A_1449] : memref<16x128xi32, #tpu.memory_space<vmem>> -> memref<1x128xi32, #tpu.memory_space<vmem>>
        %dma_start3A_1451 = tpu.memref_squeeze %dma_start3A_1450 : memref<1x128xi32, #tpu.memory_space<vmem>> -> memref<128xi32, #tpu.memory_space<vmem>>
        %dma_start3A_1452 = arith.constant 0 : i32
        %dma_start3A_1453 = arith.constant 0 : i32
        %dma_start3A_1454 = tpu.memref_slice %arg18[%dma_start3A_1452, %dma_start3A_1453] : memref<10240x8xf32, #tpu.memory_space<vmem_shared>> -> memref<10240x8xf32, #tpu.memory_space<vmem_shared>>
        tpu.enqueue_indirect_dma source(%arg16 : memref<128x8xf32, #tpu.memory_space<vmem>>) target(%dma_start3A_1454 : memref<10240x8xf32, #tpu.memory_space<vmem_shared>>) offsets(%dma_start3A_1451 : memref<128xi32, #tpu.memory_space<vmem>>) semaphore(%arg21 : memref<!tpu.dma_semaphore, #tpu.memory_space<semaphore_mem>>) {add = true}
      } else {
      }
      %dma_wait3A_365 = arith.constant 0 : i32
      %dma_wait3A_366 = arith.constant 0 : i32
      %dma_wait3A_367 = tpu.memref_slice %arg11[%dma_wait3A_365, %dma_wait3A_366] : memref<16x128xi32, #tpu.memory_space<vmem>> -> memref<1x128xi32, #tpu.memory_space<vmem>>
      %dma_wait3A_368 = tpu.memref_squeeze %dma_wait3A_367 : memref<1x128xi32, #tpu.memory_space<vmem>> -> memref<128xi32, #tpu.memory_space<vmem>>
      %dma_wait3A_369 = arith.constant 0 : i32
      %dma_wait3A_370 = arith.constant 0 : i32
      %dma_wait3A_371 = tpu.memref_slice %arg17[%dma_wait3A_369, %dma_wait3A_370] : memref<10240x128xf32, #tpu.memory_space<vmem_shared>> -> memref<10240x128xf32, #tpu.memory_space<vmem_shared>>
      tpu.wait_indirect_dma semaphore(%arg21 : memref<!tpu.dma_semaphore, #tpu.memory_space<semaphore_mem>>) src(%arg14 : memref<128x128xf32, #tpu.memory_space<vmem>>) dst(%dma_wait3A_371 : memref<10240x128xf32, #tpu.memory_space<vmem_shared>>)
      %convert_element_type3A_372 = arith.extui %or3A : i1 to i32
      %cond3A_373 = arith.constant 0 : i32
      %cond3A_374 = arith.cmpi ne, %convert_element_type3A_372, %cond3A_373 : i32
      scf.if %cond3A_374 {
        %dma_wait3A_1448 = arith.constant 0 : i32
        %dma_wait3A_1449 = arith.constant 0 : i32
        %dma_wait3A_1450 = tpu.memref_slice %arg11[%dma_wait3A_1448, %dma_wait3A_1449] : memref<16x128xi32, #tpu.memory_space<vmem>> -> memref<1x128xi32, #tpu.memory_space<vmem>>
        %dma_wait3A_1451 = tpu.memref_squeeze %dma_wait3A_1450 : memref<1x128xi32, #tpu.memory_space<vmem>> -> memref<128xi32, #tpu.memory_space<vmem>>
        %dma_wait3A_1452 = arith.constant 0 : i32
        %dma_wait3A_1453 = arith.constant 0 : i32
        %dma_wait3A_1454 = tpu.memref_slice %arg18[%dma_wait3A_1452, %dma_wait3A_1453] : memref<10240x8xf32, #tpu.memory_space<vmem_shared>> -> memref<10240x8xf32, #tpu.memory_space<vmem_shared>>
        tpu.wait_indirect_dma semaphore(%arg21 : memref<!tpu.dma_semaphore, #tpu.memory_space<semaphore_mem>>) src(%arg16 : memref<128x8xf32, #tpu.memory_space<vmem>>) dst(%dma_wait3A_1454 : memref<10240x8xf32, #tpu.memory_space<vmem_shared>>)
      } else {
      }
      %eq3A_375 = arith.constant 0 : i32
      %eq3A_376 = arith.cmpi eq, %arg0, %eq3A_375 : i32
      %convert_element_type3A_377 = arith.extui %eq3A_376 : i1 to i32
      %cond3A_378 = arith.constant 6 : i32
      %cond3A_379 = arith.constant 0 : i32
      %cond3A_380 = arith.cmpi ne, %convert_element_type3A_377, %cond3A_379 : i32
      scf.if %cond3A_380 {
        %dma_start3A_1448 = arith.constant 0 : i32
        %dma_start3A_1449 = tpu.memref_slice %arg10[%cond3A_378, %dma_start3A_1448] : memref<16x128xi32, #tpu.memory_space<vmem>> -> memref<1x128xi32, #tpu.memory_space<vmem>>
        %dma_start3A_1450 = tpu.memref_squeeze %dma_start3A_1449 : memref<1x128xi32, #tpu.memory_space<vmem>> -> memref<128xi32, #tpu.memory_space<vmem>>
        %dma_start3A_1451 = arith.constant 0 : i32
        %dma_start3A_1452 = arith.constant 0 : i32
        %dma_start3A_1453 = tpu.memref_slice %arg4[%dma_start3A_1451, %dma_start3A_1452] : memref<20000x128xf32, #tpu.memory_space<hbm>> -> memref<20000x128xf32, #tpu.memory_space<hbm>>
        tpu.enqueue_indirect_dma source(%dma_start3A_1453 : memref<20000x128xf32, #tpu.memory_space<hbm>>) target(%arg14 : memref<128x128xf32, #tpu.memory_space<vmem>>) offsets(%dma_start3A_1450 : memref<128xi32, #tpu.memory_space<vmem>>) semaphore(%arg19 : memref<!tpu.dma_semaphore, #tpu.memory_space<semaphore_mem>>)
      } else {
      }
      %eq3A_381 = arith.constant 1 : i32
      %eq3A_382 = arith.cmpi eq, %arg0, %eq3A_381 : i32
      %convert_element_type3A_383 = arith.extui %eq3A_382 : i1 to i32
      %cond3A_384 = arith.constant 6 : i32
      %cond3A_385 = arith.constant 0 : i32
      %cond3A_386 = arith.cmpi ne, %convert_element_type3A_383, %cond3A_385 : i32
      scf.if %cond3A_386 {
        %dma_start3A_1448 = arith.constant 0 : i32
        %dma_start3A_1449 = tpu.memref_slice %arg10[%cond3A_384, %dma_start3A_1448] : memref<16x128xi32, #tpu.memory_space<vmem>> -> memref<1x128xi32, #tpu.memory_space<vmem>>
        %dma_start3A_1450 = tpu.memref_squeeze %dma_start3A_1449 : memref<1x128xi32, #tpu.memory_space<vmem>> -> memref<128xi32, #tpu.memory_space<vmem>>
        %dma_start3A_1451 = arith.constant 0 : i32
        %dma_start3A_1452 = arith.constant 0 : i32
        %dma_start3A_1453 = tpu.memref_slice %arg5[%dma_start3A_1451, %dma_start3A_1452] : memref<20000x128xf32, #tpu.memory_space<hbm>> -> memref<20000x128xf32, #tpu.memory_space<hbm>>
        tpu.enqueue_indirect_dma source(%dma_start3A_1453 : memref<20000x128xf32, #tpu.memory_space<hbm>>) target(%arg14 : memref<128x128xf32, #tpu.memory_space<vmem>>) offsets(%dma_start3A_1450 : memref<128xi32, #tpu.memory_space<vmem>>) semaphore(%arg19 : memref<!tpu.dma_semaphore, #tpu.memory_space<semaphore_mem>>)
      } else {
      }
      %dma_wait3A_387 = arith.constant 0 : i32
      %dma_wait3A_388 = arith.constant 0 : i32
      %dma_wait3A_389 = tpu.memref_slice %arg10[%dma_wait3A_387, %dma_wait3A_388] : memref<16x128xi32, #tpu.memory_space<vmem>> -> memref<1x128xi32, #tpu.memory_space<vmem>>
      %dma_wait3A_390 = tpu.memref_squeeze %dma_wait3A_389 : memref<1x128xi32, #tpu.memory_space<vmem>> -> memref<128xi32, #tpu.memory_space<vmem>>
      %dma_wait3A_391 = arith.constant 0 : i32
      %dma_wait3A_392 = arith.constant 0 : i32
      %dma_wait3A_393 = tpu.memref_slice %arg4[%dma_wait3A_391, %dma_wait3A_392] : memref<20000x128xf32, #tpu.memory_space<hbm>> -> memref<20000x128xf32, #tpu.memory_space<hbm>>
      tpu.wait_indirect_dma semaphore(%arg20 : memref<!tpu.dma_semaphore, #tpu.memory_space<semaphore_mem>>) src(%dma_wait3A_393 : memref<20000x128xf32, #tpu.memory_space<hbm>>) dst(%arg15 : memref<128x128xf32, #tpu.memory_space<vmem>>)
      %dma_start3A_394 = arith.constant 5 : i32
      %dma_start3A_395 = arith.constant 0 : i32
      %dma_start3A_396 = tpu.memref_slice %arg11[%dma_start3A_394, %dma_start3A_395] : memref<16x128xi32, #tpu.memory_space<vmem>> -> memref<1x128xi32, #tpu.memory_space<vmem>>
      %dma_start3A_397 = tpu.memref_squeeze %dma_start3A_396 : memref<1x128xi32, #tpu.memory_space<vmem>> -> memref<128xi32, #tpu.memory_space<vmem>>
      %dma_start3A_398 = arith.constant 0 : i32
      %dma_start3A_399 = arith.constant 0 : i32
      %dma_start3A_400 = tpu.memref_slice %arg17[%dma_start3A_398, %dma_start3A_399] : memref<10240x128xf32, #tpu.memory_space<vmem_shared>> -> memref<10240x128xf32, #tpu.memory_space<vmem_shared>>
      tpu.enqueue_indirect_dma source(%arg15 : memref<128x128xf32, #tpu.memory_space<vmem>>) target(%dma_start3A_400 : memref<10240x128xf32, #tpu.memory_space<vmem_shared>>) offsets(%dma_start3A_397 : memref<128xi32, #tpu.memory_space<vmem>>) semaphore(%arg22 : memref<!tpu.dma_semaphore, #tpu.memory_space<semaphore_mem>>) {add = true}
      %convert_element_type3A_401 = arith.extui %or3A : i1 to i32
      %cond3A_402 = arith.constant 0 : i32
      %cond3A_403 = arith.cmpi ne, %convert_element_type3A_401, %cond3A_402 : i32
      scf.if %cond3A_403 {
        %dma_start3A_1448 = arith.constant 5 : i32
        %dma_start3A_1449 = arith.constant 0 : i32
        %dma_start3A_1450 = tpu.memref_slice %arg11[%dma_start3A_1448, %dma_start3A_1449] : memref<16x128xi32, #tpu.memory_space<vmem>> -> memref<1x128xi32, #tpu.memory_space<vmem>>
        %dma_start3A_1451 = tpu.memref_squeeze %dma_start3A_1450 : memref<1x128xi32, #tpu.memory_space<vmem>> -> memref<128xi32, #tpu.memory_space<vmem>>
        %dma_start3A_1452 = arith.constant 0 : i32
        %dma_start3A_1453 = arith.constant 0 : i32
        %dma_start3A_1454 = tpu.memref_slice %arg18[%dma_start3A_1452, %dma_start3A_1453] : memref<10240x8xf32, #tpu.memory_space<vmem_shared>> -> memref<10240x8xf32, #tpu.memory_space<vmem_shared>>
        tpu.enqueue_indirect_dma source(%arg16 : memref<128x8xf32, #tpu.memory_space<vmem>>) target(%dma_start3A_1454 : memref<10240x8xf32, #tpu.memory_space<vmem_shared>>) offsets(%dma_start3A_1451 : memref<128xi32, #tpu.memory_space<vmem>>) semaphore(%arg22 : memref<!tpu.dma_semaphore, #tpu.memory_space<semaphore_mem>>) {add = true}
      } else {
      }
      %dma_wait3A_404 = arith.constant 0 : i32
      %dma_wait3A_405 = arith.constant 0 : i32
      %dma_wait3A_406 = tpu.memref_slice %arg11[%dma_wait3A_404, %dma_wait3A_405] : memref<16x128xi32, #tpu.memory_space<vmem>> -> memref<1x128xi32, #tpu.memory_space<vmem>>
      %dma_wait3A_407 = tpu.memref_squeeze %dma_wait3A_406 : memref<1x128xi32, #tpu.memory_space<vmem>> -> memref<128xi32, #tpu.memory_space<vmem>>
      %dma_wait3A_408 = arith.constant 0 : i32
      %dma_wait3A_409 = arith.constant 0 : i32
      %dma_wait3A_410 = tpu.memref_slice %arg17[%dma_wait3A_408, %dma_wait3A_409] : memref<10240x128xf32, #tpu.memory_space<vmem_shared>> -> memref<10240x128xf32, #tpu.memory_space<vmem_shared>>
      tpu.wait_indirect_dma semaphore(%arg22 : memref<!tpu.dma_semaphore, #tpu.memory_space<semaphore_mem>>) src(%arg15 : memref<128x128xf32, #tpu.memory_space<vmem>>) dst(%dma_wait3A_410 : memref<10240x128xf32, #tpu.memory_space<vmem_shared>>)
      %convert_element_type3A_411 = arith.extui %or3A : i1 to i32
      %cond3A_412 = arith.constant 0 : i32
      %cond3A_413 = arith.cmpi ne, %convert_element_type3A_411, %cond3A_412 : i32
      scf.if %cond3A_413 {
        %dma_wait3A_1448 = arith.constant 0 : i32
        %dma_wait3A_1449 = arith.constant 0 : i32
        %dma_wait3A_1450 = tpu.memref_slice %arg11[%dma_wait3A_1448, %dma_wait3A_1449] : memref<16x128xi32, #tpu.memory_space<vmem>> -> memref<1x128xi32, #tpu.memory_space<vmem>>
        %dma_wait3A_1451 = tpu.memref_squeeze %dma_wait3A_1450 : memref<1x128xi32, #tpu.memory_space<vmem>> -> memref<128xi32, #tpu.memory_space<vmem>>
        %dma_wait3A_1452 = arith.constant 0 : i32
        %dma_wait3A_1453 = arith.constant 0 : i32
        %dma_wait3A_1454 = tpu.memref_slice %arg18[%dma_wait3A_1452, %dma_wait3A_1453] : memref<10240x8xf32, #tpu.memory_space<vmem_shared>> -> memref<10240x8xf32, #tpu.memory_space<vmem_shared>>
        tpu.wait_indirect_dma semaphore(%arg22 : memref<!tpu.dma_semaphore, #tpu.memory_space<semaphore_mem>>) src(%arg16 : memref<128x8xf32, #tpu.memory_space<vmem>>) dst(%dma_wait3A_1454 : memref<10240x8xf32, #tpu.memory_space<vmem_shared>>)
      } else {
      }
      %eq3A_414 = arith.constant 0 : i32
      %eq3A_415 = arith.cmpi eq, %arg0, %eq3A_414 : i32
      %convert_element_type3A_416 = arith.extui %eq3A_415 : i1 to i32
      %cond3A_417 = arith.constant 7 : i32
      %cond3A_418 = arith.constant 0 : i32
      %cond3A_419 = arith.cmpi ne, %convert_element_type3A_416, %cond3A_418 : i32
      scf.if %cond3A_419 {
        %dma_start3A_1448 = arith.constant 0 : i32
        %dma_start3A_1449 = tpu.memref_slice %arg10[%cond3A_417, %dma_start3A_1448] : memref<16x128xi32, #tpu.memory_space<vmem>> -> memref<1x128xi32, #tpu.memory_space<vmem>>
        %dma_start3A_1450 = tpu.memref_squeeze %dma_start3A_1449 : memref<1x128xi32, #tpu.memory_space<vmem>> -> memref<128xi32, #tpu.memory_space<vmem>>
        %dma_start3A_1451 = arith.constant 0 : i32
        %dma_start3A_1452 = arith.constant 0 : i32
        %dma_start3A_1453 = tpu.memref_slice %arg4[%dma_start3A_1451, %dma_start3A_1452] : memref<20000x128xf32, #tpu.memory_space<hbm>> -> memref<20000x128xf32, #tpu.memory_space<hbm>>
        tpu.enqueue_indirect_dma source(%dma_start3A_1453 : memref<20000x128xf32, #tpu.memory_space<hbm>>) target(%arg15 : memref<128x128xf32, #tpu.memory_space<vmem>>) offsets(%dma_start3A_1450 : memref<128xi32, #tpu.memory_space<vmem>>) semaphore(%arg20 : memref<!tpu.dma_semaphore, #tpu.memory_space<semaphore_mem>>)
      } else {
      }
      %eq3A_420 = arith.constant 1 : i32
      %eq3A_421 = arith.cmpi eq, %arg0, %eq3A_420 : i32
      %convert_element_type3A_422 = arith.extui %eq3A_421 : i1 to i32
      %cond3A_423 = arith.constant 7 : i32
      %cond3A_424 = arith.constant 0 : i32
      %cond3A_425 = arith.cmpi ne, %convert_element_type3A_422, %cond3A_424 : i32
      scf.if %cond3A_425 {
        %dma_start3A_1448 = arith.constant 0 : i32
        %dma_start3A_1449 = tpu.memref_slice %arg10[%cond3A_423, %dma_start3A_1448] : memref<16x128xi32, #tpu.memory_space<vmem>> -> memref<1x128xi32, #tpu.memory_space<vmem>>
        %dma_start3A_1450 = tpu.memref_squeeze %dma_start3A_1449 : memref<1x128xi32, #tpu.memory_space<vmem>> -> memref<128xi32, #tpu.memory_space<vmem>>
        %dma_start3A_1451 = arith.constant 0 : i32
        %dma_start3A_1452 = arith.constant 0 : i32
        %dma_start3A_1453 = tpu.memref_slice %arg5[%dma_start3A_1451, %dma_start3A_1452] : memref<20000x128xf32, #tpu.memory_space<hbm>> -> memref<20000x128xf32, #tpu.memory_space<hbm>>
        tpu.enqueue_indirect_dma source(%dma_start3A_1453 : memref<20000x128xf32, #tpu.memory_space<hbm>>) target(%arg15 : memref<128x128xf32, #tpu.memory_space<vmem>>) offsets(%dma_start3A_1450 : memref<128xi32, #tpu.memory_space<vmem>>) semaphore(%arg20 : memref<!tpu.dma_semaphore, #tpu.memory_space<semaphore_mem>>)
      } else {
      }
      %dma_wait3A_426 = arith.constant 0 : i32
      %dma_wait3A_427 = arith.constant 0 : i32
      %dma_wait3A_428 = tpu.memref_slice %arg10[%dma_wait3A_426, %dma_wait3A_427] : memref<16x128xi32, #tpu.memory_space<vmem>> -> memref<1x128xi32, #tpu.memory_space<vmem>>
      %dma_wait3A_429 = tpu.memref_squeeze %dma_wait3A_428 : memref<1x128xi32, #tpu.memory_space<vmem>> -> memref<128xi32, #tpu.memory_space<vmem>>
      %dma_wait3A_430 = arith.constant 0 : i32
      %dma_wait3A_431 = arith.constant 0 : i32
      %dma_wait3A_432 = tpu.memref_slice %arg4[%dma_wait3A_430, %dma_wait3A_431] : memref<20000x128xf32, #tpu.memory_space<hbm>> -> memref<20000x128xf32, #tpu.memory_space<hbm>>
      tpu.wait_indirect_dma semaphore(%arg19 : memref<!tpu.dma_semaphore, #tpu.memory_space<semaphore_mem>>) src(%dma_wait3A_432 : memref<20000x128xf32, #tpu.memory_space<hbm>>) dst(%arg14 : memref<128x128xf32, #tpu.memory_space<vmem>>)
      %dma_start3A_433 = arith.constant 6 : i32
      %dma_start3A_434 = arith.constant 0 : i32
      %dma_start3A_435 = tpu.memref_slice %arg11[%dma_start3A_433, %dma_start3A_434] : memref<16x128xi32, #tpu.memory_space<vmem>> -> memref<1x128xi32, #tpu.memory_space<vmem>>
      %dma_start3A_436 = tpu.memref_squeeze %dma_start3A_435 : memref<1x128xi32, #tpu.memory_space<vmem>> -> memref<128xi32, #tpu.memory_space<vmem>>
      %dma_start3A_437 = arith.constant 0 : i32
      %dma_start3A_438 = arith.constant 0 : i32
      %dma_start3A_439 = tpu.memref_slice %arg17[%dma_start3A_437, %dma_start3A_438] : memref<10240x128xf32, #tpu.memory_space<vmem_shared>> -> memref<10240x128xf32, #tpu.memory_space<vmem_shared>>
      tpu.enqueue_indirect_dma source(%arg14 : memref<128x128xf32, #tpu.memory_space<vmem>>) target(%dma_start3A_439 : memref<10240x128xf32, #tpu.memory_space<vmem_shared>>) offsets(%dma_start3A_436 : memref<128xi32, #tpu.memory_space<vmem>>) semaphore(%arg21 : memref<!tpu.dma_semaphore, #tpu.memory_space<semaphore_mem>>) {add = true}
      %convert_element_type3A_440 = arith.extui %or3A : i1 to i32
      %cond3A_441 = arith.constant 0 : i32
      %cond3A_442 = arith.cmpi ne, %convert_element_type3A_440, %cond3A_441 : i32
      scf.if %cond3A_442 {
        %dma_start3A_1448 = arith.constant 6 : i32
        %dma_start3A_1449 = arith.constant 0 : i32
        %dma_start3A_1450 = tpu.memref_slice %arg11[%dma_start3A_1448, %dma_start3A_1449] : memref<16x128xi32, #tpu.memory_space<vmem>> -> memref<1x128xi32, #tpu.memory_space<vmem>>
        %dma_start3A_1451 = tpu.memref_squeeze %dma_start3A_1450 : memref<1x128xi32, #tpu.memory_space<vmem>> -> memref<128xi32, #tpu.memory_space<vmem>>
        %dma_start3A_1452 = arith.constant 0 : i32
        %dma_start3A_1453 = arith.constant 0 : i32
        %dma_start3A_1454 = tpu.memref_slice %arg18[%dma_start3A_1452, %dma_start3A_1453] : memref<10240x8xf32, #tpu.memory_space<vmem_shared>> -> memref<10240x8xf32, #tpu.memory_space<vmem_shared>>
        tpu.enqueue_indirect_dma source(%arg16 : memref<128x8xf32, #tpu.memory_space<vmem>>) target(%dma_start3A_1454 : memref<10240x8xf32, #tpu.memory_space<vmem_shared>>) offsets(%dma_start3A_1451 : memref<128xi32, #tpu.memory_space<vmem>>) semaphore(%arg21 : memref<!tpu.dma_semaphore, #tpu.memory_space<semaphore_mem>>) {add = true}
      } else {
      }
      %dma_wait3A_443 = arith.constant 0 : i32
      %dma_wait3A_444 = arith.constant 0 : i32
      %dma_wait3A_445 = tpu.memref_slice %arg11[%dma_wait3A_443, %dma_wait3A_444] : memref<16x128xi32, #tpu.memory_space<vmem>> -> memref<1x128xi32, #tpu.memory_space<vmem>>
      %dma_wait3A_446 = tpu.memref_squeeze %dma_wait3A_445 : memref<1x128xi32, #tpu.memory_space<vmem>> -> memref<128xi32, #tpu.memory_space<vmem>>
      %dma_wait3A_447 = arith.constant 0 : i32
      %dma_wait3A_448 = arith.constant 0 : i32
      %dma_wait3A_449 = tpu.memref_slice %arg17[%dma_wait3A_447, %dma_wait3A_448] : memref<10240x128xf32, #tpu.memory_space<vmem_shared>> -> memref<10240x128xf32, #tpu.memory_space<vmem_shared>>
      tpu.wait_indirect_dma semaphore(%arg21 : memref<!tpu.dma_semaphore, #tpu.memory_space<semaphore_mem>>) src(%arg14 : memref<128x128xf32, #tpu.memory_space<vmem>>) dst(%dma_wait3A_449 : memref<10240x128xf32, #tpu.memory_space<vmem_shared>>)
      %convert_element_type3A_450 = arith.extui %or3A : i1 to i32
      %cond3A_451 = arith.constant 0 : i32
      %cond3A_452 = arith.cmpi ne, %convert_element_type3A_450, %cond3A_451 : i32
      scf.if %cond3A_452 {
        %dma_wait3A_1448 = arith.constant 0 : i32
        %dma_wait3A_1449 = arith.constant 0 : i32
        %dma_wait3A_1450 = tpu.memref_slice %arg11[%dma_wait3A_1448, %dma_wait3A_1449] : memref<16x128xi32, #tpu.memory_space<vmem>> -> memref<1x128xi32, #tpu.memory_space<vmem>>
        %dma_wait3A_1451 = tpu.memref_squeeze %dma_wait3A_1450 : memref<1x128xi32, #tpu.memory_space<vmem>> -> memref<128xi32, #tpu.memory_space<vmem>>
        %dma_wait3A_1452 = arith.constant 0 : i32
        %dma_wait3A_1453 = arith.constant 0 : i32
        %dma_wait3A_1454 = tpu.memref_slice %arg18[%dma_wait3A_1452, %dma_wait3A_1453] : memref<10240x8xf32, #tpu.memory_space<vmem_shared>> -> memref<10240x8xf32, #tpu.memory_space<vmem_shared>>
        tpu.wait_indirect_dma semaphore(%arg21 : memref<!tpu.dma_semaphore, #tpu.memory_space<semaphore_mem>>) src(%arg16 : memref<128x8xf32, #tpu.memory_space<vmem>>) dst(%dma_wait3A_1454 : memref<10240x8xf32, #tpu.memory_space<vmem_shared>>)
      } else {
      }
      %eq3A_453 = arith.constant 0 : i32
      %eq3A_454 = arith.cmpi eq, %arg0, %eq3A_453 : i32
      %convert_element_type3A_455 = arith.extui %eq3A_454 : i1 to i32
      %cond3A_456 = arith.constant 8 : i32
      %cond3A_457 = arith.constant 0 : i32
      %cond3A_458 = arith.cmpi ne, %convert_element_type3A_455, %cond3A_457 : i32
      scf.if %cond3A_458 {
        %dma_start3A_1448 = arith.constant 0 : i32
        %dma_start3A_1449 = tpu.memref_slice %arg10[%cond3A_456, %dma_start3A_1448] : memref<16x128xi32, #tpu.memory_space<vmem>> -> memref<1x128xi32, #tpu.memory_space<vmem>>
        %dma_start3A_1450 = tpu.memref_squeeze %dma_start3A_1449 : memref<1x128xi32, #tpu.memory_space<vmem>> -> memref<128xi32, #tpu.memory_space<vmem>>
        %dma_start3A_1451 = arith.constant 0 : i32
        %dma_start3A_1452 = arith.constant 0 : i32
        %dma_start3A_1453 = tpu.memref_slice %arg4[%dma_start3A_1451, %dma_start3A_1452] : memref<20000x128xf32, #tpu.memory_space<hbm>> -> memref<20000x128xf32, #tpu.memory_space<hbm>>
        tpu.enqueue_indirect_dma source(%dma_start3A_1453 : memref<20000x128xf32, #tpu.memory_space<hbm>>) target(%arg14 : memref<128x128xf32, #tpu.memory_space<vmem>>) offsets(%dma_start3A_1450 : memref<128xi32, #tpu.memory_space<vmem>>) semaphore(%arg19 : memref<!tpu.dma_semaphore, #tpu.memory_space<semaphore_mem>>)
      } else {
      }
      %eq3A_459 = arith.constant 1 : i32
      %eq3A_460 = arith.cmpi eq, %arg0, %eq3A_459 : i32
      %convert_element_type3A_461 = arith.extui %eq3A_460 : i1 to i32
      %cond3A_462 = arith.constant 8 : i32
      %cond3A_463 = arith.constant 0 : i32
      %cond3A_464 = arith.cmpi ne, %convert_element_type3A_461, %cond3A_463 : i32
      scf.if %cond3A_464 {
        %dma_start3A_1448 = arith.constant 0 : i32
        %dma_start3A_1449 = tpu.memref_slice %arg10[%cond3A_462, %dma_start3A_1448] : memref<16x128xi32, #tpu.memory_space<vmem>> -> memref<1x128xi32, #tpu.memory_space<vmem>>
        %dma_start3A_1450 = tpu.memref_squeeze %dma_start3A_1449 : memref<1x128xi32, #tpu.memory_space<vmem>> -> memref<128xi32, #tpu.memory_space<vmem>>
        %dma_start3A_1451 = arith.constant 0 : i32
        %dma_start3A_1452 = arith.constant 0 : i32
        %dma_start3A_1453 = tpu.memref_slice %arg5[%dma_start3A_1451, %dma_start3A_1452] : memref<20000x128xf32, #tpu.memory_space<hbm>> -> memref<20000x128xf32, #tpu.memory_space<hbm>>
        tpu.enqueue_indirect_dma source(%dma_start3A_1453 : memref<20000x128xf32, #tpu.memory_space<hbm>>) target(%arg14 : memref<128x128xf32, #tpu.memory_space<vmem>>) offsets(%dma_start3A_1450 : memref<128xi32, #tpu.memory_space<vmem>>) semaphore(%arg19 : memref<!tpu.dma_semaphore, #tpu.memory_space<semaphore_mem>>)
      } else {
      }
      %dma_wait3A_465 = arith.constant 0 : i32
      %dma_wait3A_466 = arith.constant 0 : i32
      %dma_wait3A_467 = tpu.memref_slice %arg10[%dma_wait3A_465, %dma_wait3A_466] : memref<16x128xi32, #tpu.memory_space<vmem>> -> memref<1x128xi32, #tpu.memory_space<vmem>>
      %dma_wait3A_468 = tpu.memref_squeeze %dma_wait3A_467 : memref<1x128xi32, #tpu.memory_space<vmem>> -> memref<128xi32, #tpu.memory_space<vmem>>
      %dma_wait3A_469 = arith.constant 0 : i32
      %dma_wait3A_470 = arith.constant 0 : i32
      %dma_wait3A_471 = tpu.memref_slice %arg4[%dma_wait3A_469, %dma_wait3A_470] : memref<20000x128xf32, #tpu.memory_space<hbm>> -> memref<20000x128xf32, #tpu.memory_space<hbm>>
      tpu.wait_indirect_dma semaphore(%arg20 : memref<!tpu.dma_semaphore, #tpu.memory_space<semaphore_mem>>) src(%dma_wait3A_471 : memref<20000x128xf32, #tpu.memory_space<hbm>>) dst(%arg15 : memref<128x128xf32, #tpu.memory_space<vmem>>)
      %dma_start3A_472 = arith.constant 7 : i32
      %dma_start3A_473 = arith.constant 0 : i32
      %dma_start3A_474 = tpu.memref_slice %arg11[%dma_start3A_472, %dma_start3A_473] : memref<16x128xi32, #tpu.memory_space<vmem>> -> memref<1x128xi32, #tpu.memory_space<vmem>>
      %dma_start3A_475 = tpu.memref_squeeze %dma_start3A_474 : memref<1x128xi32, #tpu.memory_space<vmem>> -> memref<128xi32, #tpu.memory_space<vmem>>
      %dma_start3A_476 = arith.constant 0 : i32
      %dma_start3A_477 = arith.constant 0 : i32
      %dma_start3A_478 = tpu.memref_slice %arg17[%dma_start3A_476, %dma_start3A_477] : memref<10240x128xf32, #tpu.memory_space<vmem_shared>> -> memref<10240x128xf32, #tpu.memory_space<vmem_shared>>
      tpu.enqueue_indirect_dma source(%arg15 : memref<128x128xf32, #tpu.memory_space<vmem>>) target(%dma_start3A_478 : memref<10240x128xf32, #tpu.memory_space<vmem_shared>>) offsets(%dma_start3A_475 : memref<128xi32, #tpu.memory_space<vmem>>) semaphore(%arg22 : memref<!tpu.dma_semaphore, #tpu.memory_space<semaphore_mem>>) {add = true}
      %convert_element_type3A_479 = arith.extui %or3A : i1 to i32
      %cond3A_480 = arith.constant 0 : i32
      %cond3A_481 = arith.cmpi ne, %convert_element_type3A_479, %cond3A_480 : i32
      scf.if %cond3A_481 {
        %dma_start3A_1448 = arith.constant 7 : i32
        %dma_start3A_1449 = arith.constant 0 : i32
        %dma_start3A_1450 = tpu.memref_slice %arg11[%dma_start3A_1448, %dma_start3A_1449] : memref<16x128xi32, #tpu.memory_space<vmem>> -> memref<1x128xi32, #tpu.memory_space<vmem>>
        %dma_start3A_1451 = tpu.memref_squeeze %dma_start3A_1450 : memref<1x128xi32, #tpu.memory_space<vmem>> -> memref<128xi32, #tpu.memory_space<vmem>>
        %dma_start3A_1452 = arith.constant 0 : i32
        %dma_start3A_1453 = arith.constant 0 : i32
        %dma_start3A_1454 = tpu.memref_slice %arg18[%dma_start3A_1452, %dma_start3A_1453] : memref<10240x8xf32, #tpu.memory_space<vmem_shared>> -> memref<10240x8xf32, #tpu.memory_space<vmem_shared>>
        tpu.enqueue_indirect_dma source(%arg16 : memref<128x8xf32, #tpu.memory_space<vmem>>) target(%dma_start3A_1454 : memref<10240x8xf32, #tpu.memory_space<vmem_shared>>) offsets(%dma_start3A_1451 : memref<128xi32, #tpu.memory_space<vmem>>) semaphore(%arg22 : memref<!tpu.dma_semaphore, #tpu.memory_space<semaphore_mem>>) {add = true}
      } else {
      }
      %dma_wait3A_482 = arith.constant 0 : i32
      %dma_wait3A_483 = arith.constant 0 : i32
      %dma_wait3A_484 = tpu.memref_slice %arg11[%dma_wait3A_482, %dma_wait3A_483] : memref<16x128xi32, #tpu.memory_space<vmem>> -> memref<1x128xi32, #tpu.memory_space<vmem>>
      %dma_wait3A_485 = tpu.memref_squeeze %dma_wait3A_484 : memref<1x128xi32, #tpu.memory_space<vmem>> -> memref<128xi32, #tpu.memory_space<vmem>>
      %dma_wait3A_486 = arith.constant 0 : i32
      %dma_wait3A_487 = arith.constant 0 : i32
      %dma_wait3A_488 = tpu.memref_slice %arg17[%dma_wait3A_486, %dma_wait3A_487] : memref<10240x128xf32, #tpu.memory_space<vmem_shared>> -> memref<10240x128xf32, #tpu.memory_space<vmem_shared>>
      tpu.wait_indirect_dma semaphore(%arg22 : memref<!tpu.dma_semaphore, #tpu.memory_space<semaphore_mem>>) src(%arg15 : memref<128x128xf32, #tpu.memory_space<vmem>>) dst(%dma_wait3A_488 : memref<10240x128xf32, #tpu.memory_space<vmem_shared>>)
      %convert_element_type3A_489 = arith.extui %or3A : i1 to i32
      %cond3A_490 = arith.constant 0 : i32
      %cond3A_491 = arith.cmpi ne, %convert_element_type3A_489, %cond3A_490 : i32
      scf.if %cond3A_491 {
        %dma_wait3A_1448 = arith.constant 0 : i32
        %dma_wait3A_1449 = arith.constant 0 : i32
        %dma_wait3A_1450 = tpu.memref_slice %arg11[%dma_wait3A_1448, %dma_wait3A_1449] : memref<16x128xi32, #tpu.memory_space<vmem>> -> memref<1x128xi32, #tpu.memory_space<vmem>>
        %dma_wait3A_1451 = tpu.memref_squeeze %dma_wait3A_1450 : memref<1x128xi32, #tpu.memory_space<vmem>> -> memref<128xi32, #tpu.memory_space<vmem>>
        %dma_wait3A_1452 = arith.constant 0 : i32
        %dma_wait3A_1453 = arith.constant 0 : i32
        %dma_wait3A_1454 = tpu.memref_slice %arg18[%dma_wait3A_1452, %dma_wait3A_1453] : memref<10240x8xf32, #tpu.memory_space<vmem_shared>> -> memref<10240x8xf32, #tpu.memory_space<vmem_shared>>
        tpu.wait_indirect_dma semaphore(%arg22 : memref<!tpu.dma_semaphore, #tpu.memory_space<semaphore_mem>>) src(%arg16 : memref<128x8xf32, #tpu.memory_space<vmem>>) dst(%dma_wait3A_1454 : memref<10240x8xf32, #tpu.memory_space<vmem_shared>>)
      } else {
      }
      %eq3A_492 = arith.constant 0 : i32
      %eq3A_493 = arith.cmpi eq, %arg0, %eq3A_492 : i32
      %convert_element_type3A_494 = arith.extui %eq3A_493 : i1 to i32
      %cond3A_495 = arith.constant 9 : i32
      %cond3A_496 = arith.constant 0 : i32
      %cond3A_497 = arith.cmpi ne, %convert_element_type3A_494, %cond3A_496 : i32
      scf.if %cond3A_497 {
        %dma_start3A_1448 = arith.constant 0 : i32
        %dma_start3A_1449 = tpu.memref_slice %arg10[%cond3A_495, %dma_start3A_1448] : memref<16x128xi32, #tpu.memory_space<vmem>> -> memref<1x128xi32, #tpu.memory_space<vmem>>
        %dma_start3A_1450 = tpu.memref_squeeze %dma_start3A_1449 : memref<1x128xi32, #tpu.memory_space<vmem>> -> memref<128xi32, #tpu.memory_space<vmem>>
        %dma_start3A_1451 = arith.constant 0 : i32
        %dma_start3A_1452 = arith.constant 0 : i32
        %dma_start3A_1453 = tpu.memref_slice %arg4[%dma_start3A_1451, %dma_start3A_1452] : memref<20000x128xf32, #tpu.memory_space<hbm>> -> memref<20000x128xf32, #tpu.memory_space<hbm>>
        tpu.enqueue_indirect_dma source(%dma_start3A_1453 : memref<20000x128xf32, #tpu.memory_space<hbm>>) target(%arg15 : memref<128x128xf32, #tpu.memory_space<vmem>>) offsets(%dma_start3A_1450 : memref<128xi32, #tpu.memory_space<vmem>>) semaphore(%arg20 : memref<!tpu.dma_semaphore, #tpu.memory_space<semaphore_mem>>)
      } else {
      }
      %eq3A_498 = arith.constant 1 : i32
      %eq3A_499 = arith.cmpi eq, %arg0, %eq3A_498 : i32
      %convert_element_type3A_500 = arith.extui %eq3A_499 : i1 to i32
      %cond3A_501 = arith.constant 9 : i32
      %cond3A_502 = arith.constant 0 : i32
      %cond3A_503 = arith.cmpi ne, %convert_element_type3A_500, %cond3A_502 : i32
      scf.if %cond3A_503 {
        %dma_start3A_1448 = arith.constant 0 : i32
        %dma_start3A_1449 = tpu.memref_slice %arg10[%cond3A_501, %dma_start3A_1448] : memref<16x128xi32, #tpu.memory_space<vmem>> -> memref<1x128xi32, #tpu.memory_space<vmem>>
        %dma_start3A_1450 = tpu.memref_squeeze %dma_start3A_1449 : memref<1x128xi32, #tpu.memory_space<vmem>> -> memref<128xi32, #tpu.memory_space<vmem>>
        %dma_start3A_1451 = arith.constant 0 : i32
        %dma_start3A_1452 = arith.constant 0 : i32
        %dma_start3A_1453 = tpu.memref_slice %arg5[%dma_start3A_1451, %dma_start3A_1452] : memref<20000x128xf32, #tpu.memory_space<hbm>> -> memref<20000x128xf32, #tpu.memory_space<hbm>>
        tpu.enqueue_indirect_dma source(%dma_start3A_1453 : memref<20000x128xf32, #tpu.memory_space<hbm>>) target(%arg15 : memref<128x128xf32, #tpu.memory_space<vmem>>) offsets(%dma_start3A_1450 : memref<128xi32, #tpu.memory_space<vmem>>) semaphore(%arg20 : memref<!tpu.dma_semaphore, #tpu.memory_space<semaphore_mem>>)
      } else {
      }
      %dma_wait3A_504 = arith.constant 0 : i32
      %dma_wait3A_505 = arith.constant 0 : i32
      %dma_wait3A_506 = tpu.memref_slice %arg10[%dma_wait3A_504, %dma_wait3A_505] : memref<16x128xi32, #tpu.memory_space<vmem>> -> memref<1x128xi32, #tpu.memory_space<vmem>>
      %dma_wait3A_507 = tpu.memref_squeeze %dma_wait3A_506 : memref<1x128xi32, #tpu.memory_space<vmem>> -> memref<128xi32, #tpu.memory_space<vmem>>
      %dma_wait3A_508 = arith.constant 0 : i32
      %dma_wait3A_509 = arith.constant 0 : i32
      %dma_wait3A_510 = tpu.memref_slice %arg4[%dma_wait3A_508, %dma_wait3A_509] : memref<20000x128xf32, #tpu.memory_space<hbm>> -> memref<20000x128xf32, #tpu.memory_space<hbm>>
      tpu.wait_indirect_dma semaphore(%arg19 : memref<!tpu.dma_semaphore, #tpu.memory_space<semaphore_mem>>) src(%dma_wait3A_510 : memref<20000x128xf32, #tpu.memory_space<hbm>>) dst(%arg14 : memref<128x128xf32, #tpu.memory_space<vmem>>)
      %dma_start3A_511 = arith.constant 8 : i32
      %dma_start3A_512 = arith.constant 0 : i32
      %dma_start3A_513 = tpu.memref_slice %arg11[%dma_start3A_511, %dma_start3A_512] : memref<16x128xi32, #tpu.memory_space<vmem>> -> memref<1x128xi32, #tpu.memory_space<vmem>>
      %dma_start3A_514 = tpu.memref_squeeze %dma_start3A_513 : memref<1x128xi32, #tpu.memory_space<vmem>> -> memref<128xi32, #tpu.memory_space<vmem>>
      %dma_start3A_515 = arith.constant 0 : i32
      %dma_start3A_516 = arith.constant 0 : i32
      %dma_start3A_517 = tpu.memref_slice %arg17[%dma_start3A_515, %dma_start3A_516] : memref<10240x128xf32, #tpu.memory_space<vmem_shared>> -> memref<10240x128xf32, #tpu.memory_space<vmem_shared>>
      tpu.enqueue_indirect_dma source(%arg14 : memref<128x128xf32, #tpu.memory_space<vmem>>) target(%dma_start3A_517 : memref<10240x128xf32, #tpu.memory_space<vmem_shared>>) offsets(%dma_start3A_514 : memref<128xi32, #tpu.memory_space<vmem>>) semaphore(%arg21 : memref<!tpu.dma_semaphore, #tpu.memory_space<semaphore_mem>>) {add = true}
      %convert_element_type3A_518 = arith.extui %or3A : i1 to i32
      %cond3A_519 = arith.constant 0 : i32
      %cond3A_520 = arith.cmpi ne, %convert_element_type3A_518, %cond3A_519 : i32
      scf.if %cond3A_520 {
        %dma_start3A_1448 = arith.constant 8 : i32
        %dma_start3A_1449 = arith.constant 0 : i32
        %dma_start3A_1450 = tpu.memref_slice %arg11[%dma_start3A_1448, %dma_start3A_1449] : memref<16x128xi32, #tpu.memory_space<vmem>> -> memref<1x128xi32, #tpu.memory_space<vmem>>
        %dma_start3A_1451 = tpu.memref_squeeze %dma_start3A_1450 : memref<1x128xi32, #tpu.memory_space<vmem>> -> memref<128xi32, #tpu.memory_space<vmem>>
        %dma_start3A_1452 = arith.constant 0 : i32
        %dma_start3A_1453 = arith.constant 0 : i32
        %dma_start3A_1454 = tpu.memref_slice %arg18[%dma_start3A_1452, %dma_start3A_1453] : memref<10240x8xf32, #tpu.memory_space<vmem_shared>> -> memref<10240x8xf32, #tpu.memory_space<vmem_shared>>
        tpu.enqueue_indirect_dma source(%arg16 : memref<128x8xf32, #tpu.memory_space<vmem>>) target(%dma_start3A_1454 : memref<10240x8xf32, #tpu.memory_space<vmem_shared>>) offsets(%dma_start3A_1451 : memref<128xi32, #tpu.memory_space<vmem>>) semaphore(%arg21 : memref<!tpu.dma_semaphore, #tpu.memory_space<semaphore_mem>>) {add = true}
      } else {
      }
      %dma_wait3A_521 = arith.constant 0 : i32
      %dma_wait3A_522 = arith.constant 0 : i32
      %dma_wait3A_523 = tpu.memref_slice %arg11[%dma_wait3A_521, %dma_wait3A_522] : memref<16x128xi32, #tpu.memory_space<vmem>> -> memref<1x128xi32, #tpu.memory_space<vmem>>
      %dma_wait3A_524 = tpu.memref_squeeze %dma_wait3A_523 : memref<1x128xi32, #tpu.memory_space<vmem>> -> memref<128xi32, #tpu.memory_space<vmem>>
      %dma_wait3A_525 = arith.constant 0 : i32
      %dma_wait3A_526 = arith.constant 0 : i32
      %dma_wait3A_527 = tpu.memref_slice %arg17[%dma_wait3A_525, %dma_wait3A_526] : memref<10240x128xf32, #tpu.memory_space<vmem_shared>> -> memref<10240x128xf32, #tpu.memory_space<vmem_shared>>
      tpu.wait_indirect_dma semaphore(%arg21 : memref<!tpu.dma_semaphore, #tpu.memory_space<semaphore_mem>>) src(%arg14 : memref<128x128xf32, #tpu.memory_space<vmem>>) dst(%dma_wait3A_527 : memref<10240x128xf32, #tpu.memory_space<vmem_shared>>)
      %convert_element_type3A_528 = arith.extui %or3A : i1 to i32
      %cond3A_529 = arith.constant 0 : i32
      %cond3A_530 = arith.cmpi ne, %convert_element_type3A_528, %cond3A_529 : i32
      scf.if %cond3A_530 {
        %dma_wait3A_1448 = arith.constant 0 : i32
        %dma_wait3A_1449 = arith.constant 0 : i32
        %dma_wait3A_1450 = tpu.memref_slice %arg11[%dma_wait3A_1448, %dma_wait3A_1449] : memref<16x128xi32, #tpu.memory_space<vmem>> -> memref<1x128xi32, #tpu.memory_space<vmem>>
        %dma_wait3A_1451 = tpu.memref_squeeze %dma_wait3A_1450 : memref<1x128xi32, #tpu.memory_space<vmem>> -> memref<128xi32, #tpu.memory_space<vmem>>
        %dma_wait3A_1452 = arith.constant 0 : i32
        %dma_wait3A_1453 = arith.constant 0 : i32
        %dma_wait3A_1454 = tpu.memref_slice %arg18[%dma_wait3A_1452, %dma_wait3A_1453] : memref<10240x8xf32, #tpu.memory_space<vmem_shared>> -> memref<10240x8xf32, #tpu.memory_space<vmem_shared>>
        tpu.wait_indirect_dma semaphore(%arg21 : memref<!tpu.dma_semaphore, #tpu.memory_space<semaphore_mem>>) src(%arg16 : memref<128x8xf32, #tpu.memory_space<vmem>>) dst(%dma_wait3A_1454 : memref<10240x8xf32, #tpu.memory_space<vmem_shared>>)
      } else {
      }
      %eq3A_531 = arith.constant 0 : i32
      %eq3A_532 = arith.cmpi eq, %arg0, %eq3A_531 : i32
      %convert_element_type3A_533 = arith.extui %eq3A_532 : i1 to i32
      %cond3A_534 = arith.constant 10 : i32
      %cond3A_535 = arith.constant 0 : i32
      %cond3A_536 = arith.cmpi ne, %convert_element_type3A_533, %cond3A_535 : i32
      scf.if %cond3A_536 {
        %dma_start3A_1448 = arith.constant 0 : i32
        %dma_start3A_1449 = tpu.memref_slice %arg10[%cond3A_534, %dma_start3A_1448] : memref<16x128xi32, #tpu.memory_space<vmem>> -> memref<1x128xi32, #tpu.memory_space<vmem>>
        %dma_start3A_1450 = tpu.memref_squeeze %dma_start3A_1449 : memref<1x128xi32, #tpu.memory_space<vmem>> -> memref<128xi32, #tpu.memory_space<vmem>>
        %dma_start3A_1451 = arith.constant 0 : i32
        %dma_start3A_1452 = arith.constant 0 : i32
        %dma_start3A_1453 = tpu.memref_slice %arg4[%dma_start3A_1451, %dma_start3A_1452] : memref<20000x128xf32, #tpu.memory_space<hbm>> -> memref<20000x128xf32, #tpu.memory_space<hbm>>
        tpu.enqueue_indirect_dma source(%dma_start3A_1453 : memref<20000x128xf32, #tpu.memory_space<hbm>>) target(%arg14 : memref<128x128xf32, #tpu.memory_space<vmem>>) offsets(%dma_start3A_1450 : memref<128xi32, #tpu.memory_space<vmem>>) semaphore(%arg19 : memref<!tpu.dma_semaphore, #tpu.memory_space<semaphore_mem>>)
      } else {
      }
      %eq3A_537 = arith.constant 1 : i32
      %eq3A_538 = arith.cmpi eq, %arg0, %eq3A_537 : i32
      %convert_element_type3A_539 = arith.extui %eq3A_538 : i1 to i32
      %cond3A_540 = arith.constant 10 : i32
      %cond3A_541 = arith.constant 0 : i32
      %cond3A_542 = arith.cmpi ne, %convert_element_type3A_539, %cond3A_541 : i32
      scf.if %cond3A_542 {
        %dma_start3A_1448 = arith.constant 0 : i32
        %dma_start3A_1449 = tpu.memref_slice %arg10[%cond3A_540, %dma_start3A_1448] : memref<16x128xi32, #tpu.memory_space<vmem>> -> memref<1x128xi32, #tpu.memory_space<vmem>>
        %dma_start3A_1450 = tpu.memref_squeeze %dma_start3A_1449 : memref<1x128xi32, #tpu.memory_space<vmem>> -> memref<128xi32, #tpu.memory_space<vmem>>
        %dma_start3A_1451 = arith.constant 0 : i32
        %dma_start3A_1452 = arith.constant 0 : i32
        %dma_start3A_1453 = tpu.memref_slice %arg5[%dma_start3A_1451, %dma_start3A_1452] : memref<20000x128xf32, #tpu.memory_space<hbm>> -> memref<20000x128xf32, #tpu.memory_space<hbm>>
        tpu.enqueue_indirect_dma source(%dma_start3A_1453 : memref<20000x128xf32, #tpu.memory_space<hbm>>) target(%arg14 : memref<128x128xf32, #tpu.memory_space<vmem>>) offsets(%dma_start3A_1450 : memref<128xi32, #tpu.memory_space<vmem>>) semaphore(%arg19 : memref<!tpu.dma_semaphore, #tpu.memory_space<semaphore_mem>>)
      } else {
      }
      %dma_wait3A_543 = arith.constant 0 : i32
      %dma_wait3A_544 = arith.constant 0 : i32
      %dma_wait3A_545 = tpu.memref_slice %arg10[%dma_wait3A_543, %dma_wait3A_544] : memref<16x128xi32, #tpu.memory_space<vmem>> -> memref<1x128xi32, #tpu.memory_space<vmem>>
      %dma_wait3A_546 = tpu.memref_squeeze %dma_wait3A_545 : memref<1x128xi32, #tpu.memory_space<vmem>> -> memref<128xi32, #tpu.memory_space<vmem>>
      %dma_wait3A_547 = arith.constant 0 : i32
      %dma_wait3A_548 = arith.constant 0 : i32
      %dma_wait3A_549 = tpu.memref_slice %arg4[%dma_wait3A_547, %dma_wait3A_548] : memref<20000x128xf32, #tpu.memory_space<hbm>> -> memref<20000x128xf32, #tpu.memory_space<hbm>>
      tpu.wait_indirect_dma semaphore(%arg20 : memref<!tpu.dma_semaphore, #tpu.memory_space<semaphore_mem>>) src(%dma_wait3A_549 : memref<20000x128xf32, #tpu.memory_space<hbm>>) dst(%arg15 : memref<128x128xf32, #tpu.memory_space<vmem>>)
      %dma_start3A_550 = arith.constant 9 : i32
      %dma_start3A_551 = arith.constant 0 : i32
      %dma_start3A_552 = tpu.memref_slice %arg11[%dma_start3A_550, %dma_start3A_551] : memref<16x128xi32, #tpu.memory_space<vmem>> -> memref<1x128xi32, #tpu.memory_space<vmem>>
      %dma_start3A_553 = tpu.memref_squeeze %dma_start3A_552 : memref<1x128xi32, #tpu.memory_space<vmem>> -> memref<128xi32, #tpu.memory_space<vmem>>
      %dma_start3A_554 = arith.constant 0 : i32
      %dma_start3A_555 = arith.constant 0 : i32
      %dma_start3A_556 = tpu.memref_slice %arg17[%dma_start3A_554, %dma_start3A_555] : memref<10240x128xf32, #tpu.memory_space<vmem_shared>> -> memref<10240x128xf32, #tpu.memory_space<vmem_shared>>
      tpu.enqueue_indirect_dma source(%arg15 : memref<128x128xf32, #tpu.memory_space<vmem>>) target(%dma_start3A_556 : memref<10240x128xf32, #tpu.memory_space<vmem_shared>>) offsets(%dma_start3A_553 : memref<128xi32, #tpu.memory_space<vmem>>) semaphore(%arg22 : memref<!tpu.dma_semaphore, #tpu.memory_space<semaphore_mem>>) {add = true}
      %convert_element_type3A_557 = arith.extui %or3A : i1 to i32
      %cond3A_558 = arith.constant 0 : i32
      %cond3A_559 = arith.cmpi ne, %convert_element_type3A_557, %cond3A_558 : i32
      scf.if %cond3A_559 {
        %dma_start3A_1448 = arith.constant 9 : i32
        %dma_start3A_1449 = arith.constant 0 : i32
        %dma_start3A_1450 = tpu.memref_slice %arg11[%dma_start3A_1448, %dma_start3A_1449] : memref<16x128xi32, #tpu.memory_space<vmem>> -> memref<1x128xi32, #tpu.memory_space<vmem>>
        %dma_start3A_1451 = tpu.memref_squeeze %dma_start3A_1450 : memref<1x128xi32, #tpu.memory_space<vmem>> -> memref<128xi32, #tpu.memory_space<vmem>>
        %dma_start3A_1452 = arith.constant 0 : i32
        %dma_start3A_1453 = arith.constant 0 : i32
        %dma_start3A_1454 = tpu.memref_slice %arg18[%dma_start3A_1452, %dma_start3A_1453] : memref<10240x8xf32, #tpu.memory_space<vmem_shared>> -> memref<10240x8xf32, #tpu.memory_space<vmem_shared>>
        tpu.enqueue_indirect_dma source(%arg16 : memref<128x8xf32, #tpu.memory_space<vmem>>) target(%dma_start3A_1454 : memref<10240x8xf32, #tpu.memory_space<vmem_shared>>) offsets(%dma_start3A_1451 : memref<128xi32, #tpu.memory_space<vmem>>) semaphore(%arg22 : memref<!tpu.dma_semaphore, #tpu.memory_space<semaphore_mem>>) {add = true}
      } else {
      }
      %dma_wait3A_560 = arith.constant 0 : i32
      %dma_wait3A_561 = arith.constant 0 : i32
      %dma_wait3A_562 = tpu.memref_slice %arg11[%dma_wait3A_560, %dma_wait3A_561] : memref<16x128xi32, #tpu.memory_space<vmem>> -> memref<1x128xi32, #tpu.memory_space<vmem>>
      %dma_wait3A_563 = tpu.memref_squeeze %dma_wait3A_562 : memref<1x128xi32, #tpu.memory_space<vmem>> -> memref<128xi32, #tpu.memory_space<vmem>>
      %dma_wait3A_564 = arith.constant 0 : i32
      %dma_wait3A_565 = arith.constant 0 : i32
      %dma_wait3A_566 = tpu.memref_slice %arg17[%dma_wait3A_564, %dma_wait3A_565] : memref<10240x128xf32, #tpu.memory_space<vmem_shared>> -> memref<10240x128xf32, #tpu.memory_space<vmem_shared>>
      tpu.wait_indirect_dma semaphore(%arg22 : memref<!tpu.dma_semaphore, #tpu.memory_space<semaphore_mem>>) src(%arg15 : memref<128x128xf32, #tpu.memory_space<vmem>>) dst(%dma_wait3A_566 : memref<10240x128xf32, #tpu.memory_space<vmem_shared>>)
      %convert_element_type3A_567 = arith.extui %or3A : i1 to i32
      %cond3A_568 = arith.constant 0 : i32
      %cond3A_569 = arith.cmpi ne, %convert_element_type3A_567, %cond3A_568 : i32
      scf.if %cond3A_569 {
        %dma_wait3A_1448 = arith.constant 0 : i32
        %dma_wait3A_1449 = arith.constant 0 : i32
        %dma_wait3A_1450 = tpu.memref_slice %arg11[%dma_wait3A_1448, %dma_wait3A_1449] : memref<16x128xi32, #tpu.memory_space<vmem>> -> memref<1x128xi32, #tpu.memory_space<vmem>>
        %dma_wait3A_1451 = tpu.memref_squeeze %dma_wait3A_1450 : memref<1x128xi32, #tpu.memory_space<vmem>> -> memref<128xi32, #tpu.memory_space<vmem>>
        %dma_wait3A_1452 = arith.constant 0 : i32
        %dma_wait3A_1453 = arith.constant 0 : i32
        %dma_wait3A_1454 = tpu.memref_slice %arg18[%dma_wait3A_1452, %dma_wait3A_1453] : memref<10240x8xf32, #tpu.memory_space<vmem_shared>> -> memref<10240x8xf32, #tpu.memory_space<vmem_shared>>
        tpu.wait_indirect_dma semaphore(%arg22 : memref<!tpu.dma_semaphore, #tpu.memory_space<semaphore_mem>>) src(%arg16 : memref<128x8xf32, #tpu.memory_space<vmem>>) dst(%dma_wait3A_1454 : memref<10240x8xf32, #tpu.memory_space<vmem_shared>>)
      } else {
      }
      %eq3A_570 = arith.constant 0 : i32
      %eq3A_571 = arith.cmpi eq, %arg0, %eq3A_570 : i32
      %convert_element_type3A_572 = arith.extui %eq3A_571 : i1 to i32
      %cond3A_573 = arith.constant 11 : i32
      %cond3A_574 = arith.constant 0 : i32
      %cond3A_575 = arith.cmpi ne, %convert_element_type3A_572, %cond3A_574 : i32
      scf.if %cond3A_575 {
        %dma_start3A_1448 = arith.constant 0 : i32
        %dma_start3A_1449 = tpu.memref_slice %arg10[%cond3A_573, %dma_start3A_1448] : memref<16x128xi32, #tpu.memory_space<vmem>> -> memref<1x128xi32, #tpu.memory_space<vmem>>
        %dma_start3A_1450 = tpu.memref_squeeze %dma_start3A_1449 : memref<1x128xi32, #tpu.memory_space<vmem>> -> memref<128xi32, #tpu.memory_space<vmem>>
        %dma_start3A_1451 = arith.constant 0 : i32
        %dma_start3A_1452 = arith.constant 0 : i32
        %dma_start3A_1453 = tpu.memref_slice %arg4[%dma_start3A_1451, %dma_start3A_1452] : memref<20000x128xf32, #tpu.memory_space<hbm>> -> memref<20000x128xf32, #tpu.memory_space<hbm>>
        tpu.enqueue_indirect_dma source(%dma_start3A_1453 : memref<20000x128xf32, #tpu.memory_space<hbm>>) target(%arg15 : memref<128x128xf32, #tpu.memory_space<vmem>>) offsets(%dma_start3A_1450 : memref<128xi32, #tpu.memory_space<vmem>>) semaphore(%arg20 : memref<!tpu.dma_semaphore, #tpu.memory_space<semaphore_mem>>)
      } else {
      }
      %eq3A_576 = arith.constant 1 : i32
      %eq3A_577 = arith.cmpi eq, %arg0, %eq3A_576 : i32
      %convert_element_type3A_578 = arith.extui %eq3A_577 : i1 to i32
      %cond3A_579 = arith.constant 11 : i32
      %cond3A_580 = arith.constant 0 : i32
      %cond3A_581 = arith.cmpi ne, %convert_element_type3A_578, %cond3A_580 : i32
      scf.if %cond3A_581 {
        %dma_start3A_1448 = arith.constant 0 : i32
        %dma_start3A_1449 = tpu.memref_slice %arg10[%cond3A_579, %dma_start3A_1448] : memref<16x128xi32, #tpu.memory_space<vmem>> -> memref<1x128xi32, #tpu.memory_space<vmem>>
        %dma_start3A_1450 = tpu.memref_squeeze %dma_start3A_1449 : memref<1x128xi32, #tpu.memory_space<vmem>> -> memref<128xi32, #tpu.memory_space<vmem>>
        %dma_start3A_1451 = arith.constant 0 : i32
        %dma_start3A_1452 = arith.constant 0 : i32
        %dma_start3A_1453 = tpu.memref_slice %arg5[%dma_start3A_1451, %dma_start3A_1452] : memref<20000x128xf32, #tpu.memory_space<hbm>> -> memref<20000x128xf32, #tpu.memory_space<hbm>>
        tpu.enqueue_indirect_dma source(%dma_start3A_1453 : memref<20000x128xf32, #tpu.memory_space<hbm>>) target(%arg15 : memref<128x128xf32, #tpu.memory_space<vmem>>) offsets(%dma_start3A_1450 : memref<128xi32, #tpu.memory_space<vmem>>) semaphore(%arg20 : memref<!tpu.dma_semaphore, #tpu.memory_space<semaphore_mem>>)
      } else {
      }
      %dma_wait3A_582 = arith.constant 0 : i32
      %dma_wait3A_583 = arith.constant 0 : i32
      %dma_wait3A_584 = tpu.memref_slice %arg10[%dma_wait3A_582, %dma_wait3A_583] : memref<16x128xi32, #tpu.memory_space<vmem>> -> memref<1x128xi32, #tpu.memory_space<vmem>>
      %dma_wait3A_585 = tpu.memref_squeeze %dma_wait3A_584 : memref<1x128xi32, #tpu.memory_space<vmem>> -> memref<128xi32, #tpu.memory_space<vmem>>
      %dma_wait3A_586 = arith.constant 0 : i32
      %dma_wait3A_587 = arith.constant 0 : i32
      %dma_wait3A_588 = tpu.memref_slice %arg4[%dma_wait3A_586, %dma_wait3A_587] : memref<20000x128xf32, #tpu.memory_space<hbm>> -> memref<20000x128xf32, #tpu.memory_space<hbm>>
      tpu.wait_indirect_dma semaphore(%arg19 : memref<!tpu.dma_semaphore, #tpu.memory_space<semaphore_mem>>) src(%dma_wait3A_588 : memref<20000x128xf32, #tpu.memory_space<hbm>>) dst(%arg14 : memref<128x128xf32, #tpu.memory_space<vmem>>)
      %dma_start3A_589 = arith.constant 10 : i32
      %dma_start3A_590 = arith.constant 0 : i32
      %dma_start3A_591 = tpu.memref_slice %arg11[%dma_start3A_589, %dma_start3A_590] : memref<16x128xi32, #tpu.memory_space<vmem>> -> memref<1x128xi32, #tpu.memory_space<vmem>>
      %dma_start3A_592 = tpu.memref_squeeze %dma_start3A_591 : memref<1x128xi32, #tpu.memory_space<vmem>> -> memref<128xi32, #tpu.memory_space<vmem>>
      %dma_start3A_593 = arith.constant 0 : i32
      %dma_start3A_594 = arith.constant 0 : i32
      %dma_start3A_595 = tpu.memref_slice %arg17[%dma_start3A_593, %dma_start3A_594] : memref<10240x128xf32, #tpu.memory_space<vmem_shared>> -> memref<10240x128xf32, #tpu.memory_space<vmem_shared>>
      tpu.enqueue_indirect_dma source(%arg14 : memref<128x128xf32, #tpu.memory_space<vmem>>) target(%dma_start3A_595 : memref<10240x128xf32, #tpu.memory_space<vmem_shared>>) offsets(%dma_start3A_592 : memref<128xi32, #tpu.memory_space<vmem>>) semaphore(%arg21 : memref<!tpu.dma_semaphore, #tpu.memory_space<semaphore_mem>>) {add = true}
      %convert_element_type3A_596 = arith.extui %or3A : i1 to i32
      %cond3A_597 = arith.constant 0 : i32
      %cond3A_598 = arith.cmpi ne, %convert_element_type3A_596, %cond3A_597 : i32
      scf.if %cond3A_598 {
        %dma_start3A_1448 = arith.constant 10 : i32
        %dma_start3A_1449 = arith.constant 0 : i32
        %dma_start3A_1450 = tpu.memref_slice %arg11[%dma_start3A_1448, %dma_start3A_1449] : memref<16x128xi32, #tpu.memory_space<vmem>> -> memref<1x128xi32, #tpu.memory_space<vmem>>
        %dma_start3A_1451 = tpu.memref_squeeze %dma_start3A_1450 : memref<1x128xi32, #tpu.memory_space<vmem>> -> memref<128xi32, #tpu.memory_space<vmem>>
        %dma_start3A_1452 = arith.constant 0 : i32
        %dma_start3A_1453 = arith.constant 0 : i32
        %dma_start3A_1454 = tpu.memref_slice %arg18[%dma_start3A_1452, %dma_start3A_1453] : memref<10240x8xf32, #tpu.memory_space<vmem_shared>> -> memref<10240x8xf32, #tpu.memory_space<vmem_shared>>
        tpu.enqueue_indirect_dma source(%arg16 : memref<128x8xf32, #tpu.memory_space<vmem>>) target(%dma_start3A_1454 : memref<10240x8xf32, #tpu.memory_space<vmem_shared>>) offsets(%dma_start3A_1451 : memref<128xi32, #tpu.memory_space<vmem>>) semaphore(%arg21 : memref<!tpu.dma_semaphore, #tpu.memory_space<semaphore_mem>>) {add = true}
      } else {
      }
      %dma_wait3A_599 = arith.constant 0 : i32
      %dma_wait3A_600 = arith.constant 0 : i32
      %dma_wait3A_601 = tpu.memref_slice %arg11[%dma_wait3A_599, %dma_wait3A_600] : memref<16x128xi32, #tpu.memory_space<vmem>> -> memref<1x128xi32, #tpu.memory_space<vmem>>
      %dma_wait3A_602 = tpu.memref_squeeze %dma_wait3A_601 : memref<1x128xi32, #tpu.memory_space<vmem>> -> memref<128xi32, #tpu.memory_space<vmem>>
      %dma_wait3A_603 = arith.constant 0 : i32
      %dma_wait3A_604 = arith.constant 0 : i32
      %dma_wait3A_605 = tpu.memref_slice %arg17[%dma_wait3A_603, %dma_wait3A_604] : memref<10240x128xf32, #tpu.memory_space<vmem_shared>> -> memref<10240x128xf32, #tpu.memory_space<vmem_shared>>
      tpu.wait_indirect_dma semaphore(%arg21 : memref<!tpu.dma_semaphore, #tpu.memory_space<semaphore_mem>>) src(%arg14 : memref<128x128xf32, #tpu.memory_space<vmem>>) dst(%dma_wait3A_605 : memref<10240x128xf32, #tpu.memory_space<vmem_shared>>)
      %convert_element_type3A_606 = arith.extui %or3A : i1 to i32
      %cond3A_607 = arith.constant 0 : i32
      %cond3A_608 = arith.cmpi ne, %convert_element_type3A_606, %cond3A_607 : i32
      scf.if %cond3A_608 {
        %dma_wait3A_1448 = arith.constant 0 : i32
        %dma_wait3A_1449 = arith.constant 0 : i32
        %dma_wait3A_1450 = tpu.memref_slice %arg11[%dma_wait3A_1448, %dma_wait3A_1449] : memref<16x128xi32, #tpu.memory_space<vmem>> -> memref<1x128xi32, #tpu.memory_space<vmem>>
        %dma_wait3A_1451 = tpu.memref_squeeze %dma_wait3A_1450 : memref<1x128xi32, #tpu.memory_space<vmem>> -> memref<128xi32, #tpu.memory_space<vmem>>
        %dma_wait3A_1452 = arith.constant 0 : i32
        %dma_wait3A_1453 = arith.constant 0 : i32
        %dma_wait3A_1454 = tpu.memref_slice %arg18[%dma_wait3A_1452, %dma_wait3A_1453] : memref<10240x8xf32, #tpu.memory_space<vmem_shared>> -> memref<10240x8xf32, #tpu.memory_space<vmem_shared>>
        tpu.wait_indirect_dma semaphore(%arg21 : memref<!tpu.dma_semaphore, #tpu.memory_space<semaphore_mem>>) src(%arg16 : memref<128x8xf32, #tpu.memory_space<vmem>>) dst(%dma_wait3A_1454 : memref<10240x8xf32, #tpu.memory_space<vmem_shared>>)
      } else {
      }
      %eq3A_609 = arith.constant 0 : i32
      %eq3A_610 = arith.cmpi eq, %arg0, %eq3A_609 : i32
      %convert_element_type3A_611 = arith.extui %eq3A_610 : i1 to i32
      %cond3A_612 = arith.constant 12 : i32
      %cond3A_613 = arith.constant 0 : i32
      %cond3A_614 = arith.cmpi ne, %convert_element_type3A_611, %cond3A_613 : i32
      scf.if %cond3A_614 {
        %dma_start3A_1448 = arith.constant 0 : i32
        %dma_start3A_1449 = tpu.memref_slice %arg10[%cond3A_612, %dma_start3A_1448] : memref<16x128xi32, #tpu.memory_space<vmem>> -> memref<1x128xi32, #tpu.memory_space<vmem>>
        %dma_start3A_1450 = tpu.memref_squeeze %dma_start3A_1449 : memref<1x128xi32, #tpu.memory_space<vmem>> -> memref<128xi32, #tpu.memory_space<vmem>>
        %dma_start3A_1451 = arith.constant 0 : i32
        %dma_start3A_1452 = arith.constant 0 : i32
        %dma_start3A_1453 = tpu.memref_slice %arg4[%dma_start3A_1451, %dma_start3A_1452] : memref<20000x128xf32, #tpu.memory_space<hbm>> -> memref<20000x128xf32, #tpu.memory_space<hbm>>
        tpu.enqueue_indirect_dma source(%dma_start3A_1453 : memref<20000x128xf32, #tpu.memory_space<hbm>>) target(%arg14 : memref<128x128xf32, #tpu.memory_space<vmem>>) offsets(%dma_start3A_1450 : memref<128xi32, #tpu.memory_space<vmem>>) semaphore(%arg19 : memref<!tpu.dma_semaphore, #tpu.memory_space<semaphore_mem>>)
      } else {
      }
      %eq3A_615 = arith.constant 1 : i32
      %eq3A_616 = arith.cmpi eq, %arg0, %eq3A_615 : i32
      %convert_element_type3A_617 = arith.extui %eq3A_616 : i1 to i32
      %cond3A_618 = arith.constant 12 : i32
      %cond3A_619 = arith.constant 0 : i32
      %cond3A_620 = arith.cmpi ne, %convert_element_type3A_617, %cond3A_619 : i32
      scf.if %cond3A_620 {
        %dma_start3A_1448 = arith.constant 0 : i32
        %dma_start3A_1449 = tpu.memref_slice %arg10[%cond3A_618, %dma_start3A_1448] : memref<16x128xi32, #tpu.memory_space<vmem>> -> memref<1x128xi32, #tpu.memory_space<vmem>>
        %dma_start3A_1450 = tpu.memref_squeeze %dma_start3A_1449 : memref<1x128xi32, #tpu.memory_space<vmem>> -> memref<128xi32, #tpu.memory_space<vmem>>
        %dma_start3A_1451 = arith.constant 0 : i32
        %dma_start3A_1452 = arith.constant 0 : i32
        %dma_start3A_1453 = tpu.memref_slice %arg5[%dma_start3A_1451, %dma_start3A_1452] : memref<20000x128xf32, #tpu.memory_space<hbm>> -> memref<20000x128xf32, #tpu.memory_space<hbm>>
        tpu.enqueue_indirect_dma source(%dma_start3A_1453 : memref<20000x128xf32, #tpu.memory_space<hbm>>) target(%arg14 : memref<128x128xf32, #tpu.memory_space<vmem>>) offsets(%dma_start3A_1450 : memref<128xi32, #tpu.memory_space<vmem>>) semaphore(%arg19 : memref<!tpu.dma_semaphore, #tpu.memory_space<semaphore_mem>>)
      } else {
      }
      %dma_wait3A_621 = arith.constant 0 : i32
      %dma_wait3A_622 = arith.constant 0 : i32
      %dma_wait3A_623 = tpu.memref_slice %arg10[%dma_wait3A_621, %dma_wait3A_622] : memref<16x128xi32, #tpu.memory_space<vmem>> -> memref<1x128xi32, #tpu.memory_space<vmem>>
      %dma_wait3A_624 = tpu.memref_squeeze %dma_wait3A_623 : memref<1x128xi32, #tpu.memory_space<vmem>> -> memref<128xi32, #tpu.memory_space<vmem>>
      %dma_wait3A_625 = arith.constant 0 : i32
      %dma_wait3A_626 = arith.constant 0 : i32
      %dma_wait3A_627 = tpu.memref_slice %arg4[%dma_wait3A_625, %dma_wait3A_626] : memref<20000x128xf32, #tpu.memory_space<hbm>> -> memref<20000x128xf32, #tpu.memory_space<hbm>>
      tpu.wait_indirect_dma semaphore(%arg20 : memref<!tpu.dma_semaphore, #tpu.memory_space<semaphore_mem>>) src(%dma_wait3A_627 : memref<20000x128xf32, #tpu.memory_space<hbm>>) dst(%arg15 : memref<128x128xf32, #tpu.memory_space<vmem>>)
      %dma_start3A_628 = arith.constant 11 : i32
      %dma_start3A_629 = arith.constant 0 : i32
      %dma_start3A_630 = tpu.memref_slice %arg11[%dma_start3A_628, %dma_start3A_629] : memref<16x128xi32, #tpu.memory_space<vmem>> -> memref<1x128xi32, #tpu.memory_space<vmem>>
      %dma_start3A_631 = tpu.memref_squeeze %dma_start3A_630 : memref<1x128xi32, #tpu.memory_space<vmem>> -> memref<128xi32, #tpu.memory_space<vmem>>
      %dma_start3A_632 = arith.constant 0 : i32
      %dma_start3A_633 = arith.constant 0 : i32
      %dma_start3A_634 = tpu.memref_slice %arg17[%dma_start3A_632, %dma_start3A_633] : memref<10240x128xf32, #tpu.memory_space<vmem_shared>> -> memref<10240x128xf32, #tpu.memory_space<vmem_shared>>
      tpu.enqueue_indirect_dma source(%arg15 : memref<128x128xf32, #tpu.memory_space<vmem>>) target(%dma_start3A_634 : memref<10240x128xf32, #tpu.memory_space<vmem_shared>>) offsets(%dma_start3A_631 : memref<128xi32, #tpu.memory_space<vmem>>) semaphore(%arg22 : memref<!tpu.dma_semaphore, #tpu.memory_space<semaphore_mem>>) {add = true}
      %convert_element_type3A_635 = arith.extui %or3A : i1 to i32
      %cond3A_636 = arith.constant 0 : i32
      %cond3A_637 = arith.cmpi ne, %convert_element_type3A_635, %cond3A_636 : i32
      scf.if %cond3A_637 {
        %dma_start3A_1448 = arith.constant 11 : i32
        %dma_start3A_1449 = arith.constant 0 : i32
        %dma_start3A_1450 = tpu.memref_slice %arg11[%dma_start3A_1448, %dma_start3A_1449] : memref<16x128xi32, #tpu.memory_space<vmem>> -> memref<1x128xi32, #tpu.memory_space<vmem>>
        %dma_start3A_1451 = tpu.memref_squeeze %dma_start3A_1450 : memref<1x128xi32, #tpu.memory_space<vmem>> -> memref<128xi32, #tpu.memory_space<vmem>>
        %dma_start3A_1452 = arith.constant 0 : i32
        %dma_start3A_1453 = arith.constant 0 : i32
        %dma_start3A_1454 = tpu.memref_slice %arg18[%dma_start3A_1452, %dma_start3A_1453] : memref<10240x8xf32, #tpu.memory_space<vmem_shared>> -> memref<10240x8xf32, #tpu.memory_space<vmem_shared>>
        tpu.enqueue_indirect_dma source(%arg16 : memref<128x8xf32, #tpu.memory_space<vmem>>) target(%dma_start3A_1454 : memref<10240x8xf32, #tpu.memory_space<vmem_shared>>) offsets(%dma_start3A_1451 : memref<128xi32, #tpu.memory_space<vmem>>) semaphore(%arg22 : memref<!tpu.dma_semaphore, #tpu.memory_space<semaphore_mem>>) {add = true}
      } else {
      }
      %dma_wait3A_638 = arith.constant 0 : i32
      %dma_wait3A_639 = arith.constant 0 : i32
      %dma_wait3A_640 = tpu.memref_slice %arg11[%dma_wait3A_638, %dma_wait3A_639] : memref<16x128xi32, #tpu.memory_space<vmem>> -> memref<1x128xi32, #tpu.memory_space<vmem>>
      %dma_wait3A_641 = tpu.memref_squeeze %dma_wait3A_640 : memref<1x128xi32, #tpu.memory_space<vmem>> -> memref<128xi32, #tpu.memory_space<vmem>>
      %dma_wait3A_642 = arith.constant 0 : i32
      %dma_wait3A_643 = arith.constant 0 : i32
      %dma_wait3A_644 = tpu.memref_slice %arg17[%dma_wait3A_642, %dma_wait3A_643] : memref<10240x128xf32, #tpu.memory_space<vmem_shared>> -> memref<10240x128xf32, #tpu.memory_space<vmem_shared>>
      tpu.wait_indirect_dma semaphore(%arg22 : memref<!tpu.dma_semaphore, #tpu.memory_space<semaphore_mem>>) src(%arg15 : memref<128x128xf32, #tpu.memory_space<vmem>>) dst(%dma_wait3A_644 : memref<10240x128xf32, #tpu.memory_space<vmem_shared>>)
      %convert_element_type3A_645 = arith.extui %or3A : i1 to i32
      %cond3A_646 = arith.constant 0 : i32
      %cond3A_647 = arith.cmpi ne, %convert_element_type3A_645, %cond3A_646 : i32
      scf.if %cond3A_647 {
        %dma_wait3A_1448 = arith.constant 0 : i32
        %dma_wait3A_1449 = arith.constant 0 : i32
        %dma_wait3A_1450 = tpu.memref_slice %arg11[%dma_wait3A_1448, %dma_wait3A_1449] : memref<16x128xi32, #tpu.memory_space<vmem>> -> memref<1x128xi32, #tpu.memory_space<vmem>>
        %dma_wait3A_1451 = tpu.memref_squeeze %dma_wait3A_1450 : memref<1x128xi32, #tpu.memory_space<vmem>> -> memref<128xi32, #tpu.memory_space<vmem>>
        %dma_wait3A_1452 = arith.constant 0 : i32
        %dma_wait3A_1453 = arith.constant 0 : i32
        %dma_wait3A_1454 = tpu.memref_slice %arg18[%dma_wait3A_1452, %dma_wait3A_1453] : memref<10240x8xf32, #tpu.memory_space<vmem_shared>> -> memref<10240x8xf32, #tpu.memory_space<vmem_shared>>
        tpu.wait_indirect_dma semaphore(%arg22 : memref<!tpu.dma_semaphore, #tpu.memory_space<semaphore_mem>>) src(%arg16 : memref<128x8xf32, #tpu.memory_space<vmem>>) dst(%dma_wait3A_1454 : memref<10240x8xf32, #tpu.memory_space<vmem_shared>>)
      } else {
      }
      %eq3A_648 = arith.constant 0 : i32
      %eq3A_649 = arith.cmpi eq, %arg0, %eq3A_648 : i32
      %convert_element_type3A_650 = arith.extui %eq3A_649 : i1 to i32
      %cond3A_651 = arith.constant 13 : i32
      %cond3A_652 = arith.constant 0 : i32
      %cond3A_653 = arith.cmpi ne, %convert_element_type3A_650, %cond3A_652 : i32
      scf.if %cond3A_653 {
        %dma_start3A_1448 = arith.constant 0 : i32
        %dma_start3A_1449 = tpu.memref_slice %arg10[%cond3A_651, %dma_start3A_1448] : memref<16x128xi32, #tpu.memory_space<vmem>> -> memref<1x128xi32, #tpu.memory_space<vmem>>
        %dma_start3A_1450 = tpu.memref_squeeze %dma_start3A_1449 : memref<1x128xi32, #tpu.memory_space<vmem>> -> memref<128xi32, #tpu.memory_space<vmem>>
        %dma_start3A_1451 = arith.constant 0 : i32
        %dma_start3A_1452 = arith.constant 0 : i32
        %dma_start3A_1453 = tpu.memref_slice %arg4[%dma_start3A_1451, %dma_start3A_1452] : memref<20000x128xf32, #tpu.memory_space<hbm>> -> memref<20000x128xf32, #tpu.memory_space<hbm>>
        tpu.enqueue_indirect_dma source(%dma_start3A_1453 : memref<20000x128xf32, #tpu.memory_space<hbm>>) target(%arg15 : memref<128x128xf32, #tpu.memory_space<vmem>>) offsets(%dma_start3A_1450 : memref<128xi32, #tpu.memory_space<vmem>>) semaphore(%arg20 : memref<!tpu.dma_semaphore, #tpu.memory_space<semaphore_mem>>)
      } else {
      }
      %eq3A_654 = arith.constant 1 : i32
      %eq3A_655 = arith.cmpi eq, %arg0, %eq3A_654 : i32
      %convert_element_type3A_656 = arith.extui %eq3A_655 : i1 to i32
      %cond3A_657 = arith.constant 13 : i32
      %cond3A_658 = arith.constant 0 : i32
      %cond3A_659 = arith.cmpi ne, %convert_element_type3A_656, %cond3A_658 : i32
      scf.if %cond3A_659 {
        %dma_start3A_1448 = arith.constant 0 : i32
        %dma_start3A_1449 = tpu.memref_slice %arg10[%cond3A_657, %dma_start3A_1448] : memref<16x128xi32, #tpu.memory_space<vmem>> -> memref<1x128xi32, #tpu.memory_space<vmem>>
        %dma_start3A_1450 = tpu.memref_squeeze %dma_start3A_1449 : memref<1x128xi32, #tpu.memory_space<vmem>> -> memref<128xi32, #tpu.memory_space<vmem>>
        %dma_start3A_1451 = arith.constant 0 : i32
        %dma_start3A_1452 = arith.constant 0 : i32
        %dma_start3A_1453 = tpu.memref_slice %arg5[%dma_start3A_1451, %dma_start3A_1452] : memref<20000x128xf32, #tpu.memory_space<hbm>> -> memref<20000x128xf32, #tpu.memory_space<hbm>>
        tpu.enqueue_indirect_dma source(%dma_start3A_1453 : memref<20000x128xf32, #tpu.memory_space<hbm>>) target(%arg15 : memref<128x128xf32, #tpu.memory_space<vmem>>) offsets(%dma_start3A_1450 : memref<128xi32, #tpu.memory_space<vmem>>) semaphore(%arg20 : memref<!tpu.dma_semaphore, #tpu.memory_space<semaphore_mem>>)
      } else {
      }
      %dma_wait3A_660 = arith.constant 0 : i32
      %dma_wait3A_661 = arith.constant 0 : i32
      %dma_wait3A_662 = tpu.memref_slice %arg10[%dma_wait3A_660, %dma_wait3A_661] : memref<16x128xi32, #tpu.memory_space<vmem>> -> memref<1x128xi32, #tpu.memory_space<vmem>>
      %dma_wait3A_663 = tpu.memref_squeeze %dma_wait3A_662 : memref<1x128xi32, #tpu.memory_space<vmem>> -> memref<128xi32, #tpu.memory_space<vmem>>
      %dma_wait3A_664 = arith.constant 0 : i32
      %dma_wait3A_665 = arith.constant 0 : i32
      %dma_wait3A_666 = tpu.memref_slice %arg4[%dma_wait3A_664, %dma_wait3A_665] : memref<20000x128xf32, #tpu.memory_space<hbm>> -> memref<20000x128xf32, #tpu.memory_space<hbm>>
      tpu.wait_indirect_dma semaphore(%arg19 : memref<!tpu.dma_semaphore, #tpu.memory_space<semaphore_mem>>) src(%dma_wait3A_666 : memref<20000x128xf32, #tpu.memory_space<hbm>>) dst(%arg14 : memref<128x128xf32, #tpu.memory_space<vmem>>)
      %dma_start3A_667 = arith.constant 12 : i32
      %dma_start3A_668 = arith.constant 0 : i32
      %dma_start3A_669 = tpu.memref_slice %arg11[%dma_start3A_667, %dma_start3A_668] : memref<16x128xi32, #tpu.memory_space<vmem>> -> memref<1x128xi32, #tpu.memory_space<vmem>>
      %dma_start3A_670 = tpu.memref_squeeze %dma_start3A_669 : memref<1x128xi32, #tpu.memory_space<vmem>> -> memref<128xi32, #tpu.memory_space<vmem>>
      %dma_start3A_671 = arith.constant 0 : i32
      %dma_start3A_672 = arith.constant 0 : i32
      %dma_start3A_673 = tpu.memref_slice %arg17[%dma_start3A_671, %dma_start3A_672] : memref<10240x128xf32, #tpu.memory_space<vmem_shared>> -> memref<10240x128xf32, #tpu.memory_space<vmem_shared>>
      tpu.enqueue_indirect_dma source(%arg14 : memref<128x128xf32, #tpu.memory_space<vmem>>) target(%dma_start3A_673 : memref<10240x128xf32, #tpu.memory_space<vmem_shared>>) offsets(%dma_start3A_670 : memref<128xi32, #tpu.memory_space<vmem>>) semaphore(%arg21 : memref<!tpu.dma_semaphore, #tpu.memory_space<semaphore_mem>>) {add = true}
      %convert_element_type3A_674 = arith.extui %or3A : i1 to i32
      %cond3A_675 = arith.constant 0 : i32
      %cond3A_676 = arith.cmpi ne, %convert_element_type3A_674, %cond3A_675 : i32
      scf.if %cond3A_676 {
        %dma_start3A_1448 = arith.constant 12 : i32
        %dma_start3A_1449 = arith.constant 0 : i32
        %dma_start3A_1450 = tpu.memref_slice %arg11[%dma_start3A_1448, %dma_start3A_1449] : memref<16x128xi32, #tpu.memory_space<vmem>> -> memref<1x128xi32, #tpu.memory_space<vmem>>
        %dma_start3A_1451 = tpu.memref_squeeze %dma_start3A_1450 : memref<1x128xi32, #tpu.memory_space<vmem>> -> memref<128xi32, #tpu.memory_space<vmem>>
        %dma_start3A_1452 = arith.constant 0 : i32
        %dma_start3A_1453 = arith.constant 0 : i32
        %dma_start3A_1454 = tpu.memref_slice %arg18[%dma_start3A_1452, %dma_start3A_1453] : memref<10240x8xf32, #tpu.memory_space<vmem_shared>> -> memref<10240x8xf32, #tpu.memory_space<vmem_shared>>
        tpu.enqueue_indirect_dma source(%arg16 : memref<128x8xf32, #tpu.memory_space<vmem>>) target(%dma_start3A_1454 : memref<10240x8xf32, #tpu.memory_space<vmem_shared>>) offsets(%dma_start3A_1451 : memref<128xi32, #tpu.memory_space<vmem>>) semaphore(%arg21 : memref<!tpu.dma_semaphore, #tpu.memory_space<semaphore_mem>>) {add = true}
      } else {
      }
      %dma_wait3A_677 = arith.constant 0 : i32
      %dma_wait3A_678 = arith.constant 0 : i32
      %dma_wait3A_679 = tpu.memref_slice %arg11[%dma_wait3A_677, %dma_wait3A_678] : memref<16x128xi32, #tpu.memory_space<vmem>> -> memref<1x128xi32, #tpu.memory_space<vmem>>
      %dma_wait3A_680 = tpu.memref_squeeze %dma_wait3A_679 : memref<1x128xi32, #tpu.memory_space<vmem>> -> memref<128xi32, #tpu.memory_space<vmem>>
      %dma_wait3A_681 = arith.constant 0 : i32
      %dma_wait3A_682 = arith.constant 0 : i32
      %dma_wait3A_683 = tpu.memref_slice %arg17[%dma_wait3A_681, %dma_wait3A_682] : memref<10240x128xf32, #tpu.memory_space<vmem_shared>> -> memref<10240x128xf32, #tpu.memory_space<vmem_shared>>
      tpu.wait_indirect_dma semaphore(%arg21 : memref<!tpu.dma_semaphore, #tpu.memory_space<semaphore_mem>>) src(%arg14 : memref<128x128xf32, #tpu.memory_space<vmem>>) dst(%dma_wait3A_683 : memref<10240x128xf32, #tpu.memory_space<vmem_shared>>)
      %convert_element_type3A_684 = arith.extui %or3A : i1 to i32
      %cond3A_685 = arith.constant 0 : i32
      %cond3A_686 = arith.cmpi ne, %convert_element_type3A_684, %cond3A_685 : i32
      scf.if %cond3A_686 {
        %dma_wait3A_1448 = arith.constant 0 : i32
        %dma_wait3A_1449 = arith.constant 0 : i32
        %dma_wait3A_1450 = tpu.memref_slice %arg11[%dma_wait3A_1448, %dma_wait3A_1449] : memref<16x128xi32, #tpu.memory_space<vmem>> -> memref<1x128xi32, #tpu.memory_space<vmem>>
        %dma_wait3A_1451 = tpu.memref_squeeze %dma_wait3A_1450 : memref<1x128xi32, #tpu.memory_space<vmem>> -> memref<128xi32, #tpu.memory_space<vmem>>
        %dma_wait3A_1452 = arith.constant 0 : i32
        %dma_wait3A_1453 = arith.constant 0 : i32
        %dma_wait3A_1454 = tpu.memref_slice %arg18[%dma_wait3A_1452, %dma_wait3A_1453] : memref<10240x8xf32, #tpu.memory_space<vmem_shared>> -> memref<10240x8xf32, #tpu.memory_space<vmem_shared>>
        tpu.wait_indirect_dma semaphore(%arg21 : memref<!tpu.dma_semaphore, #tpu.memory_space<semaphore_mem>>) src(%arg16 : memref<128x8xf32, #tpu.memory_space<vmem>>) dst(%dma_wait3A_1454 : memref<10240x8xf32, #tpu.memory_space<vmem_shared>>)
      } else {
      }
      %eq3A_687 = arith.constant 0 : i32
      %eq3A_688 = arith.cmpi eq, %arg0, %eq3A_687 : i32
      %convert_element_type3A_689 = arith.extui %eq3A_688 : i1 to i32
      %cond3A_690 = arith.constant 14 : i32
      %cond3A_691 = arith.constant 0 : i32
      %cond3A_692 = arith.cmpi ne, %convert_element_type3A_689, %cond3A_691 : i32
      scf.if %cond3A_692 {
        %dma_start3A_1448 = arith.constant 0 : i32
        %dma_start3A_1449 = tpu.memref_slice %arg10[%cond3A_690, %dma_start3A_1448] : memref<16x128xi32, #tpu.memory_space<vmem>> -> memref<1x128xi32, #tpu.memory_space<vmem>>
        %dma_start3A_1450 = tpu.memref_squeeze %dma_start3A_1449 : memref<1x128xi32, #tpu.memory_space<vmem>> -> memref<128xi32, #tpu.memory_space<vmem>>
        %dma_start3A_1451 = arith.constant 0 : i32
        %dma_start3A_1452 = arith.constant 0 : i32
        %dma_start3A_1453 = tpu.memref_slice %arg4[%dma_start3A_1451, %dma_start3A_1452] : memref<20000x128xf32, #tpu.memory_space<hbm>> -> memref<20000x128xf32, #tpu.memory_space<hbm>>
        tpu.enqueue_indirect_dma source(%dma_start3A_1453 : memref<20000x128xf32, #tpu.memory_space<hbm>>) target(%arg14 : memref<128x128xf32, #tpu.memory_space<vmem>>) offsets(%dma_start3A_1450 : memref<128xi32, #tpu.memory_space<vmem>>) semaphore(%arg19 : memref<!tpu.dma_semaphore, #tpu.memory_space<semaphore_mem>>)
      } else {
      }
      %eq3A_693 = arith.constant 1 : i32
      %eq3A_694 = arith.cmpi eq, %arg0, %eq3A_693 : i32
      %convert_element_type3A_695 = arith.extui %eq3A_694 : i1 to i32
      %cond3A_696 = arith.constant 14 : i32
      %cond3A_697 = arith.constant 0 : i32
      %cond3A_698 = arith.cmpi ne, %convert_element_type3A_695, %cond3A_697 : i32
      scf.if %cond3A_698 {
        %dma_start3A_1448 = arith.constant 0 : i32
        %dma_start3A_1449 = tpu.memref_slice %arg10[%cond3A_696, %dma_start3A_1448] : memref<16x128xi32, #tpu.memory_space<vmem>> -> memref<1x128xi32, #tpu.memory_space<vmem>>
        %dma_start3A_1450 = tpu.memref_squeeze %dma_start3A_1449 : memref<1x128xi32, #tpu.memory_space<vmem>> -> memref<128xi32, #tpu.memory_space<vmem>>
        %dma_start3A_1451 = arith.constant 0 : i32
        %dma_start3A_1452 = arith.constant 0 : i32
        %dma_start3A_1453 = tpu.memref_slice %arg5[%dma_start3A_1451, %dma_start3A_1452] : memref<20000x128xf32, #tpu.memory_space<hbm>> -> memref<20000x128xf32, #tpu.memory_space<hbm>>
        tpu.enqueue_indirect_dma source(%dma_start3A_1453 : memref<20000x128xf32, #tpu.memory_space<hbm>>) target(%arg14 : memref<128x128xf32, #tpu.memory_space<vmem>>) offsets(%dma_start3A_1450 : memref<128xi32, #tpu.memory_space<vmem>>) semaphore(%arg19 : memref<!tpu.dma_semaphore, #tpu.memory_space<semaphore_mem>>)
      } else {
      }
      %dma_wait3A_699 = arith.constant 0 : i32
      %dma_wait3A_700 = arith.constant 0 : i32
      %dma_wait3A_701 = tpu.memref_slice %arg10[%dma_wait3A_699, %dma_wait3A_700] : memref<16x128xi32, #tpu.memory_space<vmem>> -> memref<1x128xi32, #tpu.memory_space<vmem>>
      %dma_wait3A_702 = tpu.memref_squeeze %dma_wait3A_701 : memref<1x128xi32, #tpu.memory_space<vmem>> -> memref<128xi32, #tpu.memory_space<vmem>>
      %dma_wait3A_703 = arith.constant 0 : i32
      %dma_wait3A_704 = arith.constant 0 : i32
      %dma_wait3A_705 = tpu.memref_slice %arg4[%dma_wait3A_703, %dma_wait3A_704] : memref<20000x128xf32, #tpu.memory_space<hbm>> -> memref<20000x128xf32, #tpu.memory_space<hbm>>
      tpu.wait_indirect_dma semaphore(%arg20 : memref<!tpu.dma_semaphore, #tpu.memory_space<semaphore_mem>>) src(%dma_wait3A_705 : memref<20000x128xf32, #tpu.memory_space<hbm>>) dst(%arg15 : memref<128x128xf32, #tpu.memory_space<vmem>>)
      %dma_start3A_706 = arith.constant 13 : i32
      %dma_start3A_707 = arith.constant 0 : i32
      %dma_start3A_708 = tpu.memref_slice %arg11[%dma_start3A_706, %dma_start3A_707] : memref<16x128xi32, #tpu.memory_space<vmem>> -> memref<1x128xi32, #tpu.memory_space<vmem>>
      %dma_start3A_709 = tpu.memref_squeeze %dma_start3A_708 : memref<1x128xi32, #tpu.memory_space<vmem>> -> memref<128xi32, #tpu.memory_space<vmem>>
      %dma_start3A_710 = arith.constant 0 : i32
      %dma_start3A_711 = arith.constant 0 : i32
      %dma_start3A_712 = tpu.memref_slice %arg17[%dma_start3A_710, %dma_start3A_711] : memref<10240x128xf32, #tpu.memory_space<vmem_shared>> -> memref<10240x128xf32, #tpu.memory_space<vmem_shared>>
      tpu.enqueue_indirect_dma source(%arg15 : memref<128x128xf32, #tpu.memory_space<vmem>>) target(%dma_start3A_712 : memref<10240x128xf32, #tpu.memory_space<vmem_shared>>) offsets(%dma_start3A_709 : memref<128xi32, #tpu.memory_space<vmem>>) semaphore(%arg22 : memref<!tpu.dma_semaphore, #tpu.memory_space<semaphore_mem>>) {add = true}
      %convert_element_type3A_713 = arith.extui %or3A : i1 to i32
      %cond3A_714 = arith.constant 0 : i32
      %cond3A_715 = arith.cmpi ne, %convert_element_type3A_713, %cond3A_714 : i32
      scf.if %cond3A_715 {
        %dma_start3A_1448 = arith.constant 13 : i32
        %dma_start3A_1449 = arith.constant 0 : i32
        %dma_start3A_1450 = tpu.memref_slice %arg11[%dma_start3A_1448, %dma_start3A_1449] : memref<16x128xi32, #tpu.memory_space<vmem>> -> memref<1x128xi32, #tpu.memory_space<vmem>>
        %dma_start3A_1451 = tpu.memref_squeeze %dma_start3A_1450 : memref<1x128xi32, #tpu.memory_space<vmem>> -> memref<128xi32, #tpu.memory_space<vmem>>
        %dma_start3A_1452 = arith.constant 0 : i32
        %dma_start3A_1453 = arith.constant 0 : i32
        %dma_start3A_1454 = tpu.memref_slice %arg18[%dma_start3A_1452, %dma_start3A_1453] : memref<10240x8xf32, #tpu.memory_space<vmem_shared>> -> memref<10240x8xf32, #tpu.memory_space<vmem_shared>>
        tpu.enqueue_indirect_dma source(%arg16 : memref<128x8xf32, #tpu.memory_space<vmem>>) target(%dma_start3A_1454 : memref<10240x8xf32, #tpu.memory_space<vmem_shared>>) offsets(%dma_start3A_1451 : memref<128xi32, #tpu.memory_space<vmem>>) semaphore(%arg22 : memref<!tpu.dma_semaphore, #tpu.memory_space<semaphore_mem>>) {add = true}
      } else {
      }
      %dma_wait3A_716 = arith.constant 0 : i32
      %dma_wait3A_717 = arith.constant 0 : i32
      %dma_wait3A_718 = tpu.memref_slice %arg11[%dma_wait3A_716, %dma_wait3A_717] : memref<16x128xi32, #tpu.memory_space<vmem>> -> memref<1x128xi32, #tpu.memory_space<vmem>>
      %dma_wait3A_719 = tpu.memref_squeeze %dma_wait3A_718 : memref<1x128xi32, #tpu.memory_space<vmem>> -> memref<128xi32, #tpu.memory_space<vmem>>
      %dma_wait3A_720 = arith.constant 0 : i32
      %dma_wait3A_721 = arith.constant 0 : i32
      %dma_wait3A_722 = tpu.memref_slice %arg17[%dma_wait3A_720, %dma_wait3A_721] : memref<10240x128xf32, #tpu.memory_space<vmem_shared>> -> memref<10240x128xf32, #tpu.memory_space<vmem_shared>>
      tpu.wait_indirect_dma semaphore(%arg22 : memref<!tpu.dma_semaphore, #tpu.memory_space<semaphore_mem>>) src(%arg15 : memref<128x128xf32, #tpu.memory_space<vmem>>) dst(%dma_wait3A_722 : memref<10240x128xf32, #tpu.memory_space<vmem_shared>>)
      %convert_element_type3A_723 = arith.extui %or3A : i1 to i32
      %cond3A_724 = arith.constant 0 : i32
      %cond3A_725 = arith.cmpi ne, %convert_element_type3A_723, %cond3A_724 : i32
      scf.if %cond3A_725 {
        %dma_wait3A_1448 = arith.constant 0 : i32
        %dma_wait3A_1449 = arith.constant 0 : i32
        %dma_wait3A_1450 = tpu.memref_slice %arg11[%dma_wait3A_1448, %dma_wait3A_1449] : memref<16x128xi32, #tpu.memory_space<vmem>> -> memref<1x128xi32, #tpu.memory_space<vmem>>
        %dma_wait3A_1451 = tpu.memref_squeeze %dma_wait3A_1450 : memref<1x128xi32, #tpu.memory_space<vmem>> -> memref<128xi32, #tpu.memory_space<vmem>>
        %dma_wait3A_1452 = arith.constant 0 : i32
        %dma_wait3A_1453 = arith.constant 0 : i32
        %dma_wait3A_1454 = tpu.memref_slice %arg18[%dma_wait3A_1452, %dma_wait3A_1453] : memref<10240x8xf32, #tpu.memory_space<vmem_shared>> -> memref<10240x8xf32, #tpu.memory_space<vmem_shared>>
        tpu.wait_indirect_dma semaphore(%arg22 : memref<!tpu.dma_semaphore, #tpu.memory_space<semaphore_mem>>) src(%arg16 : memref<128x8xf32, #tpu.memory_space<vmem>>) dst(%dma_wait3A_1454 : memref<10240x8xf32, #tpu.memory_space<vmem_shared>>)
      } else {
      }
      %eq3A_726 = arith.constant 0 : i32
      %eq3A_727 = arith.cmpi eq, %arg0, %eq3A_726 : i32
      %convert_element_type3A_728 = arith.extui %eq3A_727 : i1 to i32
      %cond3A_729 = arith.constant 15 : i32
      %cond3A_730 = arith.constant 0 : i32
      %cond3A_731 = arith.cmpi ne, %convert_element_type3A_728, %cond3A_730 : i32
      scf.if %cond3A_731 {
        %dma_start3A_1448 = arith.constant 0 : i32
        %dma_start3A_1449 = tpu.memref_slice %arg10[%cond3A_729, %dma_start3A_1448] : memref<16x128xi32, #tpu.memory_space<vmem>> -> memref<1x128xi32, #tpu.memory_space<vmem>>
        %dma_start3A_1450 = tpu.memref_squeeze %dma_start3A_1449 : memref<1x128xi32, #tpu.memory_space<vmem>> -> memref<128xi32, #tpu.memory_space<vmem>>
        %dma_start3A_1451 = arith.constant 0 : i32
        %dma_start3A_1452 = arith.constant 0 : i32
        %dma_start3A_1453 = tpu.memref_slice %arg4[%dma_start3A_1451, %dma_start3A_1452] : memref<20000x128xf32, #tpu.memory_space<hbm>> -> memref<20000x128xf32, #tpu.memory_space<hbm>>
        tpu.enqueue_indirect_dma source(%dma_start3A_1453 : memref<20000x128xf32, #tpu.memory_space<hbm>>) target(%arg15 : memref<128x128xf32, #tpu.memory_space<vmem>>) offsets(%dma_start3A_1450 : memref<128xi32, #tpu.memory_space<vmem>>) semaphore(%arg20 : memref<!tpu.dma_semaphore, #tpu.memory_space<semaphore_mem>>)
      } else {
      }
      %eq3A_732 = arith.constant 1 : i32
      %eq3A_733 = arith.cmpi eq, %arg0, %eq3A_732 : i32
      %convert_element_type3A_734 = arith.extui %eq3A_733 : i1 to i32
      %cond3A_735 = arith.constant 15 : i32
      %cond3A_736 = arith.constant 0 : i32
      %cond3A_737 = arith.cmpi ne, %convert_element_type3A_734, %cond3A_736 : i32
      scf.if %cond3A_737 {
        %dma_start3A_1448 = arith.constant 0 : i32
        %dma_start3A_1449 = tpu.memref_slice %arg10[%cond3A_735, %dma_start3A_1448] : memref<16x128xi32, #tpu.memory_space<vmem>> -> memref<1x128xi32, #tpu.memory_space<vmem>>
        %dma_start3A_1450 = tpu.memref_squeeze %dma_start3A_1449 : memref<1x128xi32, #tpu.memory_space<vmem>> -> memref<128xi32, #tpu.memory_space<vmem>>
        %dma_start3A_1451 = arith.constant 0 : i32
        %dma_start3A_1452 = arith.constant 0 : i32
        %dma_start3A_1453 = tpu.memref_slice %arg5[%dma_start3A_1451, %dma_start3A_1452] : memref<20000x128xf32, #tpu.memory_space<hbm>> -> memref<20000x128xf32, #tpu.memory_space<hbm>>
        tpu.enqueue_indirect_dma source(%dma_start3A_1453 : memref<20000x128xf32, #tpu.memory_space<hbm>>) target(%arg15 : memref<128x128xf32, #tpu.memory_space<vmem>>) offsets(%dma_start3A_1450 : memref<128xi32, #tpu.memory_space<vmem>>) semaphore(%arg20 : memref<!tpu.dma_semaphore, #tpu.memory_space<semaphore_mem>>)
      } else {
      }
      %dma_wait3A_738 = arith.constant 0 : i32
      %dma_wait3A_739 = arith.constant 0 : i32
      %dma_wait3A_740 = tpu.memref_slice %arg10[%dma_wait3A_738, %dma_wait3A_739] : memref<16x128xi32, #tpu.memory_space<vmem>> -> memref<1x128xi32, #tpu.memory_space<vmem>>
      %dma_wait3A_741 = tpu.memref_squeeze %dma_wait3A_740 : memref<1x128xi32, #tpu.memory_space<vmem>> -> memref<128xi32, #tpu.memory_space<vmem>>
      %dma_wait3A_742 = arith.constant 0 : i32
      %dma_wait3A_743 = arith.constant 0 : i32
      %dma_wait3A_744 = tpu.memref_slice %arg4[%dma_wait3A_742, %dma_wait3A_743] : memref<20000x128xf32, #tpu.memory_space<hbm>> -> memref<20000x128xf32, #tpu.memory_space<hbm>>
      tpu.wait_indirect_dma semaphore(%arg19 : memref<!tpu.dma_semaphore, #tpu.memory_space<semaphore_mem>>) src(%dma_wait3A_744 : memref<20000x128xf32, #tpu.memory_space<hbm>>) dst(%arg14 : memref<128x128xf32, #tpu.memory_space<vmem>>)
      %dma_start3A_745 = arith.constant 14 : i32
      %dma_start3A_746 = arith.constant 0 : i32
      %dma_start3A_747 = tpu.memref_slice %arg11[%dma_start3A_745, %dma_start3A_746] : memref<16x128xi32, #tpu.memory_space<vmem>> -> memref<1x128xi32, #tpu.memory_space<vmem>>
      %dma_start3A_748 = tpu.memref_squeeze %dma_start3A_747 : memref<1x128xi32, #tpu.memory_space<vmem>> -> memref<128xi32, #tpu.memory_space<vmem>>
      %dma_start3A_749 = arith.constant 0 : i32
      %dma_start3A_750 = arith.constant 0 : i32
      %dma_start3A_751 = tpu.memref_slice %arg17[%dma_start3A_749, %dma_start3A_750] : memref<10240x128xf32, #tpu.memory_space<vmem_shared>> -> memref<10240x128xf32, #tpu.memory_space<vmem_shared>>
      tpu.enqueue_indirect_dma source(%arg14 : memref<128x128xf32, #tpu.memory_space<vmem>>) target(%dma_start3A_751 : memref<10240x128xf32, #tpu.memory_space<vmem_shared>>) offsets(%dma_start3A_748 : memref<128xi32, #tpu.memory_space<vmem>>) semaphore(%arg21 : memref<!tpu.dma_semaphore, #tpu.memory_space<semaphore_mem>>) {add = true}
      %convert_element_type3A_752 = arith.extui %or3A : i1 to i32
      %cond3A_753 = arith.constant 0 : i32
      %cond3A_754 = arith.cmpi ne, %convert_element_type3A_752, %cond3A_753 : i32
      scf.if %cond3A_754 {
        %dma_start3A_1448 = arith.constant 14 : i32
        %dma_start3A_1449 = arith.constant 0 : i32
        %dma_start3A_1450 = tpu.memref_slice %arg11[%dma_start3A_1448, %dma_start3A_1449] : memref<16x128xi32, #tpu.memory_space<vmem>> -> memref<1x128xi32, #tpu.memory_space<vmem>>
        %dma_start3A_1451 = tpu.memref_squeeze %dma_start3A_1450 : memref<1x128xi32, #tpu.memory_space<vmem>> -> memref<128xi32, #tpu.memory_space<vmem>>
        %dma_start3A_1452 = arith.constant 0 : i32
        %dma_start3A_1453 = arith.constant 0 : i32
        %dma_start3A_1454 = tpu.memref_slice %arg18[%dma_start3A_1452, %dma_start3A_1453] : memref<10240x8xf32, #tpu.memory_space<vmem_shared>> -> memref<10240x8xf32, #tpu.memory_space<vmem_shared>>
        tpu.enqueue_indirect_dma source(%arg16 : memref<128x8xf32, #tpu.memory_space<vmem>>) target(%dma_start3A_1454 : memref<10240x8xf32, #tpu.memory_space<vmem_shared>>) offsets(%dma_start3A_1451 : memref<128xi32, #tpu.memory_space<vmem>>) semaphore(%arg21 : memref<!tpu.dma_semaphore, #tpu.memory_space<semaphore_mem>>) {add = true}
      } else {
      }
      %dma_wait3A_755 = arith.constant 0 : i32
      %dma_wait3A_756 = arith.constant 0 : i32
      %dma_wait3A_757 = tpu.memref_slice %arg10[%dma_wait3A_755, %dma_wait3A_756] : memref<16x128xi32, #tpu.memory_space<vmem>> -> memref<1x128xi32, #tpu.memory_space<vmem>>
      %dma_wait3A_758 = tpu.memref_squeeze %dma_wait3A_757 : memref<1x128xi32, #tpu.memory_space<vmem>> -> memref<128xi32, #tpu.memory_space<vmem>>
      %dma_wait3A_759 = arith.constant 0 : i32
      %dma_wait3A_760 = arith.constant 0 : i32
      %dma_wait3A_761 = tpu.memref_slice %arg4[%dma_wait3A_759, %dma_wait3A_760] : memref<20000x128xf32, #tpu.memory_space<hbm>> -> memref<20000x128xf32, #tpu.memory_space<hbm>>
      tpu.wait_indirect_dma semaphore(%arg20 : memref<!tpu.dma_semaphore, #tpu.memory_space<semaphore_mem>>) src(%dma_wait3A_761 : memref<20000x128xf32, #tpu.memory_space<hbm>>) dst(%arg15 : memref<128x128xf32, #tpu.memory_space<vmem>>)
      %dma_start3A_762 = arith.constant 15 : i32
      %dma_start3A_763 = arith.constant 0 : i32
      %dma_start3A_764 = tpu.memref_slice %arg11[%dma_start3A_762, %dma_start3A_763] : memref<16x128xi32, #tpu.memory_space<vmem>> -> memref<1x128xi32, #tpu.memory_space<vmem>>
      %dma_start3A_765 = tpu.memref_squeeze %dma_start3A_764 : memref<1x128xi32, #tpu.memory_space<vmem>> -> memref<128xi32, #tpu.memory_space<vmem>>
      %dma_start3A_766 = arith.constant 0 : i32
      %dma_start3A_767 = arith.constant 0 : i32
      %dma_start3A_768 = tpu.memref_slice %arg17[%dma_start3A_766, %dma_start3A_767] : memref<10240x128xf32, #tpu.memory_space<vmem_shared>> -> memref<10240x128xf32, #tpu.memory_space<vmem_shared>>
      tpu.enqueue_indirect_dma source(%arg15 : memref<128x128xf32, #tpu.memory_space<vmem>>) target(%dma_start3A_768 : memref<10240x128xf32, #tpu.memory_space<vmem_shared>>) offsets(%dma_start3A_765 : memref<128xi32, #tpu.memory_space<vmem>>) semaphore(%arg22 : memref<!tpu.dma_semaphore, #tpu.memory_space<semaphore_mem>>) {add = true}
      %convert_element_type3A_769 = arith.extui %or3A : i1 to i32
      %cond3A_770 = arith.constant 0 : i32
      %cond3A_771 = arith.cmpi ne, %convert_element_type3A_769, %cond3A_770 : i32
      scf.if %cond3A_771 {
        %dma_start3A_1448 = arith.constant 15 : i32
        %dma_start3A_1449 = arith.constant 0 : i32
        %dma_start3A_1450 = tpu.memref_slice %arg11[%dma_start3A_1448, %dma_start3A_1449] : memref<16x128xi32, #tpu.memory_space<vmem>> -> memref<1x128xi32, #tpu.memory_space<vmem>>
        %dma_start3A_1451 = tpu.memref_squeeze %dma_start3A_1450 : memref<1x128xi32, #tpu.memory_space<vmem>> -> memref<128xi32, #tpu.memory_space<vmem>>
        %dma_start3A_1452 = arith.constant 0 : i32
        %dma_start3A_1453 = arith.constant 0 : i32
        %dma_start3A_1454 = tpu.memref_slice %arg18[%dma_start3A_1452, %dma_start3A_1453] : memref<10240x8xf32, #tpu.memory_space<vmem_shared>> -> memref<10240x8xf32, #tpu.memory_space<vmem_shared>>
        tpu.enqueue_indirect_dma source(%arg16 : memref<128x8xf32, #tpu.memory_space<vmem>>) target(%dma_start3A_1454 : memref<10240x8xf32, #tpu.memory_space<vmem_shared>>) offsets(%dma_start3A_1451 : memref<128xi32, #tpu.memory_space<vmem>>) semaphore(%arg22 : memref<!tpu.dma_semaphore, #tpu.memory_space<semaphore_mem>>) {add = true}
      } else {
      }
      %dma_wait3A_772 = arith.constant 0 : i32
      %dma_wait3A_773 = arith.constant 0 : i32
      %dma_wait3A_774 = tpu.memref_slice %arg11[%dma_wait3A_772, %dma_wait3A_773] : memref<16x128xi32, #tpu.memory_space<vmem>> -> memref<1x128xi32, #tpu.memory_space<vmem>>
      %dma_wait3A_775 = tpu.memref_squeeze %dma_wait3A_774 : memref<1x128xi32, #tpu.memory_space<vmem>> -> memref<128xi32, #tpu.memory_space<vmem>>
      %dma_wait3A_776 = arith.constant 0 : i32
      %dma_wait3A_777 = arith.constant 0 : i32
      %dma_wait3A_778 = tpu.memref_slice %arg17[%dma_wait3A_776, %dma_wait3A_777] : memref<10240x128xf32, #tpu.memory_space<vmem_shared>> -> memref<10240x128xf32, #tpu.memory_space<vmem_shared>>
      tpu.wait_indirect_dma semaphore(%arg21 : memref<!tpu.dma_semaphore, #tpu.memory_space<semaphore_mem>>) src(%arg14 : memref<128x128xf32, #tpu.memory_space<vmem>>) dst(%dma_wait3A_778 : memref<10240x128xf32, #tpu.memory_space<vmem_shared>>)
      %convert_element_type3A_779 = arith.extui %or3A : i1 to i32
      %cond3A_780 = arith.constant 0 : i32
      %cond3A_781 = arith.cmpi ne, %convert_element_type3A_779, %cond3A_780 : i32
      scf.if %cond3A_781 {
        %dma_wait3A_1448 = arith.constant 0 : i32
        %dma_wait3A_1449 = arith.constant 0 : i32
        %dma_wait3A_1450 = tpu.memref_slice %arg11[%dma_wait3A_1448, %dma_wait3A_1449] : memref<16x128xi32, #tpu.memory_space<vmem>> -> memref<1x128xi32, #tpu.memory_space<vmem>>
        %dma_wait3A_1451 = tpu.memref_squeeze %dma_wait3A_1450 : memref<1x128xi32, #tpu.memory_space<vmem>> -> memref<128xi32, #tpu.memory_space<vmem>>
        %dma_wait3A_1452 = arith.constant 0 : i32
        %dma_wait3A_1453 = arith.constant 0 : i32
        %dma_wait3A_1454 = tpu.memref_slice %arg18[%dma_wait3A_1452, %dma_wait3A_1453] : memref<10240x8xf32, #tpu.memory_space<vmem_shared>> -> memref<10240x8xf32, #tpu.memory_space<vmem_shared>>
        tpu.wait_indirect_dma semaphore(%arg21 : memref<!tpu.dma_semaphore, #tpu.memory_space<semaphore_mem>>) src(%arg16 : memref<128x8xf32, #tpu.memory_space<vmem>>) dst(%dma_wait3A_1454 : memref<10240x8xf32, #tpu.memory_space<vmem_shared>>)
      } else {
      }
      %dma_wait3A_782 = arith.constant 0 : i32
      %dma_wait3A_783 = arith.constant 0 : i32
      %dma_wait3A_784 = tpu.memref_slice %arg11[%dma_wait3A_782, %dma_wait3A_783] : memref<16x128xi32, #tpu.memory_space<vmem>> -> memref<1x128xi32, #tpu.memory_space<vmem>>
      %dma_wait3A_785 = tpu.memref_squeeze %dma_wait3A_784 : memref<1x128xi32, #tpu.memory_space<vmem>> -> memref<128xi32, #tpu.memory_space<vmem>>
      %dma_wait3A_786 = arith.constant 0 : i32
      %dma_wait3A_787 = arith.constant 0 : i32
      %dma_wait3A_788 = tpu.memref_slice %arg17[%dma_wait3A_786, %dma_wait3A_787] : memref<10240x128xf32, #tpu.memory_space<vmem_shared>> -> memref<10240x128xf32, #tpu.memory_space<vmem_shared>>
      tpu.wait_indirect_dma semaphore(%arg22 : memref<!tpu.dma_semaphore, #tpu.memory_space<semaphore_mem>>) src(%arg15 : memref<128x128xf32, #tpu.memory_space<vmem>>) dst(%dma_wait3A_788 : memref<10240x128xf32, #tpu.memory_space<vmem_shared>>)
      %convert_element_type3A_789 = arith.extui %or3A : i1 to i32
      %cond3A_790 = arith.constant 0 : i32
      %cond3A_791 = arith.cmpi ne, %convert_element_type3A_789, %cond3A_790 : i32
      scf.if %cond3A_791 {
        %dma_wait3A_1448 = arith.constant 0 : i32
        %dma_wait3A_1449 = arith.constant 0 : i32
        %dma_wait3A_1450 = tpu.memref_slice %arg11[%dma_wait3A_1448, %dma_wait3A_1449] : memref<16x128xi32, #tpu.memory_space<vmem>> -> memref<1x128xi32, #tpu.memory_space<vmem>>
        %dma_wait3A_1451 = tpu.memref_squeeze %dma_wait3A_1450 : memref<1x128xi32, #tpu.memory_space<vmem>> -> memref<128xi32, #tpu.memory_space<vmem>>
        %dma_wait3A_1452 = arith.constant 0 : i32
        %dma_wait3A_1453 = arith.constant 0 : i32
        %dma_wait3A_1454 = tpu.memref_slice %arg18[%dma_wait3A_1452, %dma_wait3A_1453] : memref<10240x8xf32, #tpu.memory_space<vmem_shared>> -> memref<10240x8xf32, #tpu.memory_space<vmem_shared>>
        tpu.wait_indirect_dma semaphore(%arg22 : memref<!tpu.dma_semaphore, #tpu.memory_space<semaphore_mem>>) src(%arg16 : memref<128x8xf32, #tpu.memory_space<vmem>>) dst(%dma_wait3A_1454 : memref<10240x8xf32, #tpu.memory_space<vmem_shared>>)
      } else {
      }
      %dma_wait3A_792 = arith.constant 0 : i32
      %dma_wait3A_793 = arith.constant 0 : i32
      %dma_wait3A_794 = tpu.memref_slice %arg2[%dma_wait3A_792, %dma_wait3A_793] : memref<2560x128xi32, #tpu.memory_space<hbm>> -> memref<16x128xi32, #tpu.memory_space<hbm>>
      %dma_wait3A_795 = arith.constant 0 : i32
      %dma_wait3A_796 = arith.constant 0 : i32
      %dma_wait3A_797 = tpu.memref_slice %arg2[%dma_wait3A_795, %dma_wait3A_796] : memref<2560x128xi32, #tpu.memory_space<hbm>> -> memref<16x128xi32, #tpu.memory_space<hbm>>
      tpu.wait_dma2 semaphore(%arg24 : memref<!tpu.dma_semaphore, #tpu.memory_space<semaphore_mem>>) src(%dma_wait3A_797 : memref<16x128xi32, #tpu.memory_space<hbm>>) dst(%arg12 : memref<16x128xi32, #tpu.memory_space<vmem>>)
      %dma_wait3A_798 = arith.constant 0 : i32
      %dma_wait3A_799 = arith.constant 0 : i32
      %dma_wait3A_800 = tpu.memref_slice %arg3[%dma_wait3A_798, %dma_wait3A_799] : memref<2560x128xi32, #tpu.memory_space<hbm>> -> memref<16x128xi32, #tpu.memory_space<hbm>>
      %dma_wait3A_801 = arith.constant 0 : i32
      %dma_wait3A_802 = arith.constant 0 : i32
      %dma_wait3A_803 = tpu.memref_slice %arg3[%dma_wait3A_801, %dma_wait3A_802] : memref<2560x128xi32, #tpu.memory_space<hbm>> -> memref<16x128xi32, #tpu.memory_space<hbm>>
      tpu.wait_dma2 semaphore(%arg24 : memref<!tpu.dma_semaphore, #tpu.memory_space<semaphore_mem>>) src(%dma_wait3A_803 : memref<16x128xi32, #tpu.memory_space<hbm>>) dst(%arg13 : memref<16x128xi32, #tpu.memory_space<vmem>>)
      %add3A_804 = arith.constant 1 : i32
      %add3A_805 = arith.addi %add3A_131, %add3A_804 : i32
      %lt3A_806 = arith.constant 5 : i32
      %lt3A_807 = arith.cmpi slt, %add3A_805, %lt3A_806 : i32
      %convert_element_type3A_808 = arith.extui %lt3A_807 : i1 to i32
      %cond3A_809 = arith.constant 0 : i32
      %cond3A_810 = arith.cmpi ne, %convert_element_type3A_808, %cond3A_809 : i32
      scf.if %cond3A_810 {
        %add3A_1448 = arith.constant 2 : i32
        %add3A_1449 = arith.addi %mul3A_133, %add3A_1448 : i32
        %mul3A_1450 = arith.constant 160 : i32
        %mul3A_1451 = arith.muli %arg1, %mul3A_1450 : i32
        %mul3A_1452 = arith.constant 16 : i32
        %mul3A_1453 = arith.muli %add3A_1449, %mul3A_1452 : i32
        %add3A_1454 = arith.addi %mul3A_1451, %mul3A_1453 : i32
        %dma_start3A_1455 = arith.constant 0 : i32
        %dma_start3A_1456 = tpu.memref_slice %arg2[%add3A_1454, %dma_start3A_1455] : memref<2560x128xi32, #tpu.memory_space<hbm>> -> memref<16x128xi32, #tpu.memory_space<hbm>>
        %dma_start3A_1457 = arith.constant 0 : i32
        %dma_start3A_1458 = tpu.memref_slice %arg2[%add3A_1454, %dma_start3A_1457] : memref<2560x128xi32, #tpu.memory_space<hbm>> -> memref<16x128xi32, #tpu.memory_space<hbm>>
        tpu.enqueue_dma source(%dma_start3A_1458 : memref<16x128xi32, #tpu.memory_space<hbm>>) target(%arg10 : memref<16x128xi32, #tpu.memory_space<vmem>>) target_semaphore(%arg23 : memref<!tpu.dma_semaphore, #tpu.memory_space<semaphore_mem>>)
        %dma_start3A_1459 = arith.constant 0 : i32
        %dma_start3A_1460 = tpu.memref_slice %arg3[%add3A_1454, %dma_start3A_1459] : memref<2560x128xi32, #tpu.memory_space<hbm>> -> memref<16x128xi32, #tpu.memory_space<hbm>>
        %dma_start3A_1461 = arith.constant 0 : i32
        %dma_start3A_1462 = tpu.memref_slice %arg3[%add3A_1454, %dma_start3A_1461] : memref<2560x128xi32, #tpu.memory_space<hbm>> -> memref<16x128xi32, #tpu.memory_space<hbm>>
        tpu.enqueue_dma source(%dma_start3A_1462 : memref<16x128xi32, #tpu.memory_space<hbm>>) target(%arg11 : memref<16x128xi32, #tpu.memory_space<vmem>>) target_semaphore(%arg23 : memref<!tpu.dma_semaphore, #tpu.memory_space<semaphore_mem>>)
      } else {
      }
      %add3A_811 = arith.constant 1 : i32
      %add3A_812 = arith.addi %mul3A_133, %add3A_811 : i32
      %eq3A_813 = arith.constant 0 : i32
      %eq3A_814 = arith.cmpi eq, %arg0, %eq3A_813 : i32
      %lt3A_815 = arith.constant 5 : i32
      %lt3A_816 = arith.cmpi slt, %add3A_812, %lt3A_815 : i32
      %and3A_817 = arith.andi %eq3A_814, %lt3A_816 : i1
      %eq3A_818 = arith.constant 1 : i32
      %eq3A_819 = arith.cmpi eq, %arg0, %eq3A_818 : i32
      %ge3A_820 = arith.constant 5 : i32
      %ge3A_821 = arith.cmpi sge, %add3A_812, %ge3A_820 : i32
      %and3A_822 = arith.andi %eq3A_819, %ge3A_821 : i1
      %or3A_823 = arith.ori %and3A_817, %and3A_822 : i1
      %eq3A_824 = arith.constant 0 : i32
      %eq3A_825 = arith.cmpi eq, %arg0, %eq3A_824 : i32
      %convert_element_type3A_826 = arith.extui %eq3A_825 : i1 to i32
      %cond3A_827 = arith.constant 0 : i32
      %cond3A_828 = arith.constant 0 : i32
      %cond3A_829 = arith.cmpi ne, %convert_element_type3A_826, %cond3A_828 : i32
      scf.if %cond3A_829 {
        %dma_start3A_1448 = arith.constant 0 : i32
        %dma_start3A_1449 = tpu.memref_slice %arg12[%cond3A_827, %dma_start3A_1448] : memref<16x128xi32, #tpu.memory_space<vmem>> -> memref<1x128xi32, #tpu.memory_space<vmem>>
        %dma_start3A_1450 = tpu.memref_squeeze %dma_start3A_1449 : memref<1x128xi32, #tpu.memory_space<vmem>> -> memref<128xi32, #tpu.memory_space<vmem>>
        %dma_start3A_1451 = arith.constant 0 : i32
        %dma_start3A_1452 = arith.constant 0 : i32
        %dma_start3A_1453 = tpu.memref_slice %arg4[%dma_start3A_1451, %dma_start3A_1452] : memref<20000x128xf32, #tpu.memory_space<hbm>> -> memref<20000x128xf32, #tpu.memory_space<hbm>>
        tpu.enqueue_indirect_dma source(%dma_start3A_1453 : memref<20000x128xf32, #tpu.memory_space<hbm>>) target(%arg14 : memref<128x128xf32, #tpu.memory_space<vmem>>) offsets(%dma_start3A_1450 : memref<128xi32, #tpu.memory_space<vmem>>) semaphore(%arg19 : memref<!tpu.dma_semaphore, #tpu.memory_space<semaphore_mem>>)
      } else {
      }
      %eq3A_830 = arith.constant 1 : i32
      %eq3A_831 = arith.cmpi eq, %arg0, %eq3A_830 : i32
      %convert_element_type3A_832 = arith.extui %eq3A_831 : i1 to i32
      %cond3A_833 = arith.constant 0 : i32
      %cond3A_834 = arith.constant 0 : i32
      %cond3A_835 = arith.cmpi ne, %convert_element_type3A_832, %cond3A_834 : i32
      scf.if %cond3A_835 {
        %dma_start3A_1448 = arith.constant 0 : i32
        %dma_start3A_1449 = tpu.memref_slice %arg12[%cond3A_833, %dma_start3A_1448] : memref<16x128xi32, #tpu.memory_space<vmem>> -> memref<1x128xi32, #tpu.memory_space<vmem>>
        %dma_start3A_1450 = tpu.memref_squeeze %dma_start3A_1449 : memref<1x128xi32, #tpu.memory_space<vmem>> -> memref<128xi32, #tpu.memory_space<vmem>>
        %dma_start3A_1451 = arith.constant 0 : i32
        %dma_start3A_1452 = arith.constant 0 : i32
        %dma_start3A_1453 = tpu.memref_slice %arg5[%dma_start3A_1451, %dma_start3A_1452] : memref<20000x128xf32, #tpu.memory_space<hbm>> -> memref<20000x128xf32, #tpu.memory_space<hbm>>
        tpu.enqueue_indirect_dma source(%dma_start3A_1453 : memref<20000x128xf32, #tpu.memory_space<hbm>>) target(%arg14 : memref<128x128xf32, #tpu.memory_space<vmem>>) offsets(%dma_start3A_1450 : memref<128xi32, #tpu.memory_space<vmem>>) semaphore(%arg19 : memref<!tpu.dma_semaphore, #tpu.memory_space<semaphore_mem>>)
      } else {
      }
      %eq3A_836 = arith.constant 0 : i32
      %eq3A_837 = arith.cmpi eq, %arg0, %eq3A_836 : i32
      %convert_element_type3A_838 = arith.extui %eq3A_837 : i1 to i32
      %cond3A_839 = arith.constant 1 : i32
      %cond3A_840 = arith.constant 0 : i32
      %cond3A_841 = arith.cmpi ne, %convert_element_type3A_838, %cond3A_840 : i32
      scf.if %cond3A_841 {
        %dma_start3A_1448 = arith.constant 0 : i32
        %dma_start3A_1449 = tpu.memref_slice %arg12[%cond3A_839, %dma_start3A_1448] : memref<16x128xi32, #tpu.memory_space<vmem>> -> memref<1x128xi32, #tpu.memory_space<vmem>>
        %dma_start3A_1450 = tpu.memref_squeeze %dma_start3A_1449 : memref<1x128xi32, #tpu.memory_space<vmem>> -> memref<128xi32, #tpu.memory_space<vmem>>
        %dma_start3A_1451 = arith.constant 0 : i32
        %dma_start3A_1452 = arith.constant 0 : i32
        %dma_start3A_1453 = tpu.memref_slice %arg4[%dma_start3A_1451, %dma_start3A_1452] : memref<20000x128xf32, #tpu.memory_space<hbm>> -> memref<20000x128xf32, #tpu.memory_space<hbm>>
        tpu.enqueue_indirect_dma source(%dma_start3A_1453 : memref<20000x128xf32, #tpu.memory_space<hbm>>) target(%arg15 : memref<128x128xf32, #tpu.memory_space<vmem>>) offsets(%dma_start3A_1450 : memref<128xi32, #tpu.memory_space<vmem>>) semaphore(%arg20 : memref<!tpu.dma_semaphore, #tpu.memory_space<semaphore_mem>>)
      } else {
      }
      %eq3A_842 = arith.constant 1 : i32
      %eq3A_843 = arith.cmpi eq, %arg0, %eq3A_842 : i32
      %convert_element_type3A_844 = arith.extui %eq3A_843 : i1 to i32
      %cond3A_845 = arith.constant 1 : i32
      %cond3A_846 = arith.constant 0 : i32
      %cond3A_847 = arith.cmpi ne, %convert_element_type3A_844, %cond3A_846 : i32
      scf.if %cond3A_847 {
        %dma_start3A_1448 = arith.constant 0 : i32
        %dma_start3A_1449 = tpu.memref_slice %arg12[%cond3A_845, %dma_start3A_1448] : memref<16x128xi32, #tpu.memory_space<vmem>> -> memref<1x128xi32, #tpu.memory_space<vmem>>
        %dma_start3A_1450 = tpu.memref_squeeze %dma_start3A_1449 : memref<1x128xi32, #tpu.memory_space<vmem>> -> memref<128xi32, #tpu.memory_space<vmem>>
        %dma_start3A_1451 = arith.constant 0 : i32
        %dma_start3A_1452 = arith.constant 0 : i32
        %dma_start3A_1453 = tpu.memref_slice %arg5[%dma_start3A_1451, %dma_start3A_1452] : memref<20000x128xf32, #tpu.memory_space<hbm>> -> memref<20000x128xf32, #tpu.memory_space<hbm>>
        tpu.enqueue_indirect_dma source(%dma_start3A_1453 : memref<20000x128xf32, #tpu.memory_space<hbm>>) target(%arg15 : memref<128x128xf32, #tpu.memory_space<vmem>>) offsets(%dma_start3A_1450 : memref<128xi32, #tpu.memory_space<vmem>>) semaphore(%arg20 : memref<!tpu.dma_semaphore, #tpu.memory_space<semaphore_mem>>)
      } else {
      }
      %dma_wait3A_848 = arith.constant 0 : i32
      %dma_wait3A_849 = arith.constant 0 : i32
      %dma_wait3A_850 = tpu.memref_slice %arg12[%dma_wait3A_848, %dma_wait3A_849] : memref<16x128xi32, #tpu.memory_space<vmem>> -> memref<1x128xi32, #tpu.memory_space<vmem>>
      %dma_wait3A_851 = tpu.memref_squeeze %dma_wait3A_850 : memref<1x128xi32, #tpu.memory_space<vmem>> -> memref<128xi32, #tpu.memory_space<vmem>>
      %dma_wait3A_852 = arith.constant 0 : i32
      %dma_wait3A_853 = arith.constant 0 : i32
      %dma_wait3A_854 = tpu.memref_slice %arg4[%dma_wait3A_852, %dma_wait3A_853] : memref<20000x128xf32, #tpu.memory_space<hbm>> -> memref<20000x128xf32, #tpu.memory_space<hbm>>
      tpu.wait_indirect_dma semaphore(%arg19 : memref<!tpu.dma_semaphore, #tpu.memory_space<semaphore_mem>>) src(%dma_wait3A_854 : memref<20000x128xf32, #tpu.memory_space<hbm>>) dst(%arg14 : memref<128x128xf32, #tpu.memory_space<vmem>>)
      %dma_start3A_855 = arith.constant 0 : i32
      %dma_start3A_856 = arith.constant 0 : i32
      %dma_start3A_857 = tpu.memref_slice %arg13[%dma_start3A_855, %dma_start3A_856] : memref<16x128xi32, #tpu.memory_space<vmem>> -> memref<1x128xi32, #tpu.memory_space<vmem>>
      %dma_start3A_858 = tpu.memref_squeeze %dma_start3A_857 : memref<1x128xi32, #tpu.memory_space<vmem>> -> memref<128xi32, #tpu.memory_space<vmem>>
      %dma_start3A_859 = arith.constant 0 : i32
      %dma_start3A_860 = arith.constant 0 : i32
      %dma_start3A_861 = tpu.memref_slice %arg17[%dma_start3A_859, %dma_start3A_860] : memref<10240x128xf32, #tpu.memory_space<vmem_shared>> -> memref<10240x128xf32, #tpu.memory_space<vmem_shared>>
      tpu.enqueue_indirect_dma source(%arg14 : memref<128x128xf32, #tpu.memory_space<vmem>>) target(%dma_start3A_861 : memref<10240x128xf32, #tpu.memory_space<vmem_shared>>) offsets(%dma_start3A_858 : memref<128xi32, #tpu.memory_space<vmem>>) semaphore(%arg21 : memref<!tpu.dma_semaphore, #tpu.memory_space<semaphore_mem>>) {add = true}
      %convert_element_type3A_862 = arith.extui %or3A_823 : i1 to i32
      %cond3A_863 = arith.constant 0 : i32
      %cond3A_864 = arith.cmpi ne, %convert_element_type3A_862, %cond3A_863 : i32
      scf.if %cond3A_864 {
        %dma_start3A_1448 = arith.constant 0 : i32
        %dma_start3A_1449 = arith.constant 0 : i32
        %dma_start3A_1450 = tpu.memref_slice %arg13[%dma_start3A_1448, %dma_start3A_1449] : memref<16x128xi32, #tpu.memory_space<vmem>> -> memref<1x128xi32, #tpu.memory_space<vmem>>
        %dma_start3A_1451 = tpu.memref_squeeze %dma_start3A_1450 : memref<1x128xi32, #tpu.memory_space<vmem>> -> memref<128xi32, #tpu.memory_space<vmem>>
        %dma_start3A_1452 = arith.constant 0 : i32
        %dma_start3A_1453 = arith.constant 0 : i32
        %dma_start3A_1454 = tpu.memref_slice %arg18[%dma_start3A_1452, %dma_start3A_1453] : memref<10240x8xf32, #tpu.memory_space<vmem_shared>> -> memref<10240x8xf32, #tpu.memory_space<vmem_shared>>
        tpu.enqueue_indirect_dma source(%arg16 : memref<128x8xf32, #tpu.memory_space<vmem>>) target(%dma_start3A_1454 : memref<10240x8xf32, #tpu.memory_space<vmem_shared>>) offsets(%dma_start3A_1451 : memref<128xi32, #tpu.memory_space<vmem>>) semaphore(%arg21 : memref<!tpu.dma_semaphore, #tpu.memory_space<semaphore_mem>>) {add = true}
      } else {
      }
      %dma_wait3A_865 = arith.constant 0 : i32
      %dma_wait3A_866 = arith.constant 0 : i32
      %dma_wait3A_867 = tpu.memref_slice %arg13[%dma_wait3A_865, %dma_wait3A_866] : memref<16x128xi32, #tpu.memory_space<vmem>> -> memref<1x128xi32, #tpu.memory_space<vmem>>
      %dma_wait3A_868 = tpu.memref_squeeze %dma_wait3A_867 : memref<1x128xi32, #tpu.memory_space<vmem>> -> memref<128xi32, #tpu.memory_space<vmem>>
      %dma_wait3A_869 = arith.constant 0 : i32
      %dma_wait3A_870 = arith.constant 0 : i32
      %dma_wait3A_871 = tpu.memref_slice %arg17[%dma_wait3A_869, %dma_wait3A_870] : memref<10240x128xf32, #tpu.memory_space<vmem_shared>> -> memref<10240x128xf32, #tpu.memory_space<vmem_shared>>
      tpu.wait_indirect_dma semaphore(%arg21 : memref<!tpu.dma_semaphore, #tpu.memory_space<semaphore_mem>>) src(%arg14 : memref<128x128xf32, #tpu.memory_space<vmem>>) dst(%dma_wait3A_871 : memref<10240x128xf32, #tpu.memory_space<vmem_shared>>)
      %convert_element_type3A_872 = arith.extui %or3A_823 : i1 to i32
      %cond3A_873 = arith.constant 0 : i32
      %cond3A_874 = arith.cmpi ne, %convert_element_type3A_872, %cond3A_873 : i32
      scf.if %cond3A_874 {
        %dma_wait3A_1448 = arith.constant 0 : i32
        %dma_wait3A_1449 = arith.constant 0 : i32
        %dma_wait3A_1450 = tpu.memref_slice %arg13[%dma_wait3A_1448, %dma_wait3A_1449] : memref<16x128xi32, #tpu.memory_space<vmem>> -> memref<1x128xi32, #tpu.memory_space<vmem>>
        %dma_wait3A_1451 = tpu.memref_squeeze %dma_wait3A_1450 : memref<1x128xi32, #tpu.memory_space<vmem>> -> memref<128xi32, #tpu.memory_space<vmem>>
        %dma_wait3A_1452 = arith.constant 0 : i32
        %dma_wait3A_1453 = arith.constant 0 : i32
        %dma_wait3A_1454 = tpu.memref_slice %arg18[%dma_wait3A_1452, %dma_wait3A_1453] : memref<10240x8xf32, #tpu.memory_space<vmem_shared>> -> memref<10240x8xf32, #tpu.memory_space<vmem_shared>>
        tpu.wait_indirect_dma semaphore(%arg21 : memref<!tpu.dma_semaphore, #tpu.memory_space<semaphore_mem>>) src(%arg16 : memref<128x8xf32, #tpu.memory_space<vmem>>) dst(%dma_wait3A_1454 : memref<10240x8xf32, #tpu.memory_space<vmem_shared>>)
      } else {
      }
      %eq3A_875 = arith.constant 0 : i32
      %eq3A_876 = arith.cmpi eq, %arg0, %eq3A_875 : i32
      %convert_element_type3A_877 = arith.extui %eq3A_876 : i1 to i32
      %cond3A_878 = arith.constant 2 : i32
      %cond3A_879 = arith.constant 0 : i32
      %cond3A_880 = arith.cmpi ne, %convert_element_type3A_877, %cond3A_879 : i32
      scf.if %cond3A_880 {
        %dma_start3A_1448 = arith.constant 0 : i32
        %dma_start3A_1449 = tpu.memref_slice %arg12[%cond3A_878, %dma_start3A_1448] : memref<16x128xi32, #tpu.memory_space<vmem>> -> memref<1x128xi32, #tpu.memory_space<vmem>>
        %dma_start3A_1450 = tpu.memref_squeeze %dma_start3A_1449 : memref<1x128xi32, #tpu.memory_space<vmem>> -> memref<128xi32, #tpu.memory_space<vmem>>
        %dma_start3A_1451 = arith.constant 0 : i32
        %dma_start3A_1452 = arith.constant 0 : i32
        %dma_start3A_1453 = tpu.memref_slice %arg4[%dma_start3A_1451, %dma_start3A_1452] : memref<20000x128xf32, #tpu.memory_space<hbm>> -> memref<20000x128xf32, #tpu.memory_space<hbm>>
        tpu.enqueue_indirect_dma source(%dma_start3A_1453 : memref<20000x128xf32, #tpu.memory_space<hbm>>) target(%arg14 : memref<128x128xf32, #tpu.memory_space<vmem>>) offsets(%dma_start3A_1450 : memref<128xi32, #tpu.memory_space<vmem>>) semaphore(%arg19 : memref<!tpu.dma_semaphore, #tpu.memory_space<semaphore_mem>>)
      } else {
      }
      %eq3A_881 = arith.constant 1 : i32
      %eq3A_882 = arith.cmpi eq, %arg0, %eq3A_881 : i32
      %convert_element_type3A_883 = arith.extui %eq3A_882 : i1 to i32
      %cond3A_884 = arith.constant 2 : i32
      %cond3A_885 = arith.constant 0 : i32
      %cond3A_886 = arith.cmpi ne, %convert_element_type3A_883, %cond3A_885 : i32
      scf.if %cond3A_886 {
        %dma_start3A_1448 = arith.constant 0 : i32
        %dma_start3A_1449 = tpu.memref_slice %arg12[%cond3A_884, %dma_start3A_1448] : memref<16x128xi32, #tpu.memory_space<vmem>> -> memref<1x128xi32, #tpu.memory_space<vmem>>
        %dma_start3A_1450 = tpu.memref_squeeze %dma_start3A_1449 : memref<1x128xi32, #tpu.memory_space<vmem>> -> memref<128xi32, #tpu.memory_space<vmem>>
        %dma_start3A_1451 = arith.constant 0 : i32
        %dma_start3A_1452 = arith.constant 0 : i32
        %dma_start3A_1453 = tpu.memref_slice %arg5[%dma_start3A_1451, %dma_start3A_1452] : memref<20000x128xf32, #tpu.memory_space<hbm>> -> memref<20000x128xf32, #tpu.memory_space<hbm>>
        tpu.enqueue_indirect_dma source(%dma_start3A_1453 : memref<20000x128xf32, #tpu.memory_space<hbm>>) target(%arg14 : memref<128x128xf32, #tpu.memory_space<vmem>>) offsets(%dma_start3A_1450 : memref<128xi32, #tpu.memory_space<vmem>>) semaphore(%arg19 : memref<!tpu.dma_semaphore, #tpu.memory_space<semaphore_mem>>)
      } else {
      }
      %dma_wait3A_887 = arith.constant 0 : i32
      %dma_wait3A_888 = arith.constant 0 : i32
      %dma_wait3A_889 = tpu.memref_slice %arg12[%dma_wait3A_887, %dma_wait3A_888] : memref<16x128xi32, #tpu.memory_space<vmem>> -> memref<1x128xi32, #tpu.memory_space<vmem>>
      %dma_wait3A_890 = tpu.memref_squeeze %dma_wait3A_889 : memref<1x128xi32, #tpu.memory_space<vmem>> -> memref<128xi32, #tpu.memory_space<vmem>>
      %dma_wait3A_891 = arith.constant 0 : i32
      %dma_wait3A_892 = arith.constant 0 : i32
      %dma_wait3A_893 = tpu.memref_slice %arg4[%dma_wait3A_891, %dma_wait3A_892] : memref<20000x128xf32, #tpu.memory_space<hbm>> -> memref<20000x128xf32, #tpu.memory_space<hbm>>
      tpu.wait_indirect_dma semaphore(%arg20 : memref<!tpu.dma_semaphore, #tpu.memory_space<semaphore_mem>>) src(%dma_wait3A_893 : memref<20000x128xf32, #tpu.memory_space<hbm>>) dst(%arg15 : memref<128x128xf32, #tpu.memory_space<vmem>>)
      %dma_start3A_894 = arith.constant 1 : i32
      %dma_start3A_895 = arith.constant 0 : i32
      %dma_start3A_896 = tpu.memref_slice %arg13[%dma_start3A_894, %dma_start3A_895] : memref<16x128xi32, #tpu.memory_space<vmem>> -> memref<1x128xi32, #tpu.memory_space<vmem>>
      %dma_start3A_897 = tpu.memref_squeeze %dma_start3A_896 : memref<1x128xi32, #tpu.memory_space<vmem>> -> memref<128xi32, #tpu.memory_space<vmem>>
      %dma_start3A_898 = arith.constant 0 : i32
      %dma_start3A_899 = arith.constant 0 : i32
      %dma_start3A_900 = tpu.memref_slice %arg17[%dma_start3A_898, %dma_start3A_899] : memref<10240x128xf32, #tpu.memory_space<vmem_shared>> -> memref<10240x128xf32, #tpu.memory_space<vmem_shared>>
      tpu.enqueue_indirect_dma source(%arg15 : memref<128x128xf32, #tpu.memory_space<vmem>>) target(%dma_start3A_900 : memref<10240x128xf32, #tpu.memory_space<vmem_shared>>) offsets(%dma_start3A_897 : memref<128xi32, #tpu.memory_space<vmem>>) semaphore(%arg22 : memref<!tpu.dma_semaphore, #tpu.memory_space<semaphore_mem>>) {add = true}
      %convert_element_type3A_901 = arith.extui %or3A_823 : i1 to i32
      %cond3A_902 = arith.constant 0 : i32
      %cond3A_903 = arith.cmpi ne, %convert_element_type3A_901, %cond3A_902 : i32
      scf.if %cond3A_903 {
        %dma_start3A_1448 = arith.constant 1 : i32
        %dma_start3A_1449 = arith.constant 0 : i32
        %dma_start3A_1450 = tpu.memref_slice %arg13[%dma_start3A_1448, %dma_start3A_1449] : memref<16x128xi32, #tpu.memory_space<vmem>> -> memref<1x128xi32, #tpu.memory_space<vmem>>
        %dma_start3A_1451 = tpu.memref_squeeze %dma_start3A_1450 : memref<1x128xi32, #tpu.memory_space<vmem>> -> memref<128xi32, #tpu.memory_space<vmem>>
        %dma_start3A_1452 = arith.constant 0 : i32
        %dma_start3A_1453 = arith.constant 0 : i32
        %dma_start3A_1454 = tpu.memref_slice %arg18[%dma_start3A_1452, %dma_start3A_1453] : memref<10240x8xf32, #tpu.memory_space<vmem_shared>> -> memref<10240x8xf32, #tpu.memory_space<vmem_shared>>
        tpu.enqueue_indirect_dma source(%arg16 : memref<128x8xf32, #tpu.memory_space<vmem>>) target(%dma_start3A_1454 : memref<10240x8xf32, #tpu.memory_space<vmem_shared>>) offsets(%dma_start3A_1451 : memref<128xi32, #tpu.memory_space<vmem>>) semaphore(%arg22 : memref<!tpu.dma_semaphore, #tpu.memory_space<semaphore_mem>>) {add = true}
      } else {
      }
      %dma_wait3A_904 = arith.constant 0 : i32
      %dma_wait3A_905 = arith.constant 0 : i32
      %dma_wait3A_906 = tpu.memref_slice %arg13[%dma_wait3A_904, %dma_wait3A_905] : memref<16x128xi32, #tpu.memory_space<vmem>> -> memref<1x128xi32, #tpu.memory_space<vmem>>
      %dma_wait3A_907 = tpu.memref_squeeze %dma_wait3A_906 : memref<1x128xi32, #tpu.memory_space<vmem>> -> memref<128xi32, #tpu.memory_space<vmem>>
      %dma_wait3A_908 = arith.constant 0 : i32
      %dma_wait3A_909 = arith.constant 0 : i32
      %dma_wait3A_910 = tpu.memref_slice %arg17[%dma_wait3A_908, %dma_wait3A_909] : memref<10240x128xf32, #tpu.memory_space<vmem_shared>> -> memref<10240x128xf32, #tpu.memory_space<vmem_shared>>
      tpu.wait_indirect_dma semaphore(%arg22 : memref<!tpu.dma_semaphore, #tpu.memory_space<semaphore_mem>>) src(%arg15 : memref<128x128xf32, #tpu.memory_space<vmem>>) dst(%dma_wait3A_910 : memref<10240x128xf32, #tpu.memory_space<vmem_shared>>)
      %convert_element_type3A_911 = arith.extui %or3A_823 : i1 to i32
      %cond3A_912 = arith.constant 0 : i32
      %cond3A_913 = arith.cmpi ne, %convert_element_type3A_911, %cond3A_912 : i32
      scf.if %cond3A_913 {
        %dma_wait3A_1448 = arith.constant 0 : i32
        %dma_wait3A_1449 = arith.constant 0 : i32
        %dma_wait3A_1450 = tpu.memref_slice %arg13[%dma_wait3A_1448, %dma_wait3A_1449] : memref<16x128xi32, #tpu.memory_space<vmem>> -> memref<1x128xi32, #tpu.memory_space<vmem>>
        %dma_wait3A_1451 = tpu.memref_squeeze %dma_wait3A_1450 : memref<1x128xi32, #tpu.memory_space<vmem>> -> memref<128xi32, #tpu.memory_space<vmem>>
        %dma_wait3A_1452 = arith.constant 0 : i32
        %dma_wait3A_1453 = arith.constant 0 : i32
        %dma_wait3A_1454 = tpu.memref_slice %arg18[%dma_wait3A_1452, %dma_wait3A_1453] : memref<10240x8xf32, #tpu.memory_space<vmem_shared>> -> memref<10240x8xf32, #tpu.memory_space<vmem_shared>>
        tpu.wait_indirect_dma semaphore(%arg22 : memref<!tpu.dma_semaphore, #tpu.memory_space<semaphore_mem>>) src(%arg16 : memref<128x8xf32, #tpu.memory_space<vmem>>) dst(%dma_wait3A_1454 : memref<10240x8xf32, #tpu.memory_space<vmem_shared>>)
      } else {
      }
      %eq3A_914 = arith.constant 0 : i32
      %eq3A_915 = arith.cmpi eq, %arg0, %eq3A_914 : i32
      %convert_element_type3A_916 = arith.extui %eq3A_915 : i1 to i32
      %cond3A_917 = arith.constant 3 : i32
      %cond3A_918 = arith.constant 0 : i32
      %cond3A_919 = arith.cmpi ne, %convert_element_type3A_916, %cond3A_918 : i32
      scf.if %cond3A_919 {
        %dma_start3A_1448 = arith.constant 0 : i32
        %dma_start3A_1449 = tpu.memref_slice %arg12[%cond3A_917, %dma_start3A_1448] : memref<16x128xi32, #tpu.memory_space<vmem>> -> memref<1x128xi32, #tpu.memory_space<vmem>>
        %dma_start3A_1450 = tpu.memref_squeeze %dma_start3A_1449 : memref<1x128xi32, #tpu.memory_space<vmem>> -> memref<128xi32, #tpu.memory_space<vmem>>
        %dma_start3A_1451 = arith.constant 0 : i32
        %dma_start3A_1452 = arith.constant 0 : i32
        %dma_start3A_1453 = tpu.memref_slice %arg4[%dma_start3A_1451, %dma_start3A_1452] : memref<20000x128xf32, #tpu.memory_space<hbm>> -> memref<20000x128xf32, #tpu.memory_space<hbm>>
        tpu.enqueue_indirect_dma source(%dma_start3A_1453 : memref<20000x128xf32, #tpu.memory_space<hbm>>) target(%arg15 : memref<128x128xf32, #tpu.memory_space<vmem>>) offsets(%dma_start3A_1450 : memref<128xi32, #tpu.memory_space<vmem>>) semaphore(%arg20 : memref<!tpu.dma_semaphore, #tpu.memory_space<semaphore_mem>>)
      } else {
      }
      %eq3A_920 = arith.constant 1 : i32
      %eq3A_921 = arith.cmpi eq, %arg0, %eq3A_920 : i32
      %convert_element_type3A_922 = arith.extui %eq3A_921 : i1 to i32
      %cond3A_923 = arith.constant 3 : i32
      %cond3A_924 = arith.constant 0 : i32
      %cond3A_925 = arith.cmpi ne, %convert_element_type3A_922, %cond3A_924 : i32
      scf.if %cond3A_925 {
        %dma_start3A_1448 = arith.constant 0 : i32
        %dma_start3A_1449 = tpu.memref_slice %arg12[%cond3A_923, %dma_start3A_1448] : memref<16x128xi32, #tpu.memory_space<vmem>> -> memref<1x128xi32, #tpu.memory_space<vmem>>
        %dma_start3A_1450 = tpu.memref_squeeze %dma_start3A_1449 : memref<1x128xi32, #tpu.memory_space<vmem>> -> memref<128xi32, #tpu.memory_space<vmem>>
        %dma_start3A_1451 = arith.constant 0 : i32
        %dma_start3A_1452 = arith.constant 0 : i32
        %dma_start3A_1453 = tpu.memref_slice %arg5[%dma_start3A_1451, %dma_start3A_1452] : memref<20000x128xf32, #tpu.memory_space<hbm>> -> memref<20000x128xf32, #tpu.memory_space<hbm>>
        tpu.enqueue_indirect_dma source(%dma_start3A_1453 : memref<20000x128xf32, #tpu.memory_space<hbm>>) target(%arg15 : memref<128x128xf32, #tpu.memory_space<vmem>>) offsets(%dma_start3A_1450 : memref<128xi32, #tpu.memory_space<vmem>>) semaphore(%arg20 : memref<!tpu.dma_semaphore, #tpu.memory_space<semaphore_mem>>)
      } else {
      }
      %dma_wait3A_926 = arith.constant 0 : i32
      %dma_wait3A_927 = arith.constant 0 : i32
      %dma_wait3A_928 = tpu.memref_slice %arg12[%dma_wait3A_926, %dma_wait3A_927] : memref<16x128xi32, #tpu.memory_space<vmem>> -> memref<1x128xi32, #tpu.memory_space<vmem>>
      %dma_wait3A_929 = tpu.memref_squeeze %dma_wait3A_928 : memref<1x128xi32, #tpu.memory_space<vmem>> -> memref<128xi32, #tpu.memory_space<vmem>>
      %dma_wait3A_930 = arith.constant 0 : i32
      %dma_wait3A_931 = arith.constant 0 : i32
      %dma_wait3A_932 = tpu.memref_slice %arg4[%dma_wait3A_930, %dma_wait3A_931] : memref<20000x128xf32, #tpu.memory_space<hbm>> -> memref<20000x128xf32, #tpu.memory_space<hbm>>
      tpu.wait_indirect_dma semaphore(%arg19 : memref<!tpu.dma_semaphore, #tpu.memory_space<semaphore_mem>>) src(%dma_wait3A_932 : memref<20000x128xf32, #tpu.memory_space<hbm>>) dst(%arg14 : memref<128x128xf32, #tpu.memory_space<vmem>>)
      %dma_start3A_933 = arith.constant 2 : i32
      %dma_start3A_934 = arith.constant 0 : i32
      %dma_start3A_935 = tpu.memref_slice %arg13[%dma_start3A_933, %dma_start3A_934] : memref<16x128xi32, #tpu.memory_space<vmem>> -> memref<1x128xi32, #tpu.memory_space<vmem>>
      %dma_start3A_936 = tpu.memref_squeeze %dma_start3A_935 : memref<1x128xi32, #tpu.memory_space<vmem>> -> memref<128xi32, #tpu.memory_space<vmem>>
      %dma_start3A_937 = arith.constant 0 : i32
      %dma_start3A_938 = arith.constant 0 : i32
      %dma_start3A_939 = tpu.memref_slice %arg17[%dma_start3A_937, %dma_start3A_938] : memref<10240x128xf32, #tpu.memory_space<vmem_shared>> -> memref<10240x128xf32, #tpu.memory_space<vmem_shared>>
      tpu.enqueue_indirect_dma source(%arg14 : memref<128x128xf32, #tpu.memory_space<vmem>>) target(%dma_start3A_939 : memref<10240x128xf32, #tpu.memory_space<vmem_shared>>) offsets(%dma_start3A_936 : memref<128xi32, #tpu.memory_space<vmem>>) semaphore(%arg21 : memref<!tpu.dma_semaphore, #tpu.memory_space<semaphore_mem>>) {add = true}
      %convert_element_type3A_940 = arith.extui %or3A_823 : i1 to i32
      %cond3A_941 = arith.constant 0 : i32
      %cond3A_942 = arith.cmpi ne, %convert_element_type3A_940, %cond3A_941 : i32
      scf.if %cond3A_942 {
        %dma_start3A_1448 = arith.constant 2 : i32
        %dma_start3A_1449 = arith.constant 0 : i32
        %dma_start3A_1450 = tpu.memref_slice %arg13[%dma_start3A_1448, %dma_start3A_1449] : memref<16x128xi32, #tpu.memory_space<vmem>> -> memref<1x128xi32, #tpu.memory_space<vmem>>
        %dma_start3A_1451 = tpu.memref_squeeze %dma_start3A_1450 : memref<1x128xi32, #tpu.memory_space<vmem>> -> memref<128xi32, #tpu.memory_space<vmem>>
        %dma_start3A_1452 = arith.constant 0 : i32
        %dma_start3A_1453 = arith.constant 0 : i32
        %dma_start3A_1454 = tpu.memref_slice %arg18[%dma_start3A_1452, %dma_start3A_1453] : memref<10240x8xf32, #tpu.memory_space<vmem_shared>> -> memref<10240x8xf32, #tpu.memory_space<vmem_shared>>
        tpu.enqueue_indirect_dma source(%arg16 : memref<128x8xf32, #tpu.memory_space<vmem>>) target(%dma_start3A_1454 : memref<10240x8xf32, #tpu.memory_space<vmem_shared>>) offsets(%dma_start3A_1451 : memref<128xi32, #tpu.memory_space<vmem>>) semaphore(%arg21 : memref<!tpu.dma_semaphore, #tpu.memory_space<semaphore_mem>>) {add = true}
      } else {
      }
      %dma_wait3A_943 = arith.constant 0 : i32
      %dma_wait3A_944 = arith.constant 0 : i32
      %dma_wait3A_945 = tpu.memref_slice %arg13[%dma_wait3A_943, %dma_wait3A_944] : memref<16x128xi32, #tpu.memory_space<vmem>> -> memref<1x128xi32, #tpu.memory_space<vmem>>
      %dma_wait3A_946 = tpu.memref_squeeze %dma_wait3A_945 : memref<1x128xi32, #tpu.memory_space<vmem>> -> memref<128xi32, #tpu.memory_space<vmem>>
      %dma_wait3A_947 = arith.constant 0 : i32
      %dma_wait3A_948 = arith.constant 0 : i32
      %dma_wait3A_949 = tpu.memref_slice %arg17[%dma_wait3A_947, %dma_wait3A_948] : memref<10240x128xf32, #tpu.memory_space<vmem_shared>> -> memref<10240x128xf32, #tpu.memory_space<vmem_shared>>
      tpu.wait_indirect_dma semaphore(%arg21 : memref<!tpu.dma_semaphore, #tpu.memory_space<semaphore_mem>>) src(%arg14 : memref<128x128xf32, #tpu.memory_space<vmem>>) dst(%dma_wait3A_949 : memref<10240x128xf32, #tpu.memory_space<vmem_shared>>)
      %convert_element_type3A_950 = arith.extui %or3A_823 : i1 to i32
      %cond3A_951 = arith.constant 0 : i32
      %cond3A_952 = arith.cmpi ne, %convert_element_type3A_950, %cond3A_951 : i32
      scf.if %cond3A_952 {
        %dma_wait3A_1448 = arith.constant 0 : i32
        %dma_wait3A_1449 = arith.constant 0 : i32
        %dma_wait3A_1450 = tpu.memref_slice %arg13[%dma_wait3A_1448, %dma_wait3A_1449] : memref<16x128xi32, #tpu.memory_space<vmem>> -> memref<1x128xi32, #tpu.memory_space<vmem>>
        %dma_wait3A_1451 = tpu.memref_squeeze %dma_wait3A_1450 : memref<1x128xi32, #tpu.memory_space<vmem>> -> memref<128xi32, #tpu.memory_space<vmem>>
        %dma_wait3A_1452 = arith.constant 0 : i32
        %dma_wait3A_1453 = arith.constant 0 : i32
        %dma_wait3A_1454 = tpu.memref_slice %arg18[%dma_wait3A_1452, %dma_wait3A_1453] : memref<10240x8xf32, #tpu.memory_space<vmem_shared>> -> memref<10240x8xf32, #tpu.memory_space<vmem_shared>>
        tpu.wait_indirect_dma semaphore(%arg21 : memref<!tpu.dma_semaphore, #tpu.memory_space<semaphore_mem>>) src(%arg16 : memref<128x8xf32, #tpu.memory_space<vmem>>) dst(%dma_wait3A_1454 : memref<10240x8xf32, #tpu.memory_space<vmem_shared>>)
      } else {
      }
      %eq3A_953 = arith.constant 0 : i32
      %eq3A_954 = arith.cmpi eq, %arg0, %eq3A_953 : i32
      %convert_element_type3A_955 = arith.extui %eq3A_954 : i1 to i32
      %cond3A_956 = arith.constant 4 : i32
      %cond3A_957 = arith.constant 0 : i32
      %cond3A_958 = arith.cmpi ne, %convert_element_type3A_955, %cond3A_957 : i32
      scf.if %cond3A_958 {
        %dma_start3A_1448 = arith.constant 0 : i32
        %dma_start3A_1449 = tpu.memref_slice %arg12[%cond3A_956, %dma_start3A_1448] : memref<16x128xi32, #tpu.memory_space<vmem>> -> memref<1x128xi32, #tpu.memory_space<vmem>>
        %dma_start3A_1450 = tpu.memref_squeeze %dma_start3A_1449 : memref<1x128xi32, #tpu.memory_space<vmem>> -> memref<128xi32, #tpu.memory_space<vmem>>
        %dma_start3A_1451 = arith.constant 0 : i32
        %dma_start3A_1452 = arith.constant 0 : i32
        %dma_start3A_1453 = tpu.memref_slice %arg4[%dma_start3A_1451, %dma_start3A_1452] : memref<20000x128xf32, #tpu.memory_space<hbm>> -> memref<20000x128xf32, #tpu.memory_space<hbm>>
        tpu.enqueue_indirect_dma source(%dma_start3A_1453 : memref<20000x128xf32, #tpu.memory_space<hbm>>) target(%arg14 : memref<128x128xf32, #tpu.memory_space<vmem>>) offsets(%dma_start3A_1450 : memref<128xi32, #tpu.memory_space<vmem>>) semaphore(%arg19 : memref<!tpu.dma_semaphore, #tpu.memory_space<semaphore_mem>>)
      } else {
      }
      %eq3A_959 = arith.constant 1 : i32
      %eq3A_960 = arith.cmpi eq, %arg0, %eq3A_959 : i32
      %convert_element_type3A_961 = arith.extui %eq3A_960 : i1 to i32
      %cond3A_962 = arith.constant 4 : i32
      %cond3A_963 = arith.constant 0 : i32
      %cond3A_964 = arith.cmpi ne, %convert_element_type3A_961, %cond3A_963 : i32
      scf.if %cond3A_964 {
        %dma_start3A_1448 = arith.constant 0 : i32
        %dma_start3A_1449 = tpu.memref_slice %arg12[%cond3A_962, %dma_start3A_1448] : memref<16x128xi32, #tpu.memory_space<vmem>> -> memref<1x128xi32, #tpu.memory_space<vmem>>
        %dma_start3A_1450 = tpu.memref_squeeze %dma_start3A_1449 : memref<1x128xi32, #tpu.memory_space<vmem>> -> memref<128xi32, #tpu.memory_space<vmem>>
        %dma_start3A_1451 = arith.constant 0 : i32
        %dma_start3A_1452 = arith.constant 0 : i32
        %dma_start3A_1453 = tpu.memref_slice %arg5[%dma_start3A_1451, %dma_start3A_1452] : memref<20000x128xf32, #tpu.memory_space<hbm>> -> memref<20000x128xf32, #tpu.memory_space<hbm>>
        tpu.enqueue_indirect_dma source(%dma_start3A_1453 : memref<20000x128xf32, #tpu.memory_space<hbm>>) target(%arg14 : memref<128x128xf32, #tpu.memory_space<vmem>>) offsets(%dma_start3A_1450 : memref<128xi32, #tpu.memory_space<vmem>>) semaphore(%arg19 : memref<!tpu.dma_semaphore, #tpu.memory_space<semaphore_mem>>)
      } else {
      }
      %dma_wait3A_965 = arith.constant 0 : i32
      %dma_wait3A_966 = arith.constant 0 : i32
      %dma_wait3A_967 = tpu.memref_slice %arg12[%dma_wait3A_965, %dma_wait3A_966] : memref<16x128xi32, #tpu.memory_space<vmem>> -> memref<1x128xi32, #tpu.memory_space<vmem>>
      %dma_wait3A_968 = tpu.memref_squeeze %dma_wait3A_967 : memref<1x128xi32, #tpu.memory_space<vmem>> -> memref<128xi32, #tpu.memory_space<vmem>>
      %dma_wait3A_969 = arith.constant 0 : i32
      %dma_wait3A_970 = arith.constant 0 : i32
      %dma_wait3A_971 = tpu.memref_slice %arg4[%dma_wait3A_969, %dma_wait3A_970] : memref<20000x128xf32, #tpu.memory_space<hbm>> -> memref<20000x128xf32, #tpu.memory_space<hbm>>
      tpu.wait_indirect_dma semaphore(%arg20 : memref<!tpu.dma_semaphore, #tpu.memory_space<semaphore_mem>>) src(%dma_wait3A_971 : memref<20000x128xf32, #tpu.memory_space<hbm>>) dst(%arg15 : memref<128x128xf32, #tpu.memory_space<vmem>>)
      %dma_start3A_972 = arith.constant 3 : i32
      %dma_start3A_973 = arith.constant 0 : i32
      %dma_start3A_974 = tpu.memref_slice %arg13[%dma_start3A_972, %dma_start3A_973] : memref<16x128xi32, #tpu.memory_space<vmem>> -> memref<1x128xi32, #tpu.memory_space<vmem>>
      %dma_start3A_975 = tpu.memref_squeeze %dma_start3A_974 : memref<1x128xi32, #tpu.memory_space<vmem>> -> memref<128xi32, #tpu.memory_space<vmem>>
      %dma_start3A_976 = arith.constant 0 : i32
      %dma_start3A_977 = arith.constant 0 : i32
      %dma_start3A_978 = tpu.memref_slice %arg17[%dma_start3A_976, %dma_start3A_977] : memref<10240x128xf32, #tpu.memory_space<vmem_shared>> -> memref<10240x128xf32, #tpu.memory_space<vmem_shared>>
      tpu.enqueue_indirect_dma source(%arg15 : memref<128x128xf32, #tpu.memory_space<vmem>>) target(%dma_start3A_978 : memref<10240x128xf32, #tpu.memory_space<vmem_shared>>) offsets(%dma_start3A_975 : memref<128xi32, #tpu.memory_space<vmem>>) semaphore(%arg22 : memref<!tpu.dma_semaphore, #tpu.memory_space<semaphore_mem>>) {add = true}
      %convert_element_type3A_979 = arith.extui %or3A_823 : i1 to i32
      %cond3A_980 = arith.constant 0 : i32
      %cond3A_981 = arith.cmpi ne, %convert_element_type3A_979, %cond3A_980 : i32
      scf.if %cond3A_981 {
        %dma_start3A_1448 = arith.constant 3 : i32
        %dma_start3A_1449 = arith.constant 0 : i32
        %dma_start3A_1450 = tpu.memref_slice %arg13[%dma_start3A_1448, %dma_start3A_1449] : memref<16x128xi32, #tpu.memory_space<vmem>> -> memref<1x128xi32, #tpu.memory_space<vmem>>
        %dma_start3A_1451 = tpu.memref_squeeze %dma_start3A_1450 : memref<1x128xi32, #tpu.memory_space<vmem>> -> memref<128xi32, #tpu.memory_space<vmem>>
        %dma_start3A_1452 = arith.constant 0 : i32
        %dma_start3A_1453 = arith.constant 0 : i32
        %dma_start3A_1454 = tpu.memref_slice %arg18[%dma_start3A_1452, %dma_start3A_1453] : memref<10240x8xf32, #tpu.memory_space<vmem_shared>> -> memref<10240x8xf32, #tpu.memory_space<vmem_shared>>
        tpu.enqueue_indirect_dma source(%arg16 : memref<128x8xf32, #tpu.memory_space<vmem>>) target(%dma_start3A_1454 : memref<10240x8xf32, #tpu.memory_space<vmem_shared>>) offsets(%dma_start3A_1451 : memref<128xi32, #tpu.memory_space<vmem>>) semaphore(%arg22 : memref<!tpu.dma_semaphore, #tpu.memory_space<semaphore_mem>>) {add = true}
      } else {
      }
      %dma_wait3A_982 = arith.constant 0 : i32
      %dma_wait3A_983 = arith.constant 0 : i32
      %dma_wait3A_984 = tpu.memref_slice %arg13[%dma_wait3A_982, %dma_wait3A_983] : memref<16x128xi32, #tpu.memory_space<vmem>> -> memref<1x128xi32, #tpu.memory_space<vmem>>
      %dma_wait3A_985 = tpu.memref_squeeze %dma_wait3A_984 : memref<1x128xi32, #tpu.memory_space<vmem>> -> memref<128xi32, #tpu.memory_space<vmem>>
      %dma_wait3A_986 = arith.constant 0 : i32
      %dma_wait3A_987 = arith.constant 0 : i32
      %dma_wait3A_988 = tpu.memref_slice %arg17[%dma_wait3A_986, %dma_wait3A_987] : memref<10240x128xf32, #tpu.memory_space<vmem_shared>> -> memref<10240x128xf32, #tpu.memory_space<vmem_shared>>
      tpu.wait_indirect_dma semaphore(%arg22 : memref<!tpu.dma_semaphore, #tpu.memory_space<semaphore_mem>>) src(%arg15 : memref<128x128xf32, #tpu.memory_space<vmem>>) dst(%dma_wait3A_988 : memref<10240x128xf32, #tpu.memory_space<vmem_shared>>)
      %convert_element_type3A_989 = arith.extui %or3A_823 : i1 to i32
      %cond3A_990 = arith.constant 0 : i32
      %cond3A_991 = arith.cmpi ne, %convert_element_type3A_989, %cond3A_990 : i32
      scf.if %cond3A_991 {
        %dma_wait3A_1448 = arith.constant 0 : i32
        %dma_wait3A_1449 = arith.constant 0 : i32
        %dma_wait3A_1450 = tpu.memref_slice %arg13[%dma_wait3A_1448, %dma_wait3A_1449] : memref<16x128xi32, #tpu.memory_space<vmem>> -> memref<1x128xi32, #tpu.memory_space<vmem>>
        %dma_wait3A_1451 = tpu.memref_squeeze %dma_wait3A_1450 : memref<1x128xi32, #tpu.memory_space<vmem>> -> memref<128xi32, #tpu.memory_space<vmem>>
        %dma_wait3A_1452 = arith.constant 0 : i32
        %dma_wait3A_1453 = arith.constant 0 : i32
        %dma_wait3A_1454 = tpu.memref_slice %arg18[%dma_wait3A_1452, %dma_wait3A_1453] : memref<10240x8xf32, #tpu.memory_space<vmem_shared>> -> memref<10240x8xf32, #tpu.memory_space<vmem_shared>>
        tpu.wait_indirect_dma semaphore(%arg22 : memref<!tpu.dma_semaphore, #tpu.memory_space<semaphore_mem>>) src(%arg16 : memref<128x8xf32, #tpu.memory_space<vmem>>) dst(%dma_wait3A_1454 : memref<10240x8xf32, #tpu.memory_space<vmem_shared>>)
      } else {
      }
      %eq3A_992 = arith.constant 0 : i32
      %eq3A_993 = arith.cmpi eq, %arg0, %eq3A_992 : i32
      %convert_element_type3A_994 = arith.extui %eq3A_993 : i1 to i32
      %cond3A_995 = arith.constant 5 : i32
      %cond3A_996 = arith.constant 0 : i32
      %cond3A_997 = arith.cmpi ne, %convert_element_type3A_994, %cond3A_996 : i32
      scf.if %cond3A_997 {
        %dma_start3A_1448 = arith.constant 0 : i32
        %dma_start3A_1449 = tpu.memref_slice %arg12[%cond3A_995, %dma_start3A_1448] : memref<16x128xi32, #tpu.memory_space<vmem>> -> memref<1x128xi32, #tpu.memory_space<vmem>>
        %dma_start3A_1450 = tpu.memref_squeeze %dma_start3A_1449 : memref<1x128xi32, #tpu.memory_space<vmem>> -> memref<128xi32, #tpu.memory_space<vmem>>
        %dma_start3A_1451 = arith.constant 0 : i32
        %dma_start3A_1452 = arith.constant 0 : i32
        %dma_start3A_1453 = tpu.memref_slice %arg4[%dma_start3A_1451, %dma_start3A_1452] : memref<20000x128xf32, #tpu.memory_space<hbm>> -> memref<20000x128xf32, #tpu.memory_space<hbm>>
        tpu.enqueue_indirect_dma source(%dma_start3A_1453 : memref<20000x128xf32, #tpu.memory_space<hbm>>) target(%arg15 : memref<128x128xf32, #tpu.memory_space<vmem>>) offsets(%dma_start3A_1450 : memref<128xi32, #tpu.memory_space<vmem>>) semaphore(%arg20 : memref<!tpu.dma_semaphore, #tpu.memory_space<semaphore_mem>>)
      } else {
      }
      %eq3A_998 = arith.constant 1 : i32
      %eq3A_999 = arith.cmpi eq, %arg0, %eq3A_998 : i32
      %convert_element_type3A_1000 = arith.extui %eq3A_999 : i1 to i32
      %cond3A_1001 = arith.constant 5 : i32
      %cond3A_1002 = arith.constant 0 : i32
      %cond3A_1003 = arith.cmpi ne, %convert_element_type3A_1000, %cond3A_1002 : i32
      scf.if %cond3A_1003 {
        %dma_start3A_1448 = arith.constant 0 : i32
        %dma_start3A_1449 = tpu.memref_slice %arg12[%cond3A_1001, %dma_start3A_1448] : memref<16x128xi32, #tpu.memory_space<vmem>> -> memref<1x128xi32, #tpu.memory_space<vmem>>
        %dma_start3A_1450 = tpu.memref_squeeze %dma_start3A_1449 : memref<1x128xi32, #tpu.memory_space<vmem>> -> memref<128xi32, #tpu.memory_space<vmem>>
        %dma_start3A_1451 = arith.constant 0 : i32
        %dma_start3A_1452 = arith.constant 0 : i32
        %dma_start3A_1453 = tpu.memref_slice %arg5[%dma_start3A_1451, %dma_start3A_1452] : memref<20000x128xf32, #tpu.memory_space<hbm>> -> memref<20000x128xf32, #tpu.memory_space<hbm>>
        tpu.enqueue_indirect_dma source(%dma_start3A_1453 : memref<20000x128xf32, #tpu.memory_space<hbm>>) target(%arg15 : memref<128x128xf32, #tpu.memory_space<vmem>>) offsets(%dma_start3A_1450 : memref<128xi32, #tpu.memory_space<vmem>>) semaphore(%arg20 : memref<!tpu.dma_semaphore, #tpu.memory_space<semaphore_mem>>)
      } else {
      }
      %dma_wait3A_1004 = arith.constant 0 : i32
      %dma_wait3A_1005 = arith.constant 0 : i32
      %dma_wait3A_1006 = tpu.memref_slice %arg12[%dma_wait3A_1004, %dma_wait3A_1005] : memref<16x128xi32, #tpu.memory_space<vmem>> -> memref<1x128xi32, #tpu.memory_space<vmem>>
      %dma_wait3A_1007 = tpu.memref_squeeze %dma_wait3A_1006 : memref<1x128xi32, #tpu.memory_space<vmem>> -> memref<128xi32, #tpu.memory_space<vmem>>
      %dma_wait3A_1008 = arith.constant 0 : i32
      %dma_wait3A_1009 = arith.constant 0 : i32
      %dma_wait3A_1010 = tpu.memref_slice %arg4[%dma_wait3A_1008, %dma_wait3A_1009] : memref<20000x128xf32, #tpu.memory_space<hbm>> -> memref<20000x128xf32, #tpu.memory_space<hbm>>
      tpu.wait_indirect_dma semaphore(%arg19 : memref<!tpu.dma_semaphore, #tpu.memory_space<semaphore_mem>>) src(%dma_wait3A_1010 : memref<20000x128xf32, #tpu.memory_space<hbm>>) dst(%arg14 : memref<128x128xf32, #tpu.memory_space<vmem>>)
      %dma_start3A_1011 = arith.constant 4 : i32
      %dma_start3A_1012 = arith.constant 0 : i32
      %dma_start3A_1013 = tpu.memref_slice %arg13[%dma_start3A_1011, %dma_start3A_1012] : memref<16x128xi32, #tpu.memory_space<vmem>> -> memref<1x128xi32, #tpu.memory_space<vmem>>
      %dma_start3A_1014 = tpu.memref_squeeze %dma_start3A_1013 : memref<1x128xi32, #tpu.memory_space<vmem>> -> memref<128xi32, #tpu.memory_space<vmem>>
      %dma_start3A_1015 = arith.constant 0 : i32
      %dma_start3A_1016 = arith.constant 0 : i32
      %dma_start3A_1017 = tpu.memref_slice %arg17[%dma_start3A_1015, %dma_start3A_1016] : memref<10240x128xf32, #tpu.memory_space<vmem_shared>> -> memref<10240x128xf32, #tpu.memory_space<vmem_shared>>
      tpu.enqueue_indirect_dma source(%arg14 : memref<128x128xf32, #tpu.memory_space<vmem>>) target(%dma_start3A_1017 : memref<10240x128xf32, #tpu.memory_space<vmem_shared>>) offsets(%dma_start3A_1014 : memref<128xi32, #tpu.memory_space<vmem>>) semaphore(%arg21 : memref<!tpu.dma_semaphore, #tpu.memory_space<semaphore_mem>>) {add = true}
      %convert_element_type3A_1018 = arith.extui %or3A_823 : i1 to i32
      %cond3A_1019 = arith.constant 0 : i32
      %cond3A_1020 = arith.cmpi ne, %convert_element_type3A_1018, %cond3A_1019 : i32
      scf.if %cond3A_1020 {
        %dma_start3A_1448 = arith.constant 4 : i32
        %dma_start3A_1449 = arith.constant 0 : i32
        %dma_start3A_1450 = tpu.memref_slice %arg13[%dma_start3A_1448, %dma_start3A_1449] : memref<16x128xi32, #tpu.memory_space<vmem>> -> memref<1x128xi32, #tpu.memory_space<vmem>>
        %dma_start3A_1451 = tpu.memref_squeeze %dma_start3A_1450 : memref<1x128xi32, #tpu.memory_space<vmem>> -> memref<128xi32, #tpu.memory_space<vmem>>
        %dma_start3A_1452 = arith.constant 0 : i32
        %dma_start3A_1453 = arith.constant 0 : i32
        %dma_start3A_1454 = tpu.memref_slice %arg18[%dma_start3A_1452, %dma_start3A_1453] : memref<10240x8xf32, #tpu.memory_space<vmem_shared>> -> memref<10240x8xf32, #tpu.memory_space<vmem_shared>>
        tpu.enqueue_indirect_dma source(%arg16 : memref<128x8xf32, #tpu.memory_space<vmem>>) target(%dma_start3A_1454 : memref<10240x8xf32, #tpu.memory_space<vmem_shared>>) offsets(%dma_start3A_1451 : memref<128xi32, #tpu.memory_space<vmem>>) semaphore(%arg21 : memref<!tpu.dma_semaphore, #tpu.memory_space<semaphore_mem>>) {add = true}
      } else {
      }
      %dma_wait3A_1021 = arith.constant 0 : i32
      %dma_wait3A_1022 = arith.constant 0 : i32
      %dma_wait3A_1023 = tpu.memref_slice %arg13[%dma_wait3A_1021, %dma_wait3A_1022] : memref<16x128xi32, #tpu.memory_space<vmem>> -> memref<1x128xi32, #tpu.memory_space<vmem>>
      %dma_wait3A_1024 = tpu.memref_squeeze %dma_wait3A_1023 : memref<1x128xi32, #tpu.memory_space<vmem>> -> memref<128xi32, #tpu.memory_space<vmem>>
      %dma_wait3A_1025 = arith.constant 0 : i32
      %dma_wait3A_1026 = arith.constant 0 : i32
      %dma_wait3A_1027 = tpu.memref_slice %arg17[%dma_wait3A_1025, %dma_wait3A_1026] : memref<10240x128xf32, #tpu.memory_space<vmem_shared>> -> memref<10240x128xf32, #tpu.memory_space<vmem_shared>>
      tpu.wait_indirect_dma semaphore(%arg21 : memref<!tpu.dma_semaphore, #tpu.memory_space<semaphore_mem>>) src(%arg14 : memref<128x128xf32, #tpu.memory_space<vmem>>) dst(%dma_wait3A_1027 : memref<10240x128xf32, #tpu.memory_space<vmem_shared>>)
      %convert_element_type3A_1028 = arith.extui %or3A_823 : i1 to i32
      %cond3A_1029 = arith.constant 0 : i32
      %cond3A_1030 = arith.cmpi ne, %convert_element_type3A_1028, %cond3A_1029 : i32
      scf.if %cond3A_1030 {
        %dma_wait3A_1448 = arith.constant 0 : i32
        %dma_wait3A_1449 = arith.constant 0 : i32
        %dma_wait3A_1450 = tpu.memref_slice %arg13[%dma_wait3A_1448, %dma_wait3A_1449] : memref<16x128xi32, #tpu.memory_space<vmem>> -> memref<1x128xi32, #tpu.memory_space<vmem>>
        %dma_wait3A_1451 = tpu.memref_squeeze %dma_wait3A_1450 : memref<1x128xi32, #tpu.memory_space<vmem>> -> memref<128xi32, #tpu.memory_space<vmem>>
        %dma_wait3A_1452 = arith.constant 0 : i32
        %dma_wait3A_1453 = arith.constant 0 : i32
        %dma_wait3A_1454 = tpu.memref_slice %arg18[%dma_wait3A_1452, %dma_wait3A_1453] : memref<10240x8xf32, #tpu.memory_space<vmem_shared>> -> memref<10240x8xf32, #tpu.memory_space<vmem_shared>>
        tpu.wait_indirect_dma semaphore(%arg21 : memref<!tpu.dma_semaphore, #tpu.memory_space<semaphore_mem>>) src(%arg16 : memref<128x8xf32, #tpu.memory_space<vmem>>) dst(%dma_wait3A_1454 : memref<10240x8xf32, #tpu.memory_space<vmem_shared>>)
      } else {
      }
      %eq3A_1031 = arith.constant 0 : i32
      %eq3A_1032 = arith.cmpi eq, %arg0, %eq3A_1031 : i32
      %convert_element_type3A_1033 = arith.extui %eq3A_1032 : i1 to i32
      %cond3A_1034 = arith.constant 6 : i32
      %cond3A_1035 = arith.constant 0 : i32
      %cond3A_1036 = arith.cmpi ne, %convert_element_type3A_1033, %cond3A_1035 : i32
      scf.if %cond3A_1036 {
        %dma_start3A_1448 = arith.constant 0 : i32
        %dma_start3A_1449 = tpu.memref_slice %arg12[%cond3A_1034, %dma_start3A_1448] : memref<16x128xi32, #tpu.memory_space<vmem>> -> memref<1x128xi32, #tpu.memory_space<vmem>>
        %dma_start3A_1450 = tpu.memref_squeeze %dma_start3A_1449 : memref<1x128xi32, #tpu.memory_space<vmem>> -> memref<128xi32, #tpu.memory_space<vmem>>
        %dma_start3A_1451 = arith.constant 0 : i32
        %dma_start3A_1452 = arith.constant 0 : i32
        %dma_start3A_1453 = tpu.memref_slice %arg4[%dma_start3A_1451, %dma_start3A_1452] : memref<20000x128xf32, #tpu.memory_space<hbm>> -> memref<20000x128xf32, #tpu.memory_space<hbm>>
        tpu.enqueue_indirect_dma source(%dma_start3A_1453 : memref<20000x128xf32, #tpu.memory_space<hbm>>) target(%arg14 : memref<128x128xf32, #tpu.memory_space<vmem>>) offsets(%dma_start3A_1450 : memref<128xi32, #tpu.memory_space<vmem>>) semaphore(%arg19 : memref<!tpu.dma_semaphore, #tpu.memory_space<semaphore_mem>>)
      } else {
      }
      %eq3A_1037 = arith.constant 1 : i32
      %eq3A_1038 = arith.cmpi eq, %arg0, %eq3A_1037 : i32
      %convert_element_type3A_1039 = arith.extui %eq3A_1038 : i1 to i32
      %cond3A_1040 = arith.constant 6 : i32
      %cond3A_1041 = arith.constant 0 : i32
      %cond3A_1042 = arith.cmpi ne, %convert_element_type3A_1039, %cond3A_1041 : i32
      scf.if %cond3A_1042 {
        %dma_start3A_1448 = arith.constant 0 : i32
        %dma_start3A_1449 = tpu.memref_slice %arg12[%cond3A_1040, %dma_start3A_1448] : memref<16x128xi32, #tpu.memory_space<vmem>> -> memref<1x128xi32, #tpu.memory_space<vmem>>
        %dma_start3A_1450 = tpu.memref_squeeze %dma_start3A_1449 : memref<1x128xi32, #tpu.memory_space<vmem>> -> memref<128xi32, #tpu.memory_space<vmem>>
        %dma_start3A_1451 = arith.constant 0 : i32
        %dma_start3A_1452 = arith.constant 0 : i32
        %dma_start3A_1453 = tpu.memref_slice %arg5[%dma_start3A_1451, %dma_start3A_1452] : memref<20000x128xf32, #tpu.memory_space<hbm>> -> memref<20000x128xf32, #tpu.memory_space<hbm>>
        tpu.enqueue_indirect_dma source(%dma_start3A_1453 : memref<20000x128xf32, #tpu.memory_space<hbm>>) target(%arg14 : memref<128x128xf32, #tpu.memory_space<vmem>>) offsets(%dma_start3A_1450 : memref<128xi32, #tpu.memory_space<vmem>>) semaphore(%arg19 : memref<!tpu.dma_semaphore, #tpu.memory_space<semaphore_mem>>)
      } else {
      }
      %dma_wait3A_1043 = arith.constant 0 : i32
      %dma_wait3A_1044 = arith.constant 0 : i32
      %dma_wait3A_1045 = tpu.memref_slice %arg12[%dma_wait3A_1043, %dma_wait3A_1044] : memref<16x128xi32, #tpu.memory_space<vmem>> -> memref<1x128xi32, #tpu.memory_space<vmem>>
      %dma_wait3A_1046 = tpu.memref_squeeze %dma_wait3A_1045 : memref<1x128xi32, #tpu.memory_space<vmem>> -> memref<128xi32, #tpu.memory_space<vmem>>
      %dma_wait3A_1047 = arith.constant 0 : i32
      %dma_wait3A_1048 = arith.constant 0 : i32
      %dma_wait3A_1049 = tpu.memref_slice %arg4[%dma_wait3A_1047, %dma_wait3A_1048] : memref<20000x128xf32, #tpu.memory_space<hbm>> -> memref<20000x128xf32, #tpu.memory_space<hbm>>
      tpu.wait_indirect_dma semaphore(%arg20 : memref<!tpu.dma_semaphore, #tpu.memory_space<semaphore_mem>>) src(%dma_wait3A_1049 : memref<20000x128xf32, #tpu.memory_space<hbm>>) dst(%arg15 : memref<128x128xf32, #tpu.memory_space<vmem>>)
      %dma_start3A_1050 = arith.constant 5 : i32
      %dma_start3A_1051 = arith.constant 0 : i32
      %dma_start3A_1052 = tpu.memref_slice %arg13[%dma_start3A_1050, %dma_start3A_1051] : memref<16x128xi32, #tpu.memory_space<vmem>> -> memref<1x128xi32, #tpu.memory_space<vmem>>
      %dma_start3A_1053 = tpu.memref_squeeze %dma_start3A_1052 : memref<1x128xi32, #tpu.memory_space<vmem>> -> memref<128xi32, #tpu.memory_space<vmem>>
      %dma_start3A_1054 = arith.constant 0 : i32
      %dma_start3A_1055 = arith.constant 0 : i32
      %dma_start3A_1056 = tpu.memref_slice %arg17[%dma_start3A_1054, %dma_start3A_1055] : memref<10240x128xf32, #tpu.memory_space<vmem_shared>> -> memref<10240x128xf32, #tpu.memory_space<vmem_shared>>
      tpu.enqueue_indirect_dma source(%arg15 : memref<128x128xf32, #tpu.memory_space<vmem>>) target(%dma_start3A_1056 : memref<10240x128xf32, #tpu.memory_space<vmem_shared>>) offsets(%dma_start3A_1053 : memref<128xi32, #tpu.memory_space<vmem>>) semaphore(%arg22 : memref<!tpu.dma_semaphore, #tpu.memory_space<semaphore_mem>>) {add = true}
      %convert_element_type3A_1057 = arith.extui %or3A_823 : i1 to i32
      %cond3A_1058 = arith.constant 0 : i32
      %cond3A_1059 = arith.cmpi ne, %convert_element_type3A_1057, %cond3A_1058 : i32
      scf.if %cond3A_1059 {
        %dma_start3A_1448 = arith.constant 5 : i32
        %dma_start3A_1449 = arith.constant 0 : i32
        %dma_start3A_1450 = tpu.memref_slice %arg13[%dma_start3A_1448, %dma_start3A_1449] : memref<16x128xi32, #tpu.memory_space<vmem>> -> memref<1x128xi32, #tpu.memory_space<vmem>>
        %dma_start3A_1451 = tpu.memref_squeeze %dma_start3A_1450 : memref<1x128xi32, #tpu.memory_space<vmem>> -> memref<128xi32, #tpu.memory_space<vmem>>
        %dma_start3A_1452 = arith.constant 0 : i32
        %dma_start3A_1453 = arith.constant 0 : i32
        %dma_start3A_1454 = tpu.memref_slice %arg18[%dma_start3A_1452, %dma_start3A_1453] : memref<10240x8xf32, #tpu.memory_space<vmem_shared>> -> memref<10240x8xf32, #tpu.memory_space<vmem_shared>>
        tpu.enqueue_indirect_dma source(%arg16 : memref<128x8xf32, #tpu.memory_space<vmem>>) target(%dma_start3A_1454 : memref<10240x8xf32, #tpu.memory_space<vmem_shared>>) offsets(%dma_start3A_1451 : memref<128xi32, #tpu.memory_space<vmem>>) semaphore(%arg22 : memref<!tpu.dma_semaphore, #tpu.memory_space<semaphore_mem>>) {add = true}
      } else {
      }
      %dma_wait3A_1060 = arith.constant 0 : i32
      %dma_wait3A_1061 = arith.constant 0 : i32
      %dma_wait3A_1062 = tpu.memref_slice %arg13[%dma_wait3A_1060, %dma_wait3A_1061] : memref<16x128xi32, #tpu.memory_space<vmem>> -> memref<1x128xi32, #tpu.memory_space<vmem>>
      %dma_wait3A_1063 = tpu.memref_squeeze %dma_wait3A_1062 : memref<1x128xi32, #tpu.memory_space<vmem>> -> memref<128xi32, #tpu.memory_space<vmem>>
      %dma_wait3A_1064 = arith.constant 0 : i32
      %dma_wait3A_1065 = arith.constant 0 : i32
      %dma_wait3A_1066 = tpu.memref_slice %arg17[%dma_wait3A_1064, %dma_wait3A_1065] : memref<10240x128xf32, #tpu.memory_space<vmem_shared>> -> memref<10240x128xf32, #tpu.memory_space<vmem_shared>>
      tpu.wait_indirect_dma semaphore(%arg22 : memref<!tpu.dma_semaphore, #tpu.memory_space<semaphore_mem>>) src(%arg15 : memref<128x128xf32, #tpu.memory_space<vmem>>) dst(%dma_wait3A_1066 : memref<10240x128xf32, #tpu.memory_space<vmem_shared>>)
      %convert_element_type3A_1067 = arith.extui %or3A_823 : i1 to i32
      %cond3A_1068 = arith.constant 0 : i32
      %cond3A_1069 = arith.cmpi ne, %convert_element_type3A_1067, %cond3A_1068 : i32
      scf.if %cond3A_1069 {
        %dma_wait3A_1448 = arith.constant 0 : i32
        %dma_wait3A_1449 = arith.constant 0 : i32
        %dma_wait3A_1450 = tpu.memref_slice %arg13[%dma_wait3A_1448, %dma_wait3A_1449] : memref<16x128xi32, #tpu.memory_space<vmem>> -> memref<1x128xi32, #tpu.memory_space<vmem>>
        %dma_wait3A_1451 = tpu.memref_squeeze %dma_wait3A_1450 : memref<1x128xi32, #tpu.memory_space<vmem>> -> memref<128xi32, #tpu.memory_space<vmem>>
        %dma_wait3A_1452 = arith.constant 0 : i32
        %dma_wait3A_1453 = arith.constant 0 : i32
        %dma_wait3A_1454 = tpu.memref_slice %arg18[%dma_wait3A_1452, %dma_wait3A_1453] : memref<10240x8xf32, #tpu.memory_space<vmem_shared>> -> memref<10240x8xf32, #tpu.memory_space<vmem_shared>>
        tpu.wait_indirect_dma semaphore(%arg22 : memref<!tpu.dma_semaphore, #tpu.memory_space<semaphore_mem>>) src(%arg16 : memref<128x8xf32, #tpu.memory_space<vmem>>) dst(%dma_wait3A_1454 : memref<10240x8xf32, #tpu.memory_space<vmem_shared>>)
      } else {
      }
      %eq3A_1070 = arith.constant 0 : i32
      %eq3A_1071 = arith.cmpi eq, %arg0, %eq3A_1070 : i32
      %convert_element_type3A_1072 = arith.extui %eq3A_1071 : i1 to i32
      %cond3A_1073 = arith.constant 7 : i32
      %cond3A_1074 = arith.constant 0 : i32
      %cond3A_1075 = arith.cmpi ne, %convert_element_type3A_1072, %cond3A_1074 : i32
      scf.if %cond3A_1075 {
        %dma_start3A_1448 = arith.constant 0 : i32
        %dma_start3A_1449 = tpu.memref_slice %arg12[%cond3A_1073, %dma_start3A_1448] : memref<16x128xi32, #tpu.memory_space<vmem>> -> memref<1x128xi32, #tpu.memory_space<vmem>>
        %dma_start3A_1450 = tpu.memref_squeeze %dma_start3A_1449 : memref<1x128xi32, #tpu.memory_space<vmem>> -> memref<128xi32, #tpu.memory_space<vmem>>
        %dma_start3A_1451 = arith.constant 0 : i32
        %dma_start3A_1452 = arith.constant 0 : i32
        %dma_start3A_1453 = tpu.memref_slice %arg4[%dma_start3A_1451, %dma_start3A_1452] : memref<20000x128xf32, #tpu.memory_space<hbm>> -> memref<20000x128xf32, #tpu.memory_space<hbm>>
        tpu.enqueue_indirect_dma source(%dma_start3A_1453 : memref<20000x128xf32, #tpu.memory_space<hbm>>) target(%arg15 : memref<128x128xf32, #tpu.memory_space<vmem>>) offsets(%dma_start3A_1450 : memref<128xi32, #tpu.memory_space<vmem>>) semaphore(%arg20 : memref<!tpu.dma_semaphore, #tpu.memory_space<semaphore_mem>>)
      } else {
      }
      %eq3A_1076 = arith.constant 1 : i32
      %eq3A_1077 = arith.cmpi eq, %arg0, %eq3A_1076 : i32
      %convert_element_type3A_1078 = arith.extui %eq3A_1077 : i1 to i32
      %cond3A_1079 = arith.constant 7 : i32
      %cond3A_1080 = arith.constant 0 : i32
      %cond3A_1081 = arith.cmpi ne, %convert_element_type3A_1078, %cond3A_1080 : i32
      scf.if %cond3A_1081 {
        %dma_start3A_1448 = arith.constant 0 : i32
        %dma_start3A_1449 = tpu.memref_slice %arg12[%cond3A_1079, %dma_start3A_1448] : memref<16x128xi32, #tpu.memory_space<vmem>> -> memref<1x128xi32, #tpu.memory_space<vmem>>
        %dma_start3A_1450 = tpu.memref_squeeze %dma_start3A_1449 : memref<1x128xi32, #tpu.memory_space<vmem>> -> memref<128xi32, #tpu.memory_space<vmem>>
        %dma_start3A_1451 = arith.constant 0 : i32
        %dma_start3A_1452 = arith.constant 0 : i32
        %dma_start3A_1453 = tpu.memref_slice %arg5[%dma_start3A_1451, %dma_start3A_1452] : memref<20000x128xf32, #tpu.memory_space<hbm>> -> memref<20000x128xf32, #tpu.memory_space<hbm>>
        tpu.enqueue_indirect_dma source(%dma_start3A_1453 : memref<20000x128xf32, #tpu.memory_space<hbm>>) target(%arg15 : memref<128x128xf32, #tpu.memory_space<vmem>>) offsets(%dma_start3A_1450 : memref<128xi32, #tpu.memory_space<vmem>>) semaphore(%arg20 : memref<!tpu.dma_semaphore, #tpu.memory_space<semaphore_mem>>)
      } else {
      }
      %dma_wait3A_1082 = arith.constant 0 : i32
      %dma_wait3A_1083 = arith.constant 0 : i32
      %dma_wait3A_1084 = tpu.memref_slice %arg12[%dma_wait3A_1082, %dma_wait3A_1083] : memref<16x128xi32, #tpu.memory_space<vmem>> -> memref<1x128xi32, #tpu.memory_space<vmem>>
      %dma_wait3A_1085 = tpu.memref_squeeze %dma_wait3A_1084 : memref<1x128xi32, #tpu.memory_space<vmem>> -> memref<128xi32, #tpu.memory_space<vmem>>
      %dma_wait3A_1086 = arith.constant 0 : i32
      %dma_wait3A_1087 = arith.constant 0 : i32
      %dma_wait3A_1088 = tpu.memref_slice %arg4[%dma_wait3A_1086, %dma_wait3A_1087] : memref<20000x128xf32, #tpu.memory_space<hbm>> -> memref<20000x128xf32, #tpu.memory_space<hbm>>
      tpu.wait_indirect_dma semaphore(%arg19 : memref<!tpu.dma_semaphore, #tpu.memory_space<semaphore_mem>>) src(%dma_wait3A_1088 : memref<20000x128xf32, #tpu.memory_space<hbm>>) dst(%arg14 : memref<128x128xf32, #tpu.memory_space<vmem>>)
      %dma_start3A_1089 = arith.constant 6 : i32
      %dma_start3A_1090 = arith.constant 0 : i32
      %dma_start3A_1091 = tpu.memref_slice %arg13[%dma_start3A_1089, %dma_start3A_1090] : memref<16x128xi32, #tpu.memory_space<vmem>> -> memref<1x128xi32, #tpu.memory_space<vmem>>
      %dma_start3A_1092 = tpu.memref_squeeze %dma_start3A_1091 : memref<1x128xi32, #tpu.memory_space<vmem>> -> memref<128xi32, #tpu.memory_space<vmem>>
      %dma_start3A_1093 = arith.constant 0 : i32
      %dma_start3A_1094 = arith.constant 0 : i32
      %dma_start3A_1095 = tpu.memref_slice %arg17[%dma_start3A_1093, %dma_start3A_1094] : memref<10240x128xf32, #tpu.memory_space<vmem_shared>> -> memref<10240x128xf32, #tpu.memory_space<vmem_shared>>
      tpu.enqueue_indirect_dma source(%arg14 : memref<128x128xf32, #tpu.memory_space<vmem>>) target(%dma_start3A_1095 : memref<10240x128xf32, #tpu.memory_space<vmem_shared>>) offsets(%dma_start3A_1092 : memref<128xi32, #tpu.memory_space<vmem>>) semaphore(%arg21 : memref<!tpu.dma_semaphore, #tpu.memory_space<semaphore_mem>>) {add = true}
      %convert_element_type3A_1096 = arith.extui %or3A_823 : i1 to i32
      %cond3A_1097 = arith.constant 0 : i32
      %cond3A_1098 = arith.cmpi ne, %convert_element_type3A_1096, %cond3A_1097 : i32
      scf.if %cond3A_1098 {
        %dma_start3A_1448 = arith.constant 6 : i32
        %dma_start3A_1449 = arith.constant 0 : i32
        %dma_start3A_1450 = tpu.memref_slice %arg13[%dma_start3A_1448, %dma_start3A_1449] : memref<16x128xi32, #tpu.memory_space<vmem>> -> memref<1x128xi32, #tpu.memory_space<vmem>>
        %dma_start3A_1451 = tpu.memref_squeeze %dma_start3A_1450 : memref<1x128xi32, #tpu.memory_space<vmem>> -> memref<128xi32, #tpu.memory_space<vmem>>
        %dma_start3A_1452 = arith.constant 0 : i32
        %dma_start3A_1453 = arith.constant 0 : i32
        %dma_start3A_1454 = tpu.memref_slice %arg18[%dma_start3A_1452, %dma_start3A_1453] : memref<10240x8xf32, #tpu.memory_space<vmem_shared>> -> memref<10240x8xf32, #tpu.memory_space<vmem_shared>>
        tpu.enqueue_indirect_dma source(%arg16 : memref<128x8xf32, #tpu.memory_space<vmem>>) target(%dma_start3A_1454 : memref<10240x8xf32, #tpu.memory_space<vmem_shared>>) offsets(%dma_start3A_1451 : memref<128xi32, #tpu.memory_space<vmem>>) semaphore(%arg21 : memref<!tpu.dma_semaphore, #tpu.memory_space<semaphore_mem>>) {add = true}
      } else {
      }
      %dma_wait3A_1099 = arith.constant 0 : i32
      %dma_wait3A_1100 = arith.constant 0 : i32
      %dma_wait3A_1101 = tpu.memref_slice %arg13[%dma_wait3A_1099, %dma_wait3A_1100] : memref<16x128xi32, #tpu.memory_space<vmem>> -> memref<1x128xi32, #tpu.memory_space<vmem>>
      %dma_wait3A_1102 = tpu.memref_squeeze %dma_wait3A_1101 : memref<1x128xi32, #tpu.memory_space<vmem>> -> memref<128xi32, #tpu.memory_space<vmem>>
      %dma_wait3A_1103 = arith.constant 0 : i32
      %dma_wait3A_1104 = arith.constant 0 : i32
      %dma_wait3A_1105 = tpu.memref_slice %arg17[%dma_wait3A_1103, %dma_wait3A_1104] : memref<10240x128xf32, #tpu.memory_space<vmem_shared>> -> memref<10240x128xf32, #tpu.memory_space<vmem_shared>>
      tpu.wait_indirect_dma semaphore(%arg21 : memref<!tpu.dma_semaphore, #tpu.memory_space<semaphore_mem>>) src(%arg14 : memref<128x128xf32, #tpu.memory_space<vmem>>) dst(%dma_wait3A_1105 : memref<10240x128xf32, #tpu.memory_space<vmem_shared>>)
      %convert_element_type3A_1106 = arith.extui %or3A_823 : i1 to i32
      %cond3A_1107 = arith.constant 0 : i32
      %cond3A_1108 = arith.cmpi ne, %convert_element_type3A_1106, %cond3A_1107 : i32
      scf.if %cond3A_1108 {
        %dma_wait3A_1448 = arith.constant 0 : i32
        %dma_wait3A_1449 = arith.constant 0 : i32
        %dma_wait3A_1450 = tpu.memref_slice %arg13[%dma_wait3A_1448, %dma_wait3A_1449] : memref<16x128xi32, #tpu.memory_space<vmem>> -> memref<1x128xi32, #tpu.memory_space<vmem>>
        %dma_wait3A_1451 = tpu.memref_squeeze %dma_wait3A_1450 : memref<1x128xi32, #tpu.memory_space<vmem>> -> memref<128xi32, #tpu.memory_space<vmem>>
        %dma_wait3A_1452 = arith.constant 0 : i32
        %dma_wait3A_1453 = arith.constant 0 : i32
        %dma_wait3A_1454 = tpu.memref_slice %arg18[%dma_wait3A_1452, %dma_wait3A_1453] : memref<10240x8xf32, #tpu.memory_space<vmem_shared>> -> memref<10240x8xf32, #tpu.memory_space<vmem_shared>>
        tpu.wait_indirect_dma semaphore(%arg21 : memref<!tpu.dma_semaphore, #tpu.memory_space<semaphore_mem>>) src(%arg16 : memref<128x8xf32, #tpu.memory_space<vmem>>) dst(%dma_wait3A_1454 : memref<10240x8xf32, #tpu.memory_space<vmem_shared>>)
      } else {
      }
      %eq3A_1109 = arith.constant 0 : i32
      %eq3A_1110 = arith.cmpi eq, %arg0, %eq3A_1109 : i32
      %convert_element_type3A_1111 = arith.extui %eq3A_1110 : i1 to i32
      %cond3A_1112 = arith.constant 8 : i32
      %cond3A_1113 = arith.constant 0 : i32
      %cond3A_1114 = arith.cmpi ne, %convert_element_type3A_1111, %cond3A_1113 : i32
      scf.if %cond3A_1114 {
        %dma_start3A_1448 = arith.constant 0 : i32
        %dma_start3A_1449 = tpu.memref_slice %arg12[%cond3A_1112, %dma_start3A_1448] : memref<16x128xi32, #tpu.memory_space<vmem>> -> memref<1x128xi32, #tpu.memory_space<vmem>>
        %dma_start3A_1450 = tpu.memref_squeeze %dma_start3A_1449 : memref<1x128xi32, #tpu.memory_space<vmem>> -> memref<128xi32, #tpu.memory_space<vmem>>
        %dma_start3A_1451 = arith.constant 0 : i32
        %dma_start3A_1452 = arith.constant 0 : i32
        %dma_start3A_1453 = tpu.memref_slice %arg4[%dma_start3A_1451, %dma_start3A_1452] : memref<20000x128xf32, #tpu.memory_space<hbm>> -> memref<20000x128xf32, #tpu.memory_space<hbm>>
        tpu.enqueue_indirect_dma source(%dma_start3A_1453 : memref<20000x128xf32, #tpu.memory_space<hbm>>) target(%arg14 : memref<128x128xf32, #tpu.memory_space<vmem>>) offsets(%dma_start3A_1450 : memref<128xi32, #tpu.memory_space<vmem>>) semaphore(%arg19 : memref<!tpu.dma_semaphore, #tpu.memory_space<semaphore_mem>>)
      } else {
      }
      %eq3A_1115 = arith.constant 1 : i32
      %eq3A_1116 = arith.cmpi eq, %arg0, %eq3A_1115 : i32
      %convert_element_type3A_1117 = arith.extui %eq3A_1116 : i1 to i32
      %cond3A_1118 = arith.constant 8 : i32
      %cond3A_1119 = arith.constant 0 : i32
      %cond3A_1120 = arith.cmpi ne, %convert_element_type3A_1117, %cond3A_1119 : i32
      scf.if %cond3A_1120 {
        %dma_start3A_1448 = arith.constant 0 : i32
        %dma_start3A_1449 = tpu.memref_slice %arg12[%cond3A_1118, %dma_start3A_1448] : memref<16x128xi32, #tpu.memory_space<vmem>> -> memref<1x128xi32, #tpu.memory_space<vmem>>
        %dma_start3A_1450 = tpu.memref_squeeze %dma_start3A_1449 : memref<1x128xi32, #tpu.memory_space<vmem>> -> memref<128xi32, #tpu.memory_space<vmem>>
        %dma_start3A_1451 = arith.constant 0 : i32
        %dma_start3A_1452 = arith.constant 0 : i32
        %dma_start3A_1453 = tpu.memref_slice %arg5[%dma_start3A_1451, %dma_start3A_1452] : memref<20000x128xf32, #tpu.memory_space<hbm>> -> memref<20000x128xf32, #tpu.memory_space<hbm>>
        tpu.enqueue_indirect_dma source(%dma_start3A_1453 : memref<20000x128xf32, #tpu.memory_space<hbm>>) target(%arg14 : memref<128x128xf32, #tpu.memory_space<vmem>>) offsets(%dma_start3A_1450 : memref<128xi32, #tpu.memory_space<vmem>>) semaphore(%arg19 : memref<!tpu.dma_semaphore, #tpu.memory_space<semaphore_mem>>)
      } else {
      }
      %dma_wait3A_1121 = arith.constant 0 : i32
      %dma_wait3A_1122 = arith.constant 0 : i32
      %dma_wait3A_1123 = tpu.memref_slice %arg12[%dma_wait3A_1121, %dma_wait3A_1122] : memref<16x128xi32, #tpu.memory_space<vmem>> -> memref<1x128xi32, #tpu.memory_space<vmem>>
      %dma_wait3A_1124 = tpu.memref_squeeze %dma_wait3A_1123 : memref<1x128xi32, #tpu.memory_space<vmem>> -> memref<128xi32, #tpu.memory_space<vmem>>
      %dma_wait3A_1125 = arith.constant 0 : i32
      %dma_wait3A_1126 = arith.constant 0 : i32
      %dma_wait3A_1127 = tpu.memref_slice %arg4[%dma_wait3A_1125, %dma_wait3A_1126] : memref<20000x128xf32, #tpu.memory_space<hbm>> -> memref<20000x128xf32, #tpu.memory_space<hbm>>
      tpu.wait_indirect_dma semaphore(%arg20 : memref<!tpu.dma_semaphore, #tpu.memory_space<semaphore_mem>>) src(%dma_wait3A_1127 : memref<20000x128xf32, #tpu.memory_space<hbm>>) dst(%arg15 : memref<128x128xf32, #tpu.memory_space<vmem>>)
      %dma_start3A_1128 = arith.constant 7 : i32
      %dma_start3A_1129 = arith.constant 0 : i32
      %dma_start3A_1130 = tpu.memref_slice %arg13[%dma_start3A_1128, %dma_start3A_1129] : memref<16x128xi32, #tpu.memory_space<vmem>> -> memref<1x128xi32, #tpu.memory_space<vmem>>
      %dma_start3A_1131 = tpu.memref_squeeze %dma_start3A_1130 : memref<1x128xi32, #tpu.memory_space<vmem>> -> memref<128xi32, #tpu.memory_space<vmem>>
      %dma_start3A_1132 = arith.constant 0 : i32
      %dma_start3A_1133 = arith.constant 0 : i32
      %dma_start3A_1134 = tpu.memref_slice %arg17[%dma_start3A_1132, %dma_start3A_1133] : memref<10240x128xf32, #tpu.memory_space<vmem_shared>> -> memref<10240x128xf32, #tpu.memory_space<vmem_shared>>
      tpu.enqueue_indirect_dma source(%arg15 : memref<128x128xf32, #tpu.memory_space<vmem>>) target(%dma_start3A_1134 : memref<10240x128xf32, #tpu.memory_space<vmem_shared>>) offsets(%dma_start3A_1131 : memref<128xi32, #tpu.memory_space<vmem>>) semaphore(%arg22 : memref<!tpu.dma_semaphore, #tpu.memory_space<semaphore_mem>>) {add = true}
      %convert_element_type3A_1135 = arith.extui %or3A_823 : i1 to i32
      %cond3A_1136 = arith.constant 0 : i32
      %cond3A_1137 = arith.cmpi ne, %convert_element_type3A_1135, %cond3A_1136 : i32
      scf.if %cond3A_1137 {
        %dma_start3A_1448 = arith.constant 7 : i32
        %dma_start3A_1449 = arith.constant 0 : i32
        %dma_start3A_1450 = tpu.memref_slice %arg13[%dma_start3A_1448, %dma_start3A_1449] : memref<16x128xi32, #tpu.memory_space<vmem>> -> memref<1x128xi32, #tpu.memory_space<vmem>>
        %dma_start3A_1451 = tpu.memref_squeeze %dma_start3A_1450 : memref<1x128xi32, #tpu.memory_space<vmem>> -> memref<128xi32, #tpu.memory_space<vmem>>
        %dma_start3A_1452 = arith.constant 0 : i32
        %dma_start3A_1453 = arith.constant 0 : i32
        %dma_start3A_1454 = tpu.memref_slice %arg18[%dma_start3A_1452, %dma_start3A_1453] : memref<10240x8xf32, #tpu.memory_space<vmem_shared>> -> memref<10240x8xf32, #tpu.memory_space<vmem_shared>>
        tpu.enqueue_indirect_dma source(%arg16 : memref<128x8xf32, #tpu.memory_space<vmem>>) target(%dma_start3A_1454 : memref<10240x8xf32, #tpu.memory_space<vmem_shared>>) offsets(%dma_start3A_1451 : memref<128xi32, #tpu.memory_space<vmem>>) semaphore(%arg22 : memref<!tpu.dma_semaphore, #tpu.memory_space<semaphore_mem>>) {add = true}
      } else {
      }
      %dma_wait3A_1138 = arith.constant 0 : i32
      %dma_wait3A_1139 = arith.constant 0 : i32
      %dma_wait3A_1140 = tpu.memref_slice %arg13[%dma_wait3A_1138, %dma_wait3A_1139] : memref<16x128xi32, #tpu.memory_space<vmem>> -> memref<1x128xi32, #tpu.memory_space<vmem>>
      %dma_wait3A_1141 = tpu.memref_squeeze %dma_wait3A_1140 : memref<1x128xi32, #tpu.memory_space<vmem>> -> memref<128xi32, #tpu.memory_space<vmem>>
      %dma_wait3A_1142 = arith.constant 0 : i32
      %dma_wait3A_1143 = arith.constant 0 : i32
      %dma_wait3A_1144 = tpu.memref_slice %arg17[%dma_wait3A_1142, %dma_wait3A_1143] : memref<10240x128xf32, #tpu.memory_space<vmem_shared>> -> memref<10240x128xf32, #tpu.memory_space<vmem_shared>>
      tpu.wait_indirect_dma semaphore(%arg22 : memref<!tpu.dma_semaphore, #tpu.memory_space<semaphore_mem>>) src(%arg15 : memref<128x128xf32, #tpu.memory_space<vmem>>) dst(%dma_wait3A_1144 : memref<10240x128xf32, #tpu.memory_space<vmem_shared>>)
      %convert_element_type3A_1145 = arith.extui %or3A_823 : i1 to i32
      %cond3A_1146 = arith.constant 0 : i32
      %cond3A_1147 = arith.cmpi ne, %convert_element_type3A_1145, %cond3A_1146 : i32
      scf.if %cond3A_1147 {
        %dma_wait3A_1448 = arith.constant 0 : i32
        %dma_wait3A_1449 = arith.constant 0 : i32
        %dma_wait3A_1450 = tpu.memref_slice %arg13[%dma_wait3A_1448, %dma_wait3A_1449] : memref<16x128xi32, #tpu.memory_space<vmem>> -> memref<1x128xi32, #tpu.memory_space<vmem>>
        %dma_wait3A_1451 = tpu.memref_squeeze %dma_wait3A_1450 : memref<1x128xi32, #tpu.memory_space<vmem>> -> memref<128xi32, #tpu.memory_space<vmem>>
        %dma_wait3A_1452 = arith.constant 0 : i32
        %dma_wait3A_1453 = arith.constant 0 : i32
        %dma_wait3A_1454 = tpu.memref_slice %arg18[%dma_wait3A_1452, %dma_wait3A_1453] : memref<10240x8xf32, #tpu.memory_space<vmem_shared>> -> memref<10240x8xf32, #tpu.memory_space<vmem_shared>>
        tpu.wait_indirect_dma semaphore(%arg22 : memref<!tpu.dma_semaphore, #tpu.memory_space<semaphore_mem>>) src(%arg16 : memref<128x8xf32, #tpu.memory_space<vmem>>) dst(%dma_wait3A_1454 : memref<10240x8xf32, #tpu.memory_space<vmem_shared>>)
      } else {
      }
      %eq3A_1148 = arith.constant 0 : i32
      %eq3A_1149 = arith.cmpi eq, %arg0, %eq3A_1148 : i32
      %convert_element_type3A_1150 = arith.extui %eq3A_1149 : i1 to i32
      %cond3A_1151 = arith.constant 9 : i32
      %cond3A_1152 = arith.constant 0 : i32
      %cond3A_1153 = arith.cmpi ne, %convert_element_type3A_1150, %cond3A_1152 : i32
      scf.if %cond3A_1153 {
        %dma_start3A_1448 = arith.constant 0 : i32
        %dma_start3A_1449 = tpu.memref_slice %arg12[%cond3A_1151, %dma_start3A_1448] : memref<16x128xi32, #tpu.memory_space<vmem>> -> memref<1x128xi32, #tpu.memory_space<vmem>>
        %dma_start3A_1450 = tpu.memref_squeeze %dma_start3A_1449 : memref<1x128xi32, #tpu.memory_space<vmem>> -> memref<128xi32, #tpu.memory_space<vmem>>
        %dma_start3A_1451 = arith.constant 0 : i32
        %dma_start3A_1452 = arith.constant 0 : i32
        %dma_start3A_1453 = tpu.memref_slice %arg4[%dma_start3A_1451, %dma_start3A_1452] : memref<20000x128xf32, #tpu.memory_space<hbm>> -> memref<20000x128xf32, #tpu.memory_space<hbm>>
        tpu.enqueue_indirect_dma source(%dma_start3A_1453 : memref<20000x128xf32, #tpu.memory_space<hbm>>) target(%arg15 : memref<128x128xf32, #tpu.memory_space<vmem>>) offsets(%dma_start3A_1450 : memref<128xi32, #tpu.memory_space<vmem>>) semaphore(%arg20 : memref<!tpu.dma_semaphore, #tpu.memory_space<semaphore_mem>>)
      } else {
      }
      %eq3A_1154 = arith.constant 1 : i32
      %eq3A_1155 = arith.cmpi eq, %arg0, %eq3A_1154 : i32
      %convert_element_type3A_1156 = arith.extui %eq3A_1155 : i1 to i32
      %cond3A_1157 = arith.constant 9 : i32
      %cond3A_1158 = arith.constant 0 : i32
      %cond3A_1159 = arith.cmpi ne, %convert_element_type3A_1156, %cond3A_1158 : i32
      scf.if %cond3A_1159 {
        %dma_start3A_1448 = arith.constant 0 : i32
        %dma_start3A_1449 = tpu.memref_slice %arg12[%cond3A_1157, %dma_start3A_1448] : memref<16x128xi32, #tpu.memory_space<vmem>> -> memref<1x128xi32, #tpu.memory_space<vmem>>
        %dma_start3A_1450 = tpu.memref_squeeze %dma_start3A_1449 : memref<1x128xi32, #tpu.memory_space<vmem>> -> memref<128xi32, #tpu.memory_space<vmem>>
        %dma_start3A_1451 = arith.constant 0 : i32
        %dma_start3A_1452 = arith.constant 0 : i32
        %dma_start3A_1453 = tpu.memref_slice %arg5[%dma_start3A_1451, %dma_start3A_1452] : memref<20000x128xf32, #tpu.memory_space<hbm>> -> memref<20000x128xf32, #tpu.memory_space<hbm>>
        tpu.enqueue_indirect_dma source(%dma_start3A_1453 : memref<20000x128xf32, #tpu.memory_space<hbm>>) target(%arg15 : memref<128x128xf32, #tpu.memory_space<vmem>>) offsets(%dma_start3A_1450 : memref<128xi32, #tpu.memory_space<vmem>>) semaphore(%arg20 : memref<!tpu.dma_semaphore, #tpu.memory_space<semaphore_mem>>)
      } else {
      }
      %dma_wait3A_1160 = arith.constant 0 : i32
      %dma_wait3A_1161 = arith.constant 0 : i32
      %dma_wait3A_1162 = tpu.memref_slice %arg12[%dma_wait3A_1160, %dma_wait3A_1161] : memref<16x128xi32, #tpu.memory_space<vmem>> -> memref<1x128xi32, #tpu.memory_space<vmem>>
      %dma_wait3A_1163 = tpu.memref_squeeze %dma_wait3A_1162 : memref<1x128xi32, #tpu.memory_space<vmem>> -> memref<128xi32, #tpu.memory_space<vmem>>
      %dma_wait3A_1164 = arith.constant 0 : i32
      %dma_wait3A_1165 = arith.constant 0 : i32
      %dma_wait3A_1166 = tpu.memref_slice %arg4[%dma_wait3A_1164, %dma_wait3A_1165] : memref<20000x128xf32, #tpu.memory_space<hbm>> -> memref<20000x128xf32, #tpu.memory_space<hbm>>
      tpu.wait_indirect_dma semaphore(%arg19 : memref<!tpu.dma_semaphore, #tpu.memory_space<semaphore_mem>>) src(%dma_wait3A_1166 : memref<20000x128xf32, #tpu.memory_space<hbm>>) dst(%arg14 : memref<128x128xf32, #tpu.memory_space<vmem>>)
      %dma_start3A_1167 = arith.constant 8 : i32
      %dma_start3A_1168 = arith.constant 0 : i32
      %dma_start3A_1169 = tpu.memref_slice %arg13[%dma_start3A_1167, %dma_start3A_1168] : memref<16x128xi32, #tpu.memory_space<vmem>> -> memref<1x128xi32, #tpu.memory_space<vmem>>
      %dma_start3A_1170 = tpu.memref_squeeze %dma_start3A_1169 : memref<1x128xi32, #tpu.memory_space<vmem>> -> memref<128xi32, #tpu.memory_space<vmem>>
      %dma_start3A_1171 = arith.constant 0 : i32
      %dma_start3A_1172 = arith.constant 0 : i32
      %dma_start3A_1173 = tpu.memref_slice %arg17[%dma_start3A_1171, %dma_start3A_1172] : memref<10240x128xf32, #tpu.memory_space<vmem_shared>> -> memref<10240x128xf32, #tpu.memory_space<vmem_shared>>
      tpu.enqueue_indirect_dma source(%arg14 : memref<128x128xf32, #tpu.memory_space<vmem>>) target(%dma_start3A_1173 : memref<10240x128xf32, #tpu.memory_space<vmem_shared>>) offsets(%dma_start3A_1170 : memref<128xi32, #tpu.memory_space<vmem>>) semaphore(%arg21 : memref<!tpu.dma_semaphore, #tpu.memory_space<semaphore_mem>>) {add = true}
      %convert_element_type3A_1174 = arith.extui %or3A_823 : i1 to i32
      %cond3A_1175 = arith.constant 0 : i32
      %cond3A_1176 = arith.cmpi ne, %convert_element_type3A_1174, %cond3A_1175 : i32
      scf.if %cond3A_1176 {
        %dma_start3A_1448 = arith.constant 8 : i32
        %dma_start3A_1449 = arith.constant 0 : i32
        %dma_start3A_1450 = tpu.memref_slice %arg13[%dma_start3A_1448, %dma_start3A_1449] : memref<16x128xi32, #tpu.memory_space<vmem>> -> memref<1x128xi32, #tpu.memory_space<vmem>>
        %dma_start3A_1451 = tpu.memref_squeeze %dma_start3A_1450 : memref<1x128xi32, #tpu.memory_space<vmem>> -> memref<128xi32, #tpu.memory_space<vmem>>
        %dma_start3A_1452 = arith.constant 0 : i32
        %dma_start3A_1453 = arith.constant 0 : i32
        %dma_start3A_1454 = tpu.memref_slice %arg18[%dma_start3A_1452, %dma_start3A_1453] : memref<10240x8xf32, #tpu.memory_space<vmem_shared>> -> memref<10240x8xf32, #tpu.memory_space<vmem_shared>>
        tpu.enqueue_indirect_dma source(%arg16 : memref<128x8xf32, #tpu.memory_space<vmem>>) target(%dma_start3A_1454 : memref<10240x8xf32, #tpu.memory_space<vmem_shared>>) offsets(%dma_start3A_1451 : memref<128xi32, #tpu.memory_space<vmem>>) semaphore(%arg21 : memref<!tpu.dma_semaphore, #tpu.memory_space<semaphore_mem>>) {add = true}
      } else {
      }
      %dma_wait3A_1177 = arith.constant 0 : i32
      %dma_wait3A_1178 = arith.constant 0 : i32
      %dma_wait3A_1179 = tpu.memref_slice %arg13[%dma_wait3A_1177, %dma_wait3A_1178] : memref<16x128xi32, #tpu.memory_space<vmem>> -> memref<1x128xi32, #tpu.memory_space<vmem>>
      %dma_wait3A_1180 = tpu.memref_squeeze %dma_wait3A_1179 : memref<1x128xi32, #tpu.memory_space<vmem>> -> memref<128xi32, #tpu.memory_space<vmem>>
      %dma_wait3A_1181 = arith.constant 0 : i32
      %dma_wait3A_1182 = arith.constant 0 : i32
      %dma_wait3A_1183 = tpu.memref_slice %arg17[%dma_wait3A_1181, %dma_wait3A_1182] : memref<10240x128xf32, #tpu.memory_space<vmem_shared>> -> memref<10240x128xf32, #tpu.memory_space<vmem_shared>>
      tpu.wait_indirect_dma semaphore(%arg21 : memref<!tpu.dma_semaphore, #tpu.memory_space<semaphore_mem>>) src(%arg14 : memref<128x128xf32, #tpu.memory_space<vmem>>) dst(%dma_wait3A_1183 : memref<10240x128xf32, #tpu.memory_space<vmem_shared>>)
      %convert_element_type3A_1184 = arith.extui %or3A_823 : i1 to i32
      %cond3A_1185 = arith.constant 0 : i32
      %cond3A_1186 = arith.cmpi ne, %convert_element_type3A_1184, %cond3A_1185 : i32
      scf.if %cond3A_1186 {
        %dma_wait3A_1448 = arith.constant 0 : i32
        %dma_wait3A_1449 = arith.constant 0 : i32
        %dma_wait3A_1450 = tpu.memref_slice %arg13[%dma_wait3A_1448, %dma_wait3A_1449] : memref<16x128xi32, #tpu.memory_space<vmem>> -> memref<1x128xi32, #tpu.memory_space<vmem>>
        %dma_wait3A_1451 = tpu.memref_squeeze %dma_wait3A_1450 : memref<1x128xi32, #tpu.memory_space<vmem>> -> memref<128xi32, #tpu.memory_space<vmem>>
        %dma_wait3A_1452 = arith.constant 0 : i32
        %dma_wait3A_1453 = arith.constant 0 : i32
        %dma_wait3A_1454 = tpu.memref_slice %arg18[%dma_wait3A_1452, %dma_wait3A_1453] : memref<10240x8xf32, #tpu.memory_space<vmem_shared>> -> memref<10240x8xf32, #tpu.memory_space<vmem_shared>>
        tpu.wait_indirect_dma semaphore(%arg21 : memref<!tpu.dma_semaphore, #tpu.memory_space<semaphore_mem>>) src(%arg16 : memref<128x8xf32, #tpu.memory_space<vmem>>) dst(%dma_wait3A_1454 : memref<10240x8xf32, #tpu.memory_space<vmem_shared>>)
      } else {
      }
      %eq3A_1187 = arith.constant 0 : i32
      %eq3A_1188 = arith.cmpi eq, %arg0, %eq3A_1187 : i32
      %convert_element_type3A_1189 = arith.extui %eq3A_1188 : i1 to i32
      %cond3A_1190 = arith.constant 10 : i32
      %cond3A_1191 = arith.constant 0 : i32
      %cond3A_1192 = arith.cmpi ne, %convert_element_type3A_1189, %cond3A_1191 : i32
      scf.if %cond3A_1192 {
        %dma_start3A_1448 = arith.constant 0 : i32
        %dma_start3A_1449 = tpu.memref_slice %arg12[%cond3A_1190, %dma_start3A_1448] : memref<16x128xi32, #tpu.memory_space<vmem>> -> memref<1x128xi32, #tpu.memory_space<vmem>>
        %dma_start3A_1450 = tpu.memref_squeeze %dma_start3A_1449 : memref<1x128xi32, #tpu.memory_space<vmem>> -> memref<128xi32, #tpu.memory_space<vmem>>
        %dma_start3A_1451 = arith.constant 0 : i32
        %dma_start3A_1452 = arith.constant 0 : i32
        %dma_start3A_1453 = tpu.memref_slice %arg4[%dma_start3A_1451, %dma_start3A_1452] : memref<20000x128xf32, #tpu.memory_space<hbm>> -> memref<20000x128xf32, #tpu.memory_space<hbm>>
        tpu.enqueue_indirect_dma source(%dma_start3A_1453 : memref<20000x128xf32, #tpu.memory_space<hbm>>) target(%arg14 : memref<128x128xf32, #tpu.memory_space<vmem>>) offsets(%dma_start3A_1450 : memref<128xi32, #tpu.memory_space<vmem>>) semaphore(%arg19 : memref<!tpu.dma_semaphore, #tpu.memory_space<semaphore_mem>>)
      } else {
      }
      %eq3A_1193 = arith.constant 1 : i32
      %eq3A_1194 = arith.cmpi eq, %arg0, %eq3A_1193 : i32
      %convert_element_type3A_1195 = arith.extui %eq3A_1194 : i1 to i32
      %cond3A_1196 = arith.constant 10 : i32
      %cond3A_1197 = arith.constant 0 : i32
      %cond3A_1198 = arith.cmpi ne, %convert_element_type3A_1195, %cond3A_1197 : i32
      scf.if %cond3A_1198 {
        %dma_start3A_1448 = arith.constant 0 : i32
        %dma_start3A_1449 = tpu.memref_slice %arg12[%cond3A_1196, %dma_start3A_1448] : memref<16x128xi32, #tpu.memory_space<vmem>> -> memref<1x128xi32, #tpu.memory_space<vmem>>
        %dma_start3A_1450 = tpu.memref_squeeze %dma_start3A_1449 : memref<1x128xi32, #tpu.memory_space<vmem>> -> memref<128xi32, #tpu.memory_space<vmem>>
        %dma_start3A_1451 = arith.constant 0 : i32
        %dma_start3A_1452 = arith.constant 0 : i32
        %dma_start3A_1453 = tpu.memref_slice %arg5[%dma_start3A_1451, %dma_start3A_1452] : memref<20000x128xf32, #tpu.memory_space<hbm>> -> memref<20000x128xf32, #tpu.memory_space<hbm>>
        tpu.enqueue_indirect_dma source(%dma_start3A_1453 : memref<20000x128xf32, #tpu.memory_space<hbm>>) target(%arg14 : memref<128x128xf32, #tpu.memory_space<vmem>>) offsets(%dma_start3A_1450 : memref<128xi32, #tpu.memory_space<vmem>>) semaphore(%arg19 : memref<!tpu.dma_semaphore, #tpu.memory_space<semaphore_mem>>)
      } else {
      }
      %dma_wait3A_1199 = arith.constant 0 : i32
      %dma_wait3A_1200 = arith.constant 0 : i32
      %dma_wait3A_1201 = tpu.memref_slice %arg12[%dma_wait3A_1199, %dma_wait3A_1200] : memref<16x128xi32, #tpu.memory_space<vmem>> -> memref<1x128xi32, #tpu.memory_space<vmem>>
      %dma_wait3A_1202 = tpu.memref_squeeze %dma_wait3A_1201 : memref<1x128xi32, #tpu.memory_space<vmem>> -> memref<128xi32, #tpu.memory_space<vmem>>
      %dma_wait3A_1203 = arith.constant 0 : i32
      %dma_wait3A_1204 = arith.constant 0 : i32
      %dma_wait3A_1205 = tpu.memref_slice %arg4[%dma_wait3A_1203, %dma_wait3A_1204] : memref<20000x128xf32, #tpu.memory_space<hbm>> -> memref<20000x128xf32, #tpu.memory_space<hbm>>
      tpu.wait_indirect_dma semaphore(%arg20 : memref<!tpu.dma_semaphore, #tpu.memory_space<semaphore_mem>>) src(%dma_wait3A_1205 : memref<20000x128xf32, #tpu.memory_space<hbm>>) dst(%arg15 : memref<128x128xf32, #tpu.memory_space<vmem>>)
      %dma_start3A_1206 = arith.constant 9 : i32
      %dma_start3A_1207 = arith.constant 0 : i32
      %dma_start3A_1208 = tpu.memref_slice %arg13[%dma_start3A_1206, %dma_start3A_1207] : memref<16x128xi32, #tpu.memory_space<vmem>> -> memref<1x128xi32, #tpu.memory_space<vmem>>
      %dma_start3A_1209 = tpu.memref_squeeze %dma_start3A_1208 : memref<1x128xi32, #tpu.memory_space<vmem>> -> memref<128xi32, #tpu.memory_space<vmem>>
      %dma_start3A_1210 = arith.constant 0 : i32
      %dma_start3A_1211 = arith.constant 0 : i32
      %dma_start3A_1212 = tpu.memref_slice %arg17[%dma_start3A_1210, %dma_start3A_1211] : memref<10240x128xf32, #tpu.memory_space<vmem_shared>> -> memref<10240x128xf32, #tpu.memory_space<vmem_shared>>
      tpu.enqueue_indirect_dma source(%arg15 : memref<128x128xf32, #tpu.memory_space<vmem>>) target(%dma_start3A_1212 : memref<10240x128xf32, #tpu.memory_space<vmem_shared>>) offsets(%dma_start3A_1209 : memref<128xi32, #tpu.memory_space<vmem>>) semaphore(%arg22 : memref<!tpu.dma_semaphore, #tpu.memory_space<semaphore_mem>>) {add = true}
      %convert_element_type3A_1213 = arith.extui %or3A_823 : i1 to i32
      %cond3A_1214 = arith.constant 0 : i32
      %cond3A_1215 = arith.cmpi ne, %convert_element_type3A_1213, %cond3A_1214 : i32
      scf.if %cond3A_1215 {
        %dma_start3A_1448 = arith.constant 9 : i32
        %dma_start3A_1449 = arith.constant 0 : i32
        %dma_start3A_1450 = tpu.memref_slice %arg13[%dma_start3A_1448, %dma_start3A_1449] : memref<16x128xi32, #tpu.memory_space<vmem>> -> memref<1x128xi32, #tpu.memory_space<vmem>>
        %dma_start3A_1451 = tpu.memref_squeeze %dma_start3A_1450 : memref<1x128xi32, #tpu.memory_space<vmem>> -> memref<128xi32, #tpu.memory_space<vmem>>
        %dma_start3A_1452 = arith.constant 0 : i32
        %dma_start3A_1453 = arith.constant 0 : i32
        %dma_start3A_1454 = tpu.memref_slice %arg18[%dma_start3A_1452, %dma_start3A_1453] : memref<10240x8xf32, #tpu.memory_space<vmem_shared>> -> memref<10240x8xf32, #tpu.memory_space<vmem_shared>>
        tpu.enqueue_indirect_dma source(%arg16 : memref<128x8xf32, #tpu.memory_space<vmem>>) target(%dma_start3A_1454 : memref<10240x8xf32, #tpu.memory_space<vmem_shared>>) offsets(%dma_start3A_1451 : memref<128xi32, #tpu.memory_space<vmem>>) semaphore(%arg22 : memref<!tpu.dma_semaphore, #tpu.memory_space<semaphore_mem>>) {add = true}
      } else {
      }
      %dma_wait3A_1216 = arith.constant 0 : i32
      %dma_wait3A_1217 = arith.constant 0 : i32
      %dma_wait3A_1218 = tpu.memref_slice %arg13[%dma_wait3A_1216, %dma_wait3A_1217] : memref<16x128xi32, #tpu.memory_space<vmem>> -> memref<1x128xi32, #tpu.memory_space<vmem>>
      %dma_wait3A_1219 = tpu.memref_squeeze %dma_wait3A_1218 : memref<1x128xi32, #tpu.memory_space<vmem>> -> memref<128xi32, #tpu.memory_space<vmem>>
      %dma_wait3A_1220 = arith.constant 0 : i32
      %dma_wait3A_1221 = arith.constant 0 : i32
      %dma_wait3A_1222 = tpu.memref_slice %arg17[%dma_wait3A_1220, %dma_wait3A_1221] : memref<10240x128xf32, #tpu.memory_space<vmem_shared>> -> memref<10240x128xf32, #tpu.memory_space<vmem_shared>>
      tpu.wait_indirect_dma semaphore(%arg22 : memref<!tpu.dma_semaphore, #tpu.memory_space<semaphore_mem>>) src(%arg15 : memref<128x128xf32, #tpu.memory_space<vmem>>) dst(%dma_wait3A_1222 : memref<10240x128xf32, #tpu.memory_space<vmem_shared>>)
      %convert_element_type3A_1223 = arith.extui %or3A_823 : i1 to i32
      %cond3A_1224 = arith.constant 0 : i32
      %cond3A_1225 = arith.cmpi ne, %convert_element_type3A_1223, %cond3A_1224 : i32
      scf.if %cond3A_1225 {
        %dma_wait3A_1448 = arith.constant 0 : i32
        %dma_wait3A_1449 = arith.constant 0 : i32
        %dma_wait3A_1450 = tpu.memref_slice %arg13[%dma_wait3A_1448, %dma_wait3A_1449] : memref<16x128xi32, #tpu.memory_space<vmem>> -> memref<1x128xi32, #tpu.memory_space<vmem>>
        %dma_wait3A_1451 = tpu.memref_squeeze %dma_wait3A_1450 : memref<1x128xi32, #tpu.memory_space<vmem>> -> memref<128xi32, #tpu.memory_space<vmem>>
        %dma_wait3A_1452 = arith.constant 0 : i32
        %dma_wait3A_1453 = arith.constant 0 : i32
        %dma_wait3A_1454 = tpu.memref_slice %arg18[%dma_wait3A_1452, %dma_wait3A_1453] : memref<10240x8xf32, #tpu.memory_space<vmem_shared>> -> memref<10240x8xf32, #tpu.memory_space<vmem_shared>>
        tpu.wait_indirect_dma semaphore(%arg22 : memref<!tpu.dma_semaphore, #tpu.memory_space<semaphore_mem>>) src(%arg16 : memref<128x8xf32, #tpu.memory_space<vmem>>) dst(%dma_wait3A_1454 : memref<10240x8xf32, #tpu.memory_space<vmem_shared>>)
      } else {
      }
      %eq3A_1226 = arith.constant 0 : i32
      %eq3A_1227 = arith.cmpi eq, %arg0, %eq3A_1226 : i32
      %convert_element_type3A_1228 = arith.extui %eq3A_1227 : i1 to i32
      %cond3A_1229 = arith.constant 11 : i32
      %cond3A_1230 = arith.constant 0 : i32
      %cond3A_1231 = arith.cmpi ne, %convert_element_type3A_1228, %cond3A_1230 : i32
      scf.if %cond3A_1231 {
        %dma_start3A_1448 = arith.constant 0 : i32
        %dma_start3A_1449 = tpu.memref_slice %arg12[%cond3A_1229, %dma_start3A_1448] : memref<16x128xi32, #tpu.memory_space<vmem>> -> memref<1x128xi32, #tpu.memory_space<vmem>>
        %dma_start3A_1450 = tpu.memref_squeeze %dma_start3A_1449 : memref<1x128xi32, #tpu.memory_space<vmem>> -> memref<128xi32, #tpu.memory_space<vmem>>
        %dma_start3A_1451 = arith.constant 0 : i32
        %dma_start3A_1452 = arith.constant 0 : i32
        %dma_start3A_1453 = tpu.memref_slice %arg4[%dma_start3A_1451, %dma_start3A_1452] : memref<20000x128xf32, #tpu.memory_space<hbm>> -> memref<20000x128xf32, #tpu.memory_space<hbm>>
        tpu.enqueue_indirect_dma source(%dma_start3A_1453 : memref<20000x128xf32, #tpu.memory_space<hbm>>) target(%arg15 : memref<128x128xf32, #tpu.memory_space<vmem>>) offsets(%dma_start3A_1450 : memref<128xi32, #tpu.memory_space<vmem>>) semaphore(%arg20 : memref<!tpu.dma_semaphore, #tpu.memory_space<semaphore_mem>>)
      } else {
      }
      %eq3A_1232 = arith.constant 1 : i32
      %eq3A_1233 = arith.cmpi eq, %arg0, %eq3A_1232 : i32
      %convert_element_type3A_1234 = arith.extui %eq3A_1233 : i1 to i32
      %cond3A_1235 = arith.constant 11 : i32
      %cond3A_1236 = arith.constant 0 : i32
      %cond3A_1237 = arith.cmpi ne, %convert_element_type3A_1234, %cond3A_1236 : i32
      scf.if %cond3A_1237 {
        %dma_start3A_1448 = arith.constant 0 : i32
        %dma_start3A_1449 = tpu.memref_slice %arg12[%cond3A_1235, %dma_start3A_1448] : memref<16x128xi32, #tpu.memory_space<vmem>> -> memref<1x128xi32, #tpu.memory_space<vmem>>
        %dma_start3A_1450 = tpu.memref_squeeze %dma_start3A_1449 : memref<1x128xi32, #tpu.memory_space<vmem>> -> memref<128xi32, #tpu.memory_space<vmem>>
        %dma_start3A_1451 = arith.constant 0 : i32
        %dma_start3A_1452 = arith.constant 0 : i32
        %dma_start3A_1453 = tpu.memref_slice %arg5[%dma_start3A_1451, %dma_start3A_1452] : memref<20000x128xf32, #tpu.memory_space<hbm>> -> memref<20000x128xf32, #tpu.memory_space<hbm>>
        tpu.enqueue_indirect_dma source(%dma_start3A_1453 : memref<20000x128xf32, #tpu.memory_space<hbm>>) target(%arg15 : memref<128x128xf32, #tpu.memory_space<vmem>>) offsets(%dma_start3A_1450 : memref<128xi32, #tpu.memory_space<vmem>>) semaphore(%arg20 : memref<!tpu.dma_semaphore, #tpu.memory_space<semaphore_mem>>)
      } else {
      }
      %dma_wait3A_1238 = arith.constant 0 : i32
      %dma_wait3A_1239 = arith.constant 0 : i32
      %dma_wait3A_1240 = tpu.memref_slice %arg12[%dma_wait3A_1238, %dma_wait3A_1239] : memref<16x128xi32, #tpu.memory_space<vmem>> -> memref<1x128xi32, #tpu.memory_space<vmem>>
      %dma_wait3A_1241 = tpu.memref_squeeze %dma_wait3A_1240 : memref<1x128xi32, #tpu.memory_space<vmem>> -> memref<128xi32, #tpu.memory_space<vmem>>
      %dma_wait3A_1242 = arith.constant 0 : i32
      %dma_wait3A_1243 = arith.constant 0 : i32
      %dma_wait3A_1244 = tpu.memref_slice %arg4[%dma_wait3A_1242, %dma_wait3A_1243] : memref<20000x128xf32, #tpu.memory_space<hbm>> -> memref<20000x128xf32, #tpu.memory_space<hbm>>
      tpu.wait_indirect_dma semaphore(%arg19 : memref<!tpu.dma_semaphore, #tpu.memory_space<semaphore_mem>>) src(%dma_wait3A_1244 : memref<20000x128xf32, #tpu.memory_space<hbm>>) dst(%arg14 : memref<128x128xf32, #tpu.memory_space<vmem>>)
      %dma_start3A_1245 = arith.constant 10 : i32
      %dma_start3A_1246 = arith.constant 0 : i32
      %dma_start3A_1247 = tpu.memref_slice %arg13[%dma_start3A_1245, %dma_start3A_1246] : memref<16x128xi32, #tpu.memory_space<vmem>> -> memref<1x128xi32, #tpu.memory_space<vmem>>
      %dma_start3A_1248 = tpu.memref_squeeze %dma_start3A_1247 : memref<1x128xi32, #tpu.memory_space<vmem>> -> memref<128xi32, #tpu.memory_space<vmem>>
      %dma_start3A_1249 = arith.constant 0 : i32
      %dma_start3A_1250 = arith.constant 0 : i32
      %dma_start3A_1251 = tpu.memref_slice %arg17[%dma_start3A_1249, %dma_start3A_1250] : memref<10240x128xf32, #tpu.memory_space<vmem_shared>> -> memref<10240x128xf32, #tpu.memory_space<vmem_shared>>
      tpu.enqueue_indirect_dma source(%arg14 : memref<128x128xf32, #tpu.memory_space<vmem>>) target(%dma_start3A_1251 : memref<10240x128xf32, #tpu.memory_space<vmem_shared>>) offsets(%dma_start3A_1248 : memref<128xi32, #tpu.memory_space<vmem>>) semaphore(%arg21 : memref<!tpu.dma_semaphore, #tpu.memory_space<semaphore_mem>>) {add = true}
      %convert_element_type3A_1252 = arith.extui %or3A_823 : i1 to i32
      %cond3A_1253 = arith.constant 0 : i32
      %cond3A_1254 = arith.cmpi ne, %convert_element_type3A_1252, %cond3A_1253 : i32
      scf.if %cond3A_1254 {
        %dma_start3A_1448 = arith.constant 10 : i32
        %dma_start3A_1449 = arith.constant 0 : i32
        %dma_start3A_1450 = tpu.memref_slice %arg13[%dma_start3A_1448, %dma_start3A_1449] : memref<16x128xi32, #tpu.memory_space<vmem>> -> memref<1x128xi32, #tpu.memory_space<vmem>>
        %dma_start3A_1451 = tpu.memref_squeeze %dma_start3A_1450 : memref<1x128xi32, #tpu.memory_space<vmem>> -> memref<128xi32, #tpu.memory_space<vmem>>
        %dma_start3A_1452 = arith.constant 0 : i32
        %dma_start3A_1453 = arith.constant 0 : i32
        %dma_start3A_1454 = tpu.memref_slice %arg18[%dma_start3A_1452, %dma_start3A_1453] : memref<10240x8xf32, #tpu.memory_space<vmem_shared>> -> memref<10240x8xf32, #tpu.memory_space<vmem_shared>>
        tpu.enqueue_indirect_dma source(%arg16 : memref<128x8xf32, #tpu.memory_space<vmem>>) target(%dma_start3A_1454 : memref<10240x8xf32, #tpu.memory_space<vmem_shared>>) offsets(%dma_start3A_1451 : memref<128xi32, #tpu.memory_space<vmem>>) semaphore(%arg21 : memref<!tpu.dma_semaphore, #tpu.memory_space<semaphore_mem>>) {add = true}
      } else {
      }
      %dma_wait3A_1255 = arith.constant 0 : i32
      %dma_wait3A_1256 = arith.constant 0 : i32
      %dma_wait3A_1257 = tpu.memref_slice %arg13[%dma_wait3A_1255, %dma_wait3A_1256] : memref<16x128xi32, #tpu.memory_space<vmem>> -> memref<1x128xi32, #tpu.memory_space<vmem>>
      %dma_wait3A_1258 = tpu.memref_squeeze %dma_wait3A_1257 : memref<1x128xi32, #tpu.memory_space<vmem>> -> memref<128xi32, #tpu.memory_space<vmem>>
      %dma_wait3A_1259 = arith.constant 0 : i32
      %dma_wait3A_1260 = arith.constant 0 : i32
      %dma_wait3A_1261 = tpu.memref_slice %arg17[%dma_wait3A_1259, %dma_wait3A_1260] : memref<10240x128xf32, #tpu.memory_space<vmem_shared>> -> memref<10240x128xf32, #tpu.memory_space<vmem_shared>>
      tpu.wait_indirect_dma semaphore(%arg21 : memref<!tpu.dma_semaphore, #tpu.memory_space<semaphore_mem>>) src(%arg14 : memref<128x128xf32, #tpu.memory_space<vmem>>) dst(%dma_wait3A_1261 : memref<10240x128xf32, #tpu.memory_space<vmem_shared>>)
      %convert_element_type3A_1262 = arith.extui %or3A_823 : i1 to i32
      %cond3A_1263 = arith.constant 0 : i32
      %cond3A_1264 = arith.cmpi ne, %convert_element_type3A_1262, %cond3A_1263 : i32
      scf.if %cond3A_1264 {
        %dma_wait3A_1448 = arith.constant 0 : i32
        %dma_wait3A_1449 = arith.constant 0 : i32
        %dma_wait3A_1450 = tpu.memref_slice %arg13[%dma_wait3A_1448, %dma_wait3A_1449] : memref<16x128xi32, #tpu.memory_space<vmem>> -> memref<1x128xi32, #tpu.memory_space<vmem>>
        %dma_wait3A_1451 = tpu.memref_squeeze %dma_wait3A_1450 : memref<1x128xi32, #tpu.memory_space<vmem>> -> memref<128xi32, #tpu.memory_space<vmem>>
        %dma_wait3A_1452 = arith.constant 0 : i32
        %dma_wait3A_1453 = arith.constant 0 : i32
        %dma_wait3A_1454 = tpu.memref_slice %arg18[%dma_wait3A_1452, %dma_wait3A_1453] : memref<10240x8xf32, #tpu.memory_space<vmem_shared>> -> memref<10240x8xf32, #tpu.memory_space<vmem_shared>>
        tpu.wait_indirect_dma semaphore(%arg21 : memref<!tpu.dma_semaphore, #tpu.memory_space<semaphore_mem>>) src(%arg16 : memref<128x8xf32, #tpu.memory_space<vmem>>) dst(%dma_wait3A_1454 : memref<10240x8xf32, #tpu.memory_space<vmem_shared>>)
      } else {
      }
      %eq3A_1265 = arith.constant 0 : i32
      %eq3A_1266 = arith.cmpi eq, %arg0, %eq3A_1265 : i32
      %convert_element_type3A_1267 = arith.extui %eq3A_1266 : i1 to i32
      %cond3A_1268 = arith.constant 12 : i32
      %cond3A_1269 = arith.constant 0 : i32
      %cond3A_1270 = arith.cmpi ne, %convert_element_type3A_1267, %cond3A_1269 : i32
      scf.if %cond3A_1270 {
        %dma_start3A_1448 = arith.constant 0 : i32
        %dma_start3A_1449 = tpu.memref_slice %arg12[%cond3A_1268, %dma_start3A_1448] : memref<16x128xi32, #tpu.memory_space<vmem>> -> memref<1x128xi32, #tpu.memory_space<vmem>>
        %dma_start3A_1450 = tpu.memref_squeeze %dma_start3A_1449 : memref<1x128xi32, #tpu.memory_space<vmem>> -> memref<128xi32, #tpu.memory_space<vmem>>
        %dma_start3A_1451 = arith.constant 0 : i32
        %dma_start3A_1452 = arith.constant 0 : i32
        %dma_start3A_1453 = tpu.memref_slice %arg4[%dma_start3A_1451, %dma_start3A_1452] : memref<20000x128xf32, #tpu.memory_space<hbm>> -> memref<20000x128xf32, #tpu.memory_space<hbm>>
        tpu.enqueue_indirect_dma source(%dma_start3A_1453 : memref<20000x128xf32, #tpu.memory_space<hbm>>) target(%arg14 : memref<128x128xf32, #tpu.memory_space<vmem>>) offsets(%dma_start3A_1450 : memref<128xi32, #tpu.memory_space<vmem>>) semaphore(%arg19 : memref<!tpu.dma_semaphore, #tpu.memory_space<semaphore_mem>>)
      } else {
      }
      %eq3A_1271 = arith.constant 1 : i32
      %eq3A_1272 = arith.cmpi eq, %arg0, %eq3A_1271 : i32
      %convert_element_type3A_1273 = arith.extui %eq3A_1272 : i1 to i32
      %cond3A_1274 = arith.constant 12 : i32
      %cond3A_1275 = arith.constant 0 : i32
      %cond3A_1276 = arith.cmpi ne, %convert_element_type3A_1273, %cond3A_1275 : i32
      scf.if %cond3A_1276 {
        %dma_start3A_1448 = arith.constant 0 : i32
        %dma_start3A_1449 = tpu.memref_slice %arg12[%cond3A_1274, %dma_start3A_1448] : memref<16x128xi32, #tpu.memory_space<vmem>> -> memref<1x128xi32, #tpu.memory_space<vmem>>
        %dma_start3A_1450 = tpu.memref_squeeze %dma_start3A_1449 : memref<1x128xi32, #tpu.memory_space<vmem>> -> memref<128xi32, #tpu.memory_space<vmem>>
        %dma_start3A_1451 = arith.constant 0 : i32
        %dma_start3A_1452 = arith.constant 0 : i32
        %dma_start3A_1453 = tpu.memref_slice %arg5[%dma_start3A_1451, %dma_start3A_1452] : memref<20000x128xf32, #tpu.memory_space<hbm>> -> memref<20000x128xf32, #tpu.memory_space<hbm>>
        tpu.enqueue_indirect_dma source(%dma_start3A_1453 : memref<20000x128xf32, #tpu.memory_space<hbm>>) target(%arg14 : memref<128x128xf32, #tpu.memory_space<vmem>>) offsets(%dma_start3A_1450 : memref<128xi32, #tpu.memory_space<vmem>>) semaphore(%arg19 : memref<!tpu.dma_semaphore, #tpu.memory_space<semaphore_mem>>)
      } else {
      }
      %dma_wait3A_1277 = arith.constant 0 : i32
      %dma_wait3A_1278 = arith.constant 0 : i32
      %dma_wait3A_1279 = tpu.memref_slice %arg12[%dma_wait3A_1277, %dma_wait3A_1278] : memref<16x128xi32, #tpu.memory_space<vmem>> -> memref<1x128xi32, #tpu.memory_space<vmem>>
      %dma_wait3A_1280 = tpu.memref_squeeze %dma_wait3A_1279 : memref<1x128xi32, #tpu.memory_space<vmem>> -> memref<128xi32, #tpu.memory_space<vmem>>
      %dma_wait3A_1281 = arith.constant 0 : i32
      %dma_wait3A_1282 = arith.constant 0 : i32
      %dma_wait3A_1283 = tpu.memref_slice %arg4[%dma_wait3A_1281, %dma_wait3A_1282] : memref<20000x128xf32, #tpu.memory_space<hbm>> -> memref<20000x128xf32, #tpu.memory_space<hbm>>
      tpu.wait_indirect_dma semaphore(%arg20 : memref<!tpu.dma_semaphore, #tpu.memory_space<semaphore_mem>>) src(%dma_wait3A_1283 : memref<20000x128xf32, #tpu.memory_space<hbm>>) dst(%arg15 : memref<128x128xf32, #tpu.memory_space<vmem>>)
      %dma_start3A_1284 = arith.constant 11 : i32
      %dma_start3A_1285 = arith.constant 0 : i32
      %dma_start3A_1286 = tpu.memref_slice %arg13[%dma_start3A_1284, %dma_start3A_1285] : memref<16x128xi32, #tpu.memory_space<vmem>> -> memref<1x128xi32, #tpu.memory_space<vmem>>
      %dma_start3A_1287 = tpu.memref_squeeze %dma_start3A_1286 : memref<1x128xi32, #tpu.memory_space<vmem>> -> memref<128xi32, #tpu.memory_space<vmem>>
      %dma_start3A_1288 = arith.constant 0 : i32
      %dma_start3A_1289 = arith.constant 0 : i32
      %dma_start3A_1290 = tpu.memref_slice %arg17[%dma_start3A_1288, %dma_start3A_1289] : memref<10240x128xf32, #tpu.memory_space<vmem_shared>> -> memref<10240x128xf32, #tpu.memory_space<vmem_shared>>
      tpu.enqueue_indirect_dma source(%arg15 : memref<128x128xf32, #tpu.memory_space<vmem>>) target(%dma_start3A_1290 : memref<10240x128xf32, #tpu.memory_space<vmem_shared>>) offsets(%dma_start3A_1287 : memref<128xi32, #tpu.memory_space<vmem>>) semaphore(%arg22 : memref<!tpu.dma_semaphore, #tpu.memory_space<semaphore_mem>>) {add = true}
      %convert_element_type3A_1291 = arith.extui %or3A_823 : i1 to i32
      %cond3A_1292 = arith.constant 0 : i32
      %cond3A_1293 = arith.cmpi ne, %convert_element_type3A_1291, %cond3A_1292 : i32
      scf.if %cond3A_1293 {
        %dma_start3A_1448 = arith.constant 11 : i32
        %dma_start3A_1449 = arith.constant 0 : i32
        %dma_start3A_1450 = tpu.memref_slice %arg13[%dma_start3A_1448, %dma_start3A_1449] : memref<16x128xi32, #tpu.memory_space<vmem>> -> memref<1x128xi32, #tpu.memory_space<vmem>>
        %dma_start3A_1451 = tpu.memref_squeeze %dma_start3A_1450 : memref<1x128xi32, #tpu.memory_space<vmem>> -> memref<128xi32, #tpu.memory_space<vmem>>
        %dma_start3A_1452 = arith.constant 0 : i32
        %dma_start3A_1453 = arith.constant 0 : i32
        %dma_start3A_1454 = tpu.memref_slice %arg18[%dma_start3A_1452, %dma_start3A_1453] : memref<10240x8xf32, #tpu.memory_space<vmem_shared>> -> memref<10240x8xf32, #tpu.memory_space<vmem_shared>>
        tpu.enqueue_indirect_dma source(%arg16 : memref<128x8xf32, #tpu.memory_space<vmem>>) target(%dma_start3A_1454 : memref<10240x8xf32, #tpu.memory_space<vmem_shared>>) offsets(%dma_start3A_1451 : memref<128xi32, #tpu.memory_space<vmem>>) semaphore(%arg22 : memref<!tpu.dma_semaphore, #tpu.memory_space<semaphore_mem>>) {add = true}
      } else {
      }
      %dma_wait3A_1294 = arith.constant 0 : i32
      %dma_wait3A_1295 = arith.constant 0 : i32
      %dma_wait3A_1296 = tpu.memref_slice %arg13[%dma_wait3A_1294, %dma_wait3A_1295] : memref<16x128xi32, #tpu.memory_space<vmem>> -> memref<1x128xi32, #tpu.memory_space<vmem>>
      %dma_wait3A_1297 = tpu.memref_squeeze %dma_wait3A_1296 : memref<1x128xi32, #tpu.memory_space<vmem>> -> memref<128xi32, #tpu.memory_space<vmem>>
      %dma_wait3A_1298 = arith.constant 0 : i32
      %dma_wait3A_1299 = arith.constant 0 : i32
      %dma_wait3A_1300 = tpu.memref_slice %arg17[%dma_wait3A_1298, %dma_wait3A_1299] : memref<10240x128xf32, #tpu.memory_space<vmem_shared>> -> memref<10240x128xf32, #tpu.memory_space<vmem_shared>>
      tpu.wait_indirect_dma semaphore(%arg22 : memref<!tpu.dma_semaphore, #tpu.memory_space<semaphore_mem>>) src(%arg15 : memref<128x128xf32, #tpu.memory_space<vmem>>) dst(%dma_wait3A_1300 : memref<10240x128xf32, #tpu.memory_space<vmem_shared>>)
      %convert_element_type3A_1301 = arith.extui %or3A_823 : i1 to i32
      %cond3A_1302 = arith.constant 0 : i32
      %cond3A_1303 = arith.cmpi ne, %convert_element_type3A_1301, %cond3A_1302 : i32
      scf.if %cond3A_1303 {
        %dma_wait3A_1448 = arith.constant 0 : i32
        %dma_wait3A_1449 = arith.constant 0 : i32
        %dma_wait3A_1450 = tpu.memref_slice %arg13[%dma_wait3A_1448, %dma_wait3A_1449] : memref<16x128xi32, #tpu.memory_space<vmem>> -> memref<1x128xi32, #tpu.memory_space<vmem>>
        %dma_wait3A_1451 = tpu.memref_squeeze %dma_wait3A_1450 : memref<1x128xi32, #tpu.memory_space<vmem>> -> memref<128xi32, #tpu.memory_space<vmem>>
        %dma_wait3A_1452 = arith.constant 0 : i32
        %dma_wait3A_1453 = arith.constant 0 : i32
        %dma_wait3A_1454 = tpu.memref_slice %arg18[%dma_wait3A_1452, %dma_wait3A_1453] : memref<10240x8xf32, #tpu.memory_space<vmem_shared>> -> memref<10240x8xf32, #tpu.memory_space<vmem_shared>>
        tpu.wait_indirect_dma semaphore(%arg22 : memref<!tpu.dma_semaphore, #tpu.memory_space<semaphore_mem>>) src(%arg16 : memref<128x8xf32, #tpu.memory_space<vmem>>) dst(%dma_wait3A_1454 : memref<10240x8xf32, #tpu.memory_space<vmem_shared>>)
      } else {
      }
      %eq3A_1304 = arith.constant 0 : i32
      %eq3A_1305 = arith.cmpi eq, %arg0, %eq3A_1304 : i32
      %convert_element_type3A_1306 = arith.extui %eq3A_1305 : i1 to i32
      %cond3A_1307 = arith.constant 13 : i32
      %cond3A_1308 = arith.constant 0 : i32
      %cond3A_1309 = arith.cmpi ne, %convert_element_type3A_1306, %cond3A_1308 : i32
      scf.if %cond3A_1309 {
        %dma_start3A_1448 = arith.constant 0 : i32
        %dma_start3A_1449 = tpu.memref_slice %arg12[%cond3A_1307, %dma_start3A_1448] : memref<16x128xi32, #tpu.memory_space<vmem>> -> memref<1x128xi32, #tpu.memory_space<vmem>>
        %dma_start3A_1450 = tpu.memref_squeeze %dma_start3A_1449 : memref<1x128xi32, #tpu.memory_space<vmem>> -> memref<128xi32, #tpu.memory_space<vmem>>
        %dma_start3A_1451 = arith.constant 0 : i32
        %dma_start3A_1452 = arith.constant 0 : i32
        %dma_start3A_1453 = tpu.memref_slice %arg4[%dma_start3A_1451, %dma_start3A_1452] : memref<20000x128xf32, #tpu.memory_space<hbm>> -> memref<20000x128xf32, #tpu.memory_space<hbm>>
        tpu.enqueue_indirect_dma source(%dma_start3A_1453 : memref<20000x128xf32, #tpu.memory_space<hbm>>) target(%arg15 : memref<128x128xf32, #tpu.memory_space<vmem>>) offsets(%dma_start3A_1450 : memref<128xi32, #tpu.memory_space<vmem>>) semaphore(%arg20 : memref<!tpu.dma_semaphore, #tpu.memory_space<semaphore_mem>>)
      } else {
      }
      %eq3A_1310 = arith.constant 1 : i32
      %eq3A_1311 = arith.cmpi eq, %arg0, %eq3A_1310 : i32
      %convert_element_type3A_1312 = arith.extui %eq3A_1311 : i1 to i32
      %cond3A_1313 = arith.constant 13 : i32
      %cond3A_1314 = arith.constant 0 : i32
      %cond3A_1315 = arith.cmpi ne, %convert_element_type3A_1312, %cond3A_1314 : i32
      scf.if %cond3A_1315 {
        %dma_start3A_1448 = arith.constant 0 : i32
        %dma_start3A_1449 = tpu.memref_slice %arg12[%cond3A_1313, %dma_start3A_1448] : memref<16x128xi32, #tpu.memory_space<vmem>> -> memref<1x128xi32, #tpu.memory_space<vmem>>
        %dma_start3A_1450 = tpu.memref_squeeze %dma_start3A_1449 : memref<1x128xi32, #tpu.memory_space<vmem>> -> memref<128xi32, #tpu.memory_space<vmem>>
        %dma_start3A_1451 = arith.constant 0 : i32
        %dma_start3A_1452 = arith.constant 0 : i32
        %dma_start3A_1453 = tpu.memref_slice %arg5[%dma_start3A_1451, %dma_start3A_1452] : memref<20000x128xf32, #tpu.memory_space<hbm>> -> memref<20000x128xf32, #tpu.memory_space<hbm>>
        tpu.enqueue_indirect_dma source(%dma_start3A_1453 : memref<20000x128xf32, #tpu.memory_space<hbm>>) target(%arg15 : memref<128x128xf32, #tpu.memory_space<vmem>>) offsets(%dma_start3A_1450 : memref<128xi32, #tpu.memory_space<vmem>>) semaphore(%arg20 : memref<!tpu.dma_semaphore, #tpu.memory_space<semaphore_mem>>)
      } else {
      }
      %dma_wait3A_1316 = arith.constant 0 : i32
      %dma_wait3A_1317 = arith.constant 0 : i32
      %dma_wait3A_1318 = tpu.memref_slice %arg12[%dma_wait3A_1316, %dma_wait3A_1317] : memref<16x128xi32, #tpu.memory_space<vmem>> -> memref<1x128xi32, #tpu.memory_space<vmem>>
      %dma_wait3A_1319 = tpu.memref_squeeze %dma_wait3A_1318 : memref<1x128xi32, #tpu.memory_space<vmem>> -> memref<128xi32, #tpu.memory_space<vmem>>
      %dma_wait3A_1320 = arith.constant 0 : i32
      %dma_wait3A_1321 = arith.constant 0 : i32
      %dma_wait3A_1322 = tpu.memref_slice %arg4[%dma_wait3A_1320, %dma_wait3A_1321] : memref<20000x128xf32, #tpu.memory_space<hbm>> -> memref<20000x128xf32, #tpu.memory_space<hbm>>
      tpu.wait_indirect_dma semaphore(%arg19 : memref<!tpu.dma_semaphore, #tpu.memory_space<semaphore_mem>>) src(%dma_wait3A_1322 : memref<20000x128xf32, #tpu.memory_space<hbm>>) dst(%arg14 : memref<128x128xf32, #tpu.memory_space<vmem>>)
      %dma_start3A_1323 = arith.constant 12 : i32
      %dma_start3A_1324 = arith.constant 0 : i32
      %dma_start3A_1325 = tpu.memref_slice %arg13[%dma_start3A_1323, %dma_start3A_1324] : memref<16x128xi32, #tpu.memory_space<vmem>> -> memref<1x128xi32, #tpu.memory_space<vmem>>
      %dma_start3A_1326 = tpu.memref_squeeze %dma_start3A_1325 : memref<1x128xi32, #tpu.memory_space<vmem>> -> memref<128xi32, #tpu.memory_space<vmem>>
      %dma_start3A_1327 = arith.constant 0 : i32
      %dma_start3A_1328 = arith.constant 0 : i32
      %dma_start3A_1329 = tpu.memref_slice %arg17[%dma_start3A_1327, %dma_start3A_1328] : memref<10240x128xf32, #tpu.memory_space<vmem_shared>> -> memref<10240x128xf32, #tpu.memory_space<vmem_shared>>
      tpu.enqueue_indirect_dma source(%arg14 : memref<128x128xf32, #tpu.memory_space<vmem>>) target(%dma_start3A_1329 : memref<10240x128xf32, #tpu.memory_space<vmem_shared>>) offsets(%dma_start3A_1326 : memref<128xi32, #tpu.memory_space<vmem>>) semaphore(%arg21 : memref<!tpu.dma_semaphore, #tpu.memory_space<semaphore_mem>>) {add = true}
      %convert_element_type3A_1330 = arith.extui %or3A_823 : i1 to i32
      %cond3A_1331 = arith.constant 0 : i32
      %cond3A_1332 = arith.cmpi ne, %convert_element_type3A_1330, %cond3A_1331 : i32
      scf.if %cond3A_1332 {
        %dma_start3A_1448 = arith.constant 12 : i32
        %dma_start3A_1449 = arith.constant 0 : i32
        %dma_start3A_1450 = tpu.memref_slice %arg13[%dma_start3A_1448, %dma_start3A_1449] : memref<16x128xi32, #tpu.memory_space<vmem>> -> memref<1x128xi32, #tpu.memory_space<vmem>>
        %dma_start3A_1451 = tpu.memref_squeeze %dma_start3A_1450 : memref<1x128xi32, #tpu.memory_space<vmem>> -> memref<128xi32, #tpu.memory_space<vmem>>
        %dma_start3A_1452 = arith.constant 0 : i32
        %dma_start3A_1453 = arith.constant 0 : i32
        %dma_start3A_1454 = tpu.memref_slice %arg18[%dma_start3A_1452, %dma_start3A_1453] : memref<10240x8xf32, #tpu.memory_space<vmem_shared>> -> memref<10240x8xf32, #tpu.memory_space<vmem_shared>>
        tpu.enqueue_indirect_dma source(%arg16 : memref<128x8xf32, #tpu.memory_space<vmem>>) target(%dma_start3A_1454 : memref<10240x8xf32, #tpu.memory_space<vmem_shared>>) offsets(%dma_start3A_1451 : memref<128xi32, #tpu.memory_space<vmem>>) semaphore(%arg21 : memref<!tpu.dma_semaphore, #tpu.memory_space<semaphore_mem>>) {add = true}
      } else {
      }
      %dma_wait3A_1333 = arith.constant 0 : i32
      %dma_wait3A_1334 = arith.constant 0 : i32
      %dma_wait3A_1335 = tpu.memref_slice %arg13[%dma_wait3A_1333, %dma_wait3A_1334] : memref<16x128xi32, #tpu.memory_space<vmem>> -> memref<1x128xi32, #tpu.memory_space<vmem>>
      %dma_wait3A_1336 = tpu.memref_squeeze %dma_wait3A_1335 : memref<1x128xi32, #tpu.memory_space<vmem>> -> memref<128xi32, #tpu.memory_space<vmem>>
      %dma_wait3A_1337 = arith.constant 0 : i32
      %dma_wait3A_1338 = arith.constant 0 : i32
      %dma_wait3A_1339 = tpu.memref_slice %arg17[%dma_wait3A_1337, %dma_wait3A_1338] : memref<10240x128xf32, #tpu.memory_space<vmem_shared>> -> memref<10240x128xf32, #tpu.memory_space<vmem_shared>>
      tpu.wait_indirect_dma semaphore(%arg21 : memref<!tpu.dma_semaphore, #tpu.memory_space<semaphore_mem>>) src(%arg14 : memref<128x128xf32, #tpu.memory_space<vmem>>) dst(%dma_wait3A_1339 : memref<10240x128xf32, #tpu.memory_space<vmem_shared>>)
      %convert_element_type3A_1340 = arith.extui %or3A_823 : i1 to i32
      %cond3A_1341 = arith.constant 0 : i32
      %cond3A_1342 = arith.cmpi ne, %convert_element_type3A_1340, %cond3A_1341 : i32
      scf.if %cond3A_1342 {
        %dma_wait3A_1448 = arith.constant 0 : i32
        %dma_wait3A_1449 = arith.constant 0 : i32
        %dma_wait3A_1450 = tpu.memref_slice %arg13[%dma_wait3A_1448, %dma_wait3A_1449] : memref<16x128xi32, #tpu.memory_space<vmem>> -> memref<1x128xi32, #tpu.memory_space<vmem>>
        %dma_wait3A_1451 = tpu.memref_squeeze %dma_wait3A_1450 : memref<1x128xi32, #tpu.memory_space<vmem>> -> memref<128xi32, #tpu.memory_space<vmem>>
        %dma_wait3A_1452 = arith.constant 0 : i32
        %dma_wait3A_1453 = arith.constant 0 : i32
        %dma_wait3A_1454 = tpu.memref_slice %arg18[%dma_wait3A_1452, %dma_wait3A_1453] : memref<10240x8xf32, #tpu.memory_space<vmem_shared>> -> memref<10240x8xf32, #tpu.memory_space<vmem_shared>>
        tpu.wait_indirect_dma semaphore(%arg21 : memref<!tpu.dma_semaphore, #tpu.memory_space<semaphore_mem>>) src(%arg16 : memref<128x8xf32, #tpu.memory_space<vmem>>) dst(%dma_wait3A_1454 : memref<10240x8xf32, #tpu.memory_space<vmem_shared>>)
      } else {
      }
      %eq3A_1343 = arith.constant 0 : i32
      %eq3A_1344 = arith.cmpi eq, %arg0, %eq3A_1343 : i32
      %convert_element_type3A_1345 = arith.extui %eq3A_1344 : i1 to i32
      %cond3A_1346 = arith.constant 14 : i32
      %cond3A_1347 = arith.constant 0 : i32
      %cond3A_1348 = arith.cmpi ne, %convert_element_type3A_1345, %cond3A_1347 : i32
      scf.if %cond3A_1348 {
        %dma_start3A_1448 = arith.constant 0 : i32
        %dma_start3A_1449 = tpu.memref_slice %arg12[%cond3A_1346, %dma_start3A_1448] : memref<16x128xi32, #tpu.memory_space<vmem>> -> memref<1x128xi32, #tpu.memory_space<vmem>>
        %dma_start3A_1450 = tpu.memref_squeeze %dma_start3A_1449 : memref<1x128xi32, #tpu.memory_space<vmem>> -> memref<128xi32, #tpu.memory_space<vmem>>
        %dma_start3A_1451 = arith.constant 0 : i32
        %dma_start3A_1452 = arith.constant 0 : i32
        %dma_start3A_1453 = tpu.memref_slice %arg4[%dma_start3A_1451, %dma_start3A_1452] : memref<20000x128xf32, #tpu.memory_space<hbm>> -> memref<20000x128xf32, #tpu.memory_space<hbm>>
        tpu.enqueue_indirect_dma source(%dma_start3A_1453 : memref<20000x128xf32, #tpu.memory_space<hbm>>) target(%arg14 : memref<128x128xf32, #tpu.memory_space<vmem>>) offsets(%dma_start3A_1450 : memref<128xi32, #tpu.memory_space<vmem>>) semaphore(%arg19 : memref<!tpu.dma_semaphore, #tpu.memory_space<semaphore_mem>>)
      } else {
      }
      %eq3A_1349 = arith.constant 1 : i32
      %eq3A_1350 = arith.cmpi eq, %arg0, %eq3A_1349 : i32
      %convert_element_type3A_1351 = arith.extui %eq3A_1350 : i1 to i32
      %cond3A_1352 = arith.constant 14 : i32
      %cond3A_1353 = arith.constant 0 : i32
      %cond3A_1354 = arith.cmpi ne, %convert_element_type3A_1351, %cond3A_1353 : i32
      scf.if %cond3A_1354 {
        %dma_start3A_1448 = arith.constant 0 : i32
        %dma_start3A_1449 = tpu.memref_slice %arg12[%cond3A_1352, %dma_start3A_1448] : memref<16x128xi32, #tpu.memory_space<vmem>> -> memref<1x128xi32, #tpu.memory_space<vmem>>
        %dma_start3A_1450 = tpu.memref_squeeze %dma_start3A_1449 : memref<1x128xi32, #tpu.memory_space<vmem>> -> memref<128xi32, #tpu.memory_space<vmem>>
        %dma_start3A_1451 = arith.constant 0 : i32
        %dma_start3A_1452 = arith.constant 0 : i32
        %dma_start3A_1453 = tpu.memref_slice %arg5[%dma_start3A_1451, %dma_start3A_1452] : memref<20000x128xf32, #tpu.memory_space<hbm>> -> memref<20000x128xf32, #tpu.memory_space<hbm>>
        tpu.enqueue_indirect_dma source(%dma_start3A_1453 : memref<20000x128xf32, #tpu.memory_space<hbm>>) target(%arg14 : memref<128x128xf32, #tpu.memory_space<vmem>>) offsets(%dma_start3A_1450 : memref<128xi32, #tpu.memory_space<vmem>>) semaphore(%arg19 : memref<!tpu.dma_semaphore, #tpu.memory_space<semaphore_mem>>)
      } else {
      }
      %dma_wait3A_1355 = arith.constant 0 : i32
      %dma_wait3A_1356 = arith.constant 0 : i32
      %dma_wait3A_1357 = tpu.memref_slice %arg12[%dma_wait3A_1355, %dma_wait3A_1356] : memref<16x128xi32, #tpu.memory_space<vmem>> -> memref<1x128xi32, #tpu.memory_space<vmem>>
      %dma_wait3A_1358 = tpu.memref_squeeze %dma_wait3A_1357 : memref<1x128xi32, #tpu.memory_space<vmem>> -> memref<128xi32, #tpu.memory_space<vmem>>
      %dma_wait3A_1359 = arith.constant 0 : i32
      %dma_wait3A_1360 = arith.constant 0 : i32
      %dma_wait3A_1361 = tpu.memref_slice %arg4[%dma_wait3A_1359, %dma_wait3A_1360] : memref<20000x128xf32, #tpu.memory_space<hbm>> -> memref<20000x128xf32, #tpu.memory_space<hbm>>
      tpu.wait_indirect_dma semaphore(%arg20 : memref<!tpu.dma_semaphore, #tpu.memory_space<semaphore_mem>>) src(%dma_wait3A_1361 : memref<20000x128xf32, #tpu.memory_space<hbm>>) dst(%arg15 : memref<128x128xf32, #tpu.memory_space<vmem>>)
      %dma_start3A_1362 = arith.constant 13 : i32
      %dma_start3A_1363 = arith.constant 0 : i32
      %dma_start3A_1364 = tpu.memref_slice %arg13[%dma_start3A_1362, %dma_start3A_1363] : memref<16x128xi32, #tpu.memory_space<vmem>> -> memref<1x128xi32, #tpu.memory_space<vmem>>
      %dma_start3A_1365 = tpu.memref_squeeze %dma_start3A_1364 : memref<1x128xi32, #tpu.memory_space<vmem>> -> memref<128xi32, #tpu.memory_space<vmem>>
      %dma_start3A_1366 = arith.constant 0 : i32
      %dma_start3A_1367 = arith.constant 0 : i32
      %dma_start3A_1368 = tpu.memref_slice %arg17[%dma_start3A_1366, %dma_start3A_1367] : memref<10240x128xf32, #tpu.memory_space<vmem_shared>> -> memref<10240x128xf32, #tpu.memory_space<vmem_shared>>
      tpu.enqueue_indirect_dma source(%arg15 : memref<128x128xf32, #tpu.memory_space<vmem>>) target(%dma_start3A_1368 : memref<10240x128xf32, #tpu.memory_space<vmem_shared>>) offsets(%dma_start3A_1365 : memref<128xi32, #tpu.memory_space<vmem>>) semaphore(%arg22 : memref<!tpu.dma_semaphore, #tpu.memory_space<semaphore_mem>>) {add = true}
      %convert_element_type3A_1369 = arith.extui %or3A_823 : i1 to i32
      %cond3A_1370 = arith.constant 0 : i32
      %cond3A_1371 = arith.cmpi ne, %convert_element_type3A_1369, %cond3A_1370 : i32
      scf.if %cond3A_1371 {
        %dma_start3A_1448 = arith.constant 13 : i32
        %dma_start3A_1449 = arith.constant 0 : i32
        %dma_start3A_1450 = tpu.memref_slice %arg13[%dma_start3A_1448, %dma_start3A_1449] : memref<16x128xi32, #tpu.memory_space<vmem>> -> memref<1x128xi32, #tpu.memory_space<vmem>>
        %dma_start3A_1451 = tpu.memref_squeeze %dma_start3A_1450 : memref<1x128xi32, #tpu.memory_space<vmem>> -> memref<128xi32, #tpu.memory_space<vmem>>
        %dma_start3A_1452 = arith.constant 0 : i32
        %dma_start3A_1453 = arith.constant 0 : i32
        %dma_start3A_1454 = tpu.memref_slice %arg18[%dma_start3A_1452, %dma_start3A_1453] : memref<10240x8xf32, #tpu.memory_space<vmem_shared>> -> memref<10240x8xf32, #tpu.memory_space<vmem_shared>>
        tpu.enqueue_indirect_dma source(%arg16 : memref<128x8xf32, #tpu.memory_space<vmem>>) target(%dma_start3A_1454 : memref<10240x8xf32, #tpu.memory_space<vmem_shared>>) offsets(%dma_start3A_1451 : memref<128xi32, #tpu.memory_space<vmem>>) semaphore(%arg22 : memref<!tpu.dma_semaphore, #tpu.memory_space<semaphore_mem>>) {add = true}
      } else {
      }
      %dma_wait3A_1372 = arith.constant 0 : i32
      %dma_wait3A_1373 = arith.constant 0 : i32
      %dma_wait3A_1374 = tpu.memref_slice %arg13[%dma_wait3A_1372, %dma_wait3A_1373] : memref<16x128xi32, #tpu.memory_space<vmem>> -> memref<1x128xi32, #tpu.memory_space<vmem>>
      %dma_wait3A_1375 = tpu.memref_squeeze %dma_wait3A_1374 : memref<1x128xi32, #tpu.memory_space<vmem>> -> memref<128xi32, #tpu.memory_space<vmem>>
      %dma_wait3A_1376 = arith.constant 0 : i32
      %dma_wait3A_1377 = arith.constant 0 : i32
      %dma_wait3A_1378 = tpu.memref_slice %arg17[%dma_wait3A_1376, %dma_wait3A_1377] : memref<10240x128xf32, #tpu.memory_space<vmem_shared>> -> memref<10240x128xf32, #tpu.memory_space<vmem_shared>>
      tpu.wait_indirect_dma semaphore(%arg22 : memref<!tpu.dma_semaphore, #tpu.memory_space<semaphore_mem>>) src(%arg15 : memref<128x128xf32, #tpu.memory_space<vmem>>) dst(%dma_wait3A_1378 : memref<10240x128xf32, #tpu.memory_space<vmem_shared>>)
      %convert_element_type3A_1379 = arith.extui %or3A_823 : i1 to i32
      %cond3A_1380 = arith.constant 0 : i32
      %cond3A_1381 = arith.cmpi ne, %convert_element_type3A_1379, %cond3A_1380 : i32
      scf.if %cond3A_1381 {
        %dma_wait3A_1448 = arith.constant 0 : i32
        %dma_wait3A_1449 = arith.constant 0 : i32
        %dma_wait3A_1450 = tpu.memref_slice %arg13[%dma_wait3A_1448, %dma_wait3A_1449] : memref<16x128xi32, #tpu.memory_space<vmem>> -> memref<1x128xi32, #tpu.memory_space<vmem>>
        %dma_wait3A_1451 = tpu.memref_squeeze %dma_wait3A_1450 : memref<1x128xi32, #tpu.memory_space<vmem>> -> memref<128xi32, #tpu.memory_space<vmem>>
        %dma_wait3A_1452 = arith.constant 0 : i32
        %dma_wait3A_1453 = arith.constant 0 : i32
        %dma_wait3A_1454 = tpu.memref_slice %arg18[%dma_wait3A_1452, %dma_wait3A_1453] : memref<10240x8xf32, #tpu.memory_space<vmem_shared>> -> memref<10240x8xf32, #tpu.memory_space<vmem_shared>>
        tpu.wait_indirect_dma semaphore(%arg22 : memref<!tpu.dma_semaphore, #tpu.memory_space<semaphore_mem>>) src(%arg16 : memref<128x8xf32, #tpu.memory_space<vmem>>) dst(%dma_wait3A_1454 : memref<10240x8xf32, #tpu.memory_space<vmem_shared>>)
      } else {
      }
      %eq3A_1382 = arith.constant 0 : i32
      %eq3A_1383 = arith.cmpi eq, %arg0, %eq3A_1382 : i32
      %convert_element_type3A_1384 = arith.extui %eq3A_1383 : i1 to i32
      %cond3A_1385 = arith.constant 15 : i32
      %cond3A_1386 = arith.constant 0 : i32
      %cond3A_1387 = arith.cmpi ne, %convert_element_type3A_1384, %cond3A_1386 : i32
      scf.if %cond3A_1387 {
        %dma_start3A_1448 = arith.constant 0 : i32
        %dma_start3A_1449 = tpu.memref_slice %arg12[%cond3A_1385, %dma_start3A_1448] : memref<16x128xi32, #tpu.memory_space<vmem>> -> memref<1x128xi32, #tpu.memory_space<vmem>>
        %dma_start3A_1450 = tpu.memref_squeeze %dma_start3A_1449 : memref<1x128xi32, #tpu.memory_space<vmem>> -> memref<128xi32, #tpu.memory_space<vmem>>
        %dma_start3A_1451 = arith.constant 0 : i32
        %dma_start3A_1452 = arith.constant 0 : i32
        %dma_start3A_1453 = tpu.memref_slice %arg4[%dma_start3A_1451, %dma_start3A_1452] : memref<20000x128xf32, #tpu.memory_space<hbm>> -> memref<20000x128xf32, #tpu.memory_space<hbm>>
        tpu.enqueue_indirect_dma source(%dma_start3A_1453 : memref<20000x128xf32, #tpu.memory_space<hbm>>) target(%arg15 : memref<128x128xf32, #tpu.memory_space<vmem>>) offsets(%dma_start3A_1450 : memref<128xi32, #tpu.memory_space<vmem>>) semaphore(%arg20 : memref<!tpu.dma_semaphore, #tpu.memory_space<semaphore_mem>>)
      } else {
      }
      %eq3A_1388 = arith.constant 1 : i32
      %eq3A_1389 = arith.cmpi eq, %arg0, %eq3A_1388 : i32
      %convert_element_type3A_1390 = arith.extui %eq3A_1389 : i1 to i32
      %cond3A_1391 = arith.constant 15 : i32
      %cond3A_1392 = arith.constant 0 : i32
      %cond3A_1393 = arith.cmpi ne, %convert_element_type3A_1390, %cond3A_1392 : i32
      scf.if %cond3A_1393 {
        %dma_start3A_1448 = arith.constant 0 : i32
        %dma_start3A_1449 = tpu.memref_slice %arg12[%cond3A_1391, %dma_start3A_1448] : memref<16x128xi32, #tpu.memory_space<vmem>> -> memref<1x128xi32, #tpu.memory_space<vmem>>
        %dma_start3A_1450 = tpu.memref_squeeze %dma_start3A_1449 : memref<1x128xi32, #tpu.memory_space<vmem>> -> memref<128xi32, #tpu.memory_space<vmem>>
        %dma_start3A_1451 = arith.constant 0 : i32
        %dma_start3A_1452 = arith.constant 0 : i32
        %dma_start3A_1453 = tpu.memref_slice %arg5[%dma_start3A_1451, %dma_start3A_1452] : memref<20000x128xf32, #tpu.memory_space<hbm>> -> memref<20000x128xf32, #tpu.memory_space<hbm>>
        tpu.enqueue_indirect_dma source(%dma_start3A_1453 : memref<20000x128xf32, #tpu.memory_space<hbm>>) target(%arg15 : memref<128x128xf32, #tpu.memory_space<vmem>>) offsets(%dma_start3A_1450 : memref<128xi32, #tpu.memory_space<vmem>>) semaphore(%arg20 : memref<!tpu.dma_semaphore, #tpu.memory_space<semaphore_mem>>)
      } else {
      }
      %dma_wait3A_1394 = arith.constant 0 : i32
      %dma_wait3A_1395 = arith.constant 0 : i32
      %dma_wait3A_1396 = tpu.memref_slice %arg12[%dma_wait3A_1394, %dma_wait3A_1395] : memref<16x128xi32, #tpu.memory_space<vmem>> -> memref<1x128xi32, #tpu.memory_space<vmem>>
      %dma_wait3A_1397 = tpu.memref_squeeze %dma_wait3A_1396 : memref<1x128xi32, #tpu.memory_space<vmem>> -> memref<128xi32, #tpu.memory_space<vmem>>
      %dma_wait3A_1398 = arith.constant 0 : i32
      %dma_wait3A_1399 = arith.constant 0 : i32
      %dma_wait3A_1400 = tpu.memref_slice %arg4[%dma_wait3A_1398, %dma_wait3A_1399] : memref<20000x128xf32, #tpu.memory_space<hbm>> -> memref<20000x128xf32, #tpu.memory_space<hbm>>
      tpu.wait_indirect_dma semaphore(%arg19 : memref<!tpu.dma_semaphore, #tpu.memory_space<semaphore_mem>>) src(%dma_wait3A_1400 : memref<20000x128xf32, #tpu.memory_space<hbm>>) dst(%arg14 : memref<128x128xf32, #tpu.memory_space<vmem>>)
      %dma_start3A_1401 = arith.constant 14 : i32
      %dma_start3A_1402 = arith.constant 0 : i32
      %dma_start3A_1403 = tpu.memref_slice %arg13[%dma_start3A_1401, %dma_start3A_1402] : memref<16x128xi32, #tpu.memory_space<vmem>> -> memref<1x128xi32, #tpu.memory_space<vmem>>
      %dma_start3A_1404 = tpu.memref_squeeze %dma_start3A_1403 : memref<1x128xi32, #tpu.memory_space<vmem>> -> memref<128xi32, #tpu.memory_space<vmem>>
      %dma_start3A_1405 = arith.constant 0 : i32
      %dma_start3A_1406 = arith.constant 0 : i32
      %dma_start3A_1407 = tpu.memref_slice %arg17[%dma_start3A_1405, %dma_start3A_1406] : memref<10240x128xf32, #tpu.memory_space<vmem_shared>> -> memref<10240x128xf32, #tpu.memory_space<vmem_shared>>
      tpu.enqueue_indirect_dma source(%arg14 : memref<128x128xf32, #tpu.memory_space<vmem>>) target(%dma_start3A_1407 : memref<10240x128xf32, #tpu.memory_space<vmem_shared>>) offsets(%dma_start3A_1404 : memref<128xi32, #tpu.memory_space<vmem>>) semaphore(%arg21 : memref<!tpu.dma_semaphore, #tpu.memory_space<semaphore_mem>>) {add = true}
      %convert_element_type3A_1408 = arith.extui %or3A_823 : i1 to i32
      %cond3A_1409 = arith.constant 0 : i32
      %cond3A_1410 = arith.cmpi ne, %convert_element_type3A_1408, %cond3A_1409 : i32
      scf.if %cond3A_1410 {
        %dma_start3A_1448 = arith.constant 14 : i32
        %dma_start3A_1449 = arith.constant 0 : i32
        %dma_start3A_1450 = tpu.memref_slice %arg13[%dma_start3A_1448, %dma_start3A_1449] : memref<16x128xi32, #tpu.memory_space<vmem>> -> memref<1x128xi32, #tpu.memory_space<vmem>>
        %dma_start3A_1451 = tpu.memref_squeeze %dma_start3A_1450 : memref<1x128xi32, #tpu.memory_space<vmem>> -> memref<128xi32, #tpu.memory_space<vmem>>
        %dma_start3A_1452 = arith.constant 0 : i32
        %dma_start3A_1453 = arith.constant 0 : i32
        %dma_start3A_1454 = tpu.memref_slice %arg18[%dma_start3A_1452, %dma_start3A_1453] : memref<10240x8xf32, #tpu.memory_space<vmem_shared>> -> memref<10240x8xf32, #tpu.memory_space<vmem_shared>>
        tpu.enqueue_indirect_dma source(%arg16 : memref<128x8xf32, #tpu.memory_space<vmem>>) target(%dma_start3A_1454 : memref<10240x8xf32, #tpu.memory_space<vmem_shared>>) offsets(%dma_start3A_1451 : memref<128xi32, #tpu.memory_space<vmem>>) semaphore(%arg21 : memref<!tpu.dma_semaphore, #tpu.memory_space<semaphore_mem>>) {add = true}
      } else {
      }
      %dma_wait3A_1411 = arith.constant 0 : i32
      %dma_wait3A_1412 = arith.constant 0 : i32
      %dma_wait3A_1413 = tpu.memref_slice %arg12[%dma_wait3A_1411, %dma_wait3A_1412] : memref<16x128xi32, #tpu.memory_space<vmem>> -> memref<1x128xi32, #tpu.memory_space<vmem>>
      %dma_wait3A_1414 = tpu.memref_squeeze %dma_wait3A_1413 : memref<1x128xi32, #tpu.memory_space<vmem>> -> memref<128xi32, #tpu.memory_space<vmem>>
      %dma_wait3A_1415 = arith.constant 0 : i32
      %dma_wait3A_1416 = arith.constant 0 : i32
      %dma_wait3A_1417 = tpu.memref_slice %arg4[%dma_wait3A_1415, %dma_wait3A_1416] : memref<20000x128xf32, #tpu.memory_space<hbm>> -> memref<20000x128xf32, #tpu.memory_space<hbm>>
      tpu.wait_indirect_dma semaphore(%arg20 : memref<!tpu.dma_semaphore, #tpu.memory_space<semaphore_mem>>) src(%dma_wait3A_1417 : memref<20000x128xf32, #tpu.memory_space<hbm>>) dst(%arg15 : memref<128x128xf32, #tpu.memory_space<vmem>>)
      %dma_start3A_1418 = arith.constant 15 : i32
      %dma_start3A_1419 = arith.constant 0 : i32
      %dma_start3A_1420 = tpu.memref_slice %arg13[%dma_start3A_1418, %dma_start3A_1419] : memref<16x128xi32, #tpu.memory_space<vmem>> -> memref<1x128xi32, #tpu.memory_space<vmem>>
      %dma_start3A_1421 = tpu.memref_squeeze %dma_start3A_1420 : memref<1x128xi32, #tpu.memory_space<vmem>> -> memref<128xi32, #tpu.memory_space<vmem>>
      %dma_start3A_1422 = arith.constant 0 : i32
      %dma_start3A_1423 = arith.constant 0 : i32
      %dma_start3A_1424 = tpu.memref_slice %arg17[%dma_start3A_1422, %dma_start3A_1423] : memref<10240x128xf32, #tpu.memory_space<vmem_shared>> -> memref<10240x128xf32, #tpu.memory_space<vmem_shared>>
      tpu.enqueue_indirect_dma source(%arg15 : memref<128x128xf32, #tpu.memory_space<vmem>>) target(%dma_start3A_1424 : memref<10240x128xf32, #tpu.memory_space<vmem_shared>>) offsets(%dma_start3A_1421 : memref<128xi32, #tpu.memory_space<vmem>>) semaphore(%arg22 : memref<!tpu.dma_semaphore, #tpu.memory_space<semaphore_mem>>) {add = true}
      %convert_element_type3A_1425 = arith.extui %or3A_823 : i1 to i32
      %cond3A_1426 = arith.constant 0 : i32
      %cond3A_1427 = arith.cmpi ne, %convert_element_type3A_1425, %cond3A_1426 : i32
      scf.if %cond3A_1427 {
        %dma_start3A_1448 = arith.constant 15 : i32
        %dma_start3A_1449 = arith.constant 0 : i32
        %dma_start3A_1450 = tpu.memref_slice %arg13[%dma_start3A_1448, %dma_start3A_1449] : memref<16x128xi32, #tpu.memory_space<vmem>> -> memref<1x128xi32, #tpu.memory_space<vmem>>
        %dma_start3A_1451 = tpu.memref_squeeze %dma_start3A_1450 : memref<1x128xi32, #tpu.memory_space<vmem>> -> memref<128xi32, #tpu.memory_space<vmem>>
        %dma_start3A_1452 = arith.constant 0 : i32
        %dma_start3A_1453 = arith.constant 0 : i32
        %dma_start3A_1454 = tpu.memref_slice %arg18[%dma_start3A_1452, %dma_start3A_1453] : memref<10240x8xf32, #tpu.memory_space<vmem_shared>> -> memref<10240x8xf32, #tpu.memory_space<vmem_shared>>
        tpu.enqueue_indirect_dma source(%arg16 : memref<128x8xf32, #tpu.memory_space<vmem>>) target(%dma_start3A_1454 : memref<10240x8xf32, #tpu.memory_space<vmem_shared>>) offsets(%dma_start3A_1451 : memref<128xi32, #tpu.memory_space<vmem>>) semaphore(%arg22 : memref<!tpu.dma_semaphore, #tpu.memory_space<semaphore_mem>>) {add = true}
      } else {
      }
      %dma_wait3A_1428 = arith.constant 0 : i32
      %dma_wait3A_1429 = arith.constant 0 : i32
      %dma_wait3A_1430 = tpu.memref_slice %arg13[%dma_wait3A_1428, %dma_wait3A_1429] : memref<16x128xi32, #tpu.memory_space<vmem>> -> memref<1x128xi32, #tpu.memory_space<vmem>>
      %dma_wait3A_1431 = tpu.memref_squeeze %dma_wait3A_1430 : memref<1x128xi32, #tpu.memory_space<vmem>> -> memref<128xi32, #tpu.memory_space<vmem>>
      %dma_wait3A_1432 = arith.constant 0 : i32
      %dma_wait3A_1433 = arith.constant 0 : i32
      %dma_wait3A_1434 = tpu.memref_slice %arg17[%dma_wait3A_1432, %dma_wait3A_1433] : memref<10240x128xf32, #tpu.memory_space<vmem_shared>> -> memref<10240x128xf32, #tpu.memory_space<vmem_shared>>
      tpu.wait_indirect_dma semaphore(%arg21 : memref<!tpu.dma_semaphore, #tpu.memory_space<semaphore_mem>>) src(%arg14 : memref<128x128xf32, #tpu.memory_space<vmem>>) dst(%dma_wait3A_1434 : memref<10240x128xf32, #tpu.memory_space<vmem_shared>>)
      %convert_element_type3A_1435 = arith.extui %or3A_823 : i1 to i32
      %cond3A_1436 = arith.constant 0 : i32
      %cond3A_1437 = arith.cmpi ne, %convert_element_type3A_1435, %cond3A_1436 : i32
      scf.if %cond3A_1437 {
        %dma_wait3A_1448 = arith.constant 0 : i32
        %dma_wait3A_1449 = arith.constant 0 : i32
        %dma_wait3A_1450 = tpu.memref_slice %arg13[%dma_wait3A_1448, %dma_wait3A_1449] : memref<16x128xi32, #tpu.memory_space<vmem>> -> memref<1x128xi32, #tpu.memory_space<vmem>>
        %dma_wait3A_1451 = tpu.memref_squeeze %dma_wait3A_1450 : memref<1x128xi32, #tpu.memory_space<vmem>> -> memref<128xi32, #tpu.memory_space<vmem>>
        %dma_wait3A_1452 = arith.constant 0 : i32
        %dma_wait3A_1453 = arith.constant 0 : i32
        %dma_wait3A_1454 = tpu.memref_slice %arg18[%dma_wait3A_1452, %dma_wait3A_1453] : memref<10240x8xf32, #tpu.memory_space<vmem_shared>> -> memref<10240x8xf32, #tpu.memory_space<vmem_shared>>
        tpu.wait_indirect_dma semaphore(%arg21 : memref<!tpu.dma_semaphore, #tpu.memory_space<semaphore_mem>>) src(%arg16 : memref<128x8xf32, #tpu.memory_space<vmem>>) dst(%dma_wait3A_1454 : memref<10240x8xf32, #tpu.memory_space<vmem_shared>>)
      } else {
      }
      %dma_wait3A_1438 = arith.constant 0 : i32
      %dma_wait3A_1439 = arith.constant 0 : i32
      %dma_wait3A_1440 = tpu.memref_slice %arg13[%dma_wait3A_1438, %dma_wait3A_1439] : memref<16x128xi32, #tpu.memory_space<vmem>> -> memref<1x128xi32, #tpu.memory_space<vmem>>
      %dma_wait3A_1441 = tpu.memref_squeeze %dma_wait3A_1440 : memref<1x128xi32, #tpu.memory_space<vmem>> -> memref<128xi32, #tpu.memory_space<vmem>>
      %dma_wait3A_1442 = arith.constant 0 : i32
      %dma_wait3A_1443 = arith.constant 0 : i32
      %dma_wait3A_1444 = tpu.memref_slice %arg17[%dma_wait3A_1442, %dma_wait3A_1443] : memref<10240x128xf32, #tpu.memory_space<vmem_shared>> -> memref<10240x128xf32, #tpu.memory_space<vmem_shared>>
      tpu.wait_indirect_dma semaphore(%arg22 : memref<!tpu.dma_semaphore, #tpu.memory_space<semaphore_mem>>) src(%arg15 : memref<128x128xf32, #tpu.memory_space<vmem>>) dst(%dma_wait3A_1444 : memref<10240x128xf32, #tpu.memory_space<vmem_shared>>)
      %convert_element_type3A_1445 = arith.extui %or3A_823 : i1 to i32
      %cond3A_1446 = arith.constant 0 : i32
      %cond3A_1447 = arith.cmpi ne, %convert_element_type3A_1445, %cond3A_1446 : i32
      scf.if %cond3A_1447 {
        %dma_wait3A_1448 = arith.constant 0 : i32
        %dma_wait3A_1449 = arith.constant 0 : i32
        %dma_wait3A_1450 = tpu.memref_slice %arg13[%dma_wait3A_1448, %dma_wait3A_1449] : memref<16x128xi32, #tpu.memory_space<vmem>> -> memref<1x128xi32, #tpu.memory_space<vmem>>
        %dma_wait3A_1451 = tpu.memref_squeeze %dma_wait3A_1450 : memref<1x128xi32, #tpu.memory_space<vmem>> -> memref<128xi32, #tpu.memory_space<vmem>>
        %dma_wait3A_1452 = arith.constant 0 : i32
        %dma_wait3A_1453 = arith.constant 0 : i32
        %dma_wait3A_1454 = tpu.memref_slice %arg18[%dma_wait3A_1452, %dma_wait3A_1453] : memref<10240x8xf32, #tpu.memory_space<vmem_shared>> -> memref<10240x8xf32, #tpu.memory_space<vmem_shared>>
        tpu.wait_indirect_dma semaphore(%arg22 : memref<!tpu.dma_semaphore, #tpu.memory_space<semaphore_mem>>) src(%arg16 : memref<128x8xf32, #tpu.memory_space<vmem>>) dst(%dma_wait3A_1454 : memref<10240x8xf32, #tpu.memory_space<vmem_shared>>)
      } else {
      }
    }
    %scan3A_27 = arith.constant 5 : i32
    %barrier3A_28 = arith.constant 0 : index
    tpu.barrier barrier_id(%barrier3A_28)
    %mul3A_29 = arith.constant 640 : i32
    %mul3A_30 = arith.muli %arg1, %mul3A_29 : i32
    %add3A = arith.constant 0 : i32
    %add3A_31 = arith.addi %mul3A_30, %add3A : i32
    "tpu.region"() ({
      %run_scoped3A = tpu.sem_alloc : memref<!tpu.dma_semaphore, #tpu.memory_space<semaphore_mem>>
      %dma_start3A_127 = arith.constant 0 : i32
      %dma_start3A_128 = tpu.memref_slice %arg17[%add3A_31, %dma_start3A_127] : memref<10240x128xf32, #tpu.memory_space<vmem_shared>> -> memref<128x128xf32, #tpu.memory_space<vmem_shared>>
      %dma_start3A_129 = arith.constant 0 : i32
      %dma_start3A_130 = tpu.memref_slice %arg17[%add3A_31, %dma_start3A_129] : memref<10240x128xf32, #tpu.memory_space<vmem_shared>> -> memref<128x128xf32, #tpu.memory_space<vmem_shared>>
      tpu.enqueue_dma source(%dma_start3A_130 : memref<128x128xf32, #tpu.memory_space<vmem_shared>>) target(%arg14 : memref<128x128xf32, #tpu.memory_space<vmem>>) target_semaphore(%run_scoped3A : memref<!tpu.dma_semaphore, #tpu.memory_space<semaphore_mem>>)
      %dma_wait3A_131 = arith.constant 0 : i32
      %dma_wait3A_132 = tpu.memref_slice %arg17[%add3A_31, %dma_wait3A_131] : memref<10240x128xf32, #tpu.memory_space<vmem_shared>> -> memref<128x128xf32, #tpu.memory_space<vmem_shared>>
      %dma_wait3A_133 = arith.constant 0 : i32
      %dma_wait3A_134 = tpu.memref_slice %arg17[%add3A_31, %dma_wait3A_133] : memref<10240x128xf32, #tpu.memory_space<vmem_shared>> -> memref<128x128xf32, #tpu.memory_space<vmem_shared>>
      tpu.wait_dma2 semaphore(%run_scoped3A : memref<!tpu.dma_semaphore, #tpu.memory_space<semaphore_mem>>) src(%dma_wait3A_134 : memref<128x128xf32, #tpu.memory_space<vmem_shared>>) dst(%arg14 : memref<128x128xf32, #tpu.memory_space<vmem>>)
      tpu.yield
    }) : () -> ()
    %eq3A = arith.constant 0 : i32
    %eq3A_32 = arith.cmpi eq, %arg0, %eq3A : i32
    %convert_element_type3A = arith.extui %eq3A_32 : i1 to i32
    %cond3A = arith.constant 0 : i32
    %cond3A_33 = arith.cmpi ne, %convert_element_type3A, %cond3A : i32
    scf.if %cond3A_33 {
      %dma_start3A_127 = arith.constant 0 : i32
      %dma_start3A_128 = tpu.memref_slice %arg6[%add3A_31, %dma_start3A_127] : memref<10240x128xf32, #tpu.memory_space<hbm>> -> memref<128x128xf32, #tpu.memory_space<hbm>>
      %dma_start3A_129 = arith.constant 0 : i32
      %dma_start3A_130 = tpu.memref_slice %arg6[%add3A_31, %dma_start3A_129] : memref<10240x128xf32, #tpu.memory_space<hbm>> -> memref<128x128xf32, #tpu.memory_space<hbm>>
      tpu.enqueue_dma source(%arg14 : memref<128x128xf32, #tpu.memory_space<vmem>>) target(%dma_start3A_130 : memref<128x128xf32, #tpu.memory_space<hbm>>) target_semaphore(%arg21 : memref<!tpu.dma_semaphore, #tpu.memory_space<semaphore_mem>>)
    } else {
    }
    %eq3A_34 = arith.constant 1 : i32
    %eq3A_35 = arith.cmpi eq, %arg0, %eq3A_34 : i32
    %convert_element_type3A_36 = arith.extui %eq3A_35 : i1 to i32
    %cond3A_37 = arith.constant 0 : i32
    %cond3A_38 = arith.cmpi ne, %convert_element_type3A_36, %cond3A_37 : i32
    scf.if %cond3A_38 {
      %dma_start3A_127 = arith.constant 0 : i32
      %dma_start3A_128 = tpu.memref_slice %arg7[%add3A_31, %dma_start3A_127] : memref<10240x128xf32, #tpu.memory_space<hbm>> -> memref<128x128xf32, #tpu.memory_space<hbm>>
      %dma_start3A_129 = arith.constant 0 : i32
      %dma_start3A_130 = tpu.memref_slice %arg7[%add3A_31, %dma_start3A_129] : memref<10240x128xf32, #tpu.memory_space<hbm>> -> memref<128x128xf32, #tpu.memory_space<hbm>>
      tpu.enqueue_dma source(%arg14 : memref<128x128xf32, #tpu.memory_space<vmem>>) target(%dma_start3A_130 : memref<128x128xf32, #tpu.memory_space<hbm>>) target_semaphore(%arg21 : memref<!tpu.dma_semaphore, #tpu.memory_space<semaphore_mem>>)
    } else {
    }
    %mul3A_39 = arith.constant 640 : i32
    %mul3A_40 = arith.muli %arg1, %mul3A_39 : i32
    %add3A_41 = arith.constant 128 : i32
    %add3A_42 = arith.addi %mul3A_40, %add3A_41 : i32
    "tpu.region"() ({
      %run_scoped3A = tpu.sem_alloc : memref<!tpu.dma_semaphore, #tpu.memory_space<semaphore_mem>>
      %dma_start3A_127 = arith.constant 0 : i32
      %dma_start3A_128 = tpu.memref_slice %arg17[%add3A_42, %dma_start3A_127] : memref<10240x128xf32, #tpu.memory_space<vmem_shared>> -> memref<128x128xf32, #tpu.memory_space<vmem_shared>>
      %dma_start3A_129 = arith.constant 0 : i32
      %dma_start3A_130 = tpu.memref_slice %arg17[%add3A_42, %dma_start3A_129] : memref<10240x128xf32, #tpu.memory_space<vmem_shared>> -> memref<128x128xf32, #tpu.memory_space<vmem_shared>>
      tpu.enqueue_dma source(%dma_start3A_130 : memref<128x128xf32, #tpu.memory_space<vmem_shared>>) target(%arg15 : memref<128x128xf32, #tpu.memory_space<vmem>>) target_semaphore(%run_scoped3A : memref<!tpu.dma_semaphore, #tpu.memory_space<semaphore_mem>>)
      %dma_wait3A_131 = arith.constant 0 : i32
      %dma_wait3A_132 = tpu.memref_slice %arg17[%add3A_42, %dma_wait3A_131] : memref<10240x128xf32, #tpu.memory_space<vmem_shared>> -> memref<128x128xf32, #tpu.memory_space<vmem_shared>>
      %dma_wait3A_133 = arith.constant 0 : i32
      %dma_wait3A_134 = tpu.memref_slice %arg17[%add3A_42, %dma_wait3A_133] : memref<10240x128xf32, #tpu.memory_space<vmem_shared>> -> memref<128x128xf32, #tpu.memory_space<vmem_shared>>
      tpu.wait_dma2 semaphore(%run_scoped3A : memref<!tpu.dma_semaphore, #tpu.memory_space<semaphore_mem>>) src(%dma_wait3A_134 : memref<128x128xf32, #tpu.memory_space<vmem_shared>>) dst(%arg15 : memref<128x128xf32, #tpu.memory_space<vmem>>)
      tpu.yield
    }) : () -> ()
    %eq3A_43 = arith.constant 0 : i32
    %eq3A_44 = arith.cmpi eq, %arg0, %eq3A_43 : i32
    %convert_element_type3A_45 = arith.extui %eq3A_44 : i1 to i32
    %cond3A_46 = arith.constant 0 : i32
    %cond3A_47 = arith.cmpi ne, %convert_element_type3A_45, %cond3A_46 : i32
    scf.if %cond3A_47 {
      %dma_start3A_127 = arith.constant 0 : i32
      %dma_start3A_128 = tpu.memref_slice %arg6[%add3A_42, %dma_start3A_127] : memref<10240x128xf32, #tpu.memory_space<hbm>> -> memref<128x128xf32, #tpu.memory_space<hbm>>
      %dma_start3A_129 = arith.constant 0 : i32
      %dma_start3A_130 = tpu.memref_slice %arg6[%add3A_42, %dma_start3A_129] : memref<10240x128xf32, #tpu.memory_space<hbm>> -> memref<128x128xf32, #tpu.memory_space<hbm>>
      tpu.enqueue_dma source(%arg15 : memref<128x128xf32, #tpu.memory_space<vmem>>) target(%dma_start3A_130 : memref<128x128xf32, #tpu.memory_space<hbm>>) target_semaphore(%arg22 : memref<!tpu.dma_semaphore, #tpu.memory_space<semaphore_mem>>)
    } else {
    }
    %eq3A_48 = arith.constant 1 : i32
    %eq3A_49 = arith.cmpi eq, %arg0, %eq3A_48 : i32
    %convert_element_type3A_50 = arith.extui %eq3A_49 : i1 to i32
    %cond3A_51 = arith.constant 0 : i32
    %cond3A_52 = arith.cmpi ne, %convert_element_type3A_50, %cond3A_51 : i32
    scf.if %cond3A_52 {
      %dma_start3A_127 = arith.constant 0 : i32
      %dma_start3A_128 = tpu.memref_slice %arg7[%add3A_42, %dma_start3A_127] : memref<10240x128xf32, #tpu.memory_space<hbm>> -> memref<128x128xf32, #tpu.memory_space<hbm>>
      %dma_start3A_129 = arith.constant 0 : i32
      %dma_start3A_130 = tpu.memref_slice %arg7[%add3A_42, %dma_start3A_129] : memref<10240x128xf32, #tpu.memory_space<hbm>> -> memref<128x128xf32, #tpu.memory_space<hbm>>
      tpu.enqueue_dma source(%arg15 : memref<128x128xf32, #tpu.memory_space<vmem>>) target(%dma_start3A_130 : memref<128x128xf32, #tpu.memory_space<hbm>>) target_semaphore(%arg22 : memref<!tpu.dma_semaphore, #tpu.memory_space<semaphore_mem>>)
    } else {
    }
    %mul3A_53 = arith.constant 640 : i32
    %mul3A_54 = arith.muli %arg1, %mul3A_53 : i32
    %add3A_55 = arith.constant 256 : i32
    %add3A_56 = arith.addi %mul3A_54, %add3A_55 : i32
    %dma_wait3A = arith.constant 0 : i32
    %dma_wait3A_57 = tpu.memref_slice %arg6[%add3A_56, %dma_wait3A] : memref<10240x128xf32, #tpu.memory_space<hbm>> -> memref<128x128xf32, #tpu.memory_space<hbm>>
    %dma_wait3A_58 = arith.constant 0 : i32
    %dma_wait3A_59 = tpu.memref_slice %arg6[%add3A_56, %dma_wait3A_58] : memref<10240x128xf32, #tpu.memory_space<hbm>> -> memref<128x128xf32, #tpu.memory_space<hbm>>
    tpu.wait_dma2 semaphore(%arg21 : memref<!tpu.dma_semaphore, #tpu.memory_space<semaphore_mem>>) src(%arg14 : memref<128x128xf32, #tpu.memory_space<vmem>>) dst(%dma_wait3A_59 : memref<128x128xf32, #tpu.memory_space<hbm>>)
    "tpu.region"() ({
      %run_scoped3A = tpu.sem_alloc : memref<!tpu.dma_semaphore, #tpu.memory_space<semaphore_mem>>
      %dma_start3A_127 = arith.constant 0 : i32
      %dma_start3A_128 = tpu.memref_slice %arg17[%add3A_56, %dma_start3A_127] : memref<10240x128xf32, #tpu.memory_space<vmem_shared>> -> memref<128x128xf32, #tpu.memory_space<vmem_shared>>
      %dma_start3A_129 = arith.constant 0 : i32
      %dma_start3A_130 = tpu.memref_slice %arg17[%add3A_56, %dma_start3A_129] : memref<10240x128xf32, #tpu.memory_space<vmem_shared>> -> memref<128x128xf32, #tpu.memory_space<vmem_shared>>
      tpu.enqueue_dma source(%dma_start3A_130 : memref<128x128xf32, #tpu.memory_space<vmem_shared>>) target(%arg14 : memref<128x128xf32, #tpu.memory_space<vmem>>) target_semaphore(%run_scoped3A : memref<!tpu.dma_semaphore, #tpu.memory_space<semaphore_mem>>)
      %dma_wait3A_131 = arith.constant 0 : i32
      %dma_wait3A_132 = tpu.memref_slice %arg17[%add3A_56, %dma_wait3A_131] : memref<10240x128xf32, #tpu.memory_space<vmem_shared>> -> memref<128x128xf32, #tpu.memory_space<vmem_shared>>
      %dma_wait3A_133 = arith.constant 0 : i32
      %dma_wait3A_134 = tpu.memref_slice %arg17[%add3A_56, %dma_wait3A_133] : memref<10240x128xf32, #tpu.memory_space<vmem_shared>> -> memref<128x128xf32, #tpu.memory_space<vmem_shared>>
      tpu.wait_dma2 semaphore(%run_scoped3A : memref<!tpu.dma_semaphore, #tpu.memory_space<semaphore_mem>>) src(%dma_wait3A_134 : memref<128x128xf32, #tpu.memory_space<vmem_shared>>) dst(%arg14 : memref<128x128xf32, #tpu.memory_space<vmem>>)
      tpu.yield
    }) : () -> ()
    %eq3A_60 = arith.constant 0 : i32
    %eq3A_61 = arith.cmpi eq, %arg0, %eq3A_60 : i32
    %convert_element_type3A_62 = arith.extui %eq3A_61 : i1 to i32
    %cond3A_63 = arith.constant 0 : i32
    %cond3A_64 = arith.cmpi ne, %convert_element_type3A_62, %cond3A_63 : i32
    scf.if %cond3A_64 {
      %dma_start3A_127 = arith.constant 0 : i32
      %dma_start3A_128 = tpu.memref_slice %arg6[%add3A_56, %dma_start3A_127] : memref<10240x128xf32, #tpu.memory_space<hbm>> -> memref<128x128xf32, #tpu.memory_space<hbm>>
      %dma_start3A_129 = arith.constant 0 : i32
      %dma_start3A_130 = tpu.memref_slice %arg6[%add3A_56, %dma_start3A_129] : memref<10240x128xf32, #tpu.memory_space<hbm>> -> memref<128x128xf32, #tpu.memory_space<hbm>>
      tpu.enqueue_dma source(%arg14 : memref<128x128xf32, #tpu.memory_space<vmem>>) target(%dma_start3A_130 : memref<128x128xf32, #tpu.memory_space<hbm>>) target_semaphore(%arg21 : memref<!tpu.dma_semaphore, #tpu.memory_space<semaphore_mem>>)
    } else {
    }
    %eq3A_65 = arith.constant 1 : i32
    %eq3A_66 = arith.cmpi eq, %arg0, %eq3A_65 : i32
    %convert_element_type3A_67 = arith.extui %eq3A_66 : i1 to i32
    %cond3A_68 = arith.constant 0 : i32
    %cond3A_69 = arith.cmpi ne, %convert_element_type3A_67, %cond3A_68 : i32
    scf.if %cond3A_69 {
      %dma_start3A_127 = arith.constant 0 : i32
      %dma_start3A_128 = tpu.memref_slice %arg7[%add3A_56, %dma_start3A_127] : memref<10240x128xf32, #tpu.memory_space<hbm>> -> memref<128x128xf32, #tpu.memory_space<hbm>>
      %dma_start3A_129 = arith.constant 0 : i32
      %dma_start3A_130 = tpu.memref_slice %arg7[%add3A_56, %dma_start3A_129] : memref<10240x128xf32, #tpu.memory_space<hbm>> -> memref<128x128xf32, #tpu.memory_space<hbm>>
      tpu.enqueue_dma source(%arg14 : memref<128x128xf32, #tpu.memory_space<vmem>>) target(%dma_start3A_130 : memref<128x128xf32, #tpu.memory_space<hbm>>) target_semaphore(%arg21 : memref<!tpu.dma_semaphore, #tpu.memory_space<semaphore_mem>>)
    } else {
    }
    %mul3A_70 = arith.constant 640 : i32
    %mul3A_71 = arith.muli %arg1, %mul3A_70 : i32
    %add3A_72 = arith.constant 384 : i32
    %add3A_73 = arith.addi %mul3A_71, %add3A_72 : i32
    %dma_wait3A_74 = arith.constant 0 : i32
    %dma_wait3A_75 = tpu.memref_slice %arg6[%add3A_73, %dma_wait3A_74] : memref<10240x128xf32, #tpu.memory_space<hbm>> -> memref<128x128xf32, #tpu.memory_space<hbm>>
    %dma_wait3A_76 = arith.constant 0 : i32
    %dma_wait3A_77 = tpu.memref_slice %arg6[%add3A_73, %dma_wait3A_76] : memref<10240x128xf32, #tpu.memory_space<hbm>> -> memref<128x128xf32, #tpu.memory_space<hbm>>
    tpu.wait_dma2 semaphore(%arg22 : memref<!tpu.dma_semaphore, #tpu.memory_space<semaphore_mem>>) src(%arg15 : memref<128x128xf32, #tpu.memory_space<vmem>>) dst(%dma_wait3A_77 : memref<128x128xf32, #tpu.memory_space<hbm>>)
    "tpu.region"() ({
      %run_scoped3A = tpu.sem_alloc : memref<!tpu.dma_semaphore, #tpu.memory_space<semaphore_mem>>
      %dma_start3A_127 = arith.constant 0 : i32
      %dma_start3A_128 = tpu.memref_slice %arg17[%add3A_73, %dma_start3A_127] : memref<10240x128xf32, #tpu.memory_space<vmem_shared>> -> memref<128x128xf32, #tpu.memory_space<vmem_shared>>
      %dma_start3A_129 = arith.constant 0 : i32
      %dma_start3A_130 = tpu.memref_slice %arg17[%add3A_73, %dma_start3A_129] : memref<10240x128xf32, #tpu.memory_space<vmem_shared>> -> memref<128x128xf32, #tpu.memory_space<vmem_shared>>
      tpu.enqueue_dma source(%dma_start3A_130 : memref<128x128xf32, #tpu.memory_space<vmem_shared>>) target(%arg15 : memref<128x128xf32, #tpu.memory_space<vmem>>) target_semaphore(%run_scoped3A : memref<!tpu.dma_semaphore, #tpu.memory_space<semaphore_mem>>)
      %dma_wait3A_131 = arith.constant 0 : i32
      %dma_wait3A_132 = tpu.memref_slice %arg17[%add3A_73, %dma_wait3A_131] : memref<10240x128xf32, #tpu.memory_space<vmem_shared>> -> memref<128x128xf32, #tpu.memory_space<vmem_shared>>
      %dma_wait3A_133 = arith.constant 0 : i32
      %dma_wait3A_134 = tpu.memref_slice %arg17[%add3A_73, %dma_wait3A_133] : memref<10240x128xf32, #tpu.memory_space<vmem_shared>> -> memref<128x128xf32, #tpu.memory_space<vmem_shared>>
      tpu.wait_dma2 semaphore(%run_scoped3A : memref<!tpu.dma_semaphore, #tpu.memory_space<semaphore_mem>>) src(%dma_wait3A_134 : memref<128x128xf32, #tpu.memory_space<vmem_shared>>) dst(%arg15 : memref<128x128xf32, #tpu.memory_space<vmem>>)
      tpu.yield
    }) : () -> ()
    %eq3A_78 = arith.constant 0 : i32
    %eq3A_79 = arith.cmpi eq, %arg0, %eq3A_78 : i32
    %convert_element_type3A_80 = arith.extui %eq3A_79 : i1 to i32
    %cond3A_81 = arith.constant 0 : i32
    %cond3A_82 = arith.cmpi ne, %convert_element_type3A_80, %cond3A_81 : i32
    scf.if %cond3A_82 {
      %dma_start3A_127 = arith.constant 0 : i32
      %dma_start3A_128 = tpu.memref_slice %arg6[%add3A_73, %dma_start3A_127] : memref<10240x128xf32, #tpu.memory_space<hbm>> -> memref<128x128xf32, #tpu.memory_space<hbm>>
      %dma_start3A_129 = arith.constant 0 : i32
      %dma_start3A_130 = tpu.memref_slice %arg6[%add3A_73, %dma_start3A_129] : memref<10240x128xf32, #tpu.memory_space<hbm>> -> memref<128x128xf32, #tpu.memory_space<hbm>>
      tpu.enqueue_dma source(%arg15 : memref<128x128xf32, #tpu.memory_space<vmem>>) target(%dma_start3A_130 : memref<128x128xf32, #tpu.memory_space<hbm>>) target_semaphore(%arg22 : memref<!tpu.dma_semaphore, #tpu.memory_space<semaphore_mem>>)
    } else {
    }
    %eq3A_83 = arith.constant 1 : i32
    %eq3A_84 = arith.cmpi eq, %arg0, %eq3A_83 : i32
    %convert_element_type3A_85 = arith.extui %eq3A_84 : i1 to i32
    %cond3A_86 = arith.constant 0 : i32
    %cond3A_87 = arith.cmpi ne, %convert_element_type3A_85, %cond3A_86 : i32
    scf.if %cond3A_87 {
      %dma_start3A_127 = arith.constant 0 : i32
      %dma_start3A_128 = tpu.memref_slice %arg7[%add3A_73, %dma_start3A_127] : memref<10240x128xf32, #tpu.memory_space<hbm>> -> memref<128x128xf32, #tpu.memory_space<hbm>>
      %dma_start3A_129 = arith.constant 0 : i32
      %dma_start3A_130 = tpu.memref_slice %arg7[%add3A_73, %dma_start3A_129] : memref<10240x128xf32, #tpu.memory_space<hbm>> -> memref<128x128xf32, #tpu.memory_space<hbm>>
      tpu.enqueue_dma source(%arg15 : memref<128x128xf32, #tpu.memory_space<vmem>>) target(%dma_start3A_130 : memref<128x128xf32, #tpu.memory_space<hbm>>) target_semaphore(%arg22 : memref<!tpu.dma_semaphore, #tpu.memory_space<semaphore_mem>>)
    } else {
    }
    %mul3A_88 = arith.constant 640 : i32
    %mul3A_89 = arith.muli %arg1, %mul3A_88 : i32
    %add3A_90 = arith.constant 512 : i32
    %add3A_91 = arith.addi %mul3A_89, %add3A_90 : i32
    %dma_wait3A_92 = arith.constant 0 : i32
    %dma_wait3A_93 = tpu.memref_slice %arg6[%add3A_91, %dma_wait3A_92] : memref<10240x128xf32, #tpu.memory_space<hbm>> -> memref<128x128xf32, #tpu.memory_space<hbm>>
    %dma_wait3A_94 = arith.constant 0 : i32
    %dma_wait3A_95 = tpu.memref_slice %arg6[%add3A_91, %dma_wait3A_94] : memref<10240x128xf32, #tpu.memory_space<hbm>> -> memref<128x128xf32, #tpu.memory_space<hbm>>
    tpu.wait_dma2 semaphore(%arg21 : memref<!tpu.dma_semaphore, #tpu.memory_space<semaphore_mem>>) src(%arg14 : memref<128x128xf32, #tpu.memory_space<vmem>>) dst(%dma_wait3A_95 : memref<128x128xf32, #tpu.memory_space<hbm>>)
    "tpu.region"() ({
      %run_scoped3A = tpu.sem_alloc : memref<!tpu.dma_semaphore, #tpu.memory_space<semaphore_mem>>
      %dma_start3A_127 = arith.constant 0 : i32
      %dma_start3A_128 = tpu.memref_slice %arg17[%add3A_91, %dma_start3A_127] : memref<10240x128xf32, #tpu.memory_space<vmem_shared>> -> memref<128x128xf32, #tpu.memory_space<vmem_shared>>
      %dma_start3A_129 = arith.constant 0 : i32
      %dma_start3A_130 = tpu.memref_slice %arg17[%add3A_91, %dma_start3A_129] : memref<10240x128xf32, #tpu.memory_space<vmem_shared>> -> memref<128x128xf32, #tpu.memory_space<vmem_shared>>
      tpu.enqueue_dma source(%dma_start3A_130 : memref<128x128xf32, #tpu.memory_space<vmem_shared>>) target(%arg14 : memref<128x128xf32, #tpu.memory_space<vmem>>) target_semaphore(%run_scoped3A : memref<!tpu.dma_semaphore, #tpu.memory_space<semaphore_mem>>)
      %dma_wait3A_131 = arith.constant 0 : i32
      %dma_wait3A_132 = tpu.memref_slice %arg17[%add3A_91, %dma_wait3A_131] : memref<10240x128xf32, #tpu.memory_space<vmem_shared>> -> memref<128x128xf32, #tpu.memory_space<vmem_shared>>
      %dma_wait3A_133 = arith.constant 0 : i32
      %dma_wait3A_134 = tpu.memref_slice %arg17[%add3A_91, %dma_wait3A_133] : memref<10240x128xf32, #tpu.memory_space<vmem_shared>> -> memref<128x128xf32, #tpu.memory_space<vmem_shared>>
      tpu.wait_dma2 semaphore(%run_scoped3A : memref<!tpu.dma_semaphore, #tpu.memory_space<semaphore_mem>>) src(%dma_wait3A_134 : memref<128x128xf32, #tpu.memory_space<vmem_shared>>) dst(%arg14 : memref<128x128xf32, #tpu.memory_space<vmem>>)
      tpu.yield
    }) : () -> ()
    %eq3A_96 = arith.constant 0 : i32
    %eq3A_97 = arith.cmpi eq, %arg0, %eq3A_96 : i32
    %convert_element_type3A_98 = arith.extui %eq3A_97 : i1 to i32
    %cond3A_99 = arith.constant 0 : i32
    %cond3A_100 = arith.cmpi ne, %convert_element_type3A_98, %cond3A_99 : i32
    scf.if %cond3A_100 {
      %dma_start3A_127 = arith.constant 0 : i32
      %dma_start3A_128 = tpu.memref_slice %arg6[%add3A_91, %dma_start3A_127] : memref<10240x128xf32, #tpu.memory_space<hbm>> -> memref<128x128xf32, #tpu.memory_space<hbm>>
      %dma_start3A_129 = arith.constant 0 : i32
      %dma_start3A_130 = tpu.memref_slice %arg6[%add3A_91, %dma_start3A_129] : memref<10240x128xf32, #tpu.memory_space<hbm>> -> memref<128x128xf32, #tpu.memory_space<hbm>>
      tpu.enqueue_dma source(%arg14 : memref<128x128xf32, #tpu.memory_space<vmem>>) target(%dma_start3A_130 : memref<128x128xf32, #tpu.memory_space<hbm>>) target_semaphore(%arg21 : memref<!tpu.dma_semaphore, #tpu.memory_space<semaphore_mem>>)
    } else {
    }
    %eq3A_101 = arith.constant 1 : i32
    %eq3A_102 = arith.cmpi eq, %arg0, %eq3A_101 : i32
    %convert_element_type3A_103 = arith.extui %eq3A_102 : i1 to i32
    %cond3A_104 = arith.constant 0 : i32
    %cond3A_105 = arith.cmpi ne, %convert_element_type3A_103, %cond3A_104 : i32
    scf.if %cond3A_105 {
      %dma_start3A_127 = arith.constant 0 : i32
      %dma_start3A_128 = tpu.memref_slice %arg7[%add3A_91, %dma_start3A_127] : memref<10240x128xf32, #tpu.memory_space<hbm>> -> memref<128x128xf32, #tpu.memory_space<hbm>>
      %dma_start3A_129 = arith.constant 0 : i32
      %dma_start3A_130 = tpu.memref_slice %arg7[%add3A_91, %dma_start3A_129] : memref<10240x128xf32, #tpu.memory_space<hbm>> -> memref<128x128xf32, #tpu.memory_space<hbm>>
      tpu.enqueue_dma source(%arg14 : memref<128x128xf32, #tpu.memory_space<vmem>>) target(%dma_start3A_130 : memref<128x128xf32, #tpu.memory_space<hbm>>) target_semaphore(%arg21 : memref<!tpu.dma_semaphore, #tpu.memory_space<semaphore_mem>>)
    } else {
    }
    %mul3A_106 = arith.constant 640 : i32
    %mul3A_107 = arith.muli %arg1, %mul3A_106 : i32
    %add3A_108 = arith.constant 384 : i32
    %add3A_109 = arith.addi %mul3A_107, %add3A_108 : i32
    %dma_wait3A_110 = arith.constant 0 : i32
    %dma_wait3A_111 = tpu.memref_slice %arg6[%add3A_109, %dma_wait3A_110] : memref<10240x128xf32, #tpu.memory_space<hbm>> -> memref<128x128xf32, #tpu.memory_space<hbm>>
    %dma_wait3A_112 = arith.constant 0 : i32
    %dma_wait3A_113 = tpu.memref_slice %arg6[%add3A_109, %dma_wait3A_112] : memref<10240x128xf32, #tpu.memory_space<hbm>> -> memref<128x128xf32, #tpu.memory_space<hbm>>
    tpu.wait_dma2 semaphore(%arg22 : memref<!tpu.dma_semaphore, #tpu.memory_space<semaphore_mem>>) src(%arg15 : memref<128x128xf32, #tpu.memory_space<vmem>>) dst(%dma_wait3A_113 : memref<128x128xf32, #tpu.memory_space<hbm>>)
    %mul3A_114 = arith.constant 640 : i32
    %mul3A_115 = arith.muli %arg1, %mul3A_114 : i32
    %add3A_116 = arith.constant 512 : i32
    %add3A_117 = arith.addi %mul3A_115, %add3A_116 : i32
    %dma_wait3A_118 = arith.constant 0 : i32
    %dma_wait3A_119 = tpu.memref_slice %arg6[%add3A_117, %dma_wait3A_118] : memref<10240x128xf32, #tpu.memory_space<hbm>> -> memref<128x128xf32, #tpu.memory_space<hbm>>
    %dma_wait3A_120 = arith.constant 0 : i32
    %dma_wait3A_121 = tpu.memref_slice %arg6[%add3A_117, %dma_wait3A_120] : memref<10240x128xf32, #tpu.memory_space<hbm>> -> memref<128x128xf32, #tpu.memory_space<hbm>>
    tpu.wait_dma2 semaphore(%arg21 : memref<!tpu.dma_semaphore, #tpu.memory_space<semaphore_mem>>) src(%arg14 : memref<128x128xf32, #tpu.memory_space<vmem>>) dst(%dma_wait3A_121 : memref<128x128xf32, #tpu.memory_space<hbm>>)
    %scan3A_122 = arith.constant 0 : i32
    %scan3A_123 = arith.constant 5 : i32
    %scan3A_124 = arith.addi %scan3A_122, %scan3A_123 : i32
    %scan3A_125 = arith.constant 1 : i32
    scf.for %scan3A_127 = %scan3A_122 to %scan3A_124 step %scan3A_125  : i32 {
      %mul3A_128 = arith.constant 1 : i32
      %mul3A_129 = arith.muli %scan3A_127, %mul3A_128 : i32
      %add3A_130 = arith.constant 0 : i32
      %add3A_131 = arith.addi %add3A_130, %mul3A_129 : i32
      %mul3A_132 = arith.constant 640 : i32
      %mul3A_133 = arith.muli %arg1, %mul3A_132 : i32
      %mul3A_134 = arith.constant 128 : i32
      %mul3A_135 = arith.muli %add3A_131, %mul3A_134 : i32
      %add3A_136 = arith.addi %mul3A_133, %mul3A_135 : i32
      "tpu.region"() ({
        %run_scoped3A = tpu.sem_alloc : memref<!tpu.dma_semaphore, #tpu.memory_space<semaphore_mem>>
        %dma_start3A_147 = arith.constant 0 : i32
        %dma_start3A_148 = tpu.memref_slice %arg18[%add3A_136, %dma_start3A_147] : memref<10240x8xf32, #tpu.memory_space<vmem_shared>> -> memref<128x8xf32, #tpu.memory_space<vmem_shared>>
        %dma_start3A_149 = arith.constant 0 : i32
        %dma_start3A_150 = tpu.memref_slice %arg18[%add3A_136, %dma_start3A_149] : memref<10240x8xf32, #tpu.memory_space<vmem_shared>> -> memref<128x8xf32, #tpu.memory_space<vmem_shared>>
        tpu.enqueue_dma source(%dma_start3A_150 : memref<128x8xf32, #tpu.memory_space<vmem_shared>>) target(%arg16 : memref<128x8xf32, #tpu.memory_space<vmem>>) target_semaphore(%run_scoped3A : memref<!tpu.dma_semaphore, #tpu.memory_space<semaphore_mem>>)
        %dma_wait3A_151 = arith.constant 0 : i32
        %dma_wait3A_152 = tpu.memref_slice %arg18[%add3A_136, %dma_wait3A_151] : memref<10240x8xf32, #tpu.memory_space<vmem_shared>> -> memref<128x8xf32, #tpu.memory_space<vmem_shared>>
        %dma_wait3A_153 = arith.constant 0 : i32
        %dma_wait3A_154 = tpu.memref_slice %arg18[%add3A_136, %dma_wait3A_153] : memref<10240x8xf32, #tpu.memory_space<vmem_shared>> -> memref<128x8xf32, #tpu.memory_space<vmem_shared>>
        tpu.wait_dma2 semaphore(%run_scoped3A : memref<!tpu.dma_semaphore, #tpu.memory_space<semaphore_mem>>) src(%dma_wait3A_154 : memref<128x8xf32, #tpu.memory_space<vmem_shared>>) dst(%arg16 : memref<128x8xf32, #tpu.memory_space<vmem>>)
        tpu.yield
      }) : () -> ()
      %eq3A_137 = arith.constant 0 : i32
      %eq3A_138 = arith.cmpi eq, %arg0, %eq3A_137 : i32
      %convert_element_type3A_139 = arith.extui %eq3A_138 : i1 to i32
      %cond3A_140 = arith.constant 0 : i32
      %cond3A_141 = arith.cmpi ne, %convert_element_type3A_139, %cond3A_140 : i32
      scf.if %cond3A_141 {
        "tpu.region"() ({
          %run_scoped3A = tpu.sem_alloc : memref<!tpu.dma_semaphore, #tpu.memory_space<semaphore_mem>>
          %dma_start3A_147 = arith.constant 0 : i32
          %dma_start3A_148 = tpu.memref_slice %arg8[%add3A_136, %dma_start3A_147] : memref<10240x8xf32, #tpu.memory_space<hbm>> -> memref<128x8xf32, #tpu.memory_space<hbm>>
          %dma_start3A_149 = arith.constant 0 : i32
          %dma_start3A_150 = tpu.memref_slice %arg8[%add3A_136, %dma_start3A_149] : memref<10240x8xf32, #tpu.memory_space<hbm>> -> memref<128x8xf32, #tpu.memory_space<hbm>>
          tpu.enqueue_dma source(%arg16 : memref<128x8xf32, #tpu.memory_space<vmem>>) target(%dma_start3A_150 : memref<128x8xf32, #tpu.memory_space<hbm>>) target_semaphore(%run_scoped3A : memref<!tpu.dma_semaphore, #tpu.memory_space<semaphore_mem>>)
          %dma_wait3A_151 = arith.constant 0 : i32
          %dma_wait3A_152 = tpu.memref_slice %arg8[%add3A_136, %dma_wait3A_151] : memref<10240x8xf32, #tpu.memory_space<hbm>> -> memref<128x8xf32, #tpu.memory_space<hbm>>
          %dma_wait3A_153 = arith.constant 0 : i32
          %dma_wait3A_154 = tpu.memref_slice %arg8[%add3A_136, %dma_wait3A_153] : memref<10240x8xf32, #tpu.memory_space<hbm>> -> memref<128x8xf32, #tpu.memory_space<hbm>>
          tpu.wait_dma2 semaphore(%run_scoped3A : memref<!tpu.dma_semaphore, #tpu.memory_space<semaphore_mem>>) src(%arg16 : memref<128x8xf32, #tpu.memory_space<vmem>>) dst(%dma_wait3A_154 : memref<128x8xf32, #tpu.memory_space<hbm>>)
          tpu.yield
        }) : () -> ()
      } else {
      }
      %eq3A_142 = arith.constant 1 : i32
      %eq3A_143 = arith.cmpi eq, %arg0, %eq3A_142 : i32
      %convert_element_type3A_144 = arith.extui %eq3A_143 : i1 to i32
      %cond3A_145 = arith.constant 0 : i32
      %cond3A_146 = arith.cmpi ne, %convert_element_type3A_144, %cond3A_145 : i32
      scf.if %cond3A_146 {
        "tpu.region"() ({
          %run_scoped3A = tpu.sem_alloc : memref<!tpu.dma_semaphore, #tpu.memory_space<semaphore_mem>>
          %dma_start3A_147 = arith.constant 0 : i32
          %dma_start3A_148 = tpu.memref_slice %arg9[%add3A_136, %dma_start3A_147] : memref<10240x8xf32, #tpu.memory_space<hbm>> -> memref<128x8xf32, #tpu.memory_space<hbm>>
          %dma_start3A_149 = arith.constant 0 : i32
          %dma_start3A_150 = tpu.memref_slice %arg9[%add3A_136, %dma_start3A_149] : memref<10240x8xf32, #tpu.memory_space<hbm>> -> memref<128x8xf32, #tpu.memory_space<hbm>>
          tpu.enqueue_dma source(%arg16 : memref<128x8xf32, #tpu.memory_space<vmem>>) target(%dma_start3A_150 : memref<128x8xf32, #tpu.memory_space<hbm>>) target_semaphore(%run_scoped3A : memref<!tpu.dma_semaphore, #tpu.memory_space<semaphore_mem>>)
          %dma_wait3A_151 = arith.constant 0 : i32
          %dma_wait3A_152 = tpu.memref_slice %arg9[%add3A_136, %dma_wait3A_151] : memref<10240x8xf32, #tpu.memory_space<hbm>> -> memref<128x8xf32, #tpu.memory_space<hbm>>
          %dma_wait3A_153 = arith.constant 0 : i32
          %dma_wait3A_154 = tpu.memref_slice %arg9[%add3A_136, %dma_wait3A_153] : memref<10240x8xf32, #tpu.memory_space<hbm>> -> memref<128x8xf32, #tpu.memory_space<hbm>>
          tpu.wait_dma2 semaphore(%run_scoped3A : memref<!tpu.dma_semaphore, #tpu.memory_space<semaphore_mem>>) src(%arg16 : memref<128x8xf32, #tpu.memory_space<vmem>>) dst(%dma_wait3A_154 : memref<128x8xf32, #tpu.memory_space<hbm>>)
          tpu.yield
        }) : () -> ()
      } else {
      }
    }
    %scan3A_126 = arith.constant 5 : i32
    return
  }
}

module attributes {stable_mosaic.version = 14 : i64} {
  func.func @_tc_finish_body(%arg0: i32, %arg1: memref<2000x128xf32, #tpu.memory_space<vmem>>, %arg2: memref<2000x128xf32, #tpu.memory_space<vmem>>, %arg3: memref<2000x8xf32, #tpu.memory_space<vmem>>, %arg4: memref<2000x8xf32, #tpu.memory_space<vmem>>, %arg5: memref<2000x128xf32, #tpu.memory_space<vmem>>, %arg6: memref<10000x128xf32, #tpu.memory_space<vmem>>, %arg7: memref<2000x128xf32, #tpu.memory_space<vmem>>, %arg8: memref<8x128xf32, #tpu.memory_space<vmem>>) attributes {dimension_semantics = [#tpu.dimension_semantics<arbitrary>], iteration_bounds = array<i64: 5>, scalar_prefetch = 0 : i64, scratch_operands = 1 : i64, tpu.core_type = #tpu.core_type<tc>, window_params = [{transform_indices = @transform_0, window_bounds = array<i64: 2000, 128>}, {transform_indices = @transform_1, window_bounds = array<i64: 2000, 128>}, {transform_indices = @transform_2, window_bounds = array<i64: 2000, 8>}, {transform_indices = @transform_3, window_bounds = array<i64: 2000, 8>}, {transform_indices = @transform_4, window_bounds = array<i64: 2000, 128>}, {transform_indices = @transform_5, window_bounds = array<i64: 10000, 128>}, {transform_indices = @transform_6, window_bounds = array<i64: 2000, 128>}]} {
    %eq3A = arith.constant 0 : i32
    %eq3A_0 = arith.cmpi eq, %arg0, %eq3A : i32
    %convert_element_type3A = arith.extui %eq3A_0 : i1 to i32
    %cond3A = arith.constant 0 : i32
    %cond3A_1 = arith.cmpi ne, %convert_element_type3A, %cond3A : i32
    scf.if %cond3A_1 {
      %get3A_88 = arith.constant 0 : index
      %get3A_89 = arith.constant 0 : index
      %get3A_90 = vector.load %arg6[%get3A_88, %get3A_89] : memref<10000x128xf32, #tpu.memory_space<vmem>>, vector<10000x128xf32>
      %reduce_sum3A = arith.constant dense<0.000000e+00> : vector<128xf32>
      %reduce_sum3A_91 = vector.multi_reduction <add>, %get3A_90, %reduce_sum3A [0] : vector<10000x128xf32> to vector<128xf32>
      %broadcast_in_dim3A = vector.shape_cast %reduce_sum3A_91 : vector<128xf32> to vector<1x128xf32>
      %div3A_92 = arith.constant 1.000000e+04 : f32
      %div3A_93 = vector.broadcast %div3A_92 : f32 to vector<1x128xf32>
      %div3A_94 = arith.divf %broadcast_in_dim3A, %div3A_93 : vector<1x128xf32>
      %broadcast_in_dim3A_95 = vector.shape_cast %div3A_94 : vector<1x128xf32> to vector<1x128xf32>
      %broadcast_in_dim3A_96 = vector.broadcast %broadcast_in_dim3A_95 : vector<1x128xf32> to vector<8x128xf32>
      %swap3A_97 = arith.constant 0 : index
      %swap3A_98 = arith.constant 0 : index
      %swap3A_99 = vector.load %arg8[%swap3A_97, %swap3A_98] : memref<8x128xf32, #tpu.memory_space<vmem>>, vector<8x128xf32>
      tpu.vector_store %arg8[%swap3A_97, %swap3A_98], %broadcast_in_dim3A_96 {strides = array<i32>} : memref<8x128xf32, #tpu.memory_space<vmem>>, vector<8x128xf32>,
    } else {
    }
    %get3A = arith.constant 0 : index
    %get3A_2 = arith.constant 0 : index
    %get3A_3 = vector.load %arg3[%get3A, %get3A_2] : memref<2000x8xf32, #tpu.memory_space<vmem>>, vector<2000x1xf32>
    %get3A_4 = arith.constant 0 : index
    %get3A_5 = arith.constant 0 : index
    %get3A_6 = vector.load %arg4[%get3A_4, %get3A_5] : memref<2000x8xf32, #tpu.memory_space<vmem>>, vector<2000x1xf32>
    %add3A = arith.addf %get3A_3, %get3A_6 : vector<2000x1xf32>
    %max3A = arith.constant 1.000000e+00 : f32
    %max3A_7 = vector.broadcast %max3A : f32 to vector<2000x1xf32>
    %max3A_8 = arith.maximumf %add3A, %max3A_7 : vector<2000x1xf32>
    %get3A_9 = arith.constant 0 : index
    %get3A_10 = arith.constant 0 : index
    %get3A_11 = vector.load %arg1[%get3A_9, %get3A_10] : memref<2000x128xf32, #tpu.memory_space<vmem>>, vector<2000x128xf32>
    %div3A = vector.broadcast %max3A_8 : vector<2000x1xf32> to vector<2000x128xf32>
    %div3A_12 = arith.divf %get3A_11, %div3A : vector<2000x128xf32>
    %get3A_13 = arith.constant 0 : index
    %get3A_14 = arith.constant 0 : index
    %get3A_15 = vector.load %arg2[%get3A_13, %get3A_14] : memref<2000x128xf32, #tpu.memory_space<vmem>>, vector<2000x128xf32>
    %div3A_16 = vector.broadcast %max3A_8 : vector<2000x1xf32> to vector<2000x128xf32>
    %div3A_17 = arith.divf %get3A_15, %div3A_16 : vector<2000x128xf32>
    %get3A_18 = arith.constant 0 : index
    %get3A_19 = arith.constant 0 : index
    %get3A_20 = vector.load %arg5[%get3A_18, %get3A_19] : memref<2000x128xf32, #tpu.memory_space<vmem>>, vector<2000x128xf32>
    %iota3A = tpu.iota {dimensions = array<i32: 0>} : vector<128x4xi32>
    %jit3A = arith.constant 32 : i32
    %div3A_21 = vector.broadcast %jit3A : i32 to vector<128x4xi32>
    %div3A_22 = arith.divsi %iota3A, %div3A_21 : vector<128x4xi32>
    %sign3A = arith.constant 0 : i32
    %sign3A_23 = vector.broadcast %sign3A : i32 to vector<128x4xi32>
    %sign3A_24 = arith.cmpi sgt, %iota3A, %sign3A_23 : vector<128x4xi32>
    %sign3A_25 = arith.extui %sign3A_24 : vector<128x4xi1> to vector<128x4xi32>
    %sign3A_26 = arith.constant 0 : i32
    %sign3A_27 = vector.broadcast %sign3A_26 : i32 to vector<128x4xi32>
    %sign3A_28 = arith.cmpi slt, %iota3A, %sign3A_27 : vector<128x4xi32>
    %sign3A_29 = arith.extui %sign3A_28 : vector<128x4xi1> to vector<128x4xi32>
    %sign3A_30 = arith.subi %sign3A_25, %sign3A_29 : vector<128x4xi32>
    %sign3A_31 = arith.constant 0 : i32
    %sign3A_32 = arith.cmpi sgt, %jit3A, %sign3A_31 : i32
    %sign3A_33 = arith.extui %sign3A_32 : i1 to i32
    %sign3A_34 = arith.constant 0 : i32
    %sign3A_35 = arith.cmpi slt, %jit3A, %sign3A_34 : i32
    %sign3A_36 = arith.extui %sign3A_35 : i1 to i32
    %sign3A_37 = arith.subi %sign3A_33, %sign3A_36 : i32
    %ne3A = vector.broadcast %sign3A_37 : i32 to vector<128x4xi32>
    %ne3A_38 = arith.cmpi ne, %sign3A_30, %ne3A : vector<128x4xi32>
    %rem3A = vector.broadcast %jit3A : i32 to vector<128x4xi32>
    %rem3A_39 = arith.remsi %iota3A, %rem3A : vector<128x4xi32>
    %ne3A_40 = arith.constant 0 : i32
    %ne3A_41 = vector.broadcast %ne3A_40 : i32 to vector<128x4xi32>
    %ne3A_42 = arith.cmpi ne, %rem3A_39, %ne3A_41 : vector<128x4xi32>
    %and3A = arith.andi %ne3A_38, %ne3A_42 : vector<128x4xi1>
    %sub3A = arith.constant 1 : i32
    %sub3A_43 = vector.broadcast %sub3A : i32 to vector<128x4xi32>
    %sub3A_44 = arith.subi %div3A_22, %sub3A_43 : vector<128x4xi32>
    %select_n3A = arith.select %and3A, %sub3A_44, %div3A_22 : vector<128x4xi1>, vector<128x4xi32>
    %iota3A_45 = tpu.iota {dimensions = array<i32: 1>} : vector<128x4xi32>
    %eq3A_46 = arith.cmpi eq, %select_n3A, %iota3A_45 : vector<128x4xi32>
    %convert_element_type3A_47 = arith.extui %eq3A_46 : vector<128x4xi1> to vector<128x4xi32>
    %convert_element_type3A_48 = arith.sitofp %convert_element_type3A_47 : vector<128x4xi32> to vector<128x4xf32>
    %mul3A = arith.mulf %div3A_12, %get3A_20 : vector<2000x128xf32>
    %dot_general3A = arith.constant dense<0.000000e+00> : vector<2000x4xf32>
    %dot_general3A_49 = tpu.matmul %mul3A, %convert_element_type3A_48, %dot_general3A {dimension_numbers = #tpu.dot_dimension_numbers<[1], [0], [0], [1], [0, 0, 1, 1], [], []>, precision = #tpu.contract_precision<fp32>, transpose_lhs_hint = false} : vector<2000x128xf32>, vector<128x4xf32>, vector<2000x4xf32> -> vector<2000x4xf32>
    %max3A_50 = arith.constant 0.000000e+00 : f32
    %max3A_51 = vector.broadcast %max3A_50 : f32 to vector<2000x4xf32>
    %max3A_52 = arith.maximumf %dot_general3A_49, %max3A_51 : vector<2000x4xf32>
    %add3A_53 = arith.constant 1.000000e-10 : f32
    %add3A_54 = vector.broadcast %add3A_53 : f32 to vector<2000x4xf32>
    %add3A_55 = arith.addf %max3A_52, %add3A_54 : vector<2000x4xf32>
    %get3A_56 = arith.constant 0 : index
    %get3A_57 = arith.constant 0 : index
    %get3A_58 = vector.load %arg8[%get3A_56, %get3A_57] : memref<8x128xf32, #tpu.memory_space<vmem>>, vector<1x128xf32>
    %mul3A_59 = vector.broadcast %get3A_58 : vector<1x128xf32> to vector<2000x128xf32>
    %mul3A_60 = arith.mulf %get3A_20, %mul3A_59 : vector<2000x128xf32>
    %dot_general3A_61 = arith.constant dense<0.000000e+00> : vector<2000x4xf32>
    %dot_general3A_62 = tpu.matmul %mul3A_60, %convert_element_type3A_48, %dot_general3A_61 {dimension_numbers = #tpu.dot_dimension_numbers<[1], [0], [0], [1], [0, 0, 1, 1], [], []>, precision = #tpu.contract_precision<fp32>, transpose_lhs_hint = false} : vector<2000x128xf32>, vector<128x4xf32>, vector<2000x4xf32> -> vector<2000x4xf32>
    %max3A_63 = arith.constant 0.000000e+00 : f32
    %max3A_64 = vector.broadcast %max3A_63 : f32 to vector<2000x4xf32>
    %max3A_65 = arith.maximumf %dot_general3A_62, %max3A_64 : vector<2000x4xf32>
    %add3A_66 = arith.constant 9.99999993E-9 : f32
    %add3A_67 = vector.broadcast %add3A_66 : f32 to vector<2000x4xf32>
    %add3A_68 = arith.addf %max3A_65, %add3A_67 : vector<2000x4xf32>
    %div3A_69 = arith.divf %add3A_55, %add3A_68 : vector<2000x4xf32>
    %sub3A_70 = arith.constant 1.000000e+00 : f32
    %sub3A_71 = vector.broadcast %sub3A_70 : f32 to vector<2000x4xf32>
    %sub3A_72 = arith.subf %div3A_69, %sub3A_71 : vector<2000x4xf32>
    %max3A_73 = arith.constant 0.000000e+00 : f32
    %max3A_74 = vector.broadcast %max3A_73 : f32 to vector<2000x4xf32>
    %max3A_75 = arith.maximumf %sub3A_72, %max3A_74 : vector<2000x4xf32>
    %mul3A_76 = arith.constant 1.000000e+00 : f32
    %mul3A_77 = vector.broadcast %mul3A_76 : f32 to vector<2000x4xf32>
    %mul3A_78 = arith.mulf %mul3A_77, %max3A_75 : vector<2000x4xf32>
    %add3A_79 = arith.constant 0.00999999977 : f32
    %add3A_80 = vector.broadcast %add3A_79 : f32 to vector<2000x4xf32>
    %add3A_81 = arith.addf %mul3A_78, %add3A_80 : vector<2000x4xf32>
    %tanh3A = math.tanh %add3A_81 : vector<2000x4xf32>
    %transpose3A = tpu.transpose %convert_element_type3A_48, [1, 0] : vector<128x4xf32> -> vector<4x128xf32>
    %dot_general3A_82 = arith.constant dense<0.000000e+00> : vector<2000x128xf32>
    %dot_general3A_83 = tpu.matmul %tanh3A, %transpose3A, %dot_general3A_82 {dimension_numbers = #tpu.dot_dimension_numbers<[1], [0], [0], [1], [0, 0, 1, 1], [], []>, precision = #tpu.contract_precision<fp32>, transpose_lhs_hint = false} : vector<2000x4xf32>, vector<4x128xf32>, vector<2000x128xf32> -> vector<2000x128xf32>
    %mul3A_84 = arith.mulf %dot_general3A_83, %div3A_12 : vector<2000x128xf32>
    %add3A_85 = arith.addf %mul3A_84, %div3A_17 : vector<2000x128xf32>
    %swap3A = arith.constant 0 : index
    %swap3A_86 = arith.constant 0 : index
    %swap3A_87 = vector.load %arg7[%swap3A, %swap3A_86] : memref<2000x128xf32, #tpu.memory_space<vmem>>, vector<2000x128xf32>
    tpu.vector_store %arg7[%swap3A, %swap3A_86], %add3A_85 {strides = array<i32>} : memref<2000x128xf32, #tpu.memory_space<vmem>>, vector<2000x128xf32>,
    return
  }
  func.func @transform_0(%arg0: i32) -> (i32, i32) {
    %c0_i32 = arith.constant 0 : i32
    %c0_i32_0 = arith.constant 0 : i32
    return %arg0, %c0_i32 : i32, i32
  }
  func.func @transform_1(%arg0: i32) -> (i32, i32) {
    %c0_i32 = arith.constant 0 : i32
    %c0_i32_0 = arith.constant 0 : i32
    return %arg0, %c0_i32 : i32, i32
  }
  func.func @transform_2(%arg0: i32) -> (i32, i32) {
    %c0_i32 = arith.constant 0 : i32
    %c0_i32_0 = arith.constant 0 : i32
    return %arg0, %c0_i32 : i32, i32
  }
  func.func @transform_3(%arg0: i32) -> (i32, i32) {
    %c0_i32 = arith.constant 0 : i32
    %c0_i32_0 = arith.constant 0 : i32
    return %arg0, %c0_i32 : i32, i32
  }
  func.func @transform_4(%arg0: i32) -> (i32, i32) {
    %c0_i32 = arith.constant 0 : i32
    %c0_i32_0 = arith.constant 0 : i32
    return %arg0, %c0_i32 : i32, i32
  }
  func.func @transform_5(%arg0: i32) -> (i32, i32) {
    %c0_i32 = arith.constant 0 : i32
    %c0_i32_0 = arith.constant 0 : i32
    %c0_i32_1 = arith.constant 0 : i32
    return %c0_i32, %c0_i32_0 : i32, i32
  }
  func.func @transform_6(%arg0: i32) -> (i32, i32) {
    %c0_i32 = arith.constant 0 : i32
    %c0_i32_0 = arith.constant 0 : i32
    return %arg0, %c0_i32 : i32, i32
  }
}

</mosaic_0001>

<sc_bundles>
// kernel: kernel.4.cloned.1.call-start
scs
__scs_entry_jumppad:
0x0: {  	(pc) =	sbr.rel $0x88, $3  }
0x1: {  	(tag) =	ssettag $0x0;
	lr =	simm.s32 $0x1  }
0x2: {  	[smem:$0x3F9D] =	sst lr;
	_ =	strace $0xD0000000  }
0x3: {  	_ = 	snop  }
0x4: {  	_ = 	snop  }
0x5: {  	_ = 	snop  }
0x6: {  	_ = 	snop  }
0x7: {  	_ = 	snop  }
__scs_overlays_trampoline_lowered:
0x8: {  	[smem:$0x3FAC] =	sst s0  }
0x9: {  	[smem:$0x3FAD] =	sst s1  }
0xa: {  	[smem:$0x3FAE] =	sst s2  }
0xb: {  	[smem:$0x3FAF] =	sst s3  }
0xc: {  	[smem:$0x3FB0] =	sst s4  }
0xd: {  	[smem:$0x3FB1] =	sst s5  }
0xe: {  	[smem:$0x3FB2] =	sst s6  }
0xf: {  	[smem:$0x3FB3] =	sst s7  }
0x10: {  	[smem:$0x3FB4] =	sst s8  }
0x11: {  	[smem:$0x3FB5] =	sst s9;
	s0 =	simm.s32 @!p0 $0x0  }
0x12: {  	s1 =	sld [smem:$0x3F9B];
	s0 =	simm.s32 @p0 $0x1  }
0x13: {  	[smem:$0x3FB6] =	sst s0;
	s0 =	simm.s32 @!p1 $0x0  }
0x14: {  	s2 =	sld [smem:$0x3F9A];
	s0 =	simm.s32 @p1 $0x1  }
0x15: {  	[smem:$0x3FB7] =	sst s0;
	s0 =	simm.s32 @!p2 $0x0  }
0x16: {  	s3 =	sld [smem:$0x3FDB];
	s0 =	simm.s32 @p2 $0x1  }
0x17: {  	s4 =	simm.s32 $0x1BF5;
	[smem:$0x3FB9] =	sst s0  }
0x18: {  	s0 =	sld [smem:$0x3F9C];
	_ =	swait.ge [sflag:s4], $0x0  }
0x19: {  	s7 =	sld [smem:$0x3F9D]  }
0x1a: {  	s8 =	sadd.s32 $0xFFFFE003, lr  }
0x1b: {  	s9 =	sadd.s32 $0xFFFFFEF7, lr;
	s5 =	simm.s32 $0xFFFFFFFF;
	p2 =	slt.u32 s8, $0xFFFFF086  }
0x1c: {  	p1 =	slt.u32 s9, $0xF7A;
	s5 =	simm.s32 @!p2 $0x0  }
0x1d: {  	s5 =	simm.s32 @p1 $0x1;
	p0 =	seq.s32 s7, s2  }
0x1e: {  	s7 =	smul.u32 @!p0 $0xF7A, s2;
	p2 =	seq.s32 @!p0 s5, $0x0  }
0x1f: {  	s9 =	smul.u32 $0xF7A, s1;
	s8 =	simm.s32 @!p0 $0x1BF5;
	p2 =	por !p2, p0  }
0x20: {  	[sflag:s8] =	ssyncset.s32 @!p0 $0xFFFFF086;
	s6 =	sadd.s32 @!p0 s3, s7;
	s7 =	simm.s32 @!p0 $0x108  }
0x21: {  	s3 =	sadd.s32 s3, s9;
	s6 =	sadd.s32 @!p0 $0x88, s6;
	s7 =	simm.s32 @p2 $0x1082  }
0x22: {  	[simem:s7], [sflag:s8] =	dma.local @!p0 [hbm:s6], $0xF7A  }
0x23: {  	s9 =	sor.u32 $0xD0000000, s2;
	s6 =	simm.s32 $0x108;
	_ =	swait.ge @!p0 [sflag:s8], $0x0  }
0x24: {  	s3 =	sadd.s32 $0x88, s3;
	s6 =	simm.s32 @!p1 $0x1082;
	[sflag:s4] =	ssyncset.s32 $0xFFFFF086  }
0x25: {  	[simem:s6], [sflag:s4] =	dma.local [hbm:s3], $0xF7A  }
0x26: {  	[smem:$0x3F9D] =	sst s1;
	(tag) =	ssettag s2;
	_ =	strace s9  }
0x27: {  	s1 =	sld [smem:$0x3FAD]  }
0x28: {  	s2 =	sld [smem:$0x3FAE]  }
0x29: {  	s4 =	sld [smem:$0x3FB0]  }
0x2a: {  	p0 =	seq.s32 s5, $0x0;
	s5 =	sld [smem:$0x3FB1]  }
0x2b: {  	s6 =	sld [smem:$0x3FB2]  }
0x2c: {  	s7 =	sld [smem:$0x3FB3]  }
0x2d: {  	s3 =	simm.s32 $0x108;
	s8 =	sld [smem:$0x3FB4]  }
0x2e: {  	s3 =	simm.s32 @!p0 $0x1082;
	s9 =	sld [smem:$0x3FB5]  }
0x2f: {  	lr =	sadd.s32 s0, s3;
	s0 =	sld [smem:$0x3FAC]  }
0x30: {  	s3 =	sld [smem:$0x3FAF]  }
0x31: {  	[smem:$0x3FB8] =	sst s10  }
0x32: {  	s10 =	sld [smem:$0x3FB6];
	_ =	sdelay $0x3  }
0x33: {  	p0 =	seq.s32 s10, $0x1;
	s10 =	sld [smem:$0x3FB8];
	_ =	sdelay $0x3  }
0x34: {  	[smem:$0x3FB8] =	sst s10  }
0x35: {  	s10 =	sld [smem:$0x3FB7];
	_ =	sdelay $0x3  }
0x36: {  	p1 =	seq.s32 s10, $0x1;
	s10 =	sld [smem:$0x3FB8];
	_ =	sdelay $0x3  }
0x37: {  	[smem:$0x3FB8] =	sst s10  }
0x38: {  	s10 =	sld [smem:$0x3FB9]  }
0x39: {  	_ = 	snop;
	(pc) =	sbr.ind lr, $3  }
0x3a: {  	_ = 	snop  }
0x3b: {  	_ = 	snop  }
0x3c: {  	p2 =	seq.s32 s10, $0x1;
	s10 =	sld [smem:$0x3FB8]  }
0x3d: {  	_ =	shalt  }
0x3e: {  	_ =	shalt  }
0x3f: {  	_ =	shalt  }
0x40: {  	_ =	shalt  }
0x41: {  	_ =	shalt  }
0x42: {  	_ =	shalt  }
0x43: {  	_ =	shalt  }
0x44: {  	_ =	shalt  }
0x45: {  	_ =	shalt  }
0x46: {  	_ =	shalt  }
0x47: {  	_ =	shalt  }
0x48: {  	_ =	shalt  }
0x49: {  	_ =	shalt  }
0x4a: {  	_ =	shalt  }
0x4b: {  	_ =	shalt  }
0x4c: {  	_ =	shalt  }
0x4d: {  	_ =	shalt  }
0x4e: {  	_ =	shalt  }
0x4f: {  	_ =	shalt  }
0x50: {  	_ =	shalt  }
0x51: {  	_ =	shalt  }
0x52: {  	_ =	shalt  }
0x53: {  	_ =	shalt  }
0x54: {  	_ =	shalt  }
0x55: {  	_ =	shalt  }
0x56: {  	_ =	shalt  }
0x57: {  	_ =	shalt  }
0x58: {  	_ =	shalt  }
0x59: {  	_ =	shalt  }
0x5a: {  	_ =	shalt  }
0x5b: {  	_ =	shalt  }
0x5c: {  	_ =	shalt  }
0x5d: {  	_ =	shalt  }
0x5e: {  	_ =	shalt  }
0x5f: {  	_ =	shalt  }
0x60: {  	_ =	shalt  }
0x61: {  	_ =	shalt  }
0x62: {  	_ =	shalt  }
0x63: {  	_ =	shalt  }
0x64: {  	_ =	shalt  }
0x65: {  	_ =	shalt  }
0x66: {  	_ =	shalt  }
0x67: {  	_ =	shalt  }
0x68: {  	_ =	shalt  }
0x69: {  	_ =	shalt  }
0x6a: {  	_ =	shalt  }
0x6b: {  	_ =	shalt  }
0x6c: {  	_ =	shalt  }
0x6d: {  	_ =	shalt  }
0x6e: {  	_ =	shalt  }
0x6f: {  	_ =	shalt  }
0x70: {  	_ =	shalt  }
0x71: {  	_ =	shalt  }
0x72: {  	_ =	shalt  }
0x73: {  	_ =	shalt  }
0x74: {  	_ =	shalt  }
0x75: {  	_ =	shalt  }
0x76: {  	_ =	shalt  }
0x77: {  	_ =	shalt  }
0x78: {  	_ =	shalt  }
0x79: {  	_ =	shalt  }
0x7a: {  	_ =	shalt  }
0x7b: {  	_ =	shalt  }
0x7c: {  	_ =	shalt  }
0x7d: {  	_ =	shalt  }
0x7e: {  	_ =	shalt  }
0x7f: {  	_ =	shalt  }
0x80: {  	_ =	shalt  }
0x81: {  	_ =	shalt  }
0x82: {  	_ =	shalt  }
0x83: {  	_ =	shalt  }
0x84: {  	_ =	shalt  }
0x85: {  	_ =	shalt  }
0x86: {  	_ =	shalt  }
0x87: {  	_ =	shalt  }
.Lfunc_end0:
.L_simem_size_0:
called_computation_lowered:
.L_overlay_start_0:
0x88: {  	s2 =	sld [smem:$0x3FD9]  }
0x89: {  	s3 =	sld [smem:$0x3FFE];
	_ =	sdelay $0x1  }
0x8a: {  	s1 =	srdreg.scid  }
0x8b: {  	s0 =	sand.u32 $0x1, s1  }
0x8c: {  	s17 =	sshll.u32 s0, $0xA;
	s2 =	sadd.s32 s3, s2  }
0x8d: {  	s2 =	sadd.s32 s2, s17  }
0x8e: {  	[smem:$0x3FC4] =	sst s2  }
0x8f: {  	_ = 	snop  }
0x90: {  	s2 =	sld [smem:$0x3FC8]  }
0x91: {  	s18 =	sld [smem:$0x3FC7]  }
0x92: {  	s4 =	sld [smem:$0x3FD0];
	(tm) =	ssettm $0x1  }
0x93: {  	s5 =	sld [smem:$0x3FFB];
	_ =	sdelay $0x3  }
0x94: {  	_ =	strace s5  }
0x95: {  	s5 =	sld [smem:$0x3FFC];
	_ =	sdelay $0x3  }
0x96: {  	_ =	strace s5  }
0x97: {  	s5 =	sld [smem:$0x3FFD];
	_ =	sdelay $0x3  }
0x98: {  	_ =	strace s5  }
0x99: {  	_ =	strace $0x8FFFFFFF  }
0x9a: {  	s19 =	sld [smem:$0x3FDB];
	_ =	sdelay $0x1  }
0x9b: {  	s6 =	simm.s32 $_scs_section_size  }
0x9c: {  	s7 =	simm.s32 $_size__tile_overlayer_lowered;
	s8 =	simm.s32 $_tile_overlayer_lowered  }
0x9d: {  	s22 =	simm.s32 $0x1BFF;
	s21 =	sshll.u32 s8, $0x1;
	s5 =	sadd.s32 s6, s19  }
0x9e: {  	s9 =	simm.s32 $0x0;
	s20 =	sshll.u32 s7, $0x1;
	s7 =	sadd.s32 s21, s5  }
0x9f: {  	[timem:s9], [sflag:s22] =	dma.local [hbm:s7], s20  }
0xa0: {  	_ =	swait.ge [sflag:s22], s20  }
0xa1: {  	s6 =	ssub.s32 $0x0, s20;
	[sflag:s22] =	ssyncset.done $0x0  }
0xa2: {  	[sflag:s22] =	ssyncadd.s32 s6;
	_ =	sdelay $0x1  }
0xa3: {  	s23 =	simm.s32 $0x1B8B  }
0xa4: {  	_ =	swait.ge [sflag:s23], $0x1  }
0xa5: {  	[sflag:s23] =	ssyncset.done $0x0  }
0xa6: {  	s25 =	simm.s32 $0x1B8E;
	s24 =	sld [smem:$0x3FFE];
	[sflag:s23] =	ssyncadd.s32 $0xFFFFFFFF  }
0xa7: {  	s26 =	simm.s32 $execute0_lowered;
	[smem:$0x3FD2] =	sst s25  }
0xa8: {  	s7 =	sshll.u32 s26, $0x1;
	_ =	strace $0x80000046;
	[dreg:$0x1] =	wrdreg $0xFFFFFFFF  }
0xa9: {  	s28 =	simm.s32 $_size_execute0_lowered;
	s5 =	sadd.s32 s5, s7;
	[dreg:$0x0] =	wrdreg $0x0  }
0xaa: {  	s7 =	sshll.u32 s28, $0x1;
	[dreg:$0x2] =	wrdreg s5  }
0xab: {  	[dreg:$0x3] =	wrdreg s7  }
0xac: {  	[dreg:$0x4] =	wrdreg $0xC0  }
0xad: {  	_ =	task [dreg:s9], $0x5FFFF  }
0xae: {  	[dreg:$0x1] =	wrdreg $0xFFFFFFFF  }
0xaf: {  	[dreg:$0x0] =	wrdreg $0x60  }
0xb0: {  	[dreg:$0x2] =	wrdreg s4  }
0xb1: {  	[dreg:$0x3] =	wrdreg s24  }
0xb2: {  	[dreg:$0x4] =	wrdreg s18  }
0xb3: {  	[dreg:$0x5] =	wrdreg s2  }
0xb4: {  	[dreg:$0x6] =	wrdreg $0xA4000  }
0xb5: {  	[dreg:$0x7] =	wrdreg $0x1E4000  }
0xb6: {  	[dreg:$0x8] =	wrdreg $0x9  }
0xb7: {  	_ =	task.clear_ibuf [dreg:s9], $0x9FFFF;
	_ =	strace $0x90000046  }
0xb8: {  	s29 =	simm.s32 $0x9;
	_ =	strace $0x80000048  }
0xb9: {  	_ =	swait.ge [sflag:s29], $0x1  }
0xba: {  	[sflag:s29] =	ssyncadd.s32 $0xFFFFFFFF  }
0xbb: {  	_ =	strace $0x90000048  }
0xbc: {  	_ =	sfence  }
0xbd: {  	s30 =	sld [smem:$0x0];
	_ =	sdelay $0x2  }
0xbe: {  	s31 =	sshll.u32 s1, $0xD;
	s1 =	sshrl.u32 s1, $0x2  }
0xbf: {  	s3 =	sand.u32 $0x4000, s31;
	s1 =	sadd.s32 s1, s30  }
0xc0: {  	s0 =	sor.u32 s3, s0;
	s1 =	sshll.u32 s1, $0x11  }
0xc1: {  	s0 =	sor.u32 s1, s0  }
0xc2: {  	s0 =	sadd.s32 $0x8F2B, s0  }
0xc3: {  	[sflag:s0] =	ssyncadd.remote.s32 $0x1  }
0xc4: {  	_ =	sfence.sel $0xFFFF  }
0xc5: {  	[dreg:$0x0] =	wrdreg $0xFFFFFFFF;
	(pc) =	sbr.abs _section_cstart, $3  }
0xc6: {  	[dreg:$0x1] =	wrdreg $0xFFFFFFFF  }
0xc7: {  	_ =	task.clear_ibuf [dreg:s9], $0x2FFFF;
	_ =	strace $0x9FFFFFFF  }
0xc8: {  	(tm) =	ssettm $0x7FFFFFFF  }
0xc9: {  	_ =	shalt  }
tec
execute0_lowered:
.L_overlay_start_1:
0x0: {  	(tag) =	ssettag $0x1  }
0x1: {  	s6 =	rddreg [dreg:$0x0]  }
0x2: {  	s0 =	rddreg [dreg:$0x1]  }
0x3: {  	s1 =	rddreg [dreg:$0x2]  }
0x4: {  	s2 =	rddreg [dreg:$0x3]  }
0x5: {  	s3 =	rddreg [dreg:$0x4]  }
0x6: {  	s4 =	rddreg [dreg:$0x5];
	s24 =	simm.s32 $0x0  }
0x7: {  	s5 =	simm.s32 $0x1000;
	[smem:$0x7FF] =	sst s24  }
0x8: {  	s7 =	simm.s32 $0x880;
	_ =	strace $0x80000047;
	[dreg:$0x7] =	wrdreg s5  }
0x9: {  	s8 =	simm.s32 $0x900;
	[dreg:$0x8] =	wrdreg s7  }
0xa: {  	s10 =	simm.s32 $0x980;
	[dreg:$0x9] =	wrdreg s8  }
0xb: {  	s11 =	simm.s32 $0xA00;
	[dreg:$0xa] =	wrdreg s10  }
0xc: {  	s14 =	simm.s32 $0xA80;
	[dreg:$0xb] =	wrdreg s11  }
0xd: {  	s15 =	simm.s32 $0xB00;
	[dreg:$0xc] =	wrdreg s14  }
0xe: {  	s16 =	simm.s32 $0xC00;
	[dreg:$0xd] =	wrdreg s15  }
0xf: {  	s17 =	simm.s32 $0xC80;
	[dreg:$0xf] =	wrdreg s16  }
0x10: {  	s18 =	simm.s32 $0xD00;
	[dreg:$0x10] =	wrdreg s17  }
0x11: {  	s19 =	simm.s32 $0xD80;
	[dreg:$0x11] =	wrdreg s18  }
0x12: {  	s20 =	simm.s32 $0xE00;
	[dreg:$0x12] =	wrdreg s19  }
0x13: {  	s22 =	simm.s32 $0xE80;
	[dreg:$0x13] =	wrdreg s20  }
0x14: {  	s23 =	simm.s32 $0xF00;
	[dreg:$0x14] =	wrdreg s22  }
0x15: {  	s25 =	simm.s32 $0x1880;
	[dreg:$0x15] =	wrdreg s23  }
0x16: {  	s26 =	simm.s32 $0x1900;
	[dreg:$0x16] =	wrdreg s25  }
0x17: {  	s29 =	simm.s32 $0x1980;
	[dreg:$0x17] =	wrdreg s26  }
0x18: {  	s11 =	simm.s32 $0xB80;
	[dreg:$0x18] =	wrdreg s29  }
0x19: {  	s21 =	stileid.u32;
	s19 =	simm.s32 $0x1A00;
	[dreg:$0xe] =	wrdreg s11  }
0x1a: {  	s9 =	smul.u32 $0xA00, s21;
	s20 =	simm.s32 $0x1A80;
	[dreg:$0x19] =	wrdreg s19  }
0x1b: {  	s13 =	sadd.s32 $0x38000, s0;
	s25 =	simm.s32 $0x1B00;
	[dreg:$0x1a] =	wrdreg s20  }
0x1c: {  	s12 =	sadd.s32 $0x10000, s0;
	s26 =	simm.s32 $0x1B80;
	[dreg:$0x1b] =	wrdreg s25  }
0x1d: {  	s7 =	srdreg.scid;
	s29 =	simm.s32 $0x1C00;
	[dreg:$0x1c] =	wrdreg s26  }
0x1e: {  	s10 =	sand.u32 $0x1, s7;
	[dreg:$0x1d] =	wrdreg s29;
	s25 =	simm.s32 $0x1C80  }
0x1f: {  	s29 =	simm.s32 $0x1D00;
	s31 =	sadd.s32 s6, s9;
	s9 =	sadd.s32 s9, s0  }
0x20: {  	s6 =	sadd.s32 $0xB000, s0;
	s0 =	sadd.s32 $0xD800, s0;
	[dreg:$0x1e] =	wrdreg s25  }
0x21: {  	s7 =	ssub.s32 $0x2, s10;
	p0 =	seq.s32 s10, $0x0;
	[dreg:$0x1f] =	wrdreg s29  }
0x22: {  	s25 =	simm.s32 $0x1E00;
	p1 =	seq.s32 s10, $0x1;
	s29 =	simm.s32 $0x1F00  }
0x23: {  	p2 =	sne.s32 s10, $0x0;
	s10 =	smul.u32 $0x1400, s21;
	s8 =	sshrl.u32 s7, $0x1  }
0x24: {  	[smem:$0x7DD] =	sst s25;
	s5 =	ssub.s32 s7, s8;
	s7 =	smul.u32 $0x14000, s21  }
0x25: {  	[smem:$0x7DF] =	sst s29;
	s0 =	smov.u32 @p0 s6;
	s5 =	smax.u32 s5, $0x1  }
0x26: {  	s14 =	sshrl.u32 s7, $0x3;
	s8 =	sadd.s32 $0x8000, s7;
	s11 =	sadd.s32 $0xC000, s7  }
0x27: {  	s25 =	sadd.s32 s7, s3;
	[smem:$0x7ED] =	sst s5;
	s15 =	sshrl.u32 s8, $0x3  }
0x28: {  	s17 =	sshrl.u32 s11, $0x3;
	[smem:$0x7E8] =	sst s25;
	s16 =	sadd.s32 s13, s15  }
0x29: {  	s18 =	sadd.s32 s13, s17;
	s23 =	sadd.s32 s12, s17;
	s17 =	sadd.s32 $0x10000, s7  }
0x2a: {  	s22 =	sadd.s32 s12, s15;
	s15 =	simm.s32 $0x1D80;
	s19 =	sshrl.u32 s17, $0x3  }
0x2b: {  	[smem:$0x7DC] =	sst s15;
	s22 =	smov.u32 @p0 s16;
	s23 =	smov.u32 @p0 s18  }
0x2c: {  	s17 =	sadd.s32 s17, s3;
	s20 =	sadd.s32 s13, s19;
	[smem:$0x7E0] =	sst s22  }
0x2d: {  	s19 =	sadd.s32 s12, s19;
	s12 =	smov.u32 @p0 s13;
	[smem:$0x7E1] =	sst s23  }
0x2e: {  	s15 =	sadd.s32 $0x400, s10;
	[smem:$0x7EC] =	sst s17;
	s14 =	sadd.s32 s12, s14  }
0x2f: {  	s18 =	sshrl.u32 s15, $0x3;
	s19 =	smov.u32 @p0 s20;
	[smem:$0x7DA] =	sst s14  }
0x30: {  	s13 =	sadd.s32 $0x4000, s7;
	s6 =	sadd.s32 s0, s18;
	[smem:$0x7E2] =	sst s19  }
0x31: {  	s29 =	sadd.s32 s13, s3;
	[smem:$0x7E4] =	sst s6  }
0x32: {  	s18 =	sadd.s32 $0x1000, s9;
	s9 =	sadd.s32 s8, s3;
	[smem:$0x7E9] =	sst s29  }
0x33: {  	s26 =	sshrl.u32 s13, $0x3;
	s13 =	sadd.s32 s11, s3;
	[smem:$0x7EA] =	sst s9  }
0x34: {  	s16 =	sadd.s32 $0x800, s10;
	s12 =	sadd.s32 s12, s26;
	[smem:$0x7EB] =	sst s13  }
0x35: {  	s20 =	sshrl.u32 s16, $0x3;
	s26 =	simm.s32 $0x1E80;
	[smem:$0x7DB] =	sst s12  }
0x36: {  	s14 =	sadd.s32 $0xC00, s10;
	s6 =	sadd.s32 s0, s20;
	[smem:$0x7DE] =	sst s26  }
0x37: {  	s12 =	sshrl.u32 s10, $0x3;
	[smem:$0x7E5] =	sst s6;
	s22 =	sshrl.u32 s14, $0x3  }
0x38: {  	s26 =	smul.u32 $0x5000, s21;
	s19 =	sadd.s32 s0, s12;
	s6 =	sadd.s32 s0, s22  }
0x39: {  	s12 =	smul.u32 $0x50000, s21;
	[smem:$0x7E3] =	sst s19;
	s19 =	sadd.s32 $0x1000, s10  }
0x3a: {  	s28 =	simm.s32 $0x80;
	[smem:$0x7E6] =	sst s6;
	s23 =	sshrl.u32 s19, $0x3  }
0x3b: {  	s6 =	sshrl.u32 s26, $0x2;
	s20 =	sshrl.u32 s12, $0x2;
	s0 =	sadd.s32 s0, s23  }
0x3c: {  	s8 =	sadd.s32 s6, s4;
	[smem:$0x7E7] =	sst s0;
	s0 =	smul.u32 $0x280, s21  }
0x3d: {  	s30 =	simm.s32 $0x2000;
	s5 =	sadd.s32 s20, s3;
	[smem:$0x7F8] =	sst s8  }
0x3e: {  	[smem:$0x7EE] =	sst s5;
	s21 =	sadd.s32 $0x80, s0;
	s25 =	sadd.s32 $0x100, s0  }
0x3f: {  	s29 =	sadd.s32 $0x180, s0;
	s22 =	sshll.u32 s21, $0x7;
	s26 =	sshll.u32 s25, $0x7  }
0x40: {  	s11 =	sshll.u32 s25, $0x3;
	s12 =	sshll.u32 s29, $0x7;
	s25 =	sadd.s32 s16, s4  }
0x41: {  	s17 =	sshll.u32 s29, $0x3;
	s29 =	sadd.s32 s19, s4;
	[smem:$0x7F5] =	sst s25  }
0x42: {  	s0 =	sadd.s32 $0x200, s0;
	s5 =	sadd.s32 s22, s3;
	[smem:$0x7F7] =	sst s29  }
0x43: {  	s20 =	sshll.u32 s0, $0x7;
	s13 =	sadd.s32 s12, s3;
	[smem:$0x7EF] =	sst s5  }
0x44: {  	s23 =	sshll.u32 s21, $0x3;
	s21 =	sadd.s32 s20, s3;
	[smem:$0x7F1] =	sst s13  }
0x45: {  	s7 =	simm.s32 $0x0;
	s22 =	sadd.s32 s10, s4;
	[smem:$0x7F2] =	sst s21  }
0x46: {  	s9 =	sadd.s32 s23, s4;
	s23 =	sadd.s32 s15, s4;
	[smem:$0x7F3] =	sst s22  }
0x47: {  	s0 =	sshll.u32 s0, $0x3;
	s19 =	simm.s32 $0x800;
	[smem:$0x7F4] =	sst s23  }
0x48: {  	s16 =	simm.s32 $0xA000;
	s11 =	sadd.s32 s11, s4;
	[smem:$0x7F9] =	sst s9  }
0x49: {  	s12 =	sadd.s32 s17, s4;
	s17 =	sadd.s32 s0, s4;
	[smem:$0x7FA] =	sst s11  }
0x4a: {  	s15 =	simm.s32 $0x7;
	s20 =	simm.s32 $0x1800;
	[smem:$0x7FB] =	sst s12  }
0x4b: {  	s25 =	simm.s32 $0x1;
	s5 =	sadd.s32 s26, s3;
	[smem:$0x7FC] =	sst s17  }
0x4c: {  	s0 =	simm.s32 $0x2;
	s26 =	sadd.s32 s14, s4;
	[smem:$0x7F0] =	sst s5  }
0x4d: {  	s10 =	simm.s32 $0x6000;
	s14 =	sadd.s32 $0x13C00, s4;
	[smem:$0x7F6] =	sst s26  }
0x4e: {  	v0 =	vimm.f32 $0.0e+00;
	v1 =	vimm.f32 $1.000000000e+00;
	s23 =	simm.s32 $0x5;
	s13 =	simm.s32 $0x6;
	[smem:$0x7FD] =	sst s14  }
.LBB2_1:
0x4f: {  	[tilespmem:s24], [sflag:$0x5] =	stream.linear.gather [hbm4b:s31+s24], $0x800, $0x38;
	[tilespmem:$0x1F800] =	vst v63  }
0x50: {  	[smem:$0x7D9] =	sst s7;
	s5 =	simm.s32 $0x0;
	s6 =	simm.s32 $0x200  }
0x51: {  	[tilespmem:s19], [sflag:$0x5] =	stream.linear.gather [hbm4b:s18+s24], $0x800, $0x38;
	[tilespmem:$0x1F800] =	vst v63  }
.LBB2_2:
0x52: {  	p3 =	sne.s32 s6, $0xFE00;
	[tilespmem:s5+$0x2070] =	vst v0  }
0x53: {  	[tilespmem:s5+$0x2000] =	vst v0  }
0x54: {  	[tilespmem:s5+$0x2010] =	vst v0  }
.Ltmp0:
0x55: {  	[tilespmem:s5+$0x2020] =	vst v0;
	(pc) =	sbr.rel @p3 .LBB2_2-.Ltmp0, $4  }
0x56: {  	[tilespmem:s5+$0x2030] =	vst v0  }
0x57: {  	[tilespmem:s5+$0x2040] =	vst v0  }
0x58: {  	[tilespmem:s5+$0x2050] =	vst v0  }
0x59: {  	[tilespmem:s5+$0x2060] =	vst v0;
	s5 =	sshra.s32 s6, $0x2;
	s6 =	sadd.s32 $0x200, s6  }
0x5a: {  	[tilespmem:s5+$0x2070] =	vst v0  }
0x5b: {  	[tilespmem:s5+$0x2000] =	vst v0  }
0x5c: {  	[tilespmem:s5+$0x2010] =	vst v0  }
0x5d: {  	[tilespmem:s5+$0x2020] =	vst v0  }
0x5e: {  	[tilespmem:s5+$0x2030] =	vst v0  }
0x5f: {  	[tilespmem:s5+$0x2040] =	vst v0;
	s6 =	sld [smem:$0x7EE]  }
0x60: {  	[tilespmem:s5+$0x2050] =	vst v0  }
0x61: {  	[tilespmem:s5+$0x2060] =	vst v0;
	s5 =	simm.s32 $0x2000  }
0x62: {  	[spmem:s6] =	stream.linear.scatter [tilespmem:s5], [sflag:$0x7], $0x4000, $0x38;
	[tilespmem:$0x1F800] =	vst v63  }
0x63: {  	_ =	swait.ge [sflag:s15], $0x4000  }
0x64: {  	[sflag:s15] =	ssyncset.done $0x0  }
0x65: {  	s29 =	sadd.s32 $0x0, s8;
	s6 =	simm.s32 $0x20;
	[sflag:s15] =	ssyncadd.s32 $0xFFFFC000  }
0x66: {  	[spmem:s29] =	stream.linear.scatter [tilespmem:s5], [sflag:$0x7], $0x8, $0x38;
	[tilespmem:$0x1F800] =	vst v63  }
.LBB2_4:
0x67: {  	p3 =	sne.s32 s6, $0xFE0  }
.Ltmp1:
0x68: {  	_ = 	snop;
	(pc) =	sbr.rel @p3 .LBB2_4-.Ltmp1, $4  }
0x69: {  	_ = 	snop  }
0x6a: {  	s7 =	sshra.s32 s6, $0x2;
	s6 =	sadd.s32 $0x20, s6  }
0x6b: {  	s5 =	sadd.s32 $0x80, s5;
	s7 =	sadd.s32 s7, s8  }
0x6c: {  	[spmem:s7] =	stream.linear.scatter [tilespmem:s5], [sflag:$0x7], $0x8, $0x38;
	[tilespmem:$0x1F800] =	vst v63  }
0x6d: {  	_ =	swait.ge [sflag:s15], $0x400  }
0x6e: {  	s6 =	sld [smem:$0x7EF]  }
0x6f: {  	[sflag:s15] =	ssyncset.done $0x0  }
0x70: {  	s5 =	simm.s32 $0x2000;
	[sflag:s15] =	ssyncadd.s32 $0xFFFFFC00  }
0x71: {  	[spmem:s6] =	stream.linear.scatter [tilespmem:s5], [sflag:$0x7], $0x4000, $0x38;
	[tilespmem:$0x1F800] =	vst v63  }
0x72: {  	_ =	swait.ge [sflag:s15], $0x4000  }
0x73: {  	[sflag:s15] =	ssyncset.done $0x0  }
0x74: {  	s29 =	sadd.s32 $0x0, s9;
	s6 =	simm.s32 $0x20;
	[sflag:s15] =	ssyncadd.s32 $0xFFFFC000  }
0x75: {  	[spmem:s29] =	stream.linear.scatter [tilespmem:s5], [sflag:$0x7], $0x8, $0x38;
	[tilespmem:$0x1F800] =	vst v63  }
.LBB2_6:
0x76: {  	p3 =	sne.s32 s6, $0xFE0  }
.Ltmp2:
0x77: {  	_ = 	snop;
	(pc) =	sbr.rel @p3 .LBB2_6-.Ltmp2, $4  }
0x78: {  	_ = 	snop  }
0x79: {  	s7 =	sshra.s32 s6, $0x2;
	s6 =	sadd.s32 $0x20, s6  }
0x7a: {  	s5 =	sadd.s32 $0x80, s5;
	s7 =	sadd.s32 s7, s9  }
0x7b: {  	[spmem:s7] =	stream.linear.scatter [tilespmem:s5], [sflag:$0x7], $0x8, $0x38;
	[tilespmem:$0x1F800] =	vst v63  }
0x7c: {  	_ =	swait.ge [sflag:s15], $0x400  }
0x7d: {  	s6 =	sld [smem:$0x7F0]  }
0x7e: {  	[sflag:s15] =	ssyncset.done $0x0  }
0x7f: {  	s5 =	simm.s32 $0x2000;
	[sflag:s15] =	ssyncadd.s32 $0xFFFFFC00  }
0x80: {  	[spmem:s6] =	stream.linear.scatter [tilespmem:s5], [sflag:$0x7], $0x4000, $0x38;
	[tilespmem:$0x1F800] =	vst v63  }
0x81: {  	_ =	swait.ge [sflag:s15], $0x4000  }
0x82: {  	[sflag:s15] =	ssyncset.done $0x0  }
0x83: {  	s29 =	sadd.s32 $0x0, s11;
	s6 =	simm.s32 $0x20;
	[sflag:s15] =	ssyncadd.s32 $0xFFFFC000  }
0x84: {  	[spmem:s29] =	stream.linear.scatter [tilespmem:s5], [sflag:$0x7], $0x8, $0x38;
	[tilespmem:$0x1F800] =	vst v63  }
.LBB2_8:
0x85: {  	p3 =	sne.s32 s6, $0xFE0  }
.Ltmp3:
0x86: {  	_ = 	snop;
	(pc) =	sbr.rel @p3 .LBB2_8-.Ltmp3, $4  }
0x87: {  	_ = 	snop  }
0x88: {  	s7 =	sshra.s32 s6, $0x2;
	s6 =	sadd.s32 $0x20, s6  }
0x89: {  	s5 =	sadd.s32 $0x80, s5;
	s7 =	sadd.s32 s7, s11  }
0x8a: {  	[spmem:s7] =	stream.linear.scatter [tilespmem:s5], [sflag:$0x7], $0x8, $0x38;
	[tilespmem:$0x1F800] =	vst v63  }
0x8b: {  	_ =	swait.ge [sflag:s15], $0x400  }
0x8c: {  	s6 =	sld [smem:$0x7F1]  }
0x8d: {  	[sflag:s15] =	ssyncset.done $0x0  }
0x8e: {  	s5 =	simm.s32 $0x2000;
	[sflag:s15] =	ssyncadd.s32 $0xFFFFFC00  }
0x8f: {  	[spmem:s6] =	stream.linear.scatter [tilespmem:s5], [sflag:$0x7], $0x4000, $0x38;
	[tilespmem:$0x1F800] =	vst v63  }
0x90: {  	_ =	swait.ge [sflag:s15], $0x4000  }
0x91: {  	[sflag:s15] =	ssyncset.done $0x0  }
0x92: {  	s29 =	sadd.s32 $0x0, s12;
	s6 =	simm.s32 $0x20;
	[sflag:s15] =	ssyncadd.s32 $0xFFFFC000  }
0x93: {  	[spmem:s29] =	stream.linear.scatter [tilespmem:s5], [sflag:$0x7], $0x8, $0x38;
	[tilespmem:$0x1F800] =	vst v63  }
.LBB2_10:
0x94: {  	p3 =	sne.s32 s6, $0xFE0  }
.Ltmp4:
0x95: {  	_ = 	snop;
	(pc) =	sbr.rel @p3 .LBB2_10-.Ltmp4, $4  }
0x96: {  	_ = 	snop  }
0x97: {  	s7 =	sshra.s32 s6, $0x2;
	s6 =	sadd.s32 $0x20, s6  }
0x98: {  	s5 =	sadd.s32 $0x80, s5;
	s7 =	sadd.s32 s7, s12  }
0x99: {  	[spmem:s7] =	stream.linear.scatter [tilespmem:s5], [sflag:$0x7], $0x8, $0x38;
	[tilespmem:$0x1F800] =	vst v63  }
0x9a: {  	_ =	swait.ge [sflag:s15], $0x400  }
0x9b: {  	s6 =	sld [smem:$0x7F2]  }
0x9c: {  	[sflag:s15] =	ssyncset.done $0x0  }
0x9d: {  	s5 =	simm.s32 $0x2000;
	[sflag:s15] =	ssyncadd.s32 $0xFFFFFC00  }
0x9e: {  	[spmem:s6] =	stream.linear.scatter [tilespmem:s5], [sflag:$0x7], $0x4000, $0x38;
	[tilespmem:$0x1F800] =	vst v63  }
0x9f: {  	_ =	swait.ge [sflag:s15], $0x4000  }
0xa0: {  	[sflag:s15] =	ssyncset.done $0x0  }
0xa1: {  	s29 =	sadd.s32 $0x0, s17;
	s6 =	simm.s32 $0x20;
	[sflag:s15] =	ssyncadd.s32 $0xFFFFC000  }
0xa2: {  	[spmem:s29] =	stream.linear.scatter [tilespmem:s5], [sflag:$0x7], $0x8, $0x38;
	[tilespmem:$0x1F800] =	vst v63  }
.LBB2_12:
0xa3: {  	p3 =	sne.s32 s6, $0xFE0  }
.Ltmp5:
0xa4: {  	_ = 	snop;
	(pc) =	sbr.rel @p3 .LBB2_12-.Ltmp5, $4  }
0xa5: {  	_ = 	snop  }
0xa6: {  	s7 =	sshra.s32 s6, $0x2;
	s6 =	sadd.s32 $0x20, s6  }
0xa7: {  	s5 =	sadd.s32 $0x80, s5;
	s7 =	sadd.s32 s7, s17  }
0xa8: {  	[spmem:s7] =	stream.linear.scatter [tilespmem:s5], [sflag:$0x7], $0x8, $0x38;
	[tilespmem:$0x1F800] =	vst v63  }
0xa9: {  	_ =	swait.ge [sflag:s15], $0x400  }
0xaa: {  	[sflag:s15] =	ssyncset.done $0x0  }
0xab: {  	s5 =	simm.s32 $0x200;
	s6 =	simm.s32 $0x0;
	[sflag:s15] =	ssyncadd.s32 $0xFFFFFC00  }
.LBB2_14:
0xac: {  	p3 =	sne.s32 s5, $0xFE00;
	[tilespmem:s6+$0x2000] =	vst v1;
	s6 =	smov.u32 s5;
	s5 =	sadd.s32 $0x200, s5  }
.Ltmp6:
0xad: {  	(pc) =	sbr.rel @p3 .LBB2_14-.Ltmp6, $2  }
0xae: {  	_ =	sdelay $0x2  }
0xaf: {  	s6 =	sshra.s32 s6, $0x2  }
0xb0: {  	[tilespmem:s6+$0x2000] =	vst v1;
	s5 =	simm.s32 $0x2000  }
0xb1: {  	s29 =	sadd.s32 $0x0, s14;
	s6 =	simm.s32 $0x20;
	[bflag:$0x0] =	sbarrier.arrive $0xFFFF  }
0xb2: {  	[spmem:s29] =	stream.linear.scatter [tilespmem:s5], [sflag:$0x7], $0x8, $0x38;
	[tilespmem:$0x1F800] =	vst v63  }
.LBB2_16:
0xb3: {  	p3 =	sne.s32 s6, $0xFE0  }
.Ltmp7:
0xb4: {  	_ = 	snop;
	(pc) =	sbr.rel @p3 .LBB2_16-.Ltmp7, $4  }
0xb5: {  	_ = 	snop  }
0xb6: {  	s7 =	sshra.s32 s6, $0x2;
	s6 =	sadd.s32 $0x20, s6  }
0xb7: {  	s5 =	sadd.s32 $0x80, s5;
	s7 =	sadd.s32 s7, s14  }
0xb8: {  	[spmem:s7] =	stream.linear.scatter [tilespmem:s5], [sflag:$0x7], $0x8, $0x38;
	[tilespmem:$0x1F800] =	vst v63  }
0xb9: {  	_ =	swait.ge [sflag:s15], $0x400  }
0xba: {  	[sflag:s15] =	ssyncset.done $0x0  }
0xbb: {  	[sflag:s15] =	ssyncadd.s32 $0xFFFFFC00  }
0xbc: {  	[tilespmem:s16], [sflag:$0x7] =	stream.linear.gather [spmem:s14], $0x400, $0x38;
	[tilespmem:$0x1F800] =	vst v63  }
0xbd: {  	_ =	swait.ge [sflag:s15], $0x400  }
0xbe: {  	[sflag:s15] =	ssyncset.done $0x0  }
0xbf: {  	[sflag:s15] =	ssyncadd.s32 $0xFFFFFC00  }
0xc0: {  	[bflag:$0x0] =	sbarrier.arrive $0xFFFF  }
0xc1: {  	_ =	swait.ge [sflag:s23], $0x800  }
0xc2: {  	[sflag:s23] =	ssyncset.done $0x0  }
0xc3: {  	[sflag:s23] =	ssyncadd.s32 $0xFFFFF800  }
0xc4: {  	_ =	swait.ge [sflag:s23], $0x800  }
0xc5: {  	s6 =	sadd.s32 $0x0, s31;
	s7 =	sadd.s32 $0x0, s18;
	[sflag:s23] =	ssyncset.done $0x0  }
0xc6: {  	s6 =	sadd.s32 $0x100, s6;
	s5 =	rddreg [dreg:$0x7];
	[sflag:s23] =	ssyncadd.s32 $0xFFFFF800  }
0xc7: {  	[tilespmem:s5], [sflag:$0x6] =	stream.linear.gather [hbm4b:s6+s24], $0x800, $0x38;
	[tilespmem:$0x1F800] =	vst v63  }
0xc8: {  	s22 =	sadd.s32 $0x100, s7  }
0xc9: {  	[tilespmem:s20], [sflag:$0x6] =	stream.linear.gather [hbm4b:s22+s24], $0x800, $0x38;
	[tilespmem:$0x1F800] =	vst v63  }
0xca: {  	s9 =	simm.s32 @!p2 $0x2000;
	s7 =	simm.s32 @!p2 $0x80;
	s5 =	simm.s32 @!p2 $0x0  }
0xcb: {  	[tilespmem:s9], [sflag:$0x1] =	stream.indirect.gather @!p2 [hbm4b:s1+s7], $0x80, s5, s7, $0xb8;
	[tilespmem:$0x1F800] =	vst v63  }
0xcc: {  	s15 =	simm.s32 @p1 $0x80;
	s22 =	simm.s32 @p1 $0x2000;
	s5 =	simm.s32 @p1 $0x0  }
0xcd: {  	[tilespmem:s22], [sflag:$0x1] =	stream.indirect.gather @p1 [hbm4b:s2+s15], $0x80, s5, s15, $0xb8;
	[tilespmem:$0x1F800] =	vst v63  }
0xce: {  	p3 =	por $0x1, $0x1;
	p4 =	por $0x0, $0x0;
	s17 =	simm.s32 @!p2 $0x6000  }
0xcf: {  	[tilespmem:s17], [sflag:$0x2] =	stream.indirect.gather @!p2 [hbm4b:s1+s7], $0x80, s7, s7, $0xb8;
	[tilespmem:$0x1F800] =	vst v63  }
0xd0: {  	p3 =	por !p0, !p3;
	p4 =	por !p4, !p1;
	s16 =	simm.s32 @p1 $0x6000  }
0xd1: {  	[tilespmem:s16], [sflag:$0x2] =	stream.indirect.gather @p1 [hbm4b:s2+s15], $0x80, s15, s15, $0xb8;
	[tilespmem:$0x1F800] =	vst v63  }
0xd2: {  	p3 =	por !p3, !p3;
	p4 =	por !p4, !p4;
	_ =	swait.ge [sflag:s25], $0x4000  }
0xd3: {  	p3 =	por p3, p4;
	[sflag:s25] =	ssyncset.done $0x0  }
0xd4: {  	s5 =	simm.s32 @!p3 $0x3;
	[sflag:s25] =	ssyncadd.s32 $0xFFFFC000  }
0xd5: {  	[spmem:s3] =	stream.indirect.scatter.add.f32 [tilespmem:s30], [sflag:$0x3], $0x80, s19, s28, $0xb8;
	[tilespmem:$0x1F800] =	vst v63  }
0xd6: {  	_ =	swait.ge @!p3 [sflag:s5], $0x4000  }
0xd7: {  	s11 =	simm.s32 @p3 $0xA000;
	s14 =	simm.s32 @p3 $0x80;
	[sflag:s5] =	ssyncset.done @!p3 $0x0  }
0xd8: {  	s8 =	simm.s32 @p3 $0x3;
	s6 =	simm.s32 @p3 $0x800;
	[sflag:s5] =	ssyncadd.s32 @!p3 $0xFFFFC000  }
0xd9: {  	[spmem:s4] =	stream.indirect.scatter.add.f32 @p3 [tilespmem:s11], [sflag:$0x3], $0x8, s6, s14, $0xb8;
	[tilespmem:$0x1F800] =	vst v63  }
0xda: {  	_ =	swait.ge @p3 [sflag:s8], $0x4000  }
0xdb: {  	[sflag:s8] =	ssyncset.done @p3 $0x0  }
0xdc: {  	[sflag:s8] =	ssyncadd.s32 @p3 $0xFFFFC000  }
0xdd: {  	_ =	swait.ge @p3 [sflag:s8], $0x400  }
0xde: {  	[sflag:s8] =	ssyncset.done @p3 $0x0  }
0xdf: {  	s6 =	simm.s32 @!p2 $0x100;
	[sflag:s8] =	ssyncadd.s32 @p3 $0xFFFFFC00  }
0xe0: {  	[tilespmem:s9], [sflag:$0x1] =	stream.indirect.gather @!p2 [hbm4b:s1+s7], $0x80, s6, s7, $0xb8;
	[tilespmem:$0x1F800] =	vst v63  }
0xe1: {  	s6 =	simm.s32 @p1 $0x100  }
0xe2: {  	[tilespmem:s22], [sflag:$0x1] =	stream.indirect.gather @p1 [hbm4b:s2+s15], $0x80, s6, s15, $0xb8;
	[tilespmem:$0x1F800] =	vst v63  }
0xe3: {  	_ =	swait.ge [sflag:s0], $0x4000  }
0xe4: {  	[sflag:s0] =	ssyncset.done $0x0  }
0xe5: {  	s6 =	simm.s32 @!p3 $0x4;
	s26 =	rddreg [dreg:$0x8];
	[sflag:s0] =	ssyncadd.s32 $0xFFFFC000  }
0xe6: {  	[spmem:s3] =	stream.indirect.scatter.add.f32 [tilespmem:s10], [sflag:$0x4], $0x80, s26, s28, $0xb8;
	[tilespmem:$0x1F800] =	vst v63  }
0xe7: {  	_ =	swait.ge @!p3 [sflag:s6], $0x4000  }
0xe8: {  	[sflag:s6] =	ssyncset.done @!p3 $0x0  }
0xe9: {  	s21 =	simm.s32 @p3 $0x880;
	s20 =	simm.s32 @p3 $0x4;
	[sflag:s6] =	ssyncadd.s32 @!p3 $0xFFFFC000  }
0xea: {  	[spmem:s4] =	stream.indirect.scatter.add.f32 @p3 [tilespmem:s11], [sflag:$0x4], $0x8, s21, s14, $0xb8;
	[tilespmem:$0x1F800] =	vst v63  }
0xeb: {  	_ =	swait.ge @p3 [sflag:s20], $0x4000  }
0xec: {  	[sflag:s20] =	ssyncset.done @p3 $0x0  }
0xed: {  	[sflag:s20] =	ssyncadd.s32 @p3 $0xFFFFC000  }
0xee: {  	_ =	swait.ge @p3 [sflag:s20], $0x400  }
0xef: {  	[sflag:s20] =	ssyncset.done @p3 $0x0  }
0xf0: {  	s21 =	simm.s32 @!p2 $0x180;
	[sflag:s20] =	ssyncadd.s32 @p3 $0xFFFFFC00  }
0xf1: {  	[tilespmem:s17], [sflag:$0x2] =	stream.indirect.gather @!p2 [hbm4b:s1+s7], $0x80, s21, s7, $0xb8;
	[tilespmem:$0x1F800] =	vst v63  }
0xf2: {  	s21 =	simm.s32 @p1 $0x180  }
0xf3: {  	[tilespmem:s16], [sflag:$0x2] =	stream.indirect.gather @p1 [hbm4b:s2+s15], $0x80, s21, s15, $0xb8;
	[tilespmem:$0x1F800] =	vst v63  }
0xf4: {  	_ =	swait.ge [sflag:s25], $0x4000  }
0xf5: {  	[sflag:s25] =	ssyncset.done $0x0  }
0xf6: {  	s29 =	rddreg [dreg:$0x9];
	[sflag:s25] =	ssyncadd.s32 $0xFFFFC000  }
0xf7: {  	[spmem:s3] =	stream.indirect.scatter.add.f32 [tilespmem:s30], [sflag:$0x3], $0x80, s29, s28, $0xb8;
	[tilespmem:$0x1F800] =	vst v63  }
0xf8: {  	_ =	swait.ge @!p3 [sflag:s5], $0x4000  }
0xf9: {  	[sflag:s5] =	ssyncset.done @!p3 $0x0  }
0xfa: {  	s21 =	simm.s32 @p3 $0x900;
	[sflag:s5] =	ssyncadd.s32 @!p3 $0xFFFFC000  }
0xfb: {  	[spmem:s4] =	stream.indirect.scatter.add.f32 @p3 [tilespmem:s11], [sflag:$0x3], $0x8, s21, s14, $0xb8;
	[tilespmem:$0x1F800] =	vst v63  }
0xfc: {  	_ =	swait.ge @p3 [sflag:s8], $0x4000  }
0xfd: {  	[sflag:s8] =	ssyncset.done @p3 $0x0  }
0xfe: {  	[sflag:s8] =	ssyncadd.s32 @p3 $0xFFFFC000  }
0xff: {  	_ =	swait.ge @p3 [sflag:s8], $0x400  }
0x100: {  	[sflag:s8] =	ssyncset.done @p3 $0x0  }
0x101: {  	s21 =	simm.s32 @!p2 $0x200;
	[sflag:s8] =	ssyncadd.s32 @p3 $0xFFFFFC00  }
0x102: {  	[tilespmem:s9], [sflag:$0x1] =	stream.indirect.gather @!p2 [hbm4b:s1+s7], $0x80, s21, s7, $0xb8;
	[tilespmem:$0x1F800] =	vst v63  }
0x103: {  	s21 =	simm.s32 @p1 $0x200  }
0x104: {  	[tilespmem:s22], [sflag:$0x1] =	stream.indirect.gather @p1 [hbm4b:s2+s15], $0x80, s21, s15, $0xb8;
	[tilespmem:$0x1F800] =	vst v63  }
0x105: {  	_ =	swait.ge [sflag:s0], $0x4000  }
0x106: {  	[sflag:s0] =	ssyncset.done $0x0  }
0x107: {  	s26 =	rddreg [dreg:$0xa];
	[sflag:s0] =	ssyncadd.s32 $0xFFFFC000  }
0x108: {  	[spmem:s3] =	stream.indirect.scatter.add.f32 [tilespmem:s10], [sflag:$0x4], $0x80, s26, s28, $0xb8;
	[tilespmem:$0x1F800] =	vst v63  }
0x109: {  	_ =	swait.ge @!p3 [sflag:s6], $0x4000  }
0x10a: {  	[sflag:s6] =	ssyncset.done @!p3 $0x0  }
0x10b: {  	s21 =	simm.s32 @p3 $0x980;
	[sflag:s6] =	ssyncadd.s32 @!p3 $0xFFFFC000  }
0x10c: {  	[spmem:s4] =	stream.indirect.scatter.add.f32 @p3 [tilespmem:s11], [sflag:$0x4], $0x8, s21, s14, $0xb8;
	[tilespmem:$0x1F800] =	vst v63  }
0x10d: {  	_ =	swait.ge @p3 [sflag:s20], $0x4000  }
0x10e: {  	[sflag:s20] =	ssyncset.done @p3 $0x0  }
0x10f: {  	[sflag:s20] =	ssyncadd.s32 @p3 $0xFFFFC000  }
0x110: {  	_ =	swait.ge @p3 [sflag:s20], $0x400  }
0x111: {  	[sflag:s20] =	ssyncset.done @p3 $0x0  }
0x112: {  	s21 =	simm.s32 @!p2 $0x280;
	[sflag:s20] =	ssyncadd.s32 @p3 $0xFFFFFC00  }
0x113: {  	[tilespmem:s17], [sflag:$0x2] =	stream.indirect.gather @!p2 [hbm4b:s1+s7], $0x80, s21, s7, $0xb8;
	[tilespmem:$0x1F800] =	vst v63  }
0x114: {  	s21 =	simm.s32 @p1 $0x280  }
0x115: {  	[tilespmem:s16], [sflag:$0x2] =	stream.indirect.gather @p1 [hbm4b:s2+s15], $0x80, s21, s15, $0xb8;
	[tilespmem:$0x1F800] =	vst v63  }
0x116: {  	_ =	swait.ge [sflag:s25], $0x4000  }
0x117: {  	[sflag:s25] =	ssyncset.done $0x0  }
0x118: {  	s29 =	rddreg [dreg:$0xb];
	[sflag:s25] =	ssyncadd.s32 $0xFFFFC000  }
0x119: {  	[spmem:s3] =	stream.indirect.scatter.add.f32 [tilespmem:s30], [sflag:$0x3], $0x80, s29, s28, $0xb8;
	[tilespmem:$0x1F800] =	vst v63  }
0x11a: {  	_ =	swait.ge @!p3 [sflag:s5], $0x4000  }
0x11b: {  	[sflag:s5] =	ssyncset.done @!p3 $0x0  }
0x11c: {  	s21 =	simm.s32 @p3 $0xA00;
	[sflag:s5] =	ssyncadd.s32 @!p3 $0xFFFFC000  }
0x11d: {  	[spmem:s4] =	stream.indirect.scatter.add.f32 @p3 [tilespmem:s11], [sflag:$0x3], $0x8, s21, s14, $0xb8;
	[tilespmem:$0x1F800] =	vst v63  }
0x11e: {  	_ =	swait.ge @p3 [sflag:s8], $0x4000  }
0x11f: {  	[sflag:s8] =	ssyncset.done @p3 $0x0  }
0x120: {  	[sflag:s8] =	ssyncadd.s32 @p3 $0xFFFFC000  }
0x121: {  	_ =	swait.ge @p3 [sflag:s8], $0x400  }
0x122: {  	[sflag:s8] =	ssyncset.done @p3 $0x0  }
0x123: {  	s21 =	simm.s32 @!p2 $0x300;
	[sflag:s8] =	ssyncadd.s32 @p3 $0xFFFFFC00  }
0x124: {  	[tilespmem:s9], [sflag:$0x1] =	stream.indirect.gather @!p2 [hbm4b:s1+s7], $0x80, s21, s7, $0xb8;
	[tilespmem:$0x1F800] =	vst v63  }
0x125: {  	s21 =	simm.s32 @p1 $0x300  }
0x126: {  	[tilespmem:s22], [sflag:$0x1] =	stream.indirect.gather @p1 [hbm4b:s2+s15], $0x80, s21, s15, $0xb8;
	[tilespmem:$0x1F800] =	vst v63  }
0x127: {  	_ =	swait.ge [sflag:s0], $0x4000  }
0x128: {  	[sflag:s0] =	ssyncset.done $0x0  }
0x129: {  	s26 =	rddreg [dreg:$0xc];
	[sflag:s0] =	ssyncadd.s32 $0xFFFFC000  }
0x12a: {  	[spmem:s3] =	stream.indirect.scatter.add.f32 [tilespmem:s10], [sflag:$0x4], $0x80, s26, s28, $0xb8;
	[tilespmem:$0x1F800] =	vst v63  }
0x12b: {  	_ =	swait.ge @!p3 [sflag:s6], $0x4000  }
0x12c: {  	[sflag:s6] =	ssyncset.done @!p3 $0x0  }
0x12d: {  	s21 =	simm.s32 @p3 $0xA80;
	[sflag:s6] =	ssyncadd.s32 @!p3 $0xFFFFC000  }
0x12e: {  	[spmem:s4] =	stream.indirect.scatter.add.f32 @p3 [tilespmem:s11], [sflag:$0x4], $0x8, s21, s14, $0xb8;
	[tilespmem:$0x1F800] =	vst v63  }
0x12f: {  	_ =	swait.ge @p3 [sflag:s20], $0x4000  }
0x130: {  	[sflag:s20] =	ssyncset.done @p3 $0x0  }
0x131: {  	[sflag:s20] =	ssyncadd.s32 @p3 $0xFFFFC000  }
0x132: {  	_ =	swait.ge @p3 [sflag:s20], $0x400  }
0x133: {  	[sflag:s20] =	ssyncset.done @p3 $0x0  }
0x134: {  	s21 =	simm.s32 @!p2 $0x380;
	[sflag:s20] =	ssyncadd.s32 @p3 $0xFFFFFC00  }
0x135: {  	[tilespmem:s17], [sflag:$0x2] =	stream.indirect.gather @!p2 [hbm4b:s1+s7], $0x80, s21, s7, $0xb8;
	[tilespmem:$0x1F800] =	vst v63  }
0x136: {  	s21 =	simm.s32 @p1 $0x380  }
0x137: {  	[tilespmem:s16], [sflag:$0x2] =	stream.indirect.gather @p1 [hbm4b:s2+s15], $0x80, s21, s15, $0xb8;
	[tilespmem:$0x1F800] =	vst v63  }
0x138: {  	_ =	swait.ge [sflag:s25], $0x4000  }
0x139: {  	[sflag:s25] =	ssyncset.done $0x0  }
0x13a: {  	s29 =	rddreg [dreg:$0xd];
	[sflag:s25] =	ssyncadd.s32 $0xFFFFC000  }
0x13b: {  	[spmem:s3] =	stream.indirect.scatter.add.f32 [tilespmem:s30], [sflag:$0x3], $0x80, s29, s28, $0xb8;
	[tilespmem:$0x1F800] =	vst v63  }
0x13c: {  	_ =	swait.ge @!p3 [sflag:s5], $0x4000  }
0x13d: {  	[sflag:s5] =	ssyncset.done @!p3 $0x0  }
0x13e: {  	s21 =	simm.s32 @p3 $0xB00;
	[sflag:s5] =	ssyncadd.s32 @!p3 $0xFFFFC000  }
0x13f: {  	[spmem:s4] =	stream.indirect.scatter.add.f32 @p3 [tilespmem:s11], [sflag:$0x3], $0x8, s21, s14, $0xb8;
	[tilespmem:$0x1F800] =	vst v63  }
0x140: {  	_ =	swait.ge @p3 [sflag:s8], $0x4000  }
0x141: {  	[sflag:s8] =	ssyncset.done @p3 $0x0  }
0x142: {  	[sflag:s8] =	ssyncadd.s32 @p3 $0xFFFFC000  }
0x143: {  	_ =	swait.ge @p3 [sflag:s8], $0x400  }
0x144: {  	[sflag:s8] =	ssyncset.done @p3 $0x0  }
0x145: {  	s21 =	simm.s32 @!p2 $0x400;
	[sflag:s8] =	ssyncadd.s32 @p3 $0xFFFFFC00  }
0x146: {  	[tilespmem:s9], [sflag:$0x1] =	stream.indirect.gather @!p2 [hbm4b:s1+s7], $0x80, s21, s7, $0xb8;
	[tilespmem:$0x1F800] =	vst v63  }
0x147: {  	s21 =	simm.s32 @p1 $0x400  }
0x148: {  	[tilespmem:s22], [sflag:$0x1] =	stream.indirect.gather @p1 [hbm4b:s2+s15], $0x80, s21, s15, $0xb8;
	[tilespmem:$0x1F800] =	vst v63  }
0x149: {  	_ =	swait.ge [sflag:s0], $0x4000  }
0x14a: {  	[sflag:s0] =	ssyncset.done $0x0  }
0x14b: {  	s26 =	rddreg [dreg:$0xe];
	[sflag:s0] =	ssyncadd.s32 $0xFFFFC000  }
0x14c: {  	[spmem:s3] =	stream.indirect.scatter.add.f32 [tilespmem:s10], [sflag:$0x4], $0x80, s26, s28, $0xb8;
	[tilespmem:$0x1F800] =	vst v63  }
0x14d: {  	_ =	swait.ge @!p3 [sflag:s6], $0x4000  }
0x14e: {  	[sflag:s6] =	ssyncset.done @!p3 $0x0  }
0x14f: {  	s21 =	simm.s32 @p3 $0xB80;
	[sflag:s6] =	ssyncadd.s32 @!p3 $0xFFFFC000  }
0x150: {  	[spmem:s4] =	stream.indirect.scatter.add.f32 @p3 [tilespmem:s11], [sflag:$0x4], $0x8, s21, s14, $0xb8;
	[tilespmem:$0x1F800] =	vst v63  }
0x151: {  	_ =	swait.ge @p3 [sflag:s20], $0x4000  }
0x152: {  	[sflag:s20] =	ssyncset.done @p3 $0x0  }
0x153: {  	[sflag:s20] =	ssyncadd.s32 @p3 $0xFFFFC000  }
0x154: {  	_ =	swait.ge @p3 [sflag:s20], $0x400  }
0x155: {  	[sflag:s20] =	ssyncset.done @p3 $0x0  }
0x156: {  	s21 =	simm.s32 @!p2 $0x480;
	[sflag:s20] =	ssyncadd.s32 @p3 $0xFFFFFC00  }
0x157: {  	[tilespmem:s17], [sflag:$0x2] =	stream.indirect.gather @!p2 [hbm4b:s1+s7], $0x80, s21, s7, $0xb8;
	[tilespmem:$0x1F800] =	vst v63  }
0x158: {  	s21 =	simm.s32 @p1 $0x480  }
0x159: {  	[tilespmem:s16], [sflag:$0x2] =	stream.indirect.gather @p1 [hbm4b:s2+s15], $0x80, s21, s15, $0xb8;
	[tilespmem:$0x1F800] =	vst v63  }
0x15a: {  	_ =	swait.ge [sflag:s25], $0x4000  }
0x15b: {  	[sflag:s25] =	ssyncset.done $0x0  }
0x15c: {  	s29 =	rddreg [dreg:$0xf];
	[sflag:s25] =	ssyncadd.s32 $0xFFFFC000  }
0x15d: {  	[spmem:s3] =	stream.indirect.scatter.add.f32 [tilespmem:s30], [sflag:$0x3], $0x80, s29, s28, $0xb8;
	[tilespmem:$0x1F800] =	vst v63  }
0x15e: {  	_ =	swait.ge @!p3 [sflag:s5], $0x4000  }
0x15f: {  	[sflag:s5] =	ssyncset.done @!p3 $0x0  }
0x160: {  	s21 =	simm.s32 @p3 $0xC00;
	[sflag:s5] =	ssyncadd.s32 @!p3 $0xFFFFC000  }
0x161: {  	[spmem:s4] =	stream.indirect.scatter.add.f32 @p3 [tilespmem:s11], [sflag:$0x3], $0x8, s21, s14, $0xb8;
	[tilespmem:$0x1F800] =	vst v63  }
0x162: {  	_ =	swait.ge @p3 [sflag:s8], $0x4000  }
0x163: {  	[sflag:s8] =	ssyncset.done @p3 $0x0  }
0x164: {  	[sflag:s8] =	ssyncadd.s32 @p3 $0xFFFFC000  }
0x165: {  	_ =	swait.ge @p3 [sflag:s8], $0x400  }
0x166: {  	[sflag:s8] =	ssyncset.done @p3 $0x0  }
0x167: {  	s21 =	simm.s32 @!p2 $0x500;
	[sflag:s8] =	ssyncadd.s32 @p3 $0xFFFFFC00  }
0x168: {  	[tilespmem:s9], [sflag:$0x1] =	stream.indirect.gather @!p2 [hbm4b:s1+s7], $0x80, s21, s7, $0xb8;
	[tilespmem:$0x1F800] =	vst v63  }
0x169: {  	s21 =	simm.s32 @p1 $0x500  }
0x16a: {  	[tilespmem:s22], [sflag:$0x1] =	stream.indirect.gather @p1 [hbm4b:s2+s15], $0x80, s21, s15, $0xb8;
	[tilespmem:$0x1F800] =	vst v63  }
0x16b: {  	_ =	swait.ge [sflag:s0], $0x4000  }
0x16c: {  	[sflag:s0] =	ssyncset.done $0x0  }
0x16d: {  	s26 =	rddreg [dreg:$0x10];
	[sflag:s0] =	ssyncadd.s32 $0xFFFFC000  }
0x16e: {  	[spmem:s3] =	stream.indirect.scatter.add.f32 [tilespmem:s10], [sflag:$0x4], $0x80, s26, s28, $0xb8;
	[tilespmem:$0x1F800] =	vst v63  }
0x16f: {  	_ =	swait.ge @!p3 [sflag:s6], $0x4000  }
0x170: {  	[sflag:s6] =	ssyncset.done @!p3 $0x0  }
0x171: {  	s21 =	simm.s32 @p3 $0xC80;
	[sflag:s6] =	ssyncadd.s32 @!p3 $0xFFFFC000  }
0x172: {  	[spmem:s4] =	stream.indirect.scatter.add.f32 @p3 [tilespmem:s11], [sflag:$0x4], $0x8, s21, s14, $0xb8;
	[tilespmem:$0x1F800] =	vst v63  }
0x173: {  	_ =	swait.ge @p3 [sflag:s20], $0x4000  }
0x174: {  	[sflag:s20] =	ssyncset.done @p3 $0x0  }
0x175: {  	[sflag:s20] =	ssyncadd.s32 @p3 $0xFFFFC000  }
0x176: {  	_ =	swait.ge @p3 [sflag:s20], $0x400  }
0x177: {  	[sflag:s20] =	ssyncset.done @p3 $0x0  }
0x178: {  	s21 =	simm.s32 @!p2 $0x580;
	[sflag:s20] =	ssyncadd.s32 @p3 $0xFFFFFC00  }
0x179: {  	[tilespmem:s17], [sflag:$0x2] =	stream.indirect.gather @!p2 [hbm4b:s1+s7], $0x80, s21, s7, $0xb8;
	[tilespmem:$0x1F800] =	vst v63  }
0x17a: {  	s21 =	simm.s32 @p1 $0x580  }
0x17b: {  	[tilespmem:s16], [sflag:$0x2] =	stream.indirect.gather @p1 [hbm4b:s2+s15], $0x80, s21, s15, $0xb8;
	[tilespmem:$0x1F800] =	vst v63  }
0x17c: {  	_ =	swait.ge [sflag:s25], $0x4000  }
0x17d: {  	[sflag:s25] =	ssyncset.done $0x0  }
0x17e: {  	s29 =	rddreg [dreg:$0x11];
	[sflag:s25] =	ssyncadd.s32 $0xFFFFC000  }
0x17f: {  	[spmem:s3] =	stream.indirect.scatter.add.f32 [tilespmem:s30], [sflag:$0x3], $0x80, s29, s28, $0xb8;
	[tilespmem:$0x1F800] =	vst v63  }
0x180: {  	_ =	swait.ge @!p3 [sflag:s5], $0x4000  }
0x181: {  	[sflag:s5] =	ssyncset.done @!p3 $0x0  }
0x182: {  	s21 =	simm.s32 @p3 $0xD00;
	[sflag:s5] =	ssyncadd.s32 @!p3 $0xFFFFC000  }
0x183: {  	[spmem:s4] =	stream.indirect.scatter.add.f32 @p3 [tilespmem:s11], [sflag:$0x3], $0x8, s21, s14, $0xb8;
	[tilespmem:$0x1F800] =	vst v63  }
0x184: {  	_ =	swait.ge @p3 [sflag:s8], $0x4000  }
0x185: {  	[sflag:s8] =	ssyncset.done @p3 $0x0  }
0x186: {  	[sflag:s8] =	ssyncadd.s32 @p3 $0xFFFFC000  }
0x187: {  	_ =	swait.ge @p3 [sflag:s8], $0x400  }
0x188: {  	[sflag:s8] =	ssyncset.done @p3 $0x0  }
0x189: {  	s21 =	simm.s32 @!p2 $0x600;
	[sflag:s8] =	ssyncadd.s32 @p3 $0xFFFFFC00  }
0x18a: {  	[tilespmem:s9], [sflag:$0x1] =	stream.indirect.gather @!p2 [hbm4b:s1+s7], $0x80, s21, s7, $0xb8;
	[tilespmem:$0x1F800] =	vst v63  }
0x18b: {  	s21 =	simm.s32 @p1 $0x600  }
0x18c: {  	[tilespmem:s22], [sflag:$0x1] =	stream.indirect.gather @p1 [hbm4b:s2+s15], $0x80, s21, s15, $0xb8;
	[tilespmem:$0x1F800] =	vst v63  }
0x18d: {  	_ =	swait.ge [sflag:s0], $0x4000  }
0x18e: {  	[sflag:s0] =	ssyncset.done $0x0  }
0x18f: {  	s26 =	rddreg [dreg:$0x12];
	[sflag:s0] =	ssyncadd.s32 $0xFFFFC000  }
0x190: {  	[spmem:s3] =	stream.indirect.scatter.add.f32 [tilespmem:s10], [sflag:$0x4], $0x80, s26, s28, $0xb8;
	[tilespmem:$0x1F800] =	vst v63  }
0x191: {  	_ =	swait.ge @!p3 [sflag:s6], $0x4000  }
0x192: {  	[sflag:s6] =	ssyncset.done @!p3 $0x0  }
0x193: {  	s21 =	simm.s32 @p3 $0xD80;
	[sflag:s6] =	ssyncadd.s32 @!p3 $0xFFFFC000  }
0x194: {  	[spmem:s4] =	stream.indirect.scatter.add.f32 @p3 [tilespmem:s11], [sflag:$0x4], $0x8, s21, s14, $0xb8;
	[tilespmem:$0x1F800] =	vst v63  }
0x195: {  	_ =	swait.ge @p3 [sflag:s20], $0x4000  }
0x196: {  	[sflag:s20] =	ssyncset.done @p3 $0x0  }
0x197: {  	[sflag:s20] =	ssyncadd.s32 @p3 $0xFFFFC000  }
0x198: {  	_ =	swait.ge @p3 [sflag:s20], $0x400  }
0x199: {  	[sflag:s20] =	ssyncset.done @p3 $0x0  }
0x19a: {  	s21 =	simm.s32 @!p2 $0x680;
	[sflag:s20] =	ssyncadd.s32 @p3 $0xFFFFFC00  }
0x19b: {  	[tilespmem:s17], [sflag:$0x2] =	stream.indirect.gather @!p2 [hbm4b:s1+s7], $0x80, s21, s7, $0xb8;
	[tilespmem:$0x1F800] =	vst v63  }
0x19c: {  	s21 =	simm.s32 @p1 $0x680  }
0x19d: {  	[tilespmem:s16], [sflag:$0x2] =	stream.indirect.gather @p1 [hbm4b:s2+s15], $0x80, s21, s15, $0xb8;
	[tilespmem:$0x1F800] =	vst v63  }
0x19e: {  	_ =	swait.ge [sflag:s25], $0x4000  }
0x19f: {  	[sflag:s25] =	ssyncset.done $0x0  }
0x1a0: {  	s29 =	rddreg [dreg:$0x13];
	[sflag:s25] =	ssyncadd.s32 $0xFFFFC000  }
0x1a1: {  	[spmem:s3] =	stream.indirect.scatter.add.f32 [tilespmem:s30], [sflag:$0x3], $0x80, s29, s28, $0xb8;
	[tilespmem:$0x1F800] =	vst v63  }
0x1a2: {  	_ =	swait.ge @!p3 [sflag:s5], $0x4000  }
0x1a3: {  	[sflag:s5] =	ssyncset.done @!p3 $0x0  }
0x1a4: {  	s21 =	simm.s32 @p3 $0xE00;
	[sflag:s5] =	ssyncadd.s32 @!p3 $0xFFFFC000  }
0x1a5: {  	[spmem:s4] =	stream.indirect.scatter.add.f32 @p3 [tilespmem:s11], [sflag:$0x3], $0x8, s21, s14, $0xb8;
	[tilespmem:$0x1F800] =	vst v63  }
0x1a6: {  	_ =	swait.ge @p3 [sflag:s8], $0x4000  }
0x1a7: {  	[sflag:s8] =	ssyncset.done @p3 $0x0  }
0x1a8: {  	[sflag:s8] =	ssyncadd.s32 @p3 $0xFFFFC000  }
0x1a9: {  	_ =	swait.ge @p3 [sflag:s8], $0x400  }
0x1aa: {  	[sflag:s8] =	ssyncset.done @p3 $0x0  }
0x1ab: {  	s21 =	simm.s32 @!p2 $0x700;
	[sflag:s8] =	ssyncadd.s32 @p3 $0xFFFFFC00  }
0x1ac: {  	[tilespmem:s9], [sflag:$0x1] =	stream.indirect.gather @!p2 [hbm4b:s1+s7], $0x80, s21, s7, $0xb8;
	[tilespmem:$0x1F800] =	vst v63  }
0x1ad: {  	s21 =	simm.s32 @p1 $0x700  }
0x1ae: {  	[tilespmem:s22], [sflag:$0x1] =	stream.indirect.gather @p1 [hbm4b:s2+s15], $0x80, s21, s15, $0xb8;
	[tilespmem:$0x1F800] =	vst v63  }
0x1af: {  	_ =	swait.ge [sflag:s0], $0x4000  }
0x1b0: {  	[sflag:s0] =	ssyncset.done $0x0  }
0x1b1: {  	s26 =	rddreg [dreg:$0x14];
	[sflag:s0] =	ssyncadd.s32 $0xFFFFC000  }
0x1b2: {  	[spmem:s3] =	stream.indirect.scatter.add.f32 [tilespmem:s10], [sflag:$0x4], $0x80, s26, s28, $0xb8;
	[tilespmem:$0x1F800] =	vst v63  }
0x1b3: {  	_ =	swait.ge @!p3 [sflag:s6], $0x4000  }
0x1b4: {  	[sflag:s6] =	ssyncset.done @!p3 $0x0  }
0x1b5: {  	s21 =	simm.s32 @p3 $0xE80;
	[sflag:s6] =	ssyncadd.s32 @!p3 $0xFFFFC000  }
0x1b6: {  	[spmem:s4] =	stream.indirect.scatter.add.f32 @p3 [tilespmem:s11], [sflag:$0x4], $0x8, s21, s14, $0xb8;
	[tilespmem:$0x1F800] =	vst v63  }
0x1b7: {  	_ =	swait.ge @p3 [sflag:s20], $0x4000  }
0x1b8: {  	[sflag:s20] =	ssyncset.done @p3 $0x0  }
0x1b9: {  	[sflag:s20] =	ssyncadd.s32 @p3 $0xFFFFC000  }
0x1ba: {  	_ =	swait.ge @p3 [sflag:s20], $0x400  }
0x1bb: {  	[sflag:s20] =	ssyncset.done @p3 $0x0  }
0x1bc: {  	s21 =	simm.s32 @!p2 $0x780;
	[sflag:s20] =	ssyncadd.s32 @p3 $0xFFFFFC00  }
0x1bd: {  	[tilespmem:s17], [sflag:$0x2] =	stream.indirect.gather @!p2 [hbm4b:s1+s7], $0x80, s21, s7, $0xb8;
	[tilespmem:$0x1F800] =	vst v63  }
0x1be: {  	s21 =	simm.s32 @p1 $0x780  }
0x1bf: {  	[tilespmem:s16], [sflag:$0x2] =	stream.indirect.gather @p1 [hbm4b:s2+s15], $0x80, s21, s15, $0xb8;
	[tilespmem:$0x1F800] =	vst v63  }
0x1c0: {  	_ =	swait.ge [sflag:s25], $0x4000  }
0x1c1: {  	[sflag:s25] =	ssyncset.done $0x0  }
0x1c2: {  	s29 =	rddreg [dreg:$0x15];
	[sflag:s25] =	ssyncadd.s32 $0xFFFFC000  }
0x1c3: {  	[spmem:s3] =	stream.indirect.scatter.add.f32 [tilespmem:s30], [sflag:$0x3], $0x80, s29, s28, $0xb8;
	[tilespmem:$0x1F800] =	vst v63  }
0x1c4: {  	s21 =	simm.s32 @p3 $0xF00  }
0x1c5: {  	[spmem:s4] =	stream.indirect.scatter.add.f32 @p3 [tilespmem:s11], [sflag:$0x3], $0x8, s21, s14, $0xb8;
	[tilespmem:$0x1F800] =	vst v63  }
0x1c6: {  	s21 =	simm.s32 @p3 $0x2  }
0x1c7: {  	_ =	swait.ge @p3 [sflag:s21], $0x4000  }
0x1c8: {  	[sflag:s21] =	ssyncset.done @p3 $0x0  }
0x1c9: {  	s26 =	simm.s32 @p3 $0x6000;
	[sflag:s21] =	ssyncadd.s32 @p3 $0xFFFFC000;
	s21 =	simm.s32 @p3 $0xF80  }
0x1ca: {  	[spmem:s3] =	stream.indirect.scatter.add.f32 @p3 [tilespmem:s26], [sflag:$0x4], $0x80, s21, s14, $0xb8;
	[tilespmem:$0x1F800] =	vst v63  }
0x1cb: {  	_ = 	snop  }
0x1cc: {  	[spmem:s4] =	stream.indirect.scatter.add.f32 @p3 [tilespmem:s11], [sflag:$0x4], $0x8, s21, s14, $0xb8;
	[tilespmem:$0x1F800] =	vst v63  }
0x1cd: {  	_ =	swait.ge @p3 [sflag:s8], $0x4000  }
0x1ce: {  	[sflag:s8] =	ssyncset.done @p3 $0x0  }
0x1cf: {  	[sflag:s8] =	ssyncadd.s32 @p3 $0xFFFFC000  }
0x1d0: {  	_ =	swait.ge @p3 [sflag:s8], $0x400  }
0x1d1: {  	[sflag:s8] =	ssyncset.done @p3 $0x0  }
0x1d2: {  	[sflag:s8] =	ssyncadd.s32 @p3 $0xFFFFFC00  }
0x1d3: {  	_ =	swait.ge @p3 [sflag:s20], $0x4000  }
0x1d4: {  	[sflag:s20] =	ssyncset.done @p3 $0x0  }
0x1d5: {  	[sflag:s20] =	ssyncadd.s32 @p3 $0xFFFFC000  }
0x1d6: {  	_ =	swait.ge @p3 [sflag:s20], $0x400  }
0x1d7: {  	[sflag:s20] =	ssyncset.done @p3 $0x0  }
0x1d8: {  	s8 =	simm.s32 @!p3 $0x2;
	[sflag:s20] =	ssyncadd.s32 @p3 $0xFFFFFC00  }
0x1d9: {  	_ =	swait.ge @!p3 [sflag:s8], $0x4000  }
0x1da: {  	s11 =	simm.s32 @!p3 $0x80;
	[sflag:s8] =	ssyncset.done @!p3 $0x0  }
0x1db: {  	s14 =	simm.s32 @!p3 $0xF80;
	[sflag:s8] =	ssyncadd.s32 @!p3 $0xFFFFC000;
	s8 =	simm.s32 @!p3 $0x6000  }
0x1dc: {  	[spmem:s3] =	stream.indirect.scatter.add.f32 @!p3 [tilespmem:s8], [sflag:$0x4], $0x80, s14, s11, $0xb8;
	[tilespmem:$0x1F800] =	vst v63  }
0x1dd: {  	_ =	swait.ge @!p3 [sflag:s5], $0x4000  }
0x1de: {  	[sflag:s5] =	ssyncset.done @!p3 $0x0  }
0x1df: {  	[sflag:s5] =	ssyncadd.s32 @!p3 $0xFFFFC000  }
0x1e0: {  	_ =	swait.ge @!p3 [sflag:s6], $0x4000  }
0x1e1: {  	[sflag:s6] =	ssyncset.done @!p3 $0x0  }
0x1e2: {  	[sflag:s6] =	ssyncadd.s32 @!p3 $0xFFFFC000  }
0x1e3: {  	_ =	swait.ge [sflag:s13], $0x800  }
0x1e4: {  	[sflag:s13] =	ssyncset.done $0x0  }
0x1e5: {  	[sflag:s13] =	ssyncadd.s32 $0xFFFFF800  }
0x1e6: {  	p3 =	por $0x0, $0x0;
	_ =	swait.ge [sflag:s13], $0x800  }
0x1e7: {  	s5 =	sadd.s32 @!p3 $0x0, s31;
	[sflag:s13] =	ssyncset.done $0x0  }
0x1e8: {  	s6 =	simm.s32 @!p3 $0x0;
	s5 =	sadd.s32 @!p3 $0x200, s5;
	[sflag:s13] =	ssyncadd.s32 $0xFFFFF800  }
0x1e9: {  	[tilespmem:s6], [sflag:$0x5] =	stream.linear.gather @!p3 [hbm4b:s5+s6], $0x800, $0x38;
	[tilespmem:$0x1F800] =	vst v63  }
0x1ea: {  	s5 =	sadd.s32 @!p3 $0x0, s18  }
0x1eb: {  	s8 =	simm.s32 @!p3 $0x800;
	s5 =	sadd.s32 @!p3 $0x200, s5  }
0x1ec: {  	[tilespmem:s8], [sflag:$0x5] =	stream.linear.gather @!p3 [hbm4b:s5+s6], $0x800, $0x38;
	[tilespmem:$0x1F800] =	vst v63  }
0x1ed: {  	s5 =	simm.s32 @!p2 $0x1000  }
0x1ee: {  	[tilespmem:s9], [sflag:$0x1] =	stream.indirect.gather @!p2 [hbm4b:s1+s7], $0x80, s5, s7, $0xb8;
	[tilespmem:$0x1F800] =	vst v63  }
0x1ef: {  	s5 =	simm.s32 @p1 $0x1000  }
0x1f0: {  	[tilespmem:s22], [sflag:$0x1] =	stream.indirect.gather @p1 [hbm4b:s2+s15], $0x80, s5, s15, $0xb8;
	[tilespmem:$0x1F800] =	vst v63  }
0x1f1: {  	p5 =	por $0x1, $0x1;
	p6 =	por $0x0, $0x0;
	s5 =	simm.s32 @!p2 $0x1080  }
0x1f2: {  	[tilespmem:s17], [sflag:$0x2] =	stream.indirect.gather @!p2 [hbm4b:s1+s7], $0x80, s5, s7, $0xb8;
	[tilespmem:$0x1F800] =	vst v63  }
0x1f3: {  	p4 =	por !p6, !p1;
	p3 =	por !p0, !p5;
	s5 =	simm.s32 @p1 $0x1080  }
0x1f4: {  	[tilespmem:s16], [sflag:$0x2] =	stream.indirect.gather @p1 [hbm4b:s2+s15], $0x80, s5, s15, $0xb8;
	[tilespmem:$0x1F800] =	vst v63  }
0x1f5: {  	p4 =	por !p4, !p4;
	p3 =	por !p3, !p3;
	_ =	swait.ge [sflag:s25], $0x4000  }
0x1f6: {  	p4 =	por p4, p3;
	[sflag:s25] =	ssyncset.done $0x0  }
0x1f7: {  	s12 =	simm.s32 $0x1800;
	s14 =	simm.s32 @!p4 $0x3;
	[sflag:s25] =	ssyncadd.s32 $0xFFFFC000  }
0x1f8: {  	[spmem:s3] =	stream.indirect.scatter.add.f32 [tilespmem:s30], [sflag:$0x3], $0x80, s12, s28, $0xb8;
	[tilespmem:$0x1F800] =	vst v63  }
0x1f9: {  	_ =	swait.ge @!p4 [sflag:s14], $0x4000  }
0x1fa: {  	s8 =	simm.s32 @p4 $0xA000;
	[sflag:s14] =	ssyncset.done @!p4 $0x0  }
0x1fb: {  	s11 =	simm.s32 @p4 $0x80;
	s5 =	simm.s32 @p4 $0x1800;
	[sflag:s14] =	ssyncadd.s32 @!p4 $0xFFFFC000  }
0x1fc: {  	[spmem:s4] =	stream.indirect.scatter.add.f32 @p4 [tilespmem:s8], [sflag:$0x3], $0x8, s5, s11, $0xb8;
	[tilespmem:$0x1F800] =	vst v63  }
0x1fd: {  	s5 =	simm.s32 @p4 $0x3  }
0x1fe: {  	_ =	swait.ge @p4 [sflag:s5], $0x4000  }
0x1ff: {  	[sflag:s5] =	ssyncset.done @p4 $0x0  }
0x200: {  	[sflag:s5] =	ssyncadd.s32 @p4 $0xFFFFC000  }
0x201: {  	_ =	swait.ge @p4 [sflag:s5], $0x400  }
0x202: {  	[sflag:s5] =	ssyncset.done @p4 $0x0  }
0x203: {  	s6 =	simm.s32 @!p2 $0x1100;
	[sflag:s5] =	ssyncadd.s32 @p4 $0xFFFFFC00  }
0x204: {  	[tilespmem:s9], [sflag:$0x1] =	stream.indirect.gather @!p2 [hbm4b:s1+s7], $0x80, s6, s7, $0xb8;
	[tilespmem:$0x1F800] =	vst v63  }
0x205: {  	s6 =	simm.s32 @p1 $0x1100  }
0x206: {  	[tilespmem:s22], [sflag:$0x1] =	stream.indirect.gather @p1 [hbm4b:s2+s15], $0x80, s6, s15, $0xb8;
	[tilespmem:$0x1F800] =	vst v63  }
0x207: {  	_ =	swait.ge [sflag:s0], $0x4000  }
0x208: {  	[sflag:s0] =	ssyncset.done $0x0  }
0x209: {  	s6 =	simm.s32 @!p4 $0x4;
	s26 =	rddreg [dreg:$0x16];
	[sflag:s0] =	ssyncadd.s32 $0xFFFFC000  }
0x20a: {  	[spmem:s3] =	stream.indirect.scatter.add.f32 [tilespmem:s10], [sflag:$0x4], $0x80, s26, s28, $0xb8;
	[tilespmem:$0x1F800] =	vst v63  }
0x20b: {  	_ =	swait.ge @!p4 [sflag:s6], $0x4000  }
0x20c: {  	[sflag:s6] =	ssyncset.done @!p4 $0x0  }
0x20d: {  	s20 =	simm.s32 @p4 $0x1880;
	[sflag:s6] =	ssyncadd.s32 @!p4 $0xFFFFC000  }
0x20e: {  	[spmem:s4] =	stream.indirect.scatter.add.f32 @p4 [tilespmem:s8], [sflag:$0x4], $0x8, s20, s11, $0xb8;
	[tilespmem:$0x1F800] =	vst v63  }
0x20f: {  	s20 =	simm.s32 @p4 $0x4  }
0x210: {  	_ =	swait.ge @p4 [sflag:s20], $0x4000  }
0x211: {  	[sflag:s20] =	ssyncset.done @p4 $0x0  }
0x212: {  	[sflag:s20] =	ssyncadd.s32 @p4 $0xFFFFC000  }
0x213: {  	_ =	swait.ge @p4 [sflag:s20], $0x400  }
0x214: {  	[sflag:s20] =	ssyncset.done @p4 $0x0  }
0x215: {  	s12 =	simm.s32 @!p2 $0x1180;
	[sflag:s20] =	ssyncadd.s32 @p4 $0xFFFFFC00  }
0x216: {  	[tilespmem:s17], [sflag:$0x2] =	stream.indirect.gather @!p2 [hbm4b:s1+s7], $0x80, s12, s7, $0xb8;
	[tilespmem:$0x1F800] =	vst v63  }
0x217: {  	s12 =	simm.s32 @p1 $0x1180  }
0x218: {  	[tilespmem:s16], [sflag:$0x2] =	stream.indirect.gather @p1 [hbm4b:s2+s15], $0x80, s12, s15, $0xb8;
	[tilespmem:$0x1F800] =	vst v63  }
0x219: {  	_ =	swait.ge [sflag:s25], $0x4000  }
0x21a: {  	[sflag:s25] =	ssyncset.done $0x0  }
0x21b: {  	s29 =	rddreg [dreg:$0x17];
	[sflag:s25] =	ssyncadd.s32 $0xFFFFC000  }
0x21c: {  	[spmem:s3] =	stream.indirect.scatter.add.f32 [tilespmem:s30], [sflag:$0x3], $0x80, s29, s28, $0xb8;
	[tilespmem:$0x1F800] =	vst v63  }
0x21d: {  	_ =	swait.ge @!p4 [sflag:s14], $0x4000  }
0x21e: {  	[sflag:s14] =	ssyncset.done @!p4 $0x0  }
0x21f: {  	s21 =	simm.s32 @p4 $0x1900;
	[sflag:s14] =	ssyncadd.s32 @!p4 $0xFFFFC000  }
0x220: {  	[spmem:s4] =	stream.indirect.scatter.add.f32 @p4 [tilespmem:s8], [sflag:$0x3], $0x8, s21, s11, $0xb8;
	[tilespmem:$0x1F800] =	vst v63  }
0x221: {  	_ =	swait.ge @p4 [sflag:s5], $0x4000  }
0x222: {  	[sflag:s5] =	ssyncset.done @p4 $0x0  }
0x223: {  	[sflag:s5] =	ssyncadd.s32 @p4 $0xFFFFC000  }
0x224: {  	_ =	swait.ge @p4 [sflag:s5], $0x400  }
0x225: {  	[sflag:s5] =	ssyncset.done @p4 $0x0  }
0x226: {  	s12 =	simm.s32 @!p2 $0x1200;
	[sflag:s5] =	ssyncadd.s32 @p4 $0xFFFFFC00  }
0x227: {  	[tilespmem:s9], [sflag:$0x1] =	stream.indirect.gather @!p2 [hbm4b:s1+s7], $0x80, s12, s7, $0xb8;
	[tilespmem:$0x1F800] =	vst v63  }
0x228: {  	s12 =	simm.s32 @p1 $0x1200  }
0x229: {  	[tilespmem:s22], [sflag:$0x1] =	stream.indirect.gather @p1 [hbm4b:s2+s15], $0x80, s12, s15, $0xb8;
	[tilespmem:$0x1F800] =	vst v63  }
0x22a: {  	_ =	swait.ge [sflag:s0], $0x4000  }
0x22b: {  	[sflag:s0] =	ssyncset.done $0x0  }
0x22c: {  	s12 =	rddreg [dreg:$0x18];
	[sflag:s0] =	ssyncadd.s32 $0xFFFFC000  }
0x22d: {  	[spmem:s3] =	stream.indirect.scatter.add.f32 [tilespmem:s10], [sflag:$0x4], $0x80, s12, s28, $0xb8;
	[tilespmem:$0x1F800] =	vst v63  }
0x22e: {  	_ =	swait.ge @!p4 [sflag:s6], $0x4000  }
0x22f: {  	[sflag:s6] =	ssyncset.done @!p4 $0x0  }
0x230: {  	s21 =	simm.s32 @p4 $0x1980;
	[sflag:s6] =	ssyncadd.s32 @!p4 $0xFFFFC000  }
0x231: {  	[spmem:s4] =	stream.indirect.scatter.add.f32 @p4 [tilespmem:s8], [sflag:$0x4], $0x8, s21, s11, $0xb8;
	[tilespmem:$0x1F800] =	vst v63  }
0x232: {  	_ =	swait.ge @p4 [sflag:s20], $0x4000  }
0x233: {  	[sflag:s20] =	ssyncset.done @p4 $0x0  }
0x234: {  	[sflag:s20] =	ssyncadd.s32 @p4 $0xFFFFC000  }
0x235: {  	_ =	swait.ge @p4 [sflag:s20], $0x400  }
0x236: {  	[sflag:s20] =	ssyncset.done @p4 $0x0  }
0x237: {  	s12 =	simm.s32 @!p2 $0x1280;
	[sflag:s20] =	ssyncadd.s32 @p4 $0xFFFFFC00  }
0x238: {  	[tilespmem:s17], [sflag:$0x2] =	stream.indirect.gather @!p2 [hbm4b:s1+s7], $0x80, s12, s7, $0xb8;
	[tilespmem:$0x1F800] =	vst v63  }
0x239: {  	s12 =	simm.s32 @p1 $0x1280  }
0x23a: {  	[tilespmem:s16], [sflag:$0x2] =	stream.indirect.gather @p1 [hbm4b:s2+s15], $0x80, s12, s15, $0xb8;
	[tilespmem:$0x1F800] =	vst v63  }
0x23b: {  	_ =	swait.ge [sflag:s25], $0x4000  }
0x23c: {  	[sflag:s25] =	ssyncset.done $0x0  }
0x23d: {  	s13 =	rddreg [dreg:$0x19];
	[sflag:s25] =	ssyncadd.s32 $0xFFFFC000  }
0x23e: {  	[spmem:s3] =	stream.indirect.scatter.add.f32 [tilespmem:s30], [sflag:$0x3], $0x80, s13, s28, $0xb8;
	[tilespmem:$0x1F800] =	vst v63  }
0x23f: {  	_ =	swait.ge @!p4 [sflag:s14], $0x4000  }
0x240: {  	[sflag:s14] =	ssyncset.done @!p4 $0x0  }
0x241: {  	s21 =	simm.s32 @p4 $0x1A00;
	[sflag:s14] =	ssyncadd.s32 @!p4 $0xFFFFC000  }
0x242: {  	[spmem:s4] =	stream.indirect.scatter.add.f32 @p4 [tilespmem:s8], [sflag:$0x3], $0x8, s21, s11, $0xb8;
	[tilespmem:$0x1F800] =	vst v63  }
0x243: {  	_ =	swait.ge @p4 [sflag:s5], $0x4000  }
0x244: {  	[sflag:s5] =	ssyncset.done @p4 $0x0  }
0x245: {  	[sflag:s5] =	ssyncadd.s32 @p4 $0xFFFFC000  }
0x246: {  	_ =	swait.ge @p4 [sflag:s5], $0x400  }
0x247: {  	[sflag:s5] =	ssyncset.done @p4 $0x0  }
0x248: {  	s12 =	simm.s32 @!p2 $0x1300;
	[sflag:s5] =	ssyncadd.s32 @p4 $0xFFFFFC00  }
0x249: {  	[tilespmem:s9], [sflag:$0x1] =	stream.indirect.gather @!p2 [hbm4b:s1+s7], $0x80, s12, s7, $0xb8;
	[tilespmem:$0x1F800] =	vst v63  }
0x24a: {  	s12 =	simm.s32 @p1 $0x1300  }
0x24b: {  	[tilespmem:s22], [sflag:$0x1] =	stream.indirect.gather @p1 [hbm4b:s2+s15], $0x80, s12, s15, $0xb8;
	[tilespmem:$0x1F800] =	vst v63  }
0x24c: {  	_ =	swait.ge [sflag:s0], $0x4000  }
0x24d: {  	[sflag:s0] =	ssyncset.done $0x0  }
0x24e: {  	s26 =	rddreg [dreg:$0x1a];
	[sflag:s0] =	ssyncadd.s32 $0xFFFFC000  }
0x24f: {  	[spmem:s3] =	stream.indirect.scatter.add.f32 [tilespmem:s10], [sflag:$0x4], $0x80, s26, s28, $0xb8;
	[tilespmem:$0x1F800] =	vst v63  }
0x250: {  	_ =	swait.ge @!p4 [sflag:s6], $0x4000  }
0x251: {  	[sflag:s6] =	ssyncset.done @!p4 $0x0  }
0x252: {  	s21 =	simm.s32 @p4 $0x1A80;
	[sflag:s6] =	ssyncadd.s32 @!p4 $0xFFFFC000  }
0x253: {  	[spmem:s4] =	stream.indirect.scatter.add.f32 @p4 [tilespmem:s8], [sflag:$0x4], $0x8, s21, s11, $0xb8;
	[tilespmem:$0x1F800] =	vst v63  }
0x254: {  	_ =	swait.ge @p4 [sflag:s20], $0x4000  }
0x255: {  	[sflag:s20] =	ssyncset.done @p4 $0x0  }
0x256: {  	[sflag:s20] =	ssyncadd.s32 @p4 $0xFFFFC000  }
0x257: {  	_ =	swait.ge @p4 [sflag:s20], $0x400  }
0x258: {  	[sflag:s20] =	ssyncset.done @p4 $0x0  }
0x259: {  	s12 =	simm.s32 @!p2 $0x1380;
	[sflag:s20] =	ssyncadd.s32 @p4 $0xFFFFFC00  }
0x25a: {  	[tilespmem:s17], [sflag:$0x2] =	stream.indirect.gather @!p2 [hbm4b:s1+s7], $0x80, s12, s7, $0xb8;
	[tilespmem:$0x1F800] =	vst v63  }
0x25b: {  	s12 =	simm.s32 @p1 $0x1380  }
0x25c: {  	[tilespmem:s16], [sflag:$0x2] =	stream.indirect.gather @p1 [hbm4b:s2+s15], $0x80, s12, s15, $0xb8;
	[tilespmem:$0x1F800] =	vst v63  }
0x25d: {  	_ =	swait.ge [sflag:s25], $0x4000  }
0x25e: {  	[sflag:s25] =	ssyncset.done $0x0  }
0x25f: {  	s29 =	rddreg [dreg:$0x1b];
	[sflag:s25] =	ssyncadd.s32 $0xFFFFC000  }
0x260: {  	[spmem:s3] =	stream.indirect.scatter.add.f32 [tilespmem:s30], [sflag:$0x3], $0x80, s29, s28, $0xb8;
	[tilespmem:$0x1F800] =	vst v63  }
0x261: {  	_ =	swait.ge @!p4 [sflag:s14], $0x4000  }
0x262: {  	[sflag:s14] =	ssyncset.done @!p4 $0x0  }
0x263: {  	s21 =	simm.s32 @p4 $0x1B00;
	[sflag:s14] =	ssyncadd.s32 @!p4 $0xFFFFC000  }
0x264: {  	[spmem:s4] =	stream.indirect.scatter.add.f32 @p4 [tilespmem:s8], [sflag:$0x3], $0x8, s21, s11, $0xb8;
	[tilespmem:$0x1F800] =	vst v63  }
0x265: {  	_ =	swait.ge @p4 [sflag:s5], $0x4000  }
0x266: {  	[sflag:s5] =	ssyncset.done @p4 $0x0  }
0x267: {  	[sflag:s5] =	ssyncadd.s32 @p4 $0xFFFFC000  }
0x268: {  	_ =	swait.ge @p4 [sflag:s5], $0x400  }
0x269: {  	[sflag:s5] =	ssyncset.done @p4 $0x0  }
0x26a: {  	s12 =	simm.s32 @!p2 $0x1400;
	[sflag:s5] =	ssyncadd.s32 @p4 $0xFFFFFC00  }
0x26b: {  	[tilespmem:s9], [sflag:$0x1] =	stream.indirect.gather @!p2 [hbm4b:s1+s7], $0x80, s12, s7, $0xb8;
	[tilespmem:$0x1F800] =	vst v63  }
0x26c: {  	s12 =	simm.s32 @p1 $0x1400  }
0x26d: {  	[tilespmem:s22], [sflag:$0x1] =	stream.indirect.gather @p1 [hbm4b:s2+s15], $0x80, s12, s15, $0xb8;
	[tilespmem:$0x1F800] =	vst v63  }
0x26e: {  	_ =	swait.ge [sflag:s0], $0x4000  }
0x26f: {  	[sflag:s0] =	ssyncset.done $0x0  }
0x270: {  	s12 =	rddreg [dreg:$0x1c];
	[sflag:s0] =	ssyncadd.s32 $0xFFFFC000  }
0x271: {  	[spmem:s3] =	stream.indirect.scatter.add.f32 [tilespmem:s10], [sflag:$0x4], $0x80, s12, s28, $0xb8;
	[tilespmem:$0x1F800] =	vst v63  }
0x272: {  	_ =	swait.ge @!p4 [sflag:s6], $0x4000  }
0x273: {  	[sflag:s6] =	ssyncset.done @!p4 $0x0  }
0x274: {  	s21 =	simm.s32 @p4 $0x1B80;
	[sflag:s6] =	ssyncadd.s32 @!p4 $0xFFFFC000  }
0x275: {  	[spmem:s4] =	stream.indirect.scatter.add.f32 @p4 [tilespmem:s8], [sflag:$0x4], $0x8, s21, s11, $0xb8;
	[tilespmem:$0x1F800] =	vst v63  }
0x276: {  	_ =	swait.ge @p4 [sflag:s20], $0x4000  }
0x277: {  	[sflag:s20] =	ssyncset.done @p4 $0x0  }
0x278: {  	[sflag:s20] =	ssyncadd.s32 @p4 $0xFFFFC000  }
0x279: {  	_ =	swait.ge @p4 [sflag:s20], $0x400  }
0x27a: {  	[sflag:s20] =	ssyncset.done @p4 $0x0  }
0x27b: {  	s12 =	simm.s32 @!p2 $0x1480;
	[sflag:s20] =	ssyncadd.s32 @p4 $0xFFFFFC00  }
0x27c: {  	[tilespmem:s17], [sflag:$0x2] =	stream.indirect.gather @!p2 [hbm4b:s1+s7], $0x80, s12, s7, $0xb8;
	[tilespmem:$0x1F800] =	vst v63  }
0x27d: {  	s12 =	simm.s32 @p1 $0x1480  }
0x27e: {  	[tilespmem:s16], [sflag:$0x2] =	stream.indirect.gather @p1 [hbm4b:s2+s15], $0x80, s12, s15, $0xb8;
	[tilespmem:$0x1F800] =	vst v63  }
0x27f: {  	_ =	swait.ge [sflag:s25], $0x4000  }
0x280: {  	[sflag:s25] =	ssyncset.done $0x0  }
0x281: {  	s13 =	rddreg [dreg:$0x1d];
	[sflag:s25] =	ssyncadd.s32 $0xFFFFC000  }
0x282: {  	[spmem:s3] =	stream.indirect.scatter.add.f32 [tilespmem:s30], [sflag:$0x3], $0x80, s13, s28, $0xb8;
	[tilespmem:$0x1F800] =	vst v63  }
0x283: {  	_ =	swait.ge @!p4 [sflag:s14], $0x4000  }
0x284: {  	[sflag:s14] =	ssyncset.done @!p4 $0x0  }
0x285: {  	s21 =	simm.s32 @p4 $0x1C00;
	[sflag:s14] =	ssyncadd.s32 @!p4 $0xFFFFC000  }
0x286: {  	[spmem:s4] =	stream.indirect.scatter.add.f32 @p4 [tilespmem:s8], [sflag:$0x3], $0x8, s21, s11, $0xb8;
	[tilespmem:$0x1F800] =	vst v63  }
0x287: {  	_ =	swait.ge @p4 [sflag:s5], $0x4000  }
0x288: {  	[sflag:s5] =	ssyncset.done @p4 $0x0  }
0x289: {  	[sflag:s5] =	ssyncadd.s32 @p4 $0xFFFFC000  }
0x28a: {  	_ =	swait.ge @p4 [sflag:s5], $0x400  }
0x28b: {  	[sflag:s5] =	ssyncset.done @p4 $0x0  }
0x28c: {  	s12 =	simm.s32 @!p2 $0x1500;
	[sflag:s5] =	ssyncadd.s32 @p4 $0xFFFFFC00  }
0x28d: {  	[tilespmem:s9], [sflag:$0x1] =	stream.indirect.gather @!p2 [hbm4b:s1+s7], $0x80, s12, s7, $0xb8;
	[tilespmem:$0x1F800] =	vst v63  }
0x28e: {  	s12 =	simm.s32 @p1 $0x1500  }
0x28f: {  	[tilespmem:s22], [sflag:$0x1] =	stream.indirect.gather @p1 [hbm4b:s2+s15], $0x80, s12, s15, $0xb8;
	[tilespmem:$0x1F800] =	vst v63  }
0x290: {  	_ =	swait.ge [sflag:s0], $0x4000  }
0x291: {  	[sflag:s0] =	ssyncset.done $0x0  }
0x292: {  	s26 =	rddreg [dreg:$0x1e];
	[sflag:s0] =	ssyncadd.s32 $0xFFFFC000  }
0x293: {  	[spmem:s3] =	stream.indirect.scatter.add.f32 [tilespmem:s10], [sflag:$0x4], $0x80, s26, s28, $0xb8;
	[tilespmem:$0x1F800] =	vst v63  }
0x294: {  	_ =	swait.ge @!p4 [sflag:s6], $0x4000  }
0x295: {  	[sflag:s6] =	ssyncset.done @!p4 $0x0  }
0x296: {  	s21 =	simm.s32 @p4 $0x1C80;
	[sflag:s6] =	ssyncadd.s32 @!p4 $0xFFFFC000  }
0x297: {  	[spmem:s4] =	stream.indirect.scatter.add.f32 @p4 [tilespmem:s8], [sflag:$0x4], $0x8, s21, s11, $0xb8;
	[tilespmem:$0x1F800] =	vst v63  }
0x298: {  	_ =	swait.ge @p4 [sflag:s20], $0x4000  }
0x299: {  	[sflag:s20] =	ssyncset.done @p4 $0x0  }
0x29a: {  	[sflag:s20] =	ssyncadd.s32 @p4 $0xFFFFC000  }
0x29b: {  	_ =	swait.ge @p4 [sflag:s20], $0x400  }
0x29c: {  	[sflag:s20] =	ssyncset.done @p4 $0x0  }
0x29d: {  	s12 =	simm.s32 @!p2 $0x1580;
	[sflag:s20] =	ssyncadd.s32 @p4 $0xFFFFFC00  }
0x29e: {  	[tilespmem:s17], [sflag:$0x2] =	stream.indirect.gather @!p2 [hbm4b:s1+s7], $0x80, s12, s7, $0xb8;
	[tilespmem:$0x1F800] =	vst v63  }
0x29f: {  	s12 =	simm.s32 @p1 $0x1580  }
0x2a0: {  	[tilespmem:s16], [sflag:$0x2] =	stream.indirect.gather @p1 [hbm4b:s2+s15], $0x80, s12, s15, $0xb8;
	[tilespmem:$0x1F800] =	vst v63  }
0x2a1: {  	_ =	swait.ge [sflag:s25], $0x4000  }
0x2a2: {  	[sflag:s25] =	ssyncset.done $0x0  }
0x2a3: {  	s29 =	rddreg [dreg:$0x1f];
	[sflag:s25] =	ssyncadd.s32 $0xFFFFC000  }
0x2a4: {  	[spmem:s3] =	stream.indirect.scatter.add.f32 [tilespmem:s30], [sflag:$0x3], $0x80, s29, s28, $0xb8;
	[tilespmem:$0x1F800] =	vst v63  }
0x2a5: {  	_ =	swait.ge @!p4 [sflag:s14], $0x4000  }
0x2a6: {  	[sflag:s14] =	ssyncset.done @!p4 $0x0  }
0x2a7: {  	s21 =	simm.s32 @p4 $0x1D00;
	[sflag:s14] =	ssyncadd.s32 @!p4 $0xFFFFC000  }
0x2a8: {  	[spmem:s4] =	stream.indirect.scatter.add.f32 @p4 [tilespmem:s8], [sflag:$0x3], $0x8, s21, s11, $0xb8;
	[tilespmem:$0x1F800] =	vst v63  }
0x2a9: {  	_ =	swait.ge @p4 [sflag:s5], $0x4000  }
0x2aa: {  	[sflag:s5] =	ssyncset.done @p4 $0x0  }
0x2ab: {  	[sflag:s5] =	ssyncadd.s32 @p4 $0xFFFFC000  }
0x2ac: {  	_ =	swait.ge @p4 [sflag:s5], $0x400  }
0x2ad: {  	[sflag:s5] =	ssyncset.done @p4 $0x0  }
0x2ae: {  	s12 =	simm.s32 @!p2 $0x1600;
	[sflag:s5] =	ssyncadd.s32 @p4 $0xFFFFFC00  }
0x2af: {  	[tilespmem:s9], [sflag:$0x1] =	stream.indirect.gather @!p2 [hbm4b:s1+s7], $0x80, s12, s7, $0xb8;
	[tilespmem:$0x1F800] =	vst v63  }
0x2b0: {  	s12 =	simm.s32 @p1 $0x1600  }
0x2b1: {  	[tilespmem:s22], [sflag:$0x1] =	stream.indirect.gather @p1 [hbm4b:s2+s15], $0x80, s12, s15, $0xb8;
	[tilespmem:$0x1F800] =	vst v63  }
0x2b2: {  	_ =	swait.ge [sflag:s0], $0x4000  }
0x2b3: {  	s12 =	sld [smem:$0x7DC]  }
0x2b4: {  	[sflag:s0] =	ssyncset.done $0x0  }
0x2b5: {  	[sflag:s0] =	ssyncadd.s32 $0xFFFFC000  }
0x2b6: {  	[spmem:s3] =	stream.indirect.scatter.add.f32 [tilespmem:s10], [sflag:$0x4], $0x80, s12, s28, $0xb8;
	[tilespmem:$0x1F800] =	vst v63  }
0x2b7: {  	_ =	swait.ge @!p4 [sflag:s6], $0x4000  }
0x2b8: {  	[sflag:s6] =	ssyncset.done @!p4 $0x0  }
0x2b9: {  	s21 =	simm.s32 @p4 $0x1D80;
	[sflag:s6] =	ssyncadd.s32 @!p4 $0xFFFFC000  }
0x2ba: {  	[spmem:s4] =	stream.indirect.scatter.add.f32 @p4 [tilespmem:s8], [sflag:$0x4], $0x8, s21, s11, $0xb8;
	[tilespmem:$0x1F800] =	vst v63  }
0x2bb: {  	_ =	swait.ge @p4 [sflag:s20], $0x4000  }
0x2bc: {  	[sflag:s20] =	ssyncset.done @p4 $0x0  }
0x2bd: {  	[sflag:s20] =	ssyncadd.s32 @p4 $0xFFFFC000  }
0x2be: {  	_ =	swait.ge @p4 [sflag:s20], $0x400  }
0x2bf: {  	[sflag:s20] =	ssyncset.done @p4 $0x0  }
0x2c0: {  	s12 =	simm.s32 @!p2 $0x1680;
	[sflag:s20] =	ssyncadd.s32 @p4 $0xFFFFFC00  }
0x2c1: {  	[tilespmem:s17], [sflag:$0x2] =	stream.indirect.gather @!p2 [hbm4b:s1+s7], $0x80, s12, s7, $0xb8;
	[tilespmem:$0x1F800] =	vst v63  }
0x2c2: {  	s12 =	simm.s32 @p1 $0x1680  }
0x2c3: {  	[tilespmem:s16], [sflag:$0x2] =	stream.indirect.gather @p1 [hbm4b:s2+s15], $0x80, s12, s15, $0xb8;
	[tilespmem:$0x1F800] =	vst v63  }
0x2c4: {  	_ =	swait.ge [sflag:s25], $0x4000  }
0x2c5: {  	s13 =	sld [smem:$0x7DD]  }
0x2c6: {  	[sflag:s25] =	ssyncset.done $0x0  }
0x2c7: {  	[sflag:s25] =	ssyncadd.s32 $0xFFFFC000  }
0x2c8: {  	[spmem:s3] =	stream.indirect.scatter.add.f32 [tilespmem:s30], [sflag:$0x3], $0x80, s13, s28, $0xb8;
	[tilespmem:$0x1F800] =	vst v63  }
0x2c9: {  	_ =	swait.ge @!p4 [sflag:s14], $0x4000  }
0x2ca: {  	[sflag:s14] =	ssyncset.done @!p4 $0x0  }
0x2cb: {  	s21 =	simm.s32 @p4 $0x1E00;
	[sflag:s14] =	ssyncadd.s32 @!p4 $0xFFFFC000  }
0x2cc: {  	[spmem:s4] =	stream.indirect.scatter.add.f32 @p4 [tilespmem:s8], [sflag:$0x3], $0x8, s21, s11, $0xb8;
	[tilespmem:$0x1F800] =	vst v63  }
0x2cd: {  	_ =	swait.ge @p4 [sflag:s5], $0x4000  }
0x2ce: {  	[sflag:s5] =	ssyncset.done @p4 $0x0  }
0x2cf: {  	[sflag:s5] =	ssyncadd.s32 @p4 $0xFFFFC000  }
0x2d0: {  	_ =	swait.ge @p4 [sflag:s5], $0x400  }
0x2d1: {  	[sflag:s5] =	ssyncset.done @p4 $0x0  }
0x2d2: {  	s12 =	simm.s32 @!p2 $0x1700;
	[sflag:s5] =	ssyncadd.s32 @p4 $0xFFFFFC00  }
0x2d3: {  	[tilespmem:s9], [sflag:$0x1] =	stream.indirect.gather @!p2 [hbm4b:s1+s7], $0x80, s12, s7, $0xb8;
	[tilespmem:$0x1F800] =	vst v63  }
0x2d4: {  	s12 =	simm.s32 @p1 $0x1700  }
0x2d5: {  	[tilespmem:s22], [sflag:$0x1] =	stream.indirect.gather @p1 [hbm4b:s2+s15], $0x80, s12, s15, $0xb8;
	[tilespmem:$0x1F800] =	vst v63  }
0x2d6: {  	_ =	swait.ge [sflag:s0], $0x4000  }
0x2d7: {  	s26 =	sld [smem:$0x7DE]  }
0x2d8: {  	[sflag:s0] =	ssyncset.done $0x0  }
0x2d9: {  	[sflag:s0] =	ssyncadd.s32 $0xFFFFC000  }
0x2da: {  	[spmem:s3] =	stream.indirect.scatter.add.f32 [tilespmem:s10], [sflag:$0x4], $0x80, s26, s28, $0xb8;
	[tilespmem:$0x1F800] =	vst v63  }
0x2db: {  	_ =	swait.ge @!p4 [sflag:s6], $0x4000  }
0x2dc: {  	[sflag:s6] =	ssyncset.done @!p4 $0x0  }
0x2dd: {  	s21 =	simm.s32 @p4 $0x1E80;
	[sflag:s6] =	ssyncadd.s32 @!p4 $0xFFFFC000  }
0x2de: {  	[spmem:s4] =	stream.indirect.scatter.add.f32 @p4 [tilespmem:s8], [sflag:$0x4], $0x8, s21, s11, $0xb8;
	[tilespmem:$0x1F800] =	vst v63  }
0x2df: {  	_ =	swait.ge @p4 [sflag:s20], $0x4000  }
0x2e0: {  	[sflag:s20] =	ssyncset.done @p4 $0x0  }
0x2e1: {  	[sflag:s20] =	ssyncadd.s32 @p4 $0xFFFFC000  }
0x2e2: {  	_ =	swait.ge @p4 [sflag:s20], $0x400  }
0x2e3: {  	[sflag:s20] =	ssyncset.done @p4 $0x0  }
0x2e4: {  	s12 =	simm.s32 @!p2 $0x1780;
	[sflag:s20] =	ssyncadd.s32 @p4 $0xFFFFFC00  }
0x2e5: {  	[tilespmem:s17], [sflag:$0x2] =	stream.indirect.gather @!p2 [hbm4b:s1+s7], $0x80, s12, s7, $0xb8;
	[tilespmem:$0x1F800] =	vst v63  }
0x2e6: {  	s12 =	simm.s32 @p1 $0x1780  }
0x2e7: {  	[tilespmem:s16], [sflag:$0x2] =	stream.indirect.gather @p1 [hbm4b:s2+s15], $0x80, s12, s15, $0xb8;
	[tilespmem:$0x1F800] =	vst v63  }
0x2e8: {  	_ =	swait.ge [sflag:s25], $0x4000  }
0x2e9: {  	s29 =	sld [smem:$0x7DF]  }
0x2ea: {  	[sflag:s25] =	ssyncset.done $0x0  }
0x2eb: {  	[sflag:s25] =	ssyncadd.s32 $0xFFFFC000  }
0x2ec: {  	[spmem:s3] =	stream.indirect.scatter.add.f32 [tilespmem:s30], [sflag:$0x3], $0x80, s29, s28, $0xb8;
	[tilespmem:$0x1F800] =	vst v63  }
0x2ed: {  	s21 =	simm.s32 @p4 $0x1F00  }
0x2ee: {  	[spmem:s4] =	stream.indirect.scatter.add.f32 @p4 [tilespmem:s8], [sflag:$0x3], $0x8, s21, s11, $0xb8;
	[tilespmem:$0x1F800] =	vst v63  }
0x2ef: {  	s21 =	simm.s32 @p4 $0x2  }
0x2f0: {  	_ =	swait.ge @p4 [sflag:s21], $0x4000  }
0x2f1: {  	[sflag:s21] =	ssyncset.done @p4 $0x0  }
0x2f2: {  	s26 =	simm.s32 @p4 $0x6000;
	[sflag:s21] =	ssyncadd.s32 @p4 $0xFFFFC000;
	s21 =	simm.s32 @p4 $0x1F80  }
0x2f3: {  	[spmem:s3] =	stream.indirect.scatter.add.f32 @p4 [tilespmem:s26], [sflag:$0x4], $0x80, s21, s11, $0xb8;
	[tilespmem:$0x1F800] =	vst v63  }
0x2f4: {  	_ = 	snop  }
0x2f5: {  	[spmem:s4] =	stream.indirect.scatter.add.f32 @p4 [tilespmem:s8], [sflag:$0x4], $0x8, s21, s11, $0xb8;
	[tilespmem:$0x1F800] =	vst v63  }
0x2f6: {  	_ =	swait.ge @p4 [sflag:s5], $0x4000  }
0x2f7: {  	[sflag:s5] =	ssyncset.done @p4 $0x0  }
0x2f8: {  	[sflag:s5] =	ssyncadd.s32 @p4 $0xFFFFC000  }
0x2f9: {  	_ =	swait.ge @p4 [sflag:s5], $0x400  }
0x2fa: {  	[sflag:s5] =	ssyncset.done @p4 $0x0  }
0x2fb: {  	[sflag:s5] =	ssyncadd.s32 @p4 $0xFFFFFC00  }
0x2fc: {  	_ =	swait.ge @p4 [sflag:s20], $0x4000  }
0x2fd: {  	[sflag:s20] =	ssyncset.done @p4 $0x0  }
0x2fe: {  	[sflag:s20] =	ssyncadd.s32 @p4 $0xFFFFC000  }
0x2ff: {  	_ =	swait.ge @p4 [sflag:s20], $0x400  }
0x300: {  	[sflag:s20] =	ssyncset.done @p4 $0x0  }
0x301: {  	s5 =	simm.s32 @!p4 $0x2;
	[sflag:s20] =	ssyncadd.s32 @p4 $0xFFFFFC00  }
0x302: {  	_ =	swait.ge @!p4 [sflag:s5], $0x4000  }
0x303: {  	s13 =	simm.s32 $0x6;
	s8 =	simm.s32 @!p4 $0x80;
	[sflag:s5] =	ssyncset.done @!p4 $0x0  }
0x304: {  	s11 =	simm.s32 @!p4 $0x1F80;
	[sflag:s5] =	ssyncadd.s32 @!p4 $0xFFFFC000;
	s5 =	simm.s32 @!p4 $0x6000  }
0x305: {  	[spmem:s3] =	stream.indirect.scatter.add.f32 @!p4 [tilespmem:s5], [sflag:$0x4], $0x80, s11, s8, $0xb8;
	[tilespmem:$0x1F800] =	vst v63  }
0x306: {  	s21 =	simm.s32 $0x1;
	s20 =	simm.s32 $0x200;
	s8 =	simm.s32 $0x1  }
.LBB2_18:
0x307: {  	_ =	swait.ge @!p4 [sflag:s14], $0x4000  }
0x308: {  	[sflag:s14] =	ssyncset.done @!p4 $0x0  }
0x309: {  	[sflag:s14] =	ssyncadd.s32 @!p4 $0xFFFFC000  }
0x30a: {  	_ =	swait.ge @!p4 [sflag:s6], $0x4000  }
0x30b: {  	[sflag:s6] =	ssyncset.done @!p4 $0x0  }
0x30c: {  	[sflag:s6] =	ssyncadd.s32 @!p4 $0xFFFFC000  }
0x30d: {  	_ =	swait.ge [sflag:s23], $0x800  }
0x30e: {  	[sflag:s23] =	ssyncset.done $0x0  }
0x30f: {  	s26 =	smov.u32 s20;
	[sflag:s23] =	ssyncadd.s32 $0xFFFFF800  }
0x310: {  	s5 =	sadd.s32 s26, s31;
	_ =	swait.ge [sflag:s23], $0x800  }
0x311: {  	s5 =	sadd.s32 $0x100, s5;
	[sflag:s23] =	ssyncset.done $0x0  }
0x312: {  	s14 =	sadd.s32 s26, s18;
	s11 =	rddreg [dreg:$0x7];
	[sflag:s23] =	ssyncadd.s32 $0xFFFFF800  }
0x313: {  	[tilespmem:s11], [sflag:$0x6] =	stream.linear.gather [hbm4b:s5+s24], $0x800, $0x38;
	[tilespmem:$0x1F800] =	vst v63  }
0x314: {  	s6 =	sadd.s32 $0x100, s14;
	s23 =	simm.s32 $0x1800  }
0x315: {  	[tilespmem:s23], [sflag:$0x6] =	stream.linear.gather [hbm4b:s6+s24], $0x800, $0x38;
	[tilespmem:$0x1F800] =	vst v63  }
0x316: {  	s5 =	simm.s32 @!p2 $0x0  }
0x317: {  	[tilespmem:s9], [sflag:$0x1] =	stream.indirect.gather @!p2 [hbm4b:s1+s7], $0x80, s5, s7, $0xb8;
	[tilespmem:$0x1F800] =	vst v63  }
0x318: {  	s5 =	simm.s32 @p1 $0x0  }
0x319: {  	[tilespmem:s22], [sflag:$0x1] =	stream.indirect.gather @p1 [hbm4b:s2+s15], $0x80, s5, s15, $0xb8;
	[tilespmem:$0x1F800] =	vst v63  }
0x31a: {  	p6 =	slt.u32 s8, $0x3;
	p5 =	sgt.u32 s8, $0x2  }
0x31b: {  	[tilespmem:s17], [sflag:$0x2] =	stream.indirect.gather @!p2 [hbm4b:s1+s7], $0x80, s7, s7, $0xb8;
	[tilespmem:$0x1F800] =	vst v63  }
0x31c: {  	p5 =	por !p5, !p1;
	p4 =	por !p0, !p6  }
0x31d: {  	[tilespmem:s16], [sflag:$0x2] =	stream.indirect.gather @p1 [hbm4b:s2+s15], $0x80, s15, s15, $0xb8;
	[tilespmem:$0x1F800] =	vst v63  }
0x31e: {  	p5 =	por !p5, !p5;
	p4 =	por !p4, !p4;
	_ =	swait.ge [sflag:s25], $0x4000  }
0x31f: {  	p4 =	por p4, p5;
	[sflag:s25] =	ssyncset.done $0x0  }
0x320: {  	s6 =	simm.s32 @!p4 $0x3;
	[sflag:s25] =	ssyncadd.s32 $0xFFFFC000  }
0x321: {  	[spmem:s3] =	stream.indirect.scatter.add.f32 [tilespmem:s30], [sflag:$0x3], $0x80, s19, s28, $0xb8;
	[tilespmem:$0x1F800] =	vst v63  }
0x322: {  	s29 =	simm.s32 @p4 $0x3;
	s11 =	simm.s32 @p4 $0x800;
	_ =	swait.ge @!p4 [sflag:s6], $0x4000  }
0x323: {  	s23 =	smov.u32 s18;
	s18 =	smov.u32 s31;
	[sflag:s6] =	ssyncset.done @!p4 $0x0  }
0x324: {  	s31 =	simm.s32 @p4 $0xA000;
	s5 =	simm.s32 @p4 $0x80;
	[sflag:s6] =	ssyncadd.s32 @!p4 $0xFFFFC000  }
0x325: {  	[spmem:s4] =	stream.indirect.scatter.add.f32 @p4 [tilespmem:s31], [sflag:$0x3], $0x8, s11, s5, $0xb8;
	[tilespmem:$0x1F800] =	vst v63  }
0x326: {  	_ =	swait.ge @p4 [sflag:s29], $0x4000  }
0x327: {  	[sflag:s29] =	ssyncset.done @p4 $0x0  }
0x328: {  	[sflag:s29] =	ssyncadd.s32 @p4 $0xFFFFC000  }
0x329: {  	_ =	swait.ge @p4 [sflag:s29], $0x400  }
0x32a: {  	[sflag:s29] =	ssyncset.done @p4 $0x0  }
0x32b: {  	s11 =	simm.s32 @!p2 $0x100;
	[sflag:s29] =	ssyncadd.s32 @p4 $0xFFFFFC00  }
0x32c: {  	[tilespmem:s9], [sflag:$0x1] =	stream.indirect.gather @!p2 [hbm4b:s1+s7], $0x80, s11, s7, $0xb8;
	[tilespmem:$0x1F800] =	vst v63  }
0x32d: {  	s11 =	simm.s32 @p1 $0x100  }
0x32e: {  	[tilespmem:s22], [sflag:$0x1] =	stream.indirect.gather @p1 [hbm4b:s2+s15], $0x80, s11, s15, $0xb8;
	[tilespmem:$0x1F800] =	vst v63  }
0x32f: {  	_ =	swait.ge [sflag:s0], $0x4000  }
0x330: {  	[sflag:s0] =	ssyncset.done $0x0  }
0x331: {  	s14 =	simm.s32 @!p4 $0x4;
	s24 =	rddreg [dreg:$0x8];
	[sflag:s0] =	ssyncadd.s32 $0xFFFFC000  }
0x332: {  	[spmem:s3] =	stream.indirect.scatter.add.f32 [tilespmem:s10], [sflag:$0x4], $0x80, s24, s28, $0xb8;
	[tilespmem:$0x1F800] =	vst v63  }
0x333: {  	_ =	swait.ge @!p4 [sflag:s14], $0x4000  }
0x334: {  	[sflag:s14] =	ssyncset.done @!p4 $0x0  }
0x335: {  	s19 =	simm.s32 @p4 $0x880;
	s11 =	simm.s32 @p4 $0x4;
	[sflag:s14] =	ssyncadd.s32 @!p4 $0xFFFFC000  }
0x336: {  	[spmem:s4] =	stream.indirect.scatter.add.f32 @p4 [tilespmem:s31], [sflag:$0x4], $0x8, s19, s5, $0xb8;
	[tilespmem:$0x1F800] =	vst v63  }
0x337: {  	_ =	swait.ge @p4 [sflag:s11], $0x4000  }
0x338: {  	[sflag:s11] =	ssyncset.done @p4 $0x0  }
0x339: {  	[sflag:s11] =	ssyncadd.s32 @p4 $0xFFFFC000  }
0x33a: {  	_ =	swait.ge @p4 [sflag:s11], $0x400  }
0x33b: {  	[sflag:s11] =	ssyncset.done @p4 $0x0  }
0x33c: {  	s12 =	simm.s32 @!p2 $0x180;
	[sflag:s11] =	ssyncadd.s32 @p4 $0xFFFFFC00  }
0x33d: {  	[tilespmem:s17], [sflag:$0x2] =	stream.indirect.gather @!p2 [hbm4b:s1+s7], $0x80, s12, s7, $0xb8;
	[tilespmem:$0x1F800] =	vst v63  }
0x33e: {  	s12 =	simm.s32 @p1 $0x180  }
0x33f: {  	[tilespmem:s16], [sflag:$0x2] =	stream.indirect.gather @p1 [hbm4b:s2+s15], $0x80, s12, s15, $0xb8;
	[tilespmem:$0x1F800] =	vst v63  }
0x340: {  	_ =	swait.ge [sflag:s25], $0x4000  }
0x341: {  	[sflag:s25] =	ssyncset.done $0x0  }
0x342: {  	s12 =	rddreg [dreg:$0x9];
	[sflag:s25] =	ssyncadd.s32 $0xFFFFC000  }
0x343: {  	[spmem:s3] =	stream.indirect.scatter.add.f32 [tilespmem:s30], [sflag:$0x3], $0x80, s12, s28, $0xb8;
	[tilespmem:$0x1F800] =	vst v63  }
0x344: {  	_ =	swait.ge @!p4 [sflag:s6], $0x4000  }
0x345: {  	[sflag:s6] =	ssyncset.done @!p4 $0x0  }
0x346: {  	s19 =	simm.s32 @p4 $0x900;
	[sflag:s6] =	ssyncadd.s32 @!p4 $0xFFFFC000  }
0x347: {  	[spmem:s4] =	stream.indirect.scatter.add.f32 @p4 [tilespmem:s31], [sflag:$0x3], $0x8, s19, s5, $0xb8;
	[tilespmem:$0x1F800] =	vst v63  }
0x348: {  	_ =	swait.ge @p4 [sflag:s29], $0x4000  }
0x349: {  	[sflag:s29] =	ssyncset.done @p4 $0x0  }
0x34a: {  	[sflag:s29] =	ssyncadd.s32 @p4 $0xFFFFC000  }
0x34b: {  	_ =	swait.ge @p4 [sflag:s29], $0x400  }
0x34c: {  	[sflag:s29] =	ssyncset.done @p4 $0x0  }
0x34d: {  	s12 =	simm.s32 @!p2 $0x200;
	[sflag:s29] =	ssyncadd.s32 @p4 $0xFFFFFC00  }
0x34e: {  	[tilespmem:s9], [sflag:$0x1] =	stream.indirect.gather @!p2 [hbm4b:s1+s7], $0x80, s12, s7, $0xb8;
	[tilespmem:$0x1F800] =	vst v63  }
0x34f: {  	s12 =	simm.s32 @p1 $0x200  }
0x350: {  	[tilespmem:s22], [sflag:$0x1] =	stream.indirect.gather @p1 [hbm4b:s2+s15], $0x80, s12, s15, $0xb8;
	[tilespmem:$0x1F800] =	vst v63  }
0x351: {  	_ =	swait.ge [sflag:s0], $0x4000  }
0x352: {  	[sflag:s0] =	ssyncset.done $0x0  }
0x353: {  	s24 =	rddreg [dreg:$0xa];
	[sflag:s0] =	ssyncadd.s32 $0xFFFFC000  }
0x354: {  	[spmem:s3] =	stream.indirect.scatter.add.f32 [tilespmem:s10], [sflag:$0x4], $0x80, s24, s28, $0xb8;
	[tilespmem:$0x1F800] =	vst v63  }
0x355: {  	_ =	swait.ge @!p4 [sflag:s14], $0x4000  }
0x356: {  	[sflag:s14] =	ssyncset.done @!p4 $0x0  }
0x357: {  	s19 =	simm.s32 @p4 $0x980;
	[sflag:s14] =	ssyncadd.s32 @!p4 $0xFFFFC000  }
0x358: {  	[spmem:s4] =	stream.indirect.scatter.add.f32 @p4 [tilespmem:s31], [sflag:$0x4], $0x8, s19, s5, $0xb8;
	[tilespmem:$0x1F800] =	vst v63  }
0x359: {  	_ =	swait.ge @p4 [sflag:s11], $0x4000  }
0x35a: {  	[sflag:s11] =	ssyncset.done @p4 $0x0  }
0x35b: {  	[sflag:s11] =	ssyncadd.s32 @p4 $0xFFFFC000  }
0x35c: {  	_ =	swait.ge @p4 [sflag:s11], $0x400  }
0x35d: {  	[sflag:s11] =	ssyncset.done @p4 $0x0  }
0x35e: {  	s12 =	simm.s32 @!p2 $0x280;
	[sflag:s11] =	ssyncadd.s32 @p4 $0xFFFFFC00  }
0x35f: {  	[tilespmem:s17], [sflag:$0x2] =	stream.indirect.gather @!p2 [hbm4b:s1+s7], $0x80, s12, s7, $0xb8;
	[tilespmem:$0x1F800] =	vst v63  }
0x360: {  	s12 =	simm.s32 @p1 $0x280  }
0x361: {  	[tilespmem:s16], [sflag:$0x2] =	stream.indirect.gather @p1 [hbm4b:s2+s15], $0x80, s12, s15, $0xb8;
	[tilespmem:$0x1F800] =	vst v63  }
0x362: {  	_ =	swait.ge [sflag:s25], $0x4000  }
0x363: {  	[sflag:s25] =	ssyncset.done $0x0  }
0x364: {  	s12 =	rddreg [dreg:$0xb];
	[sflag:s25] =	ssyncadd.s32 $0xFFFFC000  }
0x365: {  	[spmem:s3] =	stream.indirect.scatter.add.f32 [tilespmem:s30], [sflag:$0x3], $0x80, s12, s28, $0xb8;
	[tilespmem:$0x1F800] =	vst v63  }
0x366: {  	_ =	swait.ge @!p4 [sflag:s6], $0x4000  }
0x367: {  	[sflag:s6] =	ssyncset.done @!p4 $0x0  }
0x368: {  	s19 =	simm.s32 @p4 $0xA00;
	[sflag:s6] =	ssyncadd.s32 @!p4 $0xFFFFC000  }
0x369: {  	[spmem:s4] =	stream.indirect.scatter.add.f32 @p4 [tilespmem:s31], [sflag:$0x3], $0x8, s19, s5, $0xb8;
	[tilespmem:$0x1F800] =	vst v63  }
0x36a: {  	_ =	swait.ge @p4 [sflag:s29], $0x4000  }
0x36b: {  	[sflag:s29] =	ssyncset.done @p4 $0x0  }
0x36c: {  	[sflag:s29] =	ssyncadd.s32 @p4 $0xFFFFC000  }
0x36d: {  	_ =	swait.ge @p4 [sflag:s29], $0x400  }
0x36e: {  	[sflag:s29] =	ssyncset.done @p4 $0x0  }
0x36f: {  	s12 =	simm.s32 @!p2 $0x300;
	[sflag:s29] =	ssyncadd.s32 @p4 $0xFFFFFC00  }
0x370: {  	[tilespmem:s9], [sflag:$0x1] =	stream.indirect.gather @!p2 [hbm4b:s1+s7], $0x80, s12, s7, $0xb8;
	[tilespmem:$0x1F800] =	vst v63  }
0x371: {  	s12 =	simm.s32 @p1 $0x300  }
0x372: {  	[tilespmem:s22], [sflag:$0x1] =	stream.indirect.gather @p1 [hbm4b:s2+s15], $0x80, s12, s15, $0xb8;
	[tilespmem:$0x1F800] =	vst v63  }
0x373: {  	_ =	swait.ge [sflag:s0], $0x4000  }
0x374: {  	[sflag:s0] =	ssyncset.done $0x0  }
0x375: {  	s24 =	rddreg [dreg:$0xc];
	[sflag:s0] =	ssyncadd.s32 $0xFFFFC000  }
0x376: {  	[spmem:s3] =	stream.indirect.scatter.add.f32 [tilespmem:s10], [sflag:$0x4], $0x80, s24, s28, $0xb8;
	[tilespmem:$0x1F800] =	vst v63  }
0x377: {  	_ =	swait.ge @!p4 [sflag:s14], $0x4000  }
0x378: {  	[sflag:s14] =	ssyncset.done @!p4 $0x0  }
0x379: {  	s19 =	simm.s32 @p4 $0xA80;
	[sflag:s14] =	ssyncadd.s32 @!p4 $0xFFFFC000  }
0x37a: {  	[spmem:s4] =	stream.indirect.scatter.add.f32 @p4 [tilespmem:s31], [sflag:$0x4], $0x8, s19, s5, $0xb8;
	[tilespmem:$0x1F800] =	vst v63  }
0x37b: {  	_ =	swait.ge @p4 [sflag:s11], $0x4000  }
0x37c: {  	[sflag:s11] =	ssyncset.done @p4 $0x0  }
0x37d: {  	[sflag:s11] =	ssyncadd.s32 @p4 $0xFFFFC000  }
0x37e: {  	_ =	swait.ge @p4 [sflag:s11], $0x400  }
0x37f: {  	[sflag:s11] =	ssyncset.done @p4 $0x0  }
0x380: {  	s12 =	simm.s32 @!p2 $0x380;
	[sflag:s11] =	ssyncadd.s32 @p4 $0xFFFFFC00  }
0x381: {  	[tilespmem:s17], [sflag:$0x2] =	stream.indirect.gather @!p2 [hbm4b:s1+s7], $0x80, s12, s7, $0xb8;
	[tilespmem:$0x1F800] =	vst v63  }
0x382: {  	s12 =	simm.s32 @p1 $0x380  }
0x383: {  	[tilespmem:s16], [sflag:$0x2] =	stream.indirect.gather @p1 [hbm4b:s2+s15], $0x80, s12, s15, $0xb8;
	[tilespmem:$0x1F800] =	vst v63  }
0x384: {  	_ =	swait.ge [sflag:s25], $0x4000  }
0x385: {  	[sflag:s25] =	ssyncset.done $0x0  }
0x386: {  	s12 =	rddreg [dreg:$0xd];
	[sflag:s25] =	ssyncadd.s32 $0xFFFFC000  }
0x387: {  	[spmem:s3] =	stream.indirect.scatter.add.f32 [tilespmem:s30], [sflag:$0x3], $0x80, s12, s28, $0xb8;
	[tilespmem:$0x1F800] =	vst v63  }
0x388: {  	_ =	swait.ge @!p4 [sflag:s6], $0x4000  }
0x389: {  	[sflag:s6] =	ssyncset.done @!p4 $0x0  }
0x38a: {  	s19 =	simm.s32 @p4 $0xB00;
	[sflag:s6] =	ssyncadd.s32 @!p4 $0xFFFFC000  }
0x38b: {  	[spmem:s4] =	stream.indirect.scatter.add.f32 @p4 [tilespmem:s31], [sflag:$0x3], $0x8, s19, s5, $0xb8;
	[tilespmem:$0x1F800] =	vst v63  }
0x38c: {  	_ =	swait.ge @p4 [sflag:s29], $0x4000  }
0x38d: {  	[sflag:s29] =	ssyncset.done @p4 $0x0  }
0x38e: {  	[sflag:s29] =	ssyncadd.s32 @p4 $0xFFFFC000  }
0x38f: {  	_ =	swait.ge @p4 [sflag:s29], $0x400  }
0x390: {  	[sflag:s29] =	ssyncset.done @p4 $0x0  }
0x391: {  	s12 =	simm.s32 @!p2 $0x400;
	[sflag:s29] =	ssyncadd.s32 @p4 $0xFFFFFC00  }
0x392: {  	[tilespmem:s9], [sflag:$0x1] =	stream.indirect.gather @!p2 [hbm4b:s1+s7], $0x80, s12, s7, $0xb8;
	[tilespmem:$0x1F800] =	vst v63  }
0x393: {  	s12 =	simm.s32 @p1 $0x400  }
0x394: {  	[tilespmem:s22], [sflag:$0x1] =	stream.indirect.gather @p1 [hbm4b:s2+s15], $0x80, s12, s15, $0xb8;
	[tilespmem:$0x1F800] =	vst v63  }
0x395: {  	_ =	swait.ge [sflag:s0], $0x4000  }
0x396: {  	[sflag:s0] =	ssyncset.done $0x0  }
0x397: {  	s24 =	rddreg [dreg:$0xe];
	[sflag:s0] =	ssyncadd.s32 $0xFFFFC000  }
0x398: {  	[spmem:s3] =	stream.indirect.scatter.add.f32 [tilespmem:s10], [sflag:$0x4], $0x80, s24, s28, $0xb8;
	[tilespmem:$0x1F800] =	vst v63  }
0x399: {  	_ =	swait.ge @!p4 [sflag:s14], $0x4000  }
0x39a: {  	[sflag:s14] =	ssyncset.done @!p4 $0x0  }
0x39b: {  	s19 =	simm.s32 @p4 $0xB80;
	[sflag:s14] =	ssyncadd.s32 @!p4 $0xFFFFC000  }
0x39c: {  	[spmem:s4] =	stream.indirect.scatter.add.f32 @p4 [tilespmem:s31], [sflag:$0x4], $0x8, s19, s5, $0xb8;
	[tilespmem:$0x1F800] =	vst v63  }
0x39d: {  	_ =	swait.ge @p4 [sflag:s11], $0x4000  }
0x39e: {  	[sflag:s11] =	ssyncset.done @p4 $0x0  }
0x39f: {  	[sflag:s11] =	ssyncadd.s32 @p4 $0xFFFFC000  }
0x3a0: {  	_ =	swait.ge @p4 [sflag:s11], $0x400  }
0x3a1: {  	[sflag:s11] =	ssyncset.done @p4 $0x0  }
0x3a2: {  	s12 =	simm.s32 @!p2 $0x480;
	[sflag:s11] =	ssyncadd.s32 @p4 $0xFFFFFC00  }
0x3a3: {  	[tilespmem:s17], [sflag:$0x2] =	stream.indirect.gather @!p2 [hbm4b:s1+s7], $0x80, s12, s7, $0xb8;
	[tilespmem:$0x1F800] =	vst v63  }
0x3a4: {  	s12 =	simm.s32 @p1 $0x480  }
0x3a5: {  	[tilespmem:s16], [sflag:$0x2] =	stream.indirect.gather @p1 [hbm4b:s2+s15], $0x80, s12, s15, $0xb8;
	[tilespmem:$0x1F800] =	vst v63  }
0x3a6: {  	_ =	swait.ge [sflag:s25], $0x4000  }
0x3a7: {  	[sflag:s25] =	ssyncset.done $0x0  }
0x3a8: {  	s12 =	rddreg [dreg:$0xf];
	[sflag:s25] =	ssyncadd.s32 $0xFFFFC000  }
0x3a9: {  	[spmem:s3] =	stream.indirect.scatter.add.f32 [tilespmem:s30], [sflag:$0x3], $0x80, s12, s28, $0xb8;
	[tilespmem:$0x1F800] =	vst v63  }
0x3aa: {  	_ =	swait.ge @!p4 [sflag:s6], $0x4000  }
0x3ab: {  	[sflag:s6] =	ssyncset.done @!p4 $0x0  }
0x3ac: {  	s19 =	simm.s32 @p4 $0xC00;
	[sflag:s6] =	ssyncadd.s32 @!p4 $0xFFFFC000  }
0x3ad: {  	[spmem:s4] =	stream.indirect.scatter.add.f32 @p4 [tilespmem:s31], [sflag:$0x3], $0x8, s19, s5, $0xb8;
	[tilespmem:$0x1F800] =	vst v63  }
0x3ae: {  	_ =	swait.ge @p4 [sflag:s29], $0x4000  }
0x3af: {  	[sflag:s29] =	ssyncset.done @p4 $0x0  }
0x3b0: {  	[sflag:s29] =	ssyncadd.s32 @p4 $0xFFFFC000  }
0x3b1: {  	_ =	swait.ge @p4 [sflag:s29], $0x400  }
0x3b2: {  	[sflag:s29] =	ssyncset.done @p4 $0x0  }
0x3b3: {  	s12 =	simm.s32 @!p2 $0x500;
	[sflag:s29] =	ssyncadd.s32 @p4 $0xFFFFFC00  }
0x3b4: {  	[tilespmem:s9], [sflag:$0x1] =	stream.indirect.gather @!p2 [hbm4b:s1+s7], $0x80, s12, s7, $0xb8;
	[tilespmem:$0x1F800] =	vst v63  }
0x3b5: {  	s12 =	simm.s32 @p1 $0x500  }
0x3b6: {  	[tilespmem:s22], [sflag:$0x1] =	stream.indirect.gather @p1 [hbm4b:s2+s15], $0x80, s12, s15, $0xb8;
	[tilespmem:$0x1F800] =	vst v63  }
0x3b7: {  	_ =	swait.ge [sflag:s0], $0x4000  }
0x3b8: {  	[sflag:s0] =	ssyncset.done $0x0  }
0x3b9: {  	s24 =	rddreg [dreg:$0x10];
	[sflag:s0] =	ssyncadd.s32 $0xFFFFC000  }
0x3ba: {  	[spmem:s3] =	stream.indirect.scatter.add.f32 [tilespmem:s10], [sflag:$0x4], $0x80, s24, s28, $0xb8;
	[tilespmem:$0x1F800] =	vst v63  }
0x3bb: {  	_ =	swait.ge @!p4 [sflag:s14], $0x4000  }
0x3bc: {  	[sflag:s14] =	ssyncset.done @!p4 $0x0  }
0x3bd: {  	s19 =	simm.s32 @p4 $0xC80;
	[sflag:s14] =	ssyncadd.s32 @!p4 $0xFFFFC000  }
0x3be: {  	[spmem:s4] =	stream.indirect.scatter.add.f32 @p4 [tilespmem:s31], [sflag:$0x4], $0x8, s19, s5, $0xb8;
	[tilespmem:$0x1F800] =	vst v63  }
0x3bf: {  	_ =	swait.ge @p4 [sflag:s11], $0x4000  }
0x3c0: {  	[sflag:s11] =	ssyncset.done @p4 $0x0  }
0x3c1: {  	[sflag:s11] =	ssyncadd.s32 @p4 $0xFFFFC000  }
0x3c2: {  	_ =	swait.ge @p4 [sflag:s11], $0x400  }
0x3c3: {  	[sflag:s11] =	ssyncset.done @p4 $0x0  }
0x3c4: {  	s12 =	simm.s32 @!p2 $0x580;
	[sflag:s11] =	ssyncadd.s32 @p4 $0xFFFFFC00  }
0x3c5: {  	[tilespmem:s17], [sflag:$0x2] =	stream.indirect.gather @!p2 [hbm4b:s1+s7], $0x80, s12, s7, $0xb8;
	[tilespmem:$0x1F800] =	vst v63  }
0x3c6: {  	s12 =	simm.s32 @p1 $0x580  }
0x3c7: {  	[tilespmem:s16], [sflag:$0x2] =	stream.indirect.gather @p1 [hbm4b:s2+s15], $0x80, s12, s15, $0xb8;
	[tilespmem:$0x1F800] =	vst v63  }
0x3c8: {  	_ =	swait.ge [sflag:s25], $0x4000  }
0x3c9: {  	[sflag:s25] =	ssyncset.done $0x0  }
0x3ca: {  	s12 =	rddreg [dreg:$0x11];
	[sflag:s25] =	ssyncadd.s32 $0xFFFFC000  }
0x3cb: {  	[spmem:s3] =	stream.indirect.scatter.add.f32 [tilespmem:s30], [sflag:$0x3], $0x80, s12, s28, $0xb8;
	[tilespmem:$0x1F800] =	vst v63  }
0x3cc: {  	_ =	swait.ge @!p4 [sflag:s6], $0x4000  }
0x3cd: {  	[sflag:s6] =	ssyncset.done @!p4 $0x0  }
0x3ce: {  	s19 =	simm.s32 @p4 $0xD00;
	[sflag:s6] =	ssyncadd.s32 @!p4 $0xFFFFC000  }
0x3cf: {  	[spmem:s4] =	stream.indirect.scatter.add.f32 @p4 [tilespmem:s31], [sflag:$0x3], $0x8, s19, s5, $0xb8;
	[tilespmem:$0x1F800] =	vst v63  }
0x3d0: {  	_ =	swait.ge @p4 [sflag:s29], $0x4000  }
0x3d1: {  	[sflag:s29] =	ssyncset.done @p4 $0x0  }
0x3d2: {  	[sflag:s29] =	ssyncadd.s32 @p4 $0xFFFFC000  }
0x3d3: {  	_ =	swait.ge @p4 [sflag:s29], $0x400  }
0x3d4: {  	[sflag:s29] =	ssyncset.done @p4 $0x0  }
0x3d5: {  	s12 =	simm.s32 @!p2 $0x600;
	[sflag:s29] =	ssyncadd.s32 @p4 $0xFFFFFC00  }
0x3d6: {  	[tilespmem:s9], [sflag:$0x1] =	stream.indirect.gather @!p2 [hbm4b:s1+s7], $0x80, s12, s7, $0xb8;
	[tilespmem:$0x1F800] =	vst v63  }
0x3d7: {  	s12 =	simm.s32 @p1 $0x600  }
0x3d8: {  	[tilespmem:s22], [sflag:$0x1] =	stream.indirect.gather @p1 [hbm4b:s2+s15], $0x80, s12, s15, $0xb8;
	[tilespmem:$0x1F800] =	vst v63  }
0x3d9: {  	_ =	swait.ge [sflag:s0], $0x4000  }
0x3da: {  	[sflag:s0] =	ssyncset.done $0x0  }
0x3db: {  	s24 =	rddreg [dreg:$0x12];
	[sflag:s0] =	ssyncadd.s32 $0xFFFFC000  }
0x3dc: {  	[spmem:s3] =	stream.indirect.scatter.add.f32 [tilespmem:s10], [sflag:$0x4], $0x80, s24, s28, $0xb8;
	[tilespmem:$0x1F800] =	vst v63  }
0x3dd: {  	_ =	swait.ge @!p4 [sflag:s14], $0x4000  }
0x3de: {  	[sflag:s14] =	ssyncset.done @!p4 $0x0  }
0x3df: {  	s19 =	simm.s32 @p4 $0xD80;
	[sflag:s14] =	ssyncadd.s32 @!p4 $0xFFFFC000  }
0x3e0: {  	[spmem:s4] =	stream.indirect.scatter.add.f32 @p4 [tilespmem:s31], [sflag:$0x4], $0x8, s19, s5, $0xb8;
	[tilespmem:$0x1F800] =	vst v63  }
0x3e1: {  	_ =	swait.ge @p4 [sflag:s11], $0x4000  }
0x3e2: {  	[sflag:s11] =	ssyncset.done @p4 $0x0  }
0x3e3: {  	[sflag:s11] =	ssyncadd.s32 @p4 $0xFFFFC000  }
0x3e4: {  	_ =	swait.ge @p4 [sflag:s11], $0x400  }
0x3e5: {  	[sflag:s11] =	ssyncset.done @p4 $0x0  }
0x3e6: {  	s12 =	simm.s32 @!p2 $0x680;
	[sflag:s11] =	ssyncadd.s32 @p4 $0xFFFFFC00  }
0x3e7: {  	[tilespmem:s17], [sflag:$0x2] =	stream.indirect.gather @!p2 [hbm4b:s1+s7], $0x80, s12, s7, $0xb8;
	[tilespmem:$0x1F800] =	vst v63  }
0x3e8: {  	s12 =	simm.s32 @p1 $0x680  }
0x3e9: {  	[tilespmem:s16], [sflag:$0x2] =	stream.indirect.gather @p1 [hbm4b:s2+s15], $0x80, s12, s15, $0xb8;
	[tilespmem:$0x1F800] =	vst v63  }
0x3ea: {  	_ =	swait.ge [sflag:s25], $0x4000  }
0x3eb: {  	[sflag:s25] =	ssyncset.done $0x0  }
0x3ec: {  	s12 =	rddreg [dreg:$0x13];
	[sflag:s25] =	ssyncadd.s32 $0xFFFFC000  }
0x3ed: {  	[spmem:s3] =	stream.indirect.scatter.add.f32 [tilespmem:s30], [sflag:$0x3], $0x80, s12, s28, $0xb8;
	[tilespmem:$0x1F800] =	vst v63  }
0x3ee: {  	_ =	swait.ge @!p4 [sflag:s6], $0x4000  }
0x3ef: {  	[sflag:s6] =	ssyncset.done @!p4 $0x0  }
0x3f0: {  	s19 =	simm.s32 @p4 $0xE00;
	[sflag:s6] =	ssyncadd.s32 @!p4 $0xFFFFC000  }
0x3f1: {  	[spmem:s4] =	stream.indirect.scatter.add.f32 @p4 [tilespmem:s31], [sflag:$0x3], $0x8, s19, s5, $0xb8;
	[tilespmem:$0x1F800] =	vst v63  }
0x3f2: {  	_ =	swait.ge @p4 [sflag:s29], $0x4000  }
0x3f3: {  	[sflag:s29] =	ssyncset.done @p4 $0x0  }
0x3f4: {  	[sflag:s29] =	ssyncadd.s32 @p4 $0xFFFFC000  }
0x3f5: {  	_ =	swait.ge @p4 [sflag:s29], $0x400  }
0x3f6: {  	[sflag:s29] =	ssyncset.done @p4 $0x0  }
0x3f7: {  	s12 =	simm.s32 @!p2 $0x700;
	[sflag:s29] =	ssyncadd.s32 @p4 $0xFFFFFC00  }
0x3f8: {  	[tilespmem:s9], [sflag:$0x1] =	stream.indirect.gather @!p2 [hbm4b:s1+s7], $0x80, s12, s7, $0xb8;
	[tilespmem:$0x1F800] =	vst v63  }
0x3f9: {  	s12 =	simm.s32 @p1 $0x700  }
0x3fa: {  	[tilespmem:s22], [sflag:$0x1] =	stream.indirect.gather @p1 [hbm4b:s2+s15], $0x80, s12, s15, $0xb8;
	[tilespmem:$0x1F800] =	vst v63  }
0x3fb: {  	_ =	swait.ge [sflag:s0], $0x4000  }
0x3fc: {  	[sflag:s0] =	ssyncset.done $0x0  }
0x3fd: {  	s24 =	rddreg [dreg:$0x14];
	[sflag:s0] =	ssyncadd.s32 $0xFFFFC000  }
0x3fe: {  	[spmem:s3] =	stream.indirect.scatter.add.f32 [tilespmem:s10], [sflag:$0x4], $0x80, s24, s28, $0xb8;
	[tilespmem:$0x1F800] =	vst v63  }
0x3ff: {  	_ =	swait.ge @!p4 [sflag:s14], $0x4000  }
0x400: {  	[sflag:s14] =	ssyncset.done @!p4 $0x0  }
0x401: {  	s19 =	simm.s32 @p4 $0xE80;
	[sflag:s14] =	ssyncadd.s32 @!p4 $0xFFFFC000  }
0x402: {  	[spmem:s4] =	stream.indirect.scatter.add.f32 @p4 [tilespmem:s31], [sflag:$0x4], $0x8, s19, s5, $0xb8;
	[tilespmem:$0x1F800] =	vst v63  }
0x403: {  	_ =	swait.ge @p4 [sflag:s11], $0x4000  }
0x404: {  	[sflag:s11] =	ssyncset.done @p4 $0x0  }
0x405: {  	[sflag:s11] =	ssyncadd.s32 @p4 $0xFFFFC000  }
0x406: {  	_ =	swait.ge @p4 [sflag:s11], $0x400  }
0x407: {  	[sflag:s11] =	ssyncset.done @p4 $0x0  }
0x408: {  	s12 =	simm.s32 @!p2 $0x780;
	[sflag:s11] =	ssyncadd.s32 @p4 $0xFFFFFC00  }
0x409: {  	[tilespmem:s17], [sflag:$0x2] =	stream.indirect.gather @!p2 [hbm4b:s1+s7], $0x80, s12, s7, $0xb8;
	[tilespmem:$0x1F800] =	vst v63  }
0x40a: {  	s12 =	simm.s32 @p1 $0x780  }
0x40b: {  	[tilespmem:s16], [sflag:$0x2] =	stream.indirect.gather @p1 [hbm4b:s2+s15], $0x80, s12, s15, $0xb8;
	[tilespmem:$0x1F800] =	vst v63  }
0x40c: {  	_ =	swait.ge [sflag:s25], $0x4000  }
0x40d: {  	[sflag:s25] =	ssyncset.done $0x0  }
0x40e: {  	s12 =	rddreg [dreg:$0x15];
	[sflag:s25] =	ssyncadd.s32 $0xFFFFC000  }
0x40f: {  	[spmem:s3] =	stream.indirect.scatter.add.f32 [tilespmem:s30], [sflag:$0x3], $0x80, s12, s28, $0xb8;
	[tilespmem:$0x1F800] =	vst v63  }
0x410: {  	s24 =	simm.s32 @p4 $0xF00;
	s19 =	simm.s32 @p4 $0x2  }
0x411: {  	[spmem:s4] =	stream.indirect.scatter.add.f32 @p4 [tilespmem:s31], [sflag:$0x3], $0x8, s24, s5, $0xb8;
	[tilespmem:$0x1F800] =	vst v63  }
0x412: {  	_ =	swait.ge @p4 [sflag:s19], $0x4000  }
0x413: {  	[sflag:s19] =	ssyncset.done @p4 $0x0  }
0x414: {  	s12 =	simm.s32 @p4 $0x6000;
	s24 =	simm.s32 @p4 $0xF80;
	[sflag:s19] =	ssyncadd.s32 @p4 $0xFFFFC000  }
0x415: {  	[spmem:s3] =	stream.indirect.scatter.add.f32 @p4 [tilespmem:s12], [sflag:$0x4], $0x80, s24, s5, $0xb8;
	[tilespmem:$0x1F800] =	vst v63  }
0x416: {  	_ = 	snop  }
0x417: {  	[spmem:s4] =	stream.indirect.scatter.add.f32 @p4 [tilespmem:s31], [sflag:$0x4], $0x8, s24, s5, $0xb8;
	[tilespmem:$0x1F800] =	vst v63  }
0x418: {  	_ =	swait.ge @p4 [sflag:s29], $0x4000  }
0x419: {  	[sflag:s29] =	ssyncset.done @p4 $0x0  }
0x41a: {  	[sflag:s29] =	ssyncadd.s32 @p4 $0xFFFFC000  }
0x41b: {  	_ =	swait.ge @p4 [sflag:s29], $0x400  }
0x41c: {  	[sflag:s29] =	ssyncset.done @p4 $0x0  }
0x41d: {  	[sflag:s29] =	ssyncadd.s32 @p4 $0xFFFFFC00  }
0x41e: {  	_ =	swait.ge @p4 [sflag:s11], $0x4000  }
0x41f: {  	[sflag:s11] =	ssyncset.done @p4 $0x0  }
0x420: {  	[sflag:s11] =	ssyncadd.s32 @p4 $0xFFFFC000  }
0x421: {  	_ =	swait.ge @p4 [sflag:s11], $0x400  }
0x422: {  	[sflag:s11] =	ssyncset.done @p4 $0x0  }
0x423: {  	s5 =	simm.s32 @!p4 $0x2;
	[sflag:s11] =	ssyncadd.s32 @p4 $0xFFFFFC00  }
0x424: {  	_ =	swait.ge @!p4 [sflag:s5], $0x4000  }
0x425: {  	s19 =	simm.s32 @!p4 $0xF80;
	[sflag:s5] =	ssyncset.done @!p4 $0x0  }
0x426: {  	s12 =	simm.s32 @!p4 $0x80;
	s11 =	simm.s32 @!p4 $0x6000;
	[sflag:s5] =	ssyncadd.s32 @!p4 $0xFFFFC000  }
0x427: {  	[spmem:s3] =	stream.indirect.scatter.add.f32 @!p4 [tilespmem:s11], [sflag:$0x4], $0x80, s19, s12, $0xb8;
	[tilespmem:$0x1F800] =	vst v63  }
0x428: {  	_ =	swait.ge @!p4 [sflag:s6], $0x4000  }
0x429: {  	[sflag:s6] =	ssyncset.done @!p4 $0x0  }
0x42a: {  	[sflag:s6] =	ssyncadd.s32 @!p4 $0xFFFFC000  }
0x42b: {  	_ =	swait.ge @!p4 [sflag:s14], $0x4000  }
0x42c: {  	[sflag:s14] =	ssyncset.done @!p4 $0x0  }
0x42d: {  	[sflag:s14] =	ssyncadd.s32 @!p4 $0xFFFFC000  }
0x42e: {  	_ =	swait.ge [sflag:s13], $0x800  }
0x42f: {  	[sflag:s13] =	ssyncset.done $0x0  }
0x430: {  	s31 =	smov.u32 s18;
	[sflag:s13] =	ssyncadd.s32 $0xFFFFF800  }
0x431: {  	s18 =	smov.u32 s23;
	p4 =	seq.s32 s26, $0x800;
	_ =	swait.ge [sflag:s13], $0x800  }
0x432: {  	s5 =	sadd.s32 @!p4 s26, s31;
	s6 =	sadd.s32 @!p4 s26, s18;
	[sflag:s13] =	ssyncset.done $0x0  }
0x433: {  	s11 =	simm.s32 @!p4 $0x0;
	s5 =	sadd.s32 @!p4 $0x200, s5;
	[sflag:s13] =	ssyncadd.s32 $0xFFFFF800  }
0x434: {  	[tilespmem:s11], [sflag:$0x5] =	stream.linear.gather @!p4 [hbm4b:s5+s11], $0x800, $0x38;
	[tilespmem:$0x1F800] =	vst v63  }
0x435: {  	s12 =	simm.s32 @!p4 $0x800;
	s6 =	sadd.s32 @!p4 $0x200, s6  }
0x436: {  	[tilespmem:s12], [sflag:$0x5] =	stream.linear.gather @!p4 [hbm4b:s6+s11], $0x800, $0x38;
	[tilespmem:$0x1F800] =	vst v63  }
0x437: {  	s5 =	simm.s32 @!p2 $0x1000  }
0x438: {  	[tilespmem:s9], [sflag:$0x1] =	stream.indirect.gather @!p2 [hbm4b:s1+s7], $0x80, s5, s7, $0xb8;
	[tilespmem:$0x1F800] =	vst v63  }
0x439: {  	s21 =	sadd.s32 $0x2, s21;
	s5 =	simm.s32 @p1 $0x1000  }
0x43a: {  	[tilespmem:s22], [sflag:$0x1] =	stream.indirect.gather @p1 [hbm4b:s2+s15], $0x80, s5, s15, $0xb8;
	[tilespmem:$0x1F800] =	vst v63  }
0x43b: {  	p6 =	sgt.u32 s8, $0x1;
	p5 =	slt.u32 s21, $0x5;
	s5 =	simm.s32 @!p2 $0x1080  }
0x43c: {  	[tilespmem:s17], [sflag:$0x2] =	stream.indirect.gather @!p2 [hbm4b:s1+s7], $0x80, s5, s7, $0xb8;
	[tilespmem:$0x1F800] =	vst v63  }
0x43d: {  	p4 =	por !p0, !p5;
	p5 =	por !p6, !p1;
	s5 =	simm.s32 @p1 $0x1080  }
0x43e: {  	[tilespmem:s16], [sflag:$0x2] =	stream.indirect.gather @p1 [hbm4b:s2+s15], $0x80, s5, s15, $0xb8;
	[tilespmem:$0x1F800] =	vst v63  }
0x43f: {  	p4 =	por !p4, !p4;
	p5 =	por !p5, !p5;
	_ =	swait.ge [sflag:s25], $0x4000  }
0x440: {  	p4 =	por p5, p4;
	[sflag:s25] =	ssyncset.done $0x0  }
0x441: {  	s12 =	simm.s32 $0x1800;
	s14 =	simm.s32 @!p4 $0x3;
	[sflag:s25] =	ssyncadd.s32 $0xFFFFC000  }
0x442: {  	[spmem:s3] =	stream.indirect.scatter.add.f32 [tilespmem:s30], [sflag:$0x3], $0x80, s12, s28, $0xb8;
	[tilespmem:$0x1F800] =	vst v63  }
0x443: {  	_ =	swait.ge @!p4 [sflag:s14], $0x4000  }
0x444: {  	s29 =	simm.s32 @p4 $0xA000;
	s6 =	simm.s32 @p4 $0x1800;
	[sflag:s14] =	ssyncset.done @!p4 $0x0  }
0x445: {  	s26 =	simm.s32 @p4 $0x3;
	s5 =	simm.s32 @p4 $0x80;
	[sflag:s14] =	ssyncadd.s32 @!p4 $0xFFFFC000  }
0x446: {  	[spmem:s4] =	stream.indirect.scatter.add.f32 @p4 [tilespmem:s29], [sflag:$0x3], $0x8, s6, s5, $0xb8;
	[tilespmem:$0x1F800] =	vst v63  }
0x447: {  	_ =	swait.ge @p4 [sflag:s26], $0x4000  }
0x448: {  	[sflag:s26] =	ssyncset.done @p4 $0x0  }
0x449: {  	[sflag:s26] =	ssyncadd.s32 @p4 $0xFFFFC000  }
0x44a: {  	_ =	swait.ge @p4 [sflag:s26], $0x400  }
0x44b: {  	[sflag:s26] =	ssyncset.done @p4 $0x0  }
0x44c: {  	s6 =	simm.s32 @!p2 $0x1100;
	[sflag:s26] =	ssyncadd.s32 @p4 $0xFFFFFC00  }
0x44d: {  	[tilespmem:s9], [sflag:$0x1] =	stream.indirect.gather @!p2 [hbm4b:s1+s7], $0x80, s6, s7, $0xb8;
	[tilespmem:$0x1F800] =	vst v63  }
0x44e: {  	s6 =	simm.s32 @p1 $0x1100  }
0x44f: {  	[tilespmem:s22], [sflag:$0x1] =	stream.indirect.gather @p1 [hbm4b:s2+s15], $0x80, s6, s15, $0xb8;
	[tilespmem:$0x1F800] =	vst v63  }
0x450: {  	_ =	swait.ge [sflag:s0], $0x4000  }
0x451: {  	[sflag:s0] =	ssyncset.done $0x0  }
0x452: {  	s6 =	simm.s32 @!p4 $0x4;
	s19 =	rddreg [dreg:$0x16];
	[sflag:s0] =	ssyncadd.s32 $0xFFFFC000  }
0x453: {  	[spmem:s3] =	stream.indirect.scatter.add.f32 [tilespmem:s10], [sflag:$0x4], $0x80, s19, s28, $0xb8;
	[tilespmem:$0x1F800] =	vst v63  }
0x454: {  	_ =	swait.ge @!p4 [sflag:s6], $0x4000  }
0x455: {  	[sflag:s6] =	ssyncset.done @!p4 $0x0  }
0x456: {  	s11 =	simm.s32 @p4 $0x4;
	s12 =	simm.s32 @p4 $0x1880;
	[sflag:s6] =	ssyncadd.s32 @!p4 $0xFFFFC000  }
0x457: {  	[spmem:s4] =	stream.indirect.scatter.add.f32 @p4 [tilespmem:s29], [sflag:$0x4], $0x8, s12, s5, $0xb8;
	[tilespmem:$0x1F800] =	vst v63  }
0x458: {  	_ =	swait.ge @p4 [sflag:s11], $0x4000  }
0x459: {  	[sflag:s11] =	ssyncset.done @p4 $0x0  }
0x45a: {  	[sflag:s11] =	ssyncadd.s32 @p4 $0xFFFFC000  }
0x45b: {  	_ =	swait.ge @p4 [sflag:s11], $0x400  }
0x45c: {  	[sflag:s11] =	ssyncset.done @p4 $0x0  }
0x45d: {  	s12 =	simm.s32 @!p2 $0x1180;
	[sflag:s11] =	ssyncadd.s32 @p4 $0xFFFFFC00  }
0x45e: {  	[tilespmem:s17], [sflag:$0x2] =	stream.indirect.gather @!p2 [hbm4b:s1+s7], $0x80, s12, s7, $0xb8;
	[tilespmem:$0x1F800] =	vst v63  }
0x45f: {  	s12 =	simm.s32 @p1 $0x1180  }
0x460: {  	[tilespmem:s16], [sflag:$0x2] =	stream.indirect.gather @p1 [hbm4b:s2+s15], $0x80, s12, s15, $0xb8;
	[tilespmem:$0x1F800] =	vst v63  }
0x461: {  	_ =	swait.ge [sflag:s25], $0x4000  }
0x462: {  	[sflag:s25] =	ssyncset.done $0x0  }
0x463: {  	s24 =	rddreg [dreg:$0x17];
	[sflag:s25] =	ssyncadd.s32 $0xFFFFC000  }
0x464: {  	[spmem:s3] =	stream.indirect.scatter.add.f32 [tilespmem:s30], [sflag:$0x3], $0x80, s24, s28, $0xb8;
	[tilespmem:$0x1F800] =	vst v63  }
0x465: {  	_ =	swait.ge @!p4 [sflag:s14], $0x4000  }
0x466: {  	[sflag:s14] =	ssyncset.done @!p4 $0x0  }
0x467: {  	s12 =	simm.s32 @p4 $0x1900;
	[sflag:s14] =	ssyncadd.s32 @!p4 $0xFFFFC000  }
0x468: {  	[spmem:s4] =	stream.indirect.scatter.add.f32 @p4 [tilespmem:s29], [sflag:$0x3], $0x8, s12, s5, $0xb8;
	[tilespmem:$0x1F800] =	vst v63  }
0x469: {  	_ =	swait.ge @p4 [sflag:s26], $0x4000  }
0x46a: {  	[sflag:s26] =	ssyncset.done @p4 $0x0  }
0x46b: {  	[sflag:s26] =	ssyncadd.s32 @p4 $0xFFFFC000  }
0x46c: {  	_ =	swait.ge @p4 [sflag:s26], $0x400  }
0x46d: {  	[sflag:s26] =	ssyncset.done @p4 $0x0  }
0x46e: {  	s12 =	simm.s32 @!p2 $0x1200;
	[sflag:s26] =	ssyncadd.s32 @p4 $0xFFFFFC00  }
0x46f: {  	[tilespmem:s9], [sflag:$0x1] =	stream.indirect.gather @!p2 [hbm4b:s1+s7], $0x80, s12, s7, $0xb8;
	[tilespmem:$0x1F800] =	vst v63  }
0x470: {  	s12 =	simm.s32 @p1 $0x1200  }
0x471: {  	[tilespmem:s22], [sflag:$0x1] =	stream.indirect.gather @p1 [hbm4b:s2+s15], $0x80, s12, s15, $0xb8;
	[tilespmem:$0x1F800] =	vst v63  }
0x472: {  	_ =	swait.ge [sflag:s0], $0x4000  }
0x473: {  	[sflag:s0] =	ssyncset.done $0x0  }
0x474: {  	s19 =	rddreg [dreg:$0x18];
	[sflag:s0] =	ssyncadd.s32 $0xFFFFC000  }
0x475: {  	[spmem:s3] =	stream.indirect.scatter.add.f32 [tilespmem:s10], [sflag:$0x4], $0x80, s19, s28, $0xb8;
	[tilespmem:$0x1F800] =	vst v63  }
0x476: {  	_ =	swait.ge @!p4 [sflag:s6], $0x4000  }
0x477: {  	[sflag:s6] =	ssyncset.done @!p4 $0x0  }
0x478: {  	s12 =	simm.s32 @p4 $0x1980;
	[sflag:s6] =	ssyncadd.s32 @!p4 $0xFFFFC000  }
0x479: {  	[spmem:s4] =	stream.indirect.scatter.add.f32 @p4 [tilespmem:s29], [sflag:$0x4], $0x8, s12, s5, $0xb8;
	[tilespmem:$0x1F800] =	vst v63  }
0x47a: {  	_ =	swait.ge @p4 [sflag:s11], $0x4000  }
0x47b: {  	[sflag:s11] =	ssyncset.done @p4 $0x0  }
0x47c: {  	[sflag:s11] =	ssyncadd.s32 @p4 $0xFFFFC000  }
0x47d: {  	_ =	swait.ge @p4 [sflag:s11], $0x400  }
0x47e: {  	[sflag:s11] =	ssyncset.done @p4 $0x0  }
0x47f: {  	s12 =	simm.s32 @!p2 $0x1280;
	[sflag:s11] =	ssyncadd.s32 @p4 $0xFFFFFC00  }
0x480: {  	[tilespmem:s17], [sflag:$0x2] =	stream.indirect.gather @!p2 [hbm4b:s1+s7], $0x80, s12, s7, $0xb8;
	[tilespmem:$0x1F800] =	vst v63  }
0x481: {  	s12 =	simm.s32 @p1 $0x1280  }
0x482: {  	[tilespmem:s16], [sflag:$0x2] =	stream.indirect.gather @p1 [hbm4b:s2+s15], $0x80, s12, s15, $0xb8;
	[tilespmem:$0x1F800] =	vst v63  }
0x483: {  	_ =	swait.ge [sflag:s25], $0x4000  }
0x484: {  	[sflag:s25] =	ssyncset.done $0x0  }
0x485: {  	s24 =	rddreg [dreg:$0x19];
	[sflag:s25] =	ssyncadd.s32 $0xFFFFC000  }
0x486: {  	[spmem:s3] =	stream.indirect.scatter.add.f32 [tilespmem:s30], [sflag:$0x3], $0x80, s24, s28, $0xb8;
	[tilespmem:$0x1F800] =	vst v63  }
0x487: {  	_ =	swait.ge @!p4 [sflag:s14], $0x4000  }
0x488: {  	[sflag:s14] =	ssyncset.done @!p4 $0x0  }
0x489: {  	s12 =	simm.s32 @p4 $0x1A00;
	[sflag:s14] =	ssyncadd.s32 @!p4 $0xFFFFC000  }
0x48a: {  	[spmem:s4] =	stream.indirect.scatter.add.f32 @p4 [tilespmem:s29], [sflag:$0x3], $0x8, s12, s5, $0xb8;
	[tilespmem:$0x1F800] =	vst v63  }
0x48b: {  	_ =	swait.ge @p4 [sflag:s26], $0x4000  }
0x48c: {  	[sflag:s26] =	ssyncset.done @p4 $0x0  }
0x48d: {  	[sflag:s26] =	ssyncadd.s32 @p4 $0xFFFFC000  }
0x48e: {  	_ =	swait.ge @p4 [sflag:s26], $0x400  }
0x48f: {  	[sflag:s26] =	ssyncset.done @p4 $0x0  }
0x490: {  	s12 =	simm.s32 @!p2 $0x1300;
	[sflag:s26] =	ssyncadd.s32 @p4 $0xFFFFFC00  }
0x491: {  	[tilespmem:s9], [sflag:$0x1] =	stream.indirect.gather @!p2 [hbm4b:s1+s7], $0x80, s12, s7, $0xb8;
	[tilespmem:$0x1F800] =	vst v63  }
0x492: {  	s12 =	simm.s32 @p1 $0x1300  }
0x493: {  	[tilespmem:s22], [sflag:$0x1] =	stream.indirect.gather @p1 [hbm4b:s2+s15], $0x80, s12, s15, $0xb8;
	[tilespmem:$0x1F800] =	vst v63  }
0x494: {  	_ =	swait.ge [sflag:s0], $0x4000  }
0x495: {  	[sflag:s0] =	ssyncset.done $0x0  }
0x496: {  	s19 =	rddreg [dreg:$0x1a];
	[sflag:s0] =	ssyncadd.s32 $0xFFFFC000  }
0x497: {  	[spmem:s3] =	stream.indirect.scatter.add.f32 [tilespmem:s10], [sflag:$0x4], $0x80, s19, s28, $0xb8;
	[tilespmem:$0x1F800] =	vst v63  }
0x498: {  	_ =	swait.ge @!p4 [sflag:s6], $0x4000  }
0x499: {  	[sflag:s6] =	ssyncset.done @!p4 $0x0  }
0x49a: {  	s12 =	simm.s32 @p4 $0x1A80;
	[sflag:s6] =	ssyncadd.s32 @!p4 $0xFFFFC000  }
0x49b: {  	[spmem:s4] =	stream.indirect.scatter.add.f32 @p4 [tilespmem:s29], [sflag:$0x4], $0x8, s12, s5, $0xb8;
	[tilespmem:$0x1F800] =	vst v63  }
0x49c: {  	_ =	swait.ge @p4 [sflag:s11], $0x4000  }
0x49d: {  	[sflag:s11] =	ssyncset.done @p4 $0x0  }
0x49e: {  	[sflag:s11] =	ssyncadd.s32 @p4 $0xFFFFC000  }
0x49f: {  	_ =	swait.ge @p4 [sflag:s11], $0x400  }
0x4a0: {  	[sflag:s11] =	ssyncset.done @p4 $0x0  }
0x4a1: {  	s12 =	simm.s32 @!p2 $0x1380;
	[sflag:s11] =	ssyncadd.s32 @p4 $0xFFFFFC00  }
0x4a2: {  	[tilespmem:s17], [sflag:$0x2] =	stream.indirect.gather @!p2 [hbm4b:s1+s7], $0x80, s12, s7, $0xb8;
	[tilespmem:$0x1F800] =	vst v63  }
0x4a3: {  	s12 =	simm.s32 @p1 $0x1380  }
0x4a4: {  	[tilespmem:s16], [sflag:$0x2] =	stream.indirect.gather @p1 [hbm4b:s2+s15], $0x80, s12, s15, $0xb8;
	[tilespmem:$0x1F800] =	vst v63  }
0x4a5: {  	_ =	swait.ge [sflag:s25], $0x4000  }
0x4a6: {  	[sflag:s25] =	ssyncset.done $0x0  }
0x4a7: {  	s24 =	rddreg [dreg:$0x1b];
	[sflag:s25] =	ssyncadd.s32 $0xFFFFC000  }
0x4a8: {  	[spmem:s3] =	stream.indirect.scatter.add.f32 [tilespmem:s30], [sflag:$0x3], $0x80, s24, s28, $0xb8;
	[tilespmem:$0x1F800] =	vst v63  }
0x4a9: {  	_ =	swait.ge @!p4 [sflag:s14], $0x4000  }
0x4aa: {  	[sflag:s14] =	ssyncset.done @!p4 $0x0  }
0x4ab: {  	s12 =	simm.s32 @p4 $0x1B00;
	[sflag:s14] =	ssyncadd.s32 @!p4 $0xFFFFC000  }
0x4ac: {  	[spmem:s4] =	stream.indirect.scatter.add.f32 @p4 [tilespmem:s29], [sflag:$0x3], $0x8, s12, s5, $0xb8;
	[tilespmem:$0x1F800] =	vst v63  }
0x4ad: {  	_ =	swait.ge @p4 [sflag:s26], $0x4000  }
0x4ae: {  	[sflag:s26] =	ssyncset.done @p4 $0x0  }
0x4af: {  	[sflag:s26] =	ssyncadd.s32 @p4 $0xFFFFC000  }
0x4b0: {  	_ =	swait.ge @p4 [sflag:s26], $0x400  }
0x4b1: {  	[sflag:s26] =	ssyncset.done @p4 $0x0  }
0x4b2: {  	s12 =	simm.s32 @!p2 $0x1400;
	[sflag:s26] =	ssyncadd.s32 @p4 $0xFFFFFC00  }
0x4b3: {  	[tilespmem:s9], [sflag:$0x1] =	stream.indirect.gather @!p2 [hbm4b:s1+s7], $0x80, s12, s7, $0xb8;
	[tilespmem:$0x1F800] =	vst v63  }
0x4b4: {  	s12 =	simm.s32 @p1 $0x1400  }
0x4b5: {  	[tilespmem:s22], [sflag:$0x1] =	stream.indirect.gather @p1 [hbm4b:s2+s15], $0x80, s12, s15, $0xb8;
	[tilespmem:$0x1F800] =	vst v63  }
0x4b6: {  	_ =	swait.ge [sflag:s0], $0x4000  }
0x4b7: {  	[sflag:s0] =	ssyncset.done $0x0  }
0x4b8: {  	s19 =	rddreg [dreg:$0x1c];
	[sflag:s0] =	ssyncadd.s32 $0xFFFFC000  }
0x4b9: {  	[spmem:s3] =	stream.indirect.scatter.add.f32 [tilespmem:s10], [sflag:$0x4], $0x80, s19, s28, $0xb8;
	[tilespmem:$0x1F800] =	vst v63  }
0x4ba: {  	_ =	swait.ge @!p4 [sflag:s6], $0x4000  }
0x4bb: {  	[sflag:s6] =	ssyncset.done @!p4 $0x0  }
0x4bc: {  	s12 =	simm.s32 @p4 $0x1B80;
	[sflag:s6] =	ssyncadd.s32 @!p4 $0xFFFFC000  }
0x4bd: {  	[spmem:s4] =	stream.indirect.scatter.add.f32 @p4 [tilespmem:s29], [sflag:$0x4], $0x8, s12, s5, $0xb8;
	[tilespmem:$0x1F800] =	vst v63  }
0x4be: {  	_ =	swait.ge @p4 [sflag:s11], $0x4000  }
0x4bf: {  	[sflag:s11] =	ssyncset.done @p4 $0x0  }
0x4c0: {  	[sflag:s11] =	ssyncadd.s32 @p4 $0xFFFFC000  }
0x4c1: {  	_ =	swait.ge @p4 [sflag:s11], $0x400  }
0x4c2: {  	[sflag:s11] =	ssyncset.done @p4 $0x0  }
0x4c3: {  	s12 =	simm.s32 @!p2 $0x1480;
	[sflag:s11] =	ssyncadd.s32 @p4 $0xFFFFFC00  }
0x4c4: {  	[tilespmem:s17], [sflag:$0x2] =	stream.indirect.gather @!p2 [hbm4b:s1+s7], $0x80, s12, s7, $0xb8;
	[tilespmem:$0x1F800] =	vst v63  }
0x4c5: {  	s12 =	simm.s32 @p1 $0x1480  }
0x4c6: {  	[tilespmem:s16], [sflag:$0x2] =	stream.indirect.gather @p1 [hbm4b:s2+s15], $0x80, s12, s15, $0xb8;
	[tilespmem:$0x1F800] =	vst v63  }
0x4c7: {  	_ =	swait.ge [sflag:s25], $0x4000  }
0x4c8: {  	[sflag:s25] =	ssyncset.done $0x0  }
0x4c9: {  	s24 =	rddreg [dreg:$0x1d];
	[sflag:s25] =	ssyncadd.s32 $0xFFFFC000  }
0x4ca: {  	[spmem:s3] =	stream.indirect.scatter.add.f32 [tilespmem:s30], [sflag:$0x3], $0x80, s24, s28, $0xb8;
	[tilespmem:$0x1F800] =	vst v63  }
0x4cb: {  	_ =	swait.ge @!p4 [sflag:s14], $0x4000  }
0x4cc: {  	[sflag:s14] =	ssyncset.done @!p4 $0x0  }
0x4cd: {  	s12 =	simm.s32 @p4 $0x1C00;
	[sflag:s14] =	ssyncadd.s32 @!p4 $0xFFFFC000  }
0x4ce: {  	[spmem:s4] =	stream.indirect.scatter.add.f32 @p4 [tilespmem:s29], [sflag:$0x3], $0x8, s12, s5, $0xb8;
	[tilespmem:$0x1F800] =	vst v63  }
0x4cf: {  	_ =	swait.ge @p4 [sflag:s26], $0x4000  }
0x4d0: {  	[sflag:s26] =	ssyncset.done @p4 $0x0  }
0x4d1: {  	[sflag:s26] =	ssyncadd.s32 @p4 $0xFFFFC000  }
0x4d2: {  	_ =	swait.ge @p4 [sflag:s26], $0x400  }
0x4d3: {  	[sflag:s26] =	ssyncset.done @p4 $0x0  }
0x4d4: {  	s12 =	simm.s32 @!p2 $0x1500;
	[sflag:s26] =	ssyncadd.s32 @p4 $0xFFFFFC00  }
0x4d5: {  	[tilespmem:s9], [sflag:$0x1] =	stream.indirect.gather @!p2 [hbm4b:s1+s7], $0x80, s12, s7, $0xb8;
	[tilespmem:$0x1F800] =	vst v63  }
0x4d6: {  	s12 =	simm.s32 @p1 $0x1500  }
0x4d7: {  	[tilespmem:s22], [sflag:$0x1] =	stream.indirect.gather @p1 [hbm4b:s2+s15], $0x80, s12, s15, $0xb8;
	[tilespmem:$0x1F800] =	vst v63  }
0x4d8: {  	_ =	swait.ge [sflag:s0], $0x4000  }
0x4d9: {  	[sflag:s0] =	ssyncset.done $0x0  }
0x4da: {  	s19 =	rddreg [dreg:$0x1e];
	[sflag:s0] =	ssyncadd.s32 $0xFFFFC000  }
0x4db: {  	[spmem:s3] =	stream.indirect.scatter.add.f32 [tilespmem:s10], [sflag:$0x4], $0x80, s19, s28, $0xb8;
	[tilespmem:$0x1F800] =	vst v63  }
0x4dc: {  	_ =	swait.ge @!p4 [sflag:s6], $0x4000  }
0x4dd: {  	[sflag:s6] =	ssyncset.done @!p4 $0x0  }
0x4de: {  	s12 =	simm.s32 @p4 $0x1C80;
	[sflag:s6] =	ssyncadd.s32 @!p4 $0xFFFFC000  }
0x4df: {  	[spmem:s4] =	stream.indirect.scatter.add.f32 @p4 [tilespmem:s29], [sflag:$0x4], $0x8, s12, s5, $0xb8;
	[tilespmem:$0x1F800] =	vst v63  }
0x4e0: {  	_ =	swait.ge @p4 [sflag:s11], $0x4000  }
0x4e1: {  	[sflag:s11] =	ssyncset.done @p4 $0x0  }
0x4e2: {  	[sflag:s11] =	ssyncadd.s32 @p4 $0xFFFFC000  }
0x4e3: {  	_ =	swait.ge @p4 [sflag:s11], $0x400  }
0x4e4: {  	[sflag:s11] =	ssyncset.done @p4 $0x0  }
0x4e5: {  	s12 =	simm.s32 @!p2 $0x1580;
	[sflag:s11] =	ssyncadd.s32 @p4 $0xFFFFFC00  }
0x4e6: {  	[tilespmem:s17], [sflag:$0x2] =	stream.indirect.gather @!p2 [hbm4b:s1+s7], $0x80, s12, s7, $0xb8;
	[tilespmem:$0x1F800] =	vst v63  }
0x4e7: {  	s12 =	simm.s32 @p1 $0x1580  }
0x4e8: {  	[tilespmem:s16], [sflag:$0x2] =	stream.indirect.gather @p1 [hbm4b:s2+s15], $0x80, s12, s15, $0xb8;
	[tilespmem:$0x1F800] =	vst v63  }
0x4e9: {  	_ =	swait.ge [sflag:s25], $0x4000  }
0x4ea: {  	[sflag:s25] =	ssyncset.done $0x0  }
0x4eb: {  	s24 =	rddreg [dreg:$0x1f];
	[sflag:s25] =	ssyncadd.s32 $0xFFFFC000  }
0x4ec: {  	[spmem:s3] =	stream.indirect.scatter.add.f32 [tilespmem:s30], [sflag:$0x3], $0x80, s24, s28, $0xb8;
	[tilespmem:$0x1F800] =	vst v63  }
0x4ed: {  	_ =	swait.ge @!p4 [sflag:s14], $0x4000  }
0x4ee: {  	[sflag:s14] =	ssyncset.done @!p4 $0x0  }
0x4ef: {  	s12 =	simm.s32 @p4 $0x1D00;
	[sflag:s14] =	ssyncadd.s32 @!p4 $0xFFFFC000  }
0x4f0: {  	[spmem:s4] =	stream.indirect.scatter.add.f32 @p4 [tilespmem:s29], [sflag:$0x3], $0x8, s12, s5, $0xb8;
	[tilespmem:$0x1F800] =	vst v63  }
0x4f1: {  	_ =	swait.ge @p4 [sflag:s26], $0x4000  }
0x4f2: {  	[sflag:s26] =	ssyncset.done @p4 $0x0  }
0x4f3: {  	[sflag:s26] =	ssyncadd.s32 @p4 $0xFFFFC000  }
0x4f4: {  	_ =	swait.ge @p4 [sflag:s26], $0x400  }
0x4f5: {  	[sflag:s26] =	ssyncset.done @p4 $0x0  }
0x4f6: {  	s12 =	simm.s32 @!p2 $0x1600;
	[sflag:s26] =	ssyncadd.s32 @p4 $0xFFFFFC00  }
0x4f7: {  	[tilespmem:s9], [sflag:$0x1] =	stream.indirect.gather @!p2 [hbm4b:s1+s7], $0x80, s12, s7, $0xb8;
	[tilespmem:$0x1F800] =	vst v63  }
0x4f8: {  	s12 =	simm.s32 @p1 $0x1600  }
0x4f9: {  	[tilespmem:s22], [sflag:$0x1] =	stream.indirect.gather @p1 [hbm4b:s2+s15], $0x80, s12, s15, $0xb8;
	[tilespmem:$0x1F800] =	vst v63  }
0x4fa: {  	_ =	swait.ge [sflag:s0], $0x4000  }
0x4fb: {  	s19 =	sld [smem:$0x7DC]  }
0x4fc: {  	[sflag:s0] =	ssyncset.done $0x0  }
0x4fd: {  	[sflag:s0] =	ssyncadd.s32 $0xFFFFC000  }
0x4fe: {  	[spmem:s3] =	stream.indirect.scatter.add.f32 [tilespmem:s10], [sflag:$0x4], $0x80, s19, s28, $0xb8;
	[tilespmem:$0x1F800] =	vst v63  }
0x4ff: {  	_ =	swait.ge @!p4 [sflag:s6], $0x4000  }
0x500: {  	[sflag:s6] =	ssyncset.done @!p4 $0x0  }
0x501: {  	s12 =	simm.s32 @p4 $0x1D80;
	[sflag:s6] =	ssyncadd.s32 @!p4 $0xFFFFC000  }
0x502: {  	[spmem:s4] =	stream.indirect.scatter.add.f32 @p4 [tilespmem:s29], [sflag:$0x4], $0x8, s12, s5, $0xb8;
	[tilespmem:$0x1F800] =	vst v63  }
0x503: {  	_ =	swait.ge @p4 [sflag:s11], $0x4000  }
0x504: {  	[sflag:s11] =	ssyncset.done @p4 $0x0  }
0x505: {  	[sflag:s11] =	ssyncadd.s32 @p4 $0xFFFFC000  }
0x506: {  	_ =	swait.ge @p4 [sflag:s11], $0x400  }
0x507: {  	[sflag:s11] =	ssyncset.done @p4 $0x0  }
0x508: {  	s12 =	simm.s32 @!p2 $0x1680;
	[sflag:s11] =	ssyncadd.s32 @p4 $0xFFFFFC00  }
0x509: {  	[tilespmem:s17], [sflag:$0x2] =	stream.indirect.gather @!p2 [hbm4b:s1+s7], $0x80, s12, s7, $0xb8;
	[tilespmem:$0x1F800] =	vst v63  }
0x50a: {  	s12 =	simm.s32 @p1 $0x1680  }
0x50b: {  	[tilespmem:s16], [sflag:$0x2] =	stream.indirect.gather @p1 [hbm4b:s2+s15], $0x80, s12, s15, $0xb8;
	[tilespmem:$0x1F800] =	vst v63  }
0x50c: {  	_ =	swait.ge [sflag:s25], $0x4000  }
0x50d: {  	s24 =	sld [smem:$0x7DD]  }
0x50e: {  	[sflag:s25] =	ssyncset.done $0x0  }
0x50f: {  	[sflag:s25] =	ssyncadd.s32 $0xFFFFC000  }
0x510: {  	[spmem:s3] =	stream.indirect.scatter.add.f32 [tilespmem:s30], [sflag:$0x3], $0x80, s24, s28, $0xb8;
	[tilespmem:$0x1F800] =	vst v63  }
0x511: {  	_ =	swait.ge @!p4 [sflag:s14], $0x4000  }
0x512: {  	[sflag:s14] =	ssyncset.done @!p4 $0x0  }
0x513: {  	s12 =	simm.s32 @p4 $0x1E00;
	[sflag:s14] =	ssyncadd.s32 @!p4 $0xFFFFC000  }
0x514: {  	[spmem:s4] =	stream.indirect.scatter.add.f32 @p4 [tilespmem:s29], [sflag:$0x3], $0x8, s12, s5, $0xb8;
	[tilespmem:$0x1F800] =	vst v63  }
0x515: {  	_ =	swait.ge @p4 [sflag:s26], $0x4000  }
0x516: {  	[sflag:s26] =	ssyncset.done @p4 $0x0  }
0x517: {  	[sflag:s26] =	ssyncadd.s32 @p4 $0xFFFFC000  }
0x518: {  	_ =	swait.ge @p4 [sflag:s26], $0x400  }
0x519: {  	[sflag:s26] =	ssyncset.done @p4 $0x0  }
0x51a: {  	s12 =	simm.s32 @!p2 $0x1700;
	[sflag:s26] =	ssyncadd.s32 @p4 $0xFFFFFC00  }
0x51b: {  	[tilespmem:s9], [sflag:$0x1] =	stream.indirect.gather @!p2 [hbm4b:s1+s7], $0x80, s12, s7, $0xb8;
	[tilespmem:$0x1F800] =	vst v63  }
0x51c: {  	s12 =	simm.s32 @p1 $0x1700  }
0x51d: {  	[tilespmem:s22], [sflag:$0x1] =	stream.indirect.gather @p1 [hbm4b:s2+s15], $0x80, s12, s15, $0xb8;
	[tilespmem:$0x1F800] =	vst v63  }
0x51e: {  	_ =	swait.ge [sflag:s0], $0x4000  }
0x51f: {  	s19 =	sld [smem:$0x7DE]  }
0x520: {  	[sflag:s0] =	ssyncset.done $0x0  }
0x521: {  	[sflag:s0] =	ssyncadd.s32 $0xFFFFC000  }
0x522: {  	[spmem:s3] =	stream.indirect.scatter.add.f32 [tilespmem:s10], [sflag:$0x4], $0x80, s19, s28, $0xb8;
	[tilespmem:$0x1F800] =	vst v63  }
0x523: {  	_ =	swait.ge @!p4 [sflag:s6], $0x4000  }
0x524: {  	[sflag:s6] =	ssyncset.done @!p4 $0x0  }
0x525: {  	s12 =	simm.s32 @p4 $0x1E80;
	[sflag:s6] =	ssyncadd.s32 @!p4 $0xFFFFC000  }
0x526: {  	[spmem:s4] =	stream.indirect.scatter.add.f32 @p4 [tilespmem:s29], [sflag:$0x4], $0x8, s12, s5, $0xb8;
	[tilespmem:$0x1F800] =	vst v63  }
0x527: {  	_ =	swait.ge @p4 [sflag:s11], $0x4000  }
0x528: {  	[sflag:s11] =	ssyncset.done @p4 $0x0  }
0x529: {  	[sflag:s11] =	ssyncadd.s32 @p4 $0xFFFFC000  }
0x52a: {  	_ =	swait.ge @p4 [sflag:s11], $0x400  }
0x52b: {  	[sflag:s11] =	ssyncset.done @p4 $0x0  }
0x52c: {  	s12 =	simm.s32 @!p2 $0x1780;
	[sflag:s11] =	ssyncadd.s32 @p4 $0xFFFFFC00  }
0x52d: {  	[tilespmem:s17], [sflag:$0x2] =	stream.indirect.gather @!p2 [hbm4b:s1+s7], $0x80, s12, s7, $0xb8;
	[tilespmem:$0x1F800] =	vst v63  }
0x52e: {  	s12 =	simm.s32 @p1 $0x1780  }
0x52f: {  	[tilespmem:s16], [sflag:$0x2] =	stream.indirect.gather @p1 [hbm4b:s2+s15], $0x80, s12, s15, $0xb8;
	[tilespmem:$0x1F800] =	vst v63  }
0x530: {  	_ =	swait.ge [sflag:s25], $0x4000  }
0x531: {  	s24 =	sld [smem:$0x7DF]  }
0x532: {  	[sflag:s25] =	ssyncset.done $0x0  }
0x533: {  	[sflag:s25] =	ssyncadd.s32 $0xFFFFC000  }
0x534: {  	[spmem:s3] =	stream.indirect.scatter.add.f32 [tilespmem:s30], [sflag:$0x3], $0x80, s24, s28, $0xb8;
	[tilespmem:$0x1F800] =	vst v63  }
0x535: {  	s19 =	simm.s32 @p4 $0x1F00;
	s12 =	simm.s32 @p4 $0x2  }
0x536: {  	[spmem:s4] =	stream.indirect.scatter.add.f32 @p4 [tilespmem:s29], [sflag:$0x3], $0x8, s19, s5, $0xb8;
	[tilespmem:$0x1F800] =	vst v63  }
0x537: {  	_ =	swait.ge @p4 [sflag:s12], $0x4000  }
0x538: {  	[sflag:s12] =	ssyncset.done @p4 $0x0  }
0x539: {  	s24 =	simm.s32 @p4 $0x6000;
	s19 =	simm.s32 @p4 $0x1F80;
	[sflag:s12] =	ssyncadd.s32 @p4 $0xFFFFC000  }
0x53a: {  	[spmem:s3] =	stream.indirect.scatter.add.f32 @p4 [tilespmem:s24], [sflag:$0x4], $0x80, s19, s5, $0xb8;
	[tilespmem:$0x1F800] =	vst v63  }
0x53b: {  	_ = 	snop  }
0x53c: {  	[spmem:s4] =	stream.indirect.scatter.add.f32 @p4 [tilespmem:s29], [sflag:$0x4], $0x8, s19, s5, $0xb8;
	[tilespmem:$0x1F800] =	vst v63  }
0x53d: {  	_ =	swait.ge @p4 [sflag:s26], $0x4000  }
0x53e: {  	[sflag:s26] =	ssyncset.done @p4 $0x0  }
0x53f: {  	[sflag:s26] =	ssyncadd.s32 @p4 $0xFFFFC000  }
0x540: {  	_ =	swait.ge @p4 [sflag:s26], $0x400  }
0x541: {  	[sflag:s26] =	ssyncset.done @p4 $0x0  }
0x542: {  	[sflag:s26] =	ssyncadd.s32 @p4 $0xFFFFFC00  }
0x543: {  	_ =	swait.ge @p4 [sflag:s11], $0x4000  }
0x544: {  	[sflag:s11] =	ssyncset.done @p4 $0x0  }
0x545: {  	[sflag:s11] =	ssyncadd.s32 @p4 $0xFFFFC000  }
0x546: {  	_ =	swait.ge @p4 [sflag:s11], $0x400  }
0x547: {  	s20 =	sadd.s32 $0x200, s20;
	[sflag:s11] =	ssyncset.done @p4 $0x0  }
0x548: {  	p3 =	sne.s32 s20, $0xA00;
	s5 =	simm.s32 @!p4 $0x2;
	[sflag:s11] =	ssyncadd.s32 @p4 $0xFFFFFC00  }
.Ltmp8:
0x549: {  	_ =	swait.ge @!p4 [sflag:s5], $0x4000;
	(pc) =	sbr.rel @p3 .LBB2_18-.Ltmp8, $4  }
0x54a: {  	s8 =	sadd.s32 $0x1, s8;
	s12 =	simm.s32 @!p4 $0x80;
	[sflag:s5] =	ssyncset.done @!p4 $0x0  }
0x54b: {  	s19 =	simm.s32 @!p4 $0x1F80;
	s11 =	simm.s32 @!p4 $0x6000;
	[sflag:s5] =	ssyncadd.s32 @!p4 $0xFFFFC000  }
0x54c: {  	[spmem:s3] =	stream.indirect.scatter.add.f32 @!p4 [tilespmem:s11], [sflag:$0x4], $0x80, s19, s12, $0xb8;
	[tilespmem:$0x1F800] =	vst v63  }
0x54d: {  	s23 =	simm.s32 $0x5;
	s24 =	simm.s32 $0x0;
	s19 =	simm.s32 $0x800  }
0x54e: {  	_ =	swait.ge @!p4 [sflag:s14], $0x4000  }
0x54f: {  	[sflag:s14] =	ssyncset.done @!p4 $0x0  }
0x550: {  	[sflag:s14] =	ssyncadd.s32 @!p4 $0xFFFFC000  }
0x551: {  	_ =	swait.ge @!p4 [sflag:s6], $0x4000  }
0x552: {  	[sflag:s6] =	ssyncset.done @!p4 $0x0  }
0x553: {  	[sflag:s6] =	ssyncadd.s32 @!p4 $0xFFFFC000  }
0x554: {  	[bflag:$0x0] =	sbarrier.arrive $0xFFFF  }
0x555: {  	s5 =	sld [smem:$0x7E8];
	_ =	sdelay $0x1  }
0x556: {  	s15 =	simm.s32 $0x7  }
0x557: {  	[tilespmem:s30], [sflag:$0x7] =	stream.linear.gather [spmem:s5], $0x4000, $0x38;
	[tilespmem:$0x1F800] =	vst v63  }
0x558: {  	_ =	swait.ge [sflag:s15], $0x4000  }
0x559: {  	s12 =	sld [smem:$0x7DA]  }
0x55a: {  	[sflag:s15] =	ssyncset.done $0x0  }
0x55b: {  	s13 =	sld [smem:$0x7E9];
	[sflag:s15] =	ssyncadd.s32 $0xFFFFC000  }
0x55c: {  	[hbm4b:s12+s24] =	stream.linear.scatter [tilespmem:s30], [sflag:$0x3], $0x4000, $0x38;
	[tilespmem:$0x1F800] =	vst v63  }
0x55d: {  	_ = 	snop  }
0x55e: {  	[tilespmem:s10], [sflag:$0x7] =	stream.linear.gather [spmem:s13], $0x4000, $0x38;
	[tilespmem:$0x1F800] =	vst v63  }
0x55f: {  	_ =	swait.ge [sflag:s15], $0x4000  }
0x560: {  	s14 =	sld [smem:$0x7DB]  }
0x561: {  	[sflag:s15] =	ssyncset.done $0x0  }
0x562: {  	s16 =	simm.s32 $0x3;
	[sflag:s15] =	ssyncadd.s32 $0xFFFFC000  }
0x563: {  	[hbm4b:s14+s24] =	stream.linear.scatter [tilespmem:s10], [sflag:$0x4], $0x4000, $0x38;
	[tilespmem:$0x1F800] =	vst v63  }
0x564: {  	_ =	swait.ge [sflag:s16], $0x4000  }
0x565: {  	s17 =	sld [smem:$0x7EA]  }
0x566: {  	[sflag:s16] =	ssyncset.done $0x0  }
0x567: {  	[sflag:s16] =	ssyncadd.s32 $0xFFFFC000  }
0x568: {  	[tilespmem:s30], [sflag:$0x7] =	stream.linear.gather [spmem:s17], $0x4000, $0x38;
	[tilespmem:$0x1F800] =	vst v63  }
0x569: {  	_ =	swait.ge [sflag:s15], $0x4000  }
0x56a: {  	s20 =	sld [smem:$0x7E0]  }
0x56b: {  	[sflag:s15] =	ssyncset.done $0x0  }
0x56c: {  	s7 =	simm.s32 $0x4;
	[sflag:s15] =	ssyncadd.s32 $0xFFFFC000  }
0x56d: {  	[hbm4b:s20+s24] =	stream.linear.scatter [tilespmem:s30], [sflag:$0x3], $0x4000, $0x38;
	[tilespmem:$0x1F800] =	vst v63  }
0x56e: {  	_ =	swait.ge [sflag:s7], $0x4000  }
0x56f: {  	s21 =	sld [smem:$0x7EB]  }
0x570: {  	[sflag:s7] =	ssyncset.done $0x0  }
0x571: {  	[sflag:s7] =	ssyncadd.s32 $0xFFFFC000  }
0x572: {  	[tilespmem:s10], [sflag:$0x7] =	stream.linear.gather [spmem:s21], $0x4000, $0x38;
	[tilespmem:$0x1F800] =	vst v63  }
0x573: {  	_ =	swait.ge [sflag:s15], $0x4000  }
0x574: {  	s22 =	sld [smem:$0x7E1]  }
0x575: {  	[sflag:s15] =	ssyncset.done $0x0  }
0x576: {  	[sflag:s15] =	ssyncadd.s32 $0xFFFFC000  }
0x577: {  	[hbm4b:s22+s24] =	stream.linear.scatter [tilespmem:s10], [sflag:$0x4], $0x4000, $0x38;
	[tilespmem:$0x1F800] =	vst v63  }
0x578: {  	_ =	swait.ge [sflag:s16], $0x4000  }
0x579: {  	s26 =	sld [smem:$0x7EC]  }
0x57a: {  	[sflag:s16] =	ssyncset.done $0x0  }
0x57b: {  	[sflag:s16] =	ssyncadd.s32 $0xFFFFC000  }
0x57c: {  	[tilespmem:s30], [sflag:$0x7] =	stream.linear.gather [spmem:s26], $0x4000, $0x38;
	[tilespmem:$0x1F800] =	vst v63  }
0x57d: {  	_ =	swait.ge [sflag:s15], $0x4000  }
0x57e: {  	s29 =	sld [smem:$0x7E2]  }
0x57f: {  	[sflag:s15] =	ssyncset.done $0x0  }
0x580: {  	[sflag:s15] =	ssyncadd.s32 $0xFFFFC000  }
0x581: {  	[hbm4b:s29+s24] =	stream.linear.scatter [tilespmem:s30], [sflag:$0x3], $0x4000, $0x38;
	[tilespmem:$0x1F800] =	vst v63  }
0x582: {  	_ =	swait.ge [sflag:s7], $0x4000  }
0x583: {  	[sflag:s7] =	ssyncset.done $0x0  }
0x584: {  	[sflag:s7] =	ssyncadd.s32 $0xFFFFC000  }
0x585: {  	_ =	swait.ge [sflag:s16], $0x4000  }
0x586: {  	s7 =	sld [smem:$0x7F3]  }
0x587: {  	[sflag:s16] =	ssyncset.done $0x0  }
0x588: {  	s8 =	simm.s32 $0x8;
	[sflag:s16] =	ssyncadd.s32 $0xFFFFC000;
	s16 =	simm.s32 $0xA000  }
0x589: {  	[tilespmem:s16], [sflag:$0x8] =	stream.linear.gather [spmem:s7], $0x400, $0x38;
	[tilespmem:$0x1F800] =	vst v63  }
0x58a: {  	_ =	swait.ge [sflag:s8], $0x400  }
0x58b: {  	s9 =	sld [smem:$0x7E3]  }
0x58c: {  	s5 =	simm.s32 $0x8;
	[sflag:s8] =	ssyncset.done $0x0  }
0x58d: {  	s5 =	simm.s32 @!p0 $0x7;
	[sflag:s8] =	ssyncadd.s32 $0xFFFFFC00  }
0x58e: {  	[hbm4b:s9+s24] =	stream.linear.scatter [tilespmem:s16], [sflag:s5], $0x400, $0x38;
	[tilespmem:$0x1F800] =	vst v63  }
0x58f: {  	_ =	swait.ge [sflag:s5], $0x400  }
0x590: {  	s11 =	sld [smem:$0x7F4]  }
0x591: {  	[sflag:s5] =	ssyncset.done $0x0  }
0x592: {  	[sflag:s5] =	ssyncadd.s32 $0xFFFFFC00  }
0x593: {  	[tilespmem:s16], [sflag:$0x8] =	stream.linear.gather [spmem:s11], $0x400, $0x38;
	[tilespmem:$0x1F800] =	vst v63  }
0x594: {  	_ =	swait.ge [sflag:s8], $0x400  }
0x595: {  	s12 =	sld [smem:$0x7E4]  }
0x596: {  	[sflag:s8] =	ssyncset.done $0x0  }
0x597: {  	[sflag:s8] =	ssyncadd.s32 $0xFFFFFC00  }
0x598: {  	[hbm4b:s12+s24] =	stream.linear.scatter [tilespmem:s16], [sflag:s5], $0x400, $0x38;
	[tilespmem:$0x1F800] =	vst v63  }
0x599: {  	_ =	swait.ge [sflag:s5], $0x400  }
0x59a: {  	s13 =	sld [smem:$0x7F5]  }
0x59b: {  	[sflag:s5] =	ssyncset.done $0x0  }
0x59c: {  	[sflag:s5] =	ssyncadd.s32 $0xFFFFFC00  }
0x59d: {  	[tilespmem:s16], [sflag:$0x8] =	stream.linear.gather [spmem:s13], $0x400, $0x38;
	[tilespmem:$0x1F800] =	vst v63  }
0x59e: {  	_ =	swait.ge [sflag:s8], $0x400  }
0x59f: {  	s14 =	sld [smem:$0x7E5]  }
0x5a0: {  	[sflag:s8] =	ssyncset.done $0x0  }
0x5a1: {  	[sflag:s8] =	ssyncadd.s32 $0xFFFFFC00  }
0x5a2: {  	[hbm4b:s14+s24] =	stream.linear.scatter [tilespmem:s16], [sflag:s5], $0x400, $0x38;
	[tilespmem:$0x1F800] =	vst v63  }
0x5a3: {  	_ =	swait.ge [sflag:s5], $0x400  }
0x5a4: {  	s17 =	sld [smem:$0x7F6]  }
0x5a5: {  	[sflag:s5] =	ssyncset.done $0x0  }
0x5a6: {  	[sflag:s5] =	ssyncadd.s32 $0xFFFFFC00  }
0x5a7: {  	[tilespmem:s16], [sflag:$0x8] =	stream.linear.gather [spmem:s17], $0x400, $0x38;
	[tilespmem:$0x1F800] =	vst v63  }
0x5a8: {  	_ =	swait.ge [sflag:s8], $0x400  }
0x5a9: {  	s20 =	sld [smem:$0x7E6]  }
0x5aa: {  	[sflag:s8] =	ssyncset.done $0x0  }
0x5ab: {  	[sflag:s8] =	ssyncadd.s32 $0xFFFFFC00  }
0x5ac: {  	[hbm4b:s20+s24] =	stream.linear.scatter [tilespmem:s16], [sflag:s5], $0x400, $0x38;
	[tilespmem:$0x1F800] =	vst v63  }
0x5ad: {  	_ =	swait.ge [sflag:s5], $0x400  }
0x5ae: {  	s21 =	sld [smem:$0x7F7]  }
0x5af: {  	[sflag:s5] =	ssyncset.done $0x0  }
0x5b0: {  	[sflag:s5] =	ssyncadd.s32 $0xFFFFFC00  }
0x5b1: {  	[tilespmem:s16], [sflag:$0x8] =	stream.linear.gather [spmem:s21], $0x400, $0x38;
	[tilespmem:$0x1F800] =	vst v63  }
0x5b2: {  	_ =	swait.ge [sflag:s8], $0x400  }
0x5b3: {  	s22 =	sld [smem:$0x7E7]  }
0x5b4: {  	[sflag:s8] =	ssyncset.done $0x0  }
0x5b5: {  	[sflag:s8] =	ssyncadd.s32 $0xFFFFFC00  }
0x5b6: {  	[hbm4b:s22+s24] =	stream.linear.scatter [tilespmem:s16], [sflag:s5], $0x400, $0x38;
	[tilespmem:$0x1F800] =	vst v63  }
0x5b7: {  	_ =	swait.ge [sflag:s5], $0x400  }
0x5b8: {  	s26 =	sld [smem:$0x7D9]  }
0x5b9: {  	s29 =	sld [smem:$0x7ED];
	_ =	sdelay $0x1  }
0x5ba: {  	s7 =	sadd.s32 $0x1, s26  }
0x5bb: {  	s8 =	sld [smem:$0x7F8];
	p3 =	sne.s32 s7, s29  }
.Ltmp9:
0x5bc: {  	s9 =	sld [smem:$0x7F9];
	(pc) =	sbr.rel @p3 .LBB2_1-.Ltmp9, $4  }
0x5bd: {  	s11 =	sld [smem:$0x7FA]  }
0x5be: {  	s12 =	sld [smem:$0x7FB]  }
0x5bf: {  	s13 =	simm.s32 $0x6;
	[sflag:s5] =	ssyncset.done $0x0;
	s17 =	sld [smem:$0x7FC]  }
0x5c0: {  	s20 =	simm.s32 $0x1800;
	s14 =	sld [smem:$0x7FD];
	[sflag:s5] =	ssyncadd.s32 $0xFFFFFC00  }
0x5c1: {  	_ =	sfence.sel $0x180000  }
0x5c2: {  	[bflag:$0x0] =	sbarrier.arrive $0xFFFF  }
0x5c3: {  	_ =	strace $0x90000047  }
0x5c4: {  	s0 =	stileid.u32;
	[bflag:$0x2] =	sbarrier.arrive $0xFFFF  }
0x5c5: {  	p0 =	sne.s32 s0, $0x0;
	s0 =	rddreg [dreg:$0x6]  }
0x5c6: {  	s0 =	sadd.s32 @!p0 $0x100000, s0  }
0x5c7: {  	[sflag:s0] =	ssyncadd.tile.s32 @!p0 $0x1;
	_ =	shalt  }
.Lfunc_end2:
_tile_overlayer_lowered:
.L_overlay_start_2:
0x5c8: {  	(tag) =	ssettag $0x2  }
0x5c9: {  	s0 =	rddreg [dreg:$0x0];
	s2 =	stileid.u32  }
0x5ca: {  	s1 =	rddreg [dreg:$0x1];
	p0 =	sne.s32 s2, $0x0  }
0x5cb: {  	s3 =	rddreg [dreg:$0x2];
	[bflag:$0x3] =	sbarrier.arrive $0xFFFF;
	s2 =	simm.s32 @!p0 $0x1C07  }
0x5cc: {  	[timem:s3], [sflag:s2] =	dma.local @!p0 [hbm:s0], s1  }
0x5cd: {  	s0 =	simm.s32 @!p0 $0x7  }
0x5ce: {  	_ =	swait.ge @!p0 [sflag:s0], s1  }
0x5cf: {  	s1 =	ssub.s32 @!p0 $0x0, s1;
	[sflag:s0] =	ssyncset.done @!p0 $0x0  }
0x5d0: {  	[sflag:s0] =	ssyncadd.s32 @!p0 s1  }
0x5d1: {  	[bflag:$0x3] =	sbarrier.arrive $0xFFFF  }
0x5d2: {  	_ =	shalt  }

</sc_bundles>
